<compile_context>
chip_gen: v7x
topology: tpu7x:2x2x1
jax: 0.10.2.dev20260603
libtpu: 0.0.44.dev20260713+nightly
codegen_flags: <defaults>
</compile_context>

<pallas_src>
import functools

import jax
import jax.numpy as jnp
from jax import lax
from jax.experimental import pallas as pl
from jax.experimental.pallas import tpu as pltpu
from jax.experimental.pallas import tpu_sc as plsc

NC = 2
NS = 16
K = 80
G = 5
RZ = 125



def _mm_body(z_ref, w_ref, bias_ref, o_ref):
    o_ref[...] = lax.dot_general(
        z_ref[...], w_ref[...], (((1,), (1,)), ((), ())),
        preferred_element_type=jnp.float32) + bias_ref[...]


def _mm(z, w, bias, bm=2000):
    m, d = z.shape
    return pl.pallas_call(
        _mm_body,
        grid=(m // bm,),
        in_specs=[pl.BlockSpec((bm, d), lambda i: (i, 0)),
                  pl.BlockSpec((d, d), lambda i: (0, 0)),
                  pl.BlockSpec((1, d), lambda i: (0, 0))],
        out_specs=pl.BlockSpec((bm, d), lambda i: (i, 0)),
        out_shape=jax.ShapeDtypeStruct((m, d), jnp.float32),
    )(z, w, bias)



@functools.cache
def _make_sc_scatter(n, d, e):
    dh = d // 2
    ept = e // NS
    c = ept // K
    assert c * K == ept and c % G == 0 and n % (NS * RZ) == 0
    rps = n // NS
    mesh = plsc.VectorSubcoreMesh(
        core_axis_name="c", subcore_axis_name="s",
        num_cores=NC, num_subcores=NS)

    scratch = [
        pltpu.VMEM((c, K), jnp.int32),
        pltpu.VMEM((c, K), jnp.int32),
        [pltpu.VMEM((K, dh), jnp.float32)] * G,
        [pltpu.VMEM((RZ, dh), jnp.float32)] * 2,
        pltpu.VMEM((dh,), jnp.float32),
        pltpu.VMEM((dh,), jnp.float32),
        pltpu.VMEM_SHARED((n, dh), jnp.float32),
        [pltpu.SemaphoreType.DMA] * G,
        [pltpu.SemaphoreType.DMA] * G,
        [pltpu.SemaphoreType.DMA] * 2,
        [pltpu.SemaphoreType.DMA] * 2,
    ]

    @functools.partial(
        pl.kernel,
        out_type=jax.ShapeDtypeStruct((n, d), jnp.float32),
        mesh=mesh,
        scratch_types=scratch,
        compiler_params=pltpu.CompilerParams(use_tc_tiling_on_sc=False),
    )
    def sc_scatter(fts_hbm, src_hbm, dst_hbm, gb_hbm, al_hbm, out,
                   src_v, dst_v, rows, zb, gbv, alv,
                   acc, gsems, ssems, isems, osems):
        cid = lax.axis_index("c")
        sid = lax.axis_index("s")

        pltpu.sync_copy(src_hbm.at[cid, sid], src_v)
        pltpu.sync_copy(dst_hbm.at[sid], dst_v)
        pltpu.sync_copy(gb_hbm.at[cid], gbv)
        pltpu.sync_copy(al_hbm.at[cid], alv)

        def zrow(r, carry):
            for cc in range(dh // 16):
                zb[0][r, pl.ds(cc * 16, 16)] = jnp.zeros((16,), jnp.float32)
            return carry
        lax.fori_loop(0, RZ, zrow, 0)
        nt = rps // RZ
        for t in range(nt):
            pltpu.async_copy(
                zb[0], acc.at[pl.ds(sid * rps + t * RZ, RZ)], isems[0])
        for t in range(nt):
            pltpu.make_async_copy(
                zb[0], acc.at[pl.ds(sid * rps + t * RZ, RZ)],
                isems[0]).wait()

        plsc.subcore_barrier()

        for b in range(G):
            pltpu.async_copy(fts_hbm.at[src_v.at[b]], rows[b], gsems[b])

        def body(g, carry):
            base = G * g
            for b in range(G):
                pltpu.make_async_copy(
                    fts_hbm.at[src_v.at[base + b]], rows[b], gsems[b]).wait()
                pltpu.async_copy(
                    rows[b], acc.at[dst_v.at[base + b]], ssems[b], add=True)
            nxt = jnp.minimum(base + G, c - G)
            for b in range(G):
                pltpu.make_async_copy(
                    rows[b], acc.at[dst_v.at[base + b]], ssems[b]).wait()
                pltpu.async_copy(fts_hbm.at[src_v.at[nxt + b]], rows[b],
                                 gsems[b])
            return carry
        lax.fori_loop(0, c // G, body, 0)
        for b in range(G):
            pltpu.make_async_copy(
                fts_hbm.at[src_v.at[b]], rows[b], gsems[b]).wait()
        plsc.subcore_barrier()

        def a_at(t):
            return acc.at[pl.ds(sid * rps + t * RZ, RZ)]

        def o_at(t):
            return out.at[pl.ds(sid * rps + t * RZ, RZ), pl.ds(cid * dh, dh)]

        pltpu.async_copy(a_at(0), zb[0], isems[0])
        for t in range(nt):
            p = t % 2
            pltpu.make_async_copy(a_at(t), zb[p], isems[p]).wait()
            if t + 1 < nt:
                q = (t + 1) % 2
                if t >= 1:
                    pltpu.make_async_copy(
                        zb[q], o_at(t - 1), osems[q]).wait()
                pltpu.async_copy(a_at(t + 1), zb[q], isems[q])

            def prow(r, carry):
                for cc in range(dh // 16):
                    sl = pl.ds(cc * 16, 16)
                    x = zb[p][r, sl] + gbv[sl]
                    zb[p][r, sl] = jnp.maximum(x, alv[sl] * x)
                return carry
            lax.fori_loop(0, RZ, prow, 0)
            pltpu.async_copy(zb[p], o_at(t), osems[p])
        if nt >= 2:
            pltpu.make_async_copy(
                zb[(nt - 2) % 2], o_at(nt - 2), osems[(nt - 2) % 2]).wait()
        pltpu.make_async_copy(
            zb[(nt - 1) % 2], o_at(nt - 1), osems[(nt - 1) % 2]).wait()

    return sc_scatter



def kernel(h, edge_index, W, b, gcn_bias, alpha):
    n, d = h.shape
    e = edge_index.shape[1]
    l = W.shape[0]
    dh = d // 2

    c = e // (NS * K)
    src = edge_index[0]
    dst = edge_index[1]
    srcs = jnp.stack([2 * src, 2 * src + 1]).reshape(2, NS, c, K)
    dsts = dst.reshape(NS, c, K)
    b2 = b.reshape(l, 1, d)
    gb_h = gcn_bias.reshape(l, 2, dh)
    al_h = jnp.broadcast_to(alpha.reshape(l, 1, 1), (l, 2, dh))

    sc_scatter = _make_sc_scatter(n, d, e)

    z = h
    for i in range(l):
        fts = _mm(z, W[i], b2[i])
        z = sc_scatter(fts.reshape(2 * n, dh), srcs, dsts,
                       gb_h[i], al_h[i])
    return z

# --- scband reference (transcript-rebuilt; emitter-appended) ---
"""Pipeline reference for scband-mp-encoder-32968168964323 (READ-ONLY COPY).

The authoritative reference and input builder live on the scoring server;
editing this copy changes nothing except your own understanding.
"""

import jax, jax.numpy as jnp
import numpy as np

N = 10000
E = 320000
D = 128
L = 2  # mp_ngcn


def setup_inputs(seed: int = 0) -> dict:
    key = jax.random.key(seed)
    ks = jax.random.split(key, 8)
    h = jax.random.normal(ks[0], (N, D), dtype=jnp.float32)
    # edge_index: row 0 = src nodes, row 1 = dst nodes (represents sparse adj mps[1])
    edge_index = jax.random.randint(ks[1], (2, E), 0, N, dtype=jnp.int32)
    # GCN linear weights: xavier_normal with gain=1.414
    std = 1.414 * np.sqrt(2.0 / (D + D))
    W = jax.random.normal(ks[2], (L, D, D), dtype=jnp.float32) * std
    b = jnp.zeros((L, D), dtype=jnp.float32)          # fc bias, init 0.0
    gcn_bias = jnp.full((L, D), 0.001, dtype=jnp.float32)  # extra GCN bias, init 0.001
    alpha = jnp.full((L,), 0.25, dtype=jnp.float32)   # PReLU slope (num_parameters=1)
    return {"h": h, "edge_index": edge_index, "W": W, "b": b,
            "gcn_bias": gcn_bias, "alpha": alpha}


def reference(h, edge_index, W, b, gcn_bias, alpha):
    # Mp_encoder.forward: embeds=[h]; for i in range(mp_ngcn): embeds.append(GCN_i(embeds[-1], mps[1]))
    src = edge_index[0]
    dst = edge_index[1]
    z = h
    for i in range(L):
        # GCN.forward: seq_fts = fc(seq)
        seq_fts = z @ W[i].T + b[i]
        # out = torch.spmm(adj, seq_fts)  (binary adjacency, scatter-add over edges)
        out = jax.ops.segment_sum(seq_fts[src], dst, num_segments=N)
        # out += self.bias
        out = out + gcn_bias[i]
        # F.dropout(out, 0.9) treated as eval-mode identity for determinism
        # self.act(out): PReLU
        z = jnp.where(out > 0, out, alpha[i] * out)
    return z

if __name__ == "__main__":
    import jax
    _d = setup_inputs()
    print(jax.jit(kernel)(*tuple(_d.values())))

</pallas_src>

<mosaic_0001>
#map = affine_map<(d0, d1) -> (0, 0)>
#map1 = affine_map<(d0, d1) -> (0, 0, 0, 0)>
#map2 = affine_map<(d0, d1) -> (0, 0, 0)>
module attributes {stable_mosaic.version = 14 : i64} {
  func.func @sc_scatter(%arg0: i32, %arg1: i32, %arg2: memref<20000x64xf32, #tpu.memory_space<hbm>>, %arg3: memref<2x16x250x80xi32, #tpu.memory_space<hbm>>, %arg4: memref<16x250x80xi32, #tpu.memory_space<hbm>>, %arg5: memref<2x64xf32, #tpu.memory_space<hbm>>, %arg6: memref<2x64xf32, #tpu.memory_space<hbm>>, %arg7: memref<10000x128xf32, #tpu.memory_space<hbm>>, %arg8: memref<250x80xi32, #tpu.memory_space<vmem>>, %arg9: memref<250x80xi32, #tpu.memory_space<vmem>>, %arg10: memref<80x64xf32, #tpu.memory_space<vmem>>, %arg11: memref<80x64xf32, #tpu.memory_space<vmem>>, %arg12: memref<80x64xf32, #tpu.memory_space<vmem>>, %arg13: memref<80x64xf32, #tpu.memory_space<vmem>>, %arg14: memref<80x64xf32, #tpu.memory_space<vmem>>, %arg15: memref<125x64xf32, #tpu.memory_space<vmem>>, %arg16: memref<125x64xf32, #tpu.memory_space<vmem>>, %arg17: memref<64xf32, #tpu.memory_space<vmem>>, %arg18: memref<64xf32, #tpu.memory_space<vmem>>, %arg19: memref<10000x64xf32, #tpu.memory_space<vmem_shared>>, %arg20: memref<!tpu.dma_semaphore, #tpu.memory_space<semaphore_mem>>, %arg21: memref<!tpu.dma_semaphore, #tpu.memory_space<semaphore_mem>>, %arg22: memref<!tpu.dma_semaphore, #tpu.memory_space<semaphore_mem>>, %arg23: memref<!tpu.dma_semaphore, #tpu.memory_space<semaphore_mem>>, %arg24: memref<!tpu.dma_semaphore, #tpu.memory_space<semaphore_mem>>, %arg25: memref<!tpu.dma_semaphore, #tpu.memory_space<semaphore_mem>>, %arg26: memref<!tpu.dma_semaphore, #tpu.memory_space<semaphore_mem>>, %arg27: memref<!tpu.dma_semaphore, #tpu.memory_space<semaphore_mem>>, %arg28: memref<!tpu.dma_semaphore, #tpu.memory_space<semaphore_mem>>, %arg29: memref<!tpu.dma_semaphore, #tpu.memory_space<semaphore_mem>>, %arg30: memref<!tpu.dma_semaphore, #tpu.memory_space<semaphore_mem>>, %arg31: memref<!tpu.dma_semaphore, #tpu.memory_space<semaphore_mem>>, %arg32: memref<!tpu.dma_semaphore, #tpu.memory_space<semaphore_mem>>, %arg33: memref<!tpu.dma_semaphore, #tpu.memory_space<semaphore_mem>>) attributes {dimension_semantics = [#tpu.dimension_semantics<core_parallel>, #tpu.dimension_semantics<subcore_parallel>], iteration_bounds = array<i64: 2, 16>, scalar_prefetch = 0 : i64, scratch_operands = 26 : i64, tpu.core_type = #tpu.core_type<sc_vector_subcore>, window_params = [{transform_indices = #map}, {transform_indices = #map1}, {transform_indices = #map2}, {transform_indices = #map}, {transform_indices = #map}, {transform_indices = #map}]} {
    "tpu.region"() ({
      %run_scoped3A = tpu.sem_alloc : memref<!tpu.dma_semaphore, #tpu.memory_space<semaphore_mem>>
      %dma_start3A_348 = arith.constant 0 : i32
      %dma_start3A_349 = arith.constant 0 : i32
      %dma_start3A_350 = tpu.memref_slice %arg3[%arg0, %arg1, %dma_start3A_348, %dma_start3A_349] : memref<2x16x250x80xi32, #tpu.memory_space<hbm>> -> memref<1x1x250x80xi32, #tpu.memory_space<hbm>>
      %dma_start3A_351 = tpu.memref_squeeze %dma_start3A_350 : memref<1x1x250x80xi32, #tpu.memory_space<hbm>> -> memref<250x80xi32, #tpu.memory_space<hbm>>
      %dma_start3A_352 = arith.constant 0 : i32
      %dma_start3A_353 = arith.constant 0 : i32
      %dma_start3A_354 = tpu.memref_slice %arg3[%arg0, %arg1, %dma_start3A_352, %dma_start3A_353] : memref<2x16x250x80xi32, #tpu.memory_space<hbm>> -> memref<1x1x250x80xi32, #tpu.memory_space<hbm>>
      %dma_start3A_355 = tpu.memref_squeeze %dma_start3A_354 : memref<1x1x250x80xi32, #tpu.memory_space<hbm>> -> memref<250x80xi32, #tpu.memory_space<hbm>>
      tpu.enqueue_dma source(%dma_start3A_355 : memref<250x80xi32, #tpu.memory_space<hbm>>) target(%arg8 : memref<250x80xi32, #tpu.memory_space<vmem>>) target_semaphore(%run_scoped3A : memref<!tpu.dma_semaphore, #tpu.memory_space<semaphore_mem>>)
      %dma_wait3A_356 = arith.constant 0 : i32
      %dma_wait3A_357 = arith.constant 0 : i32
      %dma_wait3A_358 = tpu.memref_slice %arg3[%arg0, %arg1, %dma_wait3A_356, %dma_wait3A_357] : memref<2x16x250x80xi32, #tpu.memory_space<hbm>> -> memref<1x1x250x80xi32, #tpu.memory_space<hbm>>
      %dma_wait3A_359 = tpu.memref_squeeze %dma_wait3A_358 : memref<1x1x250x80xi32, #tpu.memory_space<hbm>> -> memref<250x80xi32, #tpu.memory_space<hbm>>
      %dma_wait3A_360 = arith.constant 0 : i32
      %dma_wait3A_361 = arith.constant 0 : i32
      %dma_wait3A_362 = tpu.memref_slice %arg3[%arg0, %arg1, %dma_wait3A_360, %dma_wait3A_361] : memref<2x16x250x80xi32, #tpu.memory_space<hbm>> -> memref<1x1x250x80xi32, #tpu.memory_space<hbm>>
      %dma_wait3A_363 = tpu.memref_squeeze %dma_wait3A_362 : memref<1x1x250x80xi32, #tpu.memory_space<hbm>> -> memref<250x80xi32, #tpu.memory_space<hbm>>
      tpu.wait_dma2 semaphore(%run_scoped3A : memref<!tpu.dma_semaphore, #tpu.memory_space<semaphore_mem>>) src(%dma_wait3A_363 : memref<250x80xi32, #tpu.memory_space<hbm>>) dst(%arg8 : memref<250x80xi32, #tpu.memory_space<vmem>>)
      tpu.yield
    }) : () -> ()
    "tpu.region"() ({
      %run_scoped3A = tpu.sem_alloc : memref<!tpu.dma_semaphore, #tpu.memory_space<semaphore_mem>>
      %dma_start3A_348 = arith.constant 0 : i32
      %dma_start3A_349 = arith.constant 0 : i32
      %dma_start3A_350 = tpu.memref_slice %arg4[%arg1, %dma_start3A_348, %dma_start3A_349] : memref<16x250x80xi32, #tpu.memory_space<hbm>> -> memref<1x250x80xi32, #tpu.memory_space<hbm>>
      %dma_start3A_351 = tpu.memref_squeeze %dma_start3A_350 : memref<1x250x80xi32, #tpu.memory_space<hbm>> -> memref<250x80xi32, #tpu.memory_space<hbm>>
      %dma_start3A_352 = arith.constant 0 : i32
      %dma_start3A_353 = arith.constant 0 : i32
      %dma_start3A_354 = tpu.memref_slice %arg4[%arg1, %dma_start3A_352, %dma_start3A_353] : memref<16x250x80xi32, #tpu.memory_space<hbm>> -> memref<1x250x80xi32, #tpu.memory_space<hbm>>
      %dma_start3A_355 = tpu.memref_squeeze %dma_start3A_354 : memref<1x250x80xi32, #tpu.memory_space<hbm>> -> memref<250x80xi32, #tpu.memory_space<hbm>>
      tpu.enqueue_dma source(%dma_start3A_355 : memref<250x80xi32, #tpu.memory_space<hbm>>) target(%arg9 : memref<250x80xi32, #tpu.memory_space<vmem>>) target_semaphore(%run_scoped3A : memref<!tpu.dma_semaphore, #tpu.memory_space<semaphore_mem>>)
      %dma_wait3A_356 = arith.constant 0 : i32
      %dma_wait3A_357 = arith.constant 0 : i32
      %dma_wait3A_358 = tpu.memref_slice %arg4[%arg1, %dma_wait3A_356, %dma_wait3A_357] : memref<16x250x80xi32, #tpu.memory_space<hbm>> -> memref<1x250x80xi32, #tpu.memory_space<hbm>>
      %dma_wait3A_359 = tpu.memref_squeeze %dma_wait3A_358 : memref<1x250x80xi32, #tpu.memory_space<hbm>> -> memref<250x80xi32, #tpu.memory_space<hbm>>
      %dma_wait3A_360 = arith.constant 0 : i32
      %dma_wait3A_361 = arith.constant 0 : i32
      %dma_wait3A_362 = tpu.memref_slice %arg4[%arg1, %dma_wait3A_360, %dma_wait3A_361] : memref<16x250x80xi32, #tpu.memory_space<hbm>> -> memref<1x250x80xi32, #tpu.memory_space<hbm>>
      %dma_wait3A_363 = tpu.memref_squeeze %dma_wait3A_362 : memref<1x250x80xi32, #tpu.memory_space<hbm>> -> memref<250x80xi32, #tpu.memory_space<hbm>>
      tpu.wait_dma2 semaphore(%run_scoped3A : memref<!tpu.dma_semaphore, #tpu.memory_space<semaphore_mem>>) src(%dma_wait3A_363 : memref<250x80xi32, #tpu.memory_space<hbm>>) dst(%arg9 : memref<250x80xi32, #tpu.memory_space<vmem>>)
      tpu.yield
    }) : () -> ()
    "tpu.region"() ({
      %run_scoped3A = tpu.sem_alloc : memref<!tpu.dma_semaphore, #tpu.memory_space<semaphore_mem>>
      %dma_start3A_348 = arith.constant 0 : i32
      %dma_start3A_349 = tpu.memref_slice %arg5[%arg0, %dma_start3A_348] : memref<2x64xf32, #tpu.memory_space<hbm>> -> memref<1x64xf32, #tpu.memory_space<hbm>>
      %dma_start3A_350 = tpu.memref_squeeze %dma_start3A_349 : memref<1x64xf32, #tpu.memory_space<hbm>> -> memref<64xf32, #tpu.memory_space<hbm>>
      %dma_start3A_351 = arith.constant 0 : i32
      %dma_start3A_352 = tpu.memref_slice %arg5[%arg0, %dma_start3A_351] : memref<2x64xf32, #tpu.memory_space<hbm>> -> memref<1x64xf32, #tpu.memory_space<hbm>>
      %dma_start3A_353 = tpu.memref_squeeze %dma_start3A_352 : memref<1x64xf32, #tpu.memory_space<hbm>> -> memref<64xf32, #tpu.memory_space<hbm>>
      tpu.enqueue_dma source(%dma_start3A_353 : memref<64xf32, #tpu.memory_space<hbm>>) target(%arg17 : memref<64xf32, #tpu.memory_space<vmem>>) target_semaphore(%run_scoped3A : memref<!tpu.dma_semaphore, #tpu.memory_space<semaphore_mem>>)
      %dma_wait3A_354 = arith.constant 0 : i32
      %dma_wait3A_355 = tpu.memref_slice %arg5[%arg0, %dma_wait3A_354] : memref<2x64xf32, #tpu.memory_space<hbm>> -> memref<1x64xf32, #tpu.memory_space<hbm>>
      %dma_wait3A_356 = tpu.memref_squeeze %dma_wait3A_355 : memref<1x64xf32, #tpu.memory_space<hbm>> -> memref<64xf32, #tpu.memory_space<hbm>>
      %dma_wait3A_357 = arith.constant 0 : i32
      %dma_wait3A_358 = tpu.memref_slice %arg5[%arg0, %dma_wait3A_357] : memref<2x64xf32, #tpu.memory_space<hbm>> -> memref<1x64xf32, #tpu.memory_space<hbm>>
      %dma_wait3A_359 = tpu.memref_squeeze %dma_wait3A_358 : memref<1x64xf32, #tpu.memory_space<hbm>> -> memref<64xf32, #tpu.memory_space<hbm>>
      tpu.wait_dma2 semaphore(%run_scoped3A : memref<!tpu.dma_semaphore, #tpu.memory_space<semaphore_mem>>) src(%dma_wait3A_359 : memref<64xf32, #tpu.memory_space<hbm>>) dst(%arg17 : memref<64xf32, #tpu.memory_space<vmem>>)
      tpu.yield
    }) : () -> ()
    "tpu.region"() ({
      %run_scoped3A = tpu.sem_alloc : memref<!tpu.dma_semaphore, #tpu.memory_space<semaphore_mem>>
      %dma_start3A_348 = arith.constant 0 : i32
      %dma_start3A_349 = tpu.memref_slice %arg6[%arg0, %dma_start3A_348] : memref<2x64xf32, #tpu.memory_space<hbm>> -> memref<1x64xf32, #tpu.memory_space<hbm>>
      %dma_start3A_350 = tpu.memref_squeeze %dma_start3A_349 : memref<1x64xf32, #tpu.memory_space<hbm>> -> memref<64xf32, #tpu.memory_space<hbm>>
      %dma_start3A_351 = arith.constant 0 : i32
      %dma_start3A_352 = tpu.memref_slice %arg6[%arg0, %dma_start3A_351] : memref<2x64xf32, #tpu.memory_space<hbm>> -> memref<1x64xf32, #tpu.memory_space<hbm>>
      %dma_start3A_353 = tpu.memref_squeeze %dma_start3A_352 : memref<1x64xf32, #tpu.memory_space<hbm>> -> memref<64xf32, #tpu.memory_space<hbm>>
      tpu.enqueue_dma source(%dma_start3A_353 : memref<64xf32, #tpu.memory_space<hbm>>) target(%arg18 : memref<64xf32, #tpu.memory_space<vmem>>) target_semaphore(%run_scoped3A : memref<!tpu.dma_semaphore, #tpu.memory_space<semaphore_mem>>)
      %dma_wait3A_354 = arith.constant 0 : i32
      %dma_wait3A_355 = tpu.memref_slice %arg6[%arg0, %dma_wait3A_354] : memref<2x64xf32, #tpu.memory_space<hbm>> -> memref<1x64xf32, #tpu.memory_space<hbm>>
      %dma_wait3A_356 = tpu.memref_squeeze %dma_wait3A_355 : memref<1x64xf32, #tpu.memory_space<hbm>> -> memref<64xf32, #tpu.memory_space<hbm>>
      %dma_wait3A_357 = arith.constant 0 : i32
      %dma_wait3A_358 = tpu.memref_slice %arg6[%arg0, %dma_wait3A_357] : memref<2x64xf32, #tpu.memory_space<hbm>> -> memref<1x64xf32, #tpu.memory_space<hbm>>
      %dma_wait3A_359 = tpu.memref_squeeze %dma_wait3A_358 : memref<1x64xf32, #tpu.memory_space<hbm>> -> memref<64xf32, #tpu.memory_space<hbm>>
      tpu.wait_dma2 semaphore(%run_scoped3A : memref<!tpu.dma_semaphore, #tpu.memory_space<semaphore_mem>>) src(%dma_wait3A_359 : memref<64xf32, #tpu.memory_space<hbm>>) dst(%arg18 : memref<64xf32, #tpu.memory_space<vmem>>)
      tpu.yield
    }) : () -> ()
    %scan3A = arith.constant 0 : i32
    %scan3A_0 = arith.constant 0 : i32
    %scan3A_1 = arith.constant 125 : i32
    %scan3A_2 = arith.addi %scan3A_0, %scan3A_1 : i32
    %scan3A_3 = arith.constant 1 : i32
    scf.for %scan3A_348 = %scan3A_0 to %scan3A_2 step %scan3A_3  : i32 {
      %broadcast_in_dim3A = arith.constant 0.000000e+00 : f32
      %broadcast_in_dim3A_349 = vector.broadcast %broadcast_in_dim3A : f32 to vector<16xf32>
      %swap3A = arith.index_cast %scan3A_348 : i32 to index
      %swap3A_350 = arith.constant 0 : index
      %swap3A_351 = tpu.vector_load %arg15[%swap3A, %swap3A_350] {strides = array<i32>} : memref<125x64xf32, #tpu.memory_space<vmem>>, vector<1x16xf32>,
      %swap3A_352 = vector.shape_cast %swap3A_351 : vector<1x16xf32> to vector<16xf32>
      %swap3A_353 = vector.shape_cast %broadcast_in_dim3A_349 : vector<16xf32> to vector<1x16xf32>
      tpu.vector_store %arg15[%swap3A, %swap3A_350], %swap3A_353 {strides = array<i32>} : memref<125x64xf32, #tpu.memory_space<vmem>>, vector<1x16xf32>,
      %broadcast_in_dim3A_354 = arith.constant 0.000000e+00 : f32
      %broadcast_in_dim3A_355 = vector.broadcast %broadcast_in_dim3A_354 : f32 to vector<16xf32>
      %swap3A_356 = arith.index_cast %scan3A_348 : i32 to index
      %swap3A_357 = arith.constant 16 : index
      %swap3A_358 = tpu.vector_load %arg15[%swap3A_356, %swap3A_357] {strides = array<i32>} : memref<125x64xf32, #tpu.memory_space<vmem>>, vector<1x16xf32>,
      %swap3A_359 = vector.shape_cast %swap3A_358 : vector<1x16xf32> to vector<16xf32>
      %swap3A_360 = vector.shape_cast %broadcast_in_dim3A_355 : vector<16xf32> to vector<1x16xf32>
      tpu.vector_store %arg15[%swap3A_356, %swap3A_357], %swap3A_360 {strides = array<i32>} : memref<125x64xf32, #tpu.memory_space<vmem>>, vector<1x16xf32>,
      %broadcast_in_dim3A_361 = arith.constant 0.000000e+00 : f32
      %broadcast_in_dim3A_362 = vector.broadcast %broadcast_in_dim3A_361 : f32 to vector<16xf32>
      %swap3A_363 = arith.index_cast %scan3A_348 : i32 to index
      %swap3A_364 = arith.constant 32 : index
      %swap3A_365 = tpu.vector_load %arg15[%swap3A_363, %swap3A_364] {strides = array<i32>} : memref<125x64xf32, #tpu.memory_space<vmem>>, vector<1x16xf32>,
      %swap3A_366 = vector.shape_cast %swap3A_365 : vector<1x16xf32> to vector<16xf32>
      %swap3A_367 = vector.shape_cast %broadcast_in_dim3A_362 : vector<16xf32> to vector<1x16xf32>
      tpu.vector_store %arg15[%swap3A_363, %swap3A_364], %swap3A_367 {strides = array<i32>} : memref<125x64xf32, #tpu.memory_space<vmem>>, vector<1x16xf32>,
      %broadcast_in_dim3A_368 = arith.constant 0.000000e+00 : f32
      %broadcast_in_dim3A_369 = vector.broadcast %broadcast_in_dim3A_368 : f32 to vector<16xf32>
      %swap3A_370 = arith.index_cast %scan3A_348 : i32 to index
      %swap3A_371 = arith.constant 48 : index
      %swap3A_372 = tpu.vector_load %arg15[%swap3A_370, %swap3A_371] {strides = array<i32>} : memref<125x64xf32, #tpu.memory_space<vmem>>, vector<1x16xf32>,
      %swap3A_373 = vector.shape_cast %swap3A_372 : vector<1x16xf32> to vector<16xf32>
      %swap3A_374 = vector.shape_cast %broadcast_in_dim3A_369 : vector<16xf32> to vector<1x16xf32>
      tpu.vector_store %arg15[%swap3A_370, %swap3A_371], %swap3A_374 {strides = array<i32>} : memref<125x64xf32, #tpu.memory_space<vmem>>, vector<1x16xf32>,
    }
    %scan3A_4 = arith.constant 125 : i32
    %mul3A = arith.constant 625 : i32
    %mul3A_5 = arith.muli %arg1, %mul3A : i32
    %add3A = arith.constant 0 : i32
    %add3A_6 = arith.addi %mul3A_5, %add3A : i32
    %dma_start3A = arith.constant 0 : i32
    %dma_start3A_7 = tpu.memref_slice %arg19[%add3A_6, %dma_start3A] : memref<10000x64xf32, #tpu.memory_space<vmem_shared>> -> memref<125x64xf32, #tpu.memory_space<vmem_shared>>
    %dma_start3A_8 = arith.constant 0 : i32
    %dma_start3A_9 = tpu.memref_slice %arg19[%add3A_6, %dma_start3A_8] : memref<10000x64xf32, #tpu.memory_space<vmem_shared>> -> memref<125x64xf32, #tpu.memory_space<vmem_shared>>
    tpu.enqueue_dma source(%arg15 : memref<125x64xf32, #tpu.memory_space<vmem>>) target(%dma_start3A_9 : memref<125x64xf32, #tpu.memory_space<vmem_shared>>) target_semaphore(%arg30 : memref<!tpu.dma_semaphore, #tpu.memory_space<semaphore_mem>>)
    %mul3A_10 = arith.constant 625 : i32
    %mul3A_11 = arith.muli %arg1, %mul3A_10 : i32
    %add3A_12 = arith.constant 125 : i32
    %add3A_13 = arith.addi %mul3A_11, %add3A_12 : i32
    %dma_start3A_14 = arith.constant 0 : i32
    %dma_start3A_15 = tpu.memref_slice %arg19[%add3A_13, %dma_start3A_14] : memref<10000x64xf32, #tpu.memory_space<vmem_shared>> -> memref<125x64xf32, #tpu.memory_space<vmem_shared>>
    %dma_start3A_16 = arith.constant 0 : i32
    %dma_start3A_17 = tpu.memref_slice %arg19[%add3A_13, %dma_start3A_16] : memref<10000x64xf32, #tpu.memory_space<vmem_shared>> -> memref<125x64xf32, #tpu.memory_space<vmem_shared>>
    tpu.enqueue_dma source(%arg15 : memref<125x64xf32, #tpu.memory_space<vmem>>) target(%dma_start3A_17 : memref<125x64xf32, #tpu.memory_space<vmem_shared>>) target_semaphore(%arg30 : memref<!tpu.dma_semaphore, #tpu.memory_space<semaphore_mem>>)
    %mul3A_18 = arith.constant 625 : i32
    %mul3A_19 = arith.muli %arg1, %mul3A_18 : i32
    %add3A_20 = arith.constant 250 : i32
    %add3A_21 = arith.addi %mul3A_19, %add3A_20 : i32
    %dma_start3A_22 = arith.constant 0 : i32
    %dma_start3A_23 = tpu.memref_slice %arg19[%add3A_21, %dma_start3A_22] : memref<10000x64xf32, #tpu.memory_space<vmem_shared>> -> memref<125x64xf32, #tpu.memory_space<vmem_shared>>
    %dma_start3A_24 = arith.constant 0 : i32
    %dma_start3A_25 = tpu.memref_slice %arg19[%add3A_21, %dma_start3A_24] : memref<10000x64xf32, #tpu.memory_space<vmem_shared>> -> memref<125x64xf32, #tpu.memory_space<vmem_shared>>
    tpu.enqueue_dma source(%arg15 : memref<125x64xf32, #tpu.memory_space<vmem>>) target(%dma_start3A_25 : memref<125x64xf32, #tpu.memory_space<vmem_shared>>) target_semaphore(%arg30 : memref<!tpu.dma_semaphore, #tpu.memory_space<semaphore_mem>>)
    %mul3A_26 = arith.constant 625 : i32
    %mul3A_27 = arith.muli %arg1, %mul3A_26 : i32
    %add3A_28 = arith.constant 375 : i32
    %add3A_29 = arith.addi %mul3A_27, %add3A_28 : i32
    %dma_start3A_30 = arith.constant 0 : i32
    %dma_start3A_31 = tpu.memref_slice %arg19[%add3A_29, %dma_start3A_30] : memref<10000x64xf32, #tpu.memory_space<vmem_shared>> -> memref<125x64xf32, #tpu.memory_space<vmem_shared>>
    %dma_start3A_32 = arith.constant 0 : i32
    %dma_start3A_33 = tpu.memref_slice %arg19[%add3A_29, %dma_start3A_32] : memref<10000x64xf32, #tpu.memory_space<vmem_shared>> -> memref<125x64xf32, #tpu.memory_space<vmem_shared>>
    tpu.enqueue_dma source(%arg15 : memref<125x64xf32, #tpu.memory_space<vmem>>) target(%dma_start3A_33 : memref<125x64xf32, #tpu.memory_space<vmem_shared>>) target_semaphore(%arg30 : memref<!tpu.dma_semaphore, #tpu.memory_space<semaphore_mem>>)
    %mul3A_34 = arith.constant 625 : i32
    %mul3A_35 = arith.muli %arg1, %mul3A_34 : i32
    %add3A_36 = arith.constant 500 : i32
    %add3A_37 = arith.addi %mul3A_35, %add3A_36 : i32
    %dma_start3A_38 = arith.constant 0 : i32
    %dma_start3A_39 = tpu.memref_slice %arg19[%add3A_37, %dma_start3A_38] : memref<10000x64xf32, #tpu.memory_space<vmem_shared>> -> memref<125x64xf32, #tpu.memory_space<vmem_shared>>
    %dma_start3A_40 = arith.constant 0 : i32
    %dma_start3A_41 = tpu.memref_slice %arg19[%add3A_37, %dma_start3A_40] : memref<10000x64xf32, #tpu.memory_space<vmem_shared>> -> memref<125x64xf32, #tpu.memory_space<vmem_shared>>
    tpu.enqueue_dma source(%arg15 : memref<125x64xf32, #tpu.memory_space<vmem>>) target(%dma_start3A_41 : memref<125x64xf32, #tpu.memory_space<vmem_shared>>) target_semaphore(%arg30 : memref<!tpu.dma_semaphore, #tpu.memory_space<semaphore_mem>>)
    %mul3A_42 = arith.constant 625 : i32
    %mul3A_43 = arith.muli %arg1, %mul3A_42 : i32
    %add3A_44 = arith.constant 0 : i32
    %add3A_45 = arith.addi %mul3A_43, %add3A_44 : i32
    %dma_wait3A = arith.constant 0 : i32
    %dma_wait3A_46 = tpu.memref_slice %arg19[%add3A_45, %dma_wait3A] : memref<10000x64xf32, #tpu.memory_space<vmem_shared>> -> memref<125x64xf32, #tpu.memory_space<vmem_shared>>
    %dma_wait3A_47 = arith.constant 0 : i32
    %dma_wait3A_48 = tpu.memref_slice %arg19[%add3A_45, %dma_wait3A_47] : memref<10000x64xf32, #tpu.memory_space<vmem_shared>> -> memref<125x64xf32, #tpu.memory_space<vmem_shared>>
    tpu.wait_dma2 semaphore(%arg30 : memref<!tpu.dma_semaphore, #tpu.memory_space<semaphore_mem>>) src(%arg15 : memref<125x64xf32, #tpu.memory_space<vmem>>) dst(%dma_wait3A_48 : memref<125x64xf32, #tpu.memory_space<vmem_shared>>)
    %mul3A_49 = arith.constant 625 : i32
    %mul3A_50 = arith.muli %arg1, %mul3A_49 : i32
    %add3A_51 = arith.constant 125 : i32
    %add3A_52 = arith.addi %mul3A_50, %add3A_51 : i32
    %dma_wait3A_53 = arith.constant 0 : i32
    %dma_wait3A_54 = tpu.memref_slice %arg19[%add3A_52, %dma_wait3A_53] : memref<10000x64xf32, #tpu.memory_space<vmem_shared>> -> memref<125x64xf32, #tpu.memory_space<vmem_shared>>
    %dma_wait3A_55 = arith.constant 0 : i32
    %dma_wait3A_56 = tpu.memref_slice %arg19[%add3A_52, %dma_wait3A_55] : memref<10000x64xf32, #tpu.memory_space<vmem_shared>> -> memref<125x64xf32, #tpu.memory_space<vmem_shared>>
    tpu.wait_dma2 semaphore(%arg30 : memref<!tpu.dma_semaphore, #tpu.memory_space<semaphore_mem>>) src(%arg15 : memref<125x64xf32, #tpu.memory_space<vmem>>) dst(%dma_wait3A_56 : memref<125x64xf32, #tpu.memory_space<vmem_shared>>)
    %mul3A_57 = arith.constant 625 : i32
    %mul3A_58 = arith.muli %arg1, %mul3A_57 : i32
    %add3A_59 = arith.constant 250 : i32
    %add3A_60 = arith.addi %mul3A_58, %add3A_59 : i32
    %dma_wait3A_61 = arith.constant 0 : i32
    %dma_wait3A_62 = tpu.memref_slice %arg19[%add3A_60, %dma_wait3A_61] : memref<10000x64xf32, #tpu.memory_space<vmem_shared>> -> memref<125x64xf32, #tpu.memory_space<vmem_shared>>
    %dma_wait3A_63 = arith.constant 0 : i32
    %dma_wait3A_64 = tpu.memref_slice %arg19[%add3A_60, %dma_wait3A_63] : memref<10000x64xf32, #tpu.memory_space<vmem_shared>> -> memref<125x64xf32, #tpu.memory_space<vmem_shared>>
    tpu.wait_dma2 semaphore(%arg30 : memref<!tpu.dma_semaphore, #tpu.memory_space<semaphore_mem>>) src(%arg15 : memref<125x64xf32, #tpu.memory_space<vmem>>) dst(%dma_wait3A_64 : memref<125x64xf32, #tpu.memory_space<vmem_shared>>)
    %mul3A_65 = arith.constant 625 : i32
    %mul3A_66 = arith.muli %arg1, %mul3A_65 : i32
    %add3A_67 = arith.constant 375 : i32
    %add3A_68 = arith.addi %mul3A_66, %add3A_67 : i32
    %dma_wait3A_69 = arith.constant 0 : i32
    %dma_wait3A_70 = tpu.memref_slice %arg19[%add3A_68, %dma_wait3A_69] : memref<10000x64xf32, #tpu.memory_space<vmem_shared>> -> memref<125x64xf32, #tpu.memory_space<vmem_shared>>
    %dma_wait3A_71 = arith.constant 0 : i32
    %dma_wait3A_72 = tpu.memref_slice %arg19[%add3A_68, %dma_wait3A_71] : memref<10000x64xf32, #tpu.memory_space<vmem_shared>> -> memref<125x64xf32, #tpu.memory_space<vmem_shared>>
    tpu.wait_dma2 semaphore(%arg30 : memref<!tpu.dma_semaphore, #tpu.memory_space<semaphore_mem>>) src(%arg15 : memref<125x64xf32, #tpu.memory_space<vmem>>) dst(%dma_wait3A_72 : memref<125x64xf32, #tpu.memory_space<vmem_shared>>)
    %mul3A_73 = arith.constant 625 : i32
    %mul3A_74 = arith.muli %arg1, %mul3A_73 : i32
    %add3A_75 = arith.constant 500 : i32
    %add3A_76 = arith.addi %mul3A_74, %add3A_75 : i32
    %dma_wait3A_77 = arith.constant 0 : i32
    %dma_wait3A_78 = tpu.memref_slice %arg19[%add3A_76, %dma_wait3A_77] : memref<10000x64xf32, #tpu.memory_space<vmem_shared>> -> memref<125x64xf32, #tpu.memory_space<vmem_shared>>
    %dma_wait3A_79 = arith.constant 0 : i32
    %dma_wait3A_80 = tpu.memref_slice %arg19[%add3A_76, %dma_wait3A_79] : memref<10000x64xf32, #tpu.memory_space<vmem_shared>> -> memref<125x64xf32, #tpu.memory_space<vmem_shared>>
    tpu.wait_dma2 semaphore(%arg30 : memref<!tpu.dma_semaphore, #tpu.memory_space<semaphore_mem>>) src(%arg15 : memref<125x64xf32, #tpu.memory_space<vmem>>) dst(%dma_wait3A_80 : memref<125x64xf32, #tpu.memory_space<vmem_shared>>)
    %barrier3A = arith.constant 0 : index
    tpu.barrier barrier_id(%barrier3A)
    %dma_start3A_81 = arith.constant 0 : i32
    %dma_start3A_82 = arith.constant 0 : i32
    %dma_start3A_83 = tpu.memref_slice %arg8[%dma_start3A_81, %dma_start3A_82] : memref<250x80xi32, #tpu.memory_space<vmem>> -> memref<1x80xi32, #tpu.memory_space<vmem>>
    %dma_start3A_84 = tpu.memref_squeeze %dma_start3A_83 : memref<1x80xi32, #tpu.memory_space<vmem>> -> memref<80xi32, #tpu.memory_space<vmem>>
    %dma_start3A_85 = arith.constant 0 : i32
    %dma_start3A_86 = arith.constant 0 : i32
    %dma_start3A_87 = tpu.memref_slice %arg2[%dma_start3A_85, %dma_start3A_86] : memref<20000x64xf32, #tpu.memory_space<hbm>> -> memref<20000x64xf32, #tpu.memory_space<hbm>>
    tpu.enqueue_indirect_dma source(%dma_start3A_87 : memref<20000x64xf32, #tpu.memory_space<hbm>>) target(%arg10 : memref<80x64xf32, #tpu.memory_space<vmem>>) offsets(%dma_start3A_84 : memref<80xi32, #tpu.memory_space<vmem>>) semaphore(%arg20 : memref<!tpu.dma_semaphore, #tpu.memory_space<semaphore_mem>>)
    %dma_start3A_88 = arith.constant 1 : i32
    %dma_start3A_89 = arith.constant 0 : i32
    %dma_start3A_90 = tpu.memref_slice %arg8[%dma_start3A_88, %dma_start3A_89] : memref<250x80xi32, #tpu.memory_space<vmem>> -> memref<1x80xi32, #tpu.memory_space<vmem>>
    %dma_start3A_91 = tpu.memref_squeeze %dma_start3A_90 : memref<1x80xi32, #tpu.memory_space<vmem>> -> memref<80xi32, #tpu.memory_space<vmem>>
    %dma_start3A_92 = arith.constant 0 : i32
    %dma_start3A_93 = arith.constant 0 : i32
    %dma_start3A_94 = tpu.memref_slice %arg2[%dma_start3A_92, %dma_start3A_93] : memref<20000x64xf32, #tpu.memory_space<hbm>> -> memref<20000x64xf32, #tpu.memory_space<hbm>>
    tpu.enqueue_indirect_dma source(%dma_start3A_94 : memref<20000x64xf32, #tpu.memory_space<hbm>>) target(%arg11 : memref<80x64xf32, #tpu.memory_space<vmem>>) offsets(%dma_start3A_91 : memref<80xi32, #tpu.memory_space<vmem>>) semaphore(%arg21 : memref<!tpu.dma_semaphore, #tpu.memory_space<semaphore_mem>>)
    %dma_start3A_95 = arith.constant 2 : i32
    %dma_start3A_96 = arith.constant 0 : i32
    %dma_start3A_97 = tpu.memref_slice %arg8[%dma_start3A_95, %dma_start3A_96] : memref<250x80xi32, #tpu.memory_space<vmem>> -> memref<1x80xi32, #tpu.memory_space<vmem>>
    %dma_start3A_98 = tpu.memref_squeeze %dma_start3A_97 : memref<1x80xi32, #tpu.memory_space<vmem>> -> memref<80xi32, #tpu.memory_space<vmem>>
    %dma_start3A_99 = arith.constant 0 : i32
    %dma_start3A_100 = arith.constant 0 : i32
    %dma_start3A_101 = tpu.memref_slice %arg2[%dma_start3A_99, %dma_start3A_100] : memref<20000x64xf32, #tpu.memory_space<hbm>> -> memref<20000x64xf32, #tpu.memory_space<hbm>>
    tpu.enqueue_indirect_dma source(%dma_start3A_101 : memref<20000x64xf32, #tpu.memory_space<hbm>>) target(%arg12 : memref<80x64xf32, #tpu.memory_space<vmem>>) offsets(%dma_start3A_98 : memref<80xi32, #tpu.memory_space<vmem>>) semaphore(%arg22 : memref<!tpu.dma_semaphore, #tpu.memory_space<semaphore_mem>>)
    %dma_start3A_102 = arith.constant 3 : i32
    %dma_start3A_103 = arith.constant 0 : i32
    %dma_start3A_104 = tpu.memref_slice %arg8[%dma_start3A_102, %dma_start3A_103] : memref<250x80xi32, #tpu.memory_space<vmem>> -> memref<1x80xi32, #tpu.memory_space<vmem>>
    %dma_start3A_105 = tpu.memref_squeeze %dma_start3A_104 : memref<1x80xi32, #tpu.memory_space<vmem>> -> memref<80xi32, #tpu.memory_space<vmem>>
    %dma_start3A_106 = arith.constant 0 : i32
    %dma_start3A_107 = arith.constant 0 : i32
    %dma_start3A_108 = tpu.memref_slice %arg2[%dma_start3A_106, %dma_start3A_107] : memref<20000x64xf32, #tpu.memory_space<hbm>> -> memref<20000x64xf32, #tpu.memory_space<hbm>>
    tpu.enqueue_indirect_dma source(%dma_start3A_108 : memref<20000x64xf32, #tpu.memory_space<hbm>>) target(%arg13 : memref<80x64xf32, #tpu.memory_space<vmem>>) offsets(%dma_start3A_105 : memref<80xi32, #tpu.memory_space<vmem>>) semaphore(%arg23 : memref<!tpu.dma_semaphore, #tpu.memory_space<semaphore_mem>>)
    %dma_start3A_109 = arith.constant 4 : i32
    %dma_start3A_110 = arith.constant 0 : i32
    %dma_start3A_111 = tpu.memref_slice %arg8[%dma_start3A_109, %dma_start3A_110] : memref<250x80xi32, #tpu.memory_space<vmem>> -> memref<1x80xi32, #tpu.memory_space<vmem>>
    %dma_start3A_112 = tpu.memref_squeeze %dma_start3A_111 : memref<1x80xi32, #tpu.memory_space<vmem>> -> memref<80xi32, #tpu.memory_space<vmem>>
    %dma_start3A_113 = arith.constant 0 : i32
    %dma_start3A_114 = arith.constant 0 : i32
    %dma_start3A_115 = tpu.memref_slice %arg2[%dma_start3A_113, %dma_start3A_114] : memref<20000x64xf32, #tpu.memory_space<hbm>> -> memref<20000x64xf32, #tpu.memory_space<hbm>>
    tpu.enqueue_indirect_dma source(%dma_start3A_115 : memref<20000x64xf32, #tpu.memory_space<hbm>>) target(%arg14 : memref<80x64xf32, #tpu.memory_space<vmem>>) offsets(%dma_start3A_112 : memref<80xi32, #tpu.memory_space<vmem>>) semaphore(%arg24 : memref<!tpu.dma_semaphore, #tpu.memory_space<semaphore_mem>>)
    %scan3A_116 = arith.constant 0 : i32
    %scan3A_117 = arith.constant 0 : i32
    %scan3A_118 = arith.constant 50 : i32
    %scan3A_119 = arith.addi %scan3A_117, %scan3A_118 : i32
    %scan3A_120 = arith.constant 1 : i32
    scf.for %scan3A_348 = %scan3A_117 to %scan3A_119 step %scan3A_120  : i32 {
      %mul3A_349 = arith.constant 5 : i32
      %mul3A_350 = arith.muli %mul3A_349, %scan3A_348 : i32
      %add3A_351 = arith.constant 0 : i32
      %add3A_352 = arith.addi %mul3A_350, %add3A_351 : i32
      %dma_wait3A_353 = arith.constant 0 : i32
      %dma_wait3A_354 = tpu.memref_slice %arg8[%add3A_352, %dma_wait3A_353] : memref<250x80xi32, #tpu.memory_space<vmem>> -> memref<1x80xi32, #tpu.memory_space<vmem>>
      %dma_wait3A_355 = tpu.memref_squeeze %dma_wait3A_354 : memref<1x80xi32, #tpu.memory_space<vmem>> -> memref<80xi32, #tpu.memory_space<vmem>>
      %dma_wait3A_356 = arith.constant 0 : i32
      %dma_wait3A_357 = arith.constant 0 : i32
      %dma_wait3A_358 = tpu.memref_slice %arg2[%dma_wait3A_356, %dma_wait3A_357] : memref<20000x64xf32, #tpu.memory_space<hbm>> -> memref<20000x64xf32, #tpu.memory_space<hbm>>
      tpu.wait_indirect_dma semaphore(%arg20 : memref<!tpu.dma_semaphore, #tpu.memory_space<semaphore_mem>>) src(%dma_wait3A_358 : memref<20000x64xf32, #tpu.memory_space<hbm>>) dst(%arg10 : memref<80x64xf32, #tpu.memory_space<vmem>>)
      %add3A_359 = arith.constant 0 : i32
      %add3A_360 = arith.addi %mul3A_350, %add3A_359 : i32
      %dma_start3A_361 = arith.constant 0 : i32
      %dma_start3A_362 = tpu.memref_slice %arg9[%add3A_360, %dma_start3A_361] : memref<250x80xi32, #tpu.memory_space<vmem>> -> memref<1x80xi32, #tpu.memory_space<vmem>>
      %dma_start3A_363 = tpu.memref_squeeze %dma_start3A_362 : memref<1x80xi32, #tpu.memory_space<vmem>> -> memref<80xi32, #tpu.memory_space<vmem>>
      %dma_start3A_364 = arith.constant 0 : i32
      %dma_start3A_365 = arith.constant 0 : i32
      %dma_start3A_366 = tpu.memref_slice %arg19[%dma_start3A_364, %dma_start3A_365] : memref<10000x64xf32, #tpu.memory_space<vmem_shared>> -> memref<10000x64xf32, #tpu.memory_space<vmem_shared>>
      tpu.enqueue_indirect_dma source(%arg10 : memref<80x64xf32, #tpu.memory_space<vmem>>) target(%dma_start3A_366 : memref<10000x64xf32, #tpu.memory_space<vmem_shared>>) offsets(%dma_start3A_363 : memref<80xi32, #tpu.memory_space<vmem>>) semaphore(%arg25 : memref<!tpu.dma_semaphore, #tpu.memory_space<semaphore_mem>>) {add = true}
      %add3A_367 = arith.constant 1 : i32
      %add3A_368 = arith.addi %mul3A_350, %add3A_367 : i32
      %dma_wait3A_369 = arith.constant 0 : i32
      %dma_wait3A_370 = tpu.memref_slice %arg8[%add3A_368, %dma_wait3A_369] : memref<250x80xi32, #tpu.memory_space<vmem>> -> memref<1x80xi32, #tpu.memory_space<vmem>>
      %dma_wait3A_371 = tpu.memref_squeeze %dma_wait3A_370 : memref<1x80xi32, #tpu.memory_space<vmem>> -> memref<80xi32, #tpu.memory_space<vmem>>
      %dma_wait3A_372 = arith.constant 0 : i32
      %dma_wait3A_373 = arith.constant 0 : i32
      %dma_wait3A_374 = tpu.memref_slice %arg2[%dma_wait3A_372, %dma_wait3A_373] : memref<20000x64xf32, #tpu.memory_space<hbm>> -> memref<20000x64xf32, #tpu.memory_space<hbm>>
      tpu.wait_indirect_dma semaphore(%arg21 : memref<!tpu.dma_semaphore, #tpu.memory_space<semaphore_mem>>) src(%dma_wait3A_374 : memref<20000x64xf32, #tpu.memory_space<hbm>>) dst(%arg11 : memref<80x64xf32, #tpu.memory_space<vmem>>)
      %add3A_375 = arith.constant 1 : i32
      %add3A_376 = arith.addi %mul3A_350, %add3A_375 : i32
      %dma_start3A_377 = arith.constant 0 : i32
      %dma_start3A_378 = tpu.memref_slice %arg9[%add3A_376, %dma_start3A_377] : memref<250x80xi32, #tpu.memory_space<vmem>> -> memref<1x80xi32, #tpu.memory_space<vmem>>
      %dma_start3A_379 = tpu.memref_squeeze %dma_start3A_378 : memref<1x80xi32, #tpu.memory_space<vmem>> -> memref<80xi32, #tpu.memory_space<vmem>>
      %dma_start3A_380 = arith.constant 0 : i32
      %dma_start3A_381 = arith.constant 0 : i32
      %dma_start3A_382 = tpu.memref_slice %arg19[%dma_start3A_380, %dma_start3A_381] : memref<10000x64xf32, #tpu.memory_space<vmem_shared>> -> memref<10000x64xf32, #tpu.memory_space<vmem_shared>>
      tpu.enqueue_indirect_dma source(%arg11 : memref<80x64xf32, #tpu.memory_space<vmem>>) target(%dma_start3A_382 : memref<10000x64xf32, #tpu.memory_space<vmem_shared>>) offsets(%dma_start3A_379 : memref<80xi32, #tpu.memory_space<vmem>>) semaphore(%arg26 : memref<!tpu.dma_semaphore, #tpu.memory_space<semaphore_mem>>) {add = true}
      %add3A_383 = arith.constant 2 : i32
      %add3A_384 = arith.addi %mul3A_350, %add3A_383 : i32
      %dma_wait3A_385 = arith.constant 0 : i32
      %dma_wait3A_386 = tpu.memref_slice %arg8[%add3A_384, %dma_wait3A_385] : memref<250x80xi32, #tpu.memory_space<vmem>> -> memref<1x80xi32, #tpu.memory_space<vmem>>
      %dma_wait3A_387 = tpu.memref_squeeze %dma_wait3A_386 : memref<1x80xi32, #tpu.memory_space<vmem>> -> memref<80xi32, #tpu.memory_space<vmem>>
      %dma_wait3A_388 = arith.constant 0 : i32
      %dma_wait3A_389 = arith.constant 0 : i32
      %dma_wait3A_390 = tpu.memref_slice %arg2[%dma_wait3A_388, %dma_wait3A_389] : memref<20000x64xf32, #tpu.memory_space<hbm>> -> memref<20000x64xf32, #tpu.memory_space<hbm>>
      tpu.wait_indirect_dma semaphore(%arg22 : memref<!tpu.dma_semaphore, #tpu.memory_space<semaphore_mem>>) src(%dma_wait3A_390 : memref<20000x64xf32, #tpu.memory_space<hbm>>) dst(%arg12 : memref<80x64xf32, #tpu.memory_space<vmem>>)
      %add3A_391 = arith.constant 2 : i32
      %add3A_392 = arith.addi %mul3A_350, %add3A_391 : i32
      %dma_start3A_393 = arith.constant 0 : i32
      %dma_start3A_394 = tpu.memref_slice %arg9[%add3A_392, %dma_start3A_393] : memref<250x80xi32, #tpu.memory_space<vmem>> -> memref<1x80xi32, #tpu.memory_space<vmem>>
      %dma_start3A_395 = tpu.memref_squeeze %dma_start3A_394 : memref<1x80xi32, #tpu.memory_space<vmem>> -> memref<80xi32, #tpu.memory_space<vmem>>
      %dma_start3A_396 = arith.constant 0 : i32
      %dma_start3A_397 = arith.constant 0 : i32
      %dma_start3A_398 = tpu.memref_slice %arg19[%dma_start3A_396, %dma_start3A_397] : memref<10000x64xf32, #tpu.memory_space<vmem_shared>> -> memref<10000x64xf32, #tpu.memory_space<vmem_shared>>
      tpu.enqueue_indirect_dma source(%arg12 : memref<80x64xf32, #tpu.memory_space<vmem>>) target(%dma_start3A_398 : memref<10000x64xf32, #tpu.memory_space<vmem_shared>>) offsets(%dma_start3A_395 : memref<80xi32, #tpu.memory_space<vmem>>) semaphore(%arg27 : memref<!tpu.dma_semaphore, #tpu.memory_space<semaphore_mem>>) {add = true}
      %add3A_399 = arith.constant 3 : i32
      %add3A_400 = arith.addi %mul3A_350, %add3A_399 : i32
      %dma_wait3A_401 = arith.constant 0 : i32
      %dma_wait3A_402 = tpu.memref_slice %arg8[%add3A_400, %dma_wait3A_401] : memref<250x80xi32, #tpu.memory_space<vmem>> -> memref<1x80xi32, #tpu.memory_space<vmem>>
      %dma_wait3A_403 = tpu.memref_squeeze %dma_wait3A_402 : memref<1x80xi32, #tpu.memory_space<vmem>> -> memref<80xi32, #tpu.memory_space<vmem>>
      %dma_wait3A_404 = arith.constant 0 : i32
      %dma_wait3A_405 = arith.constant 0 : i32
      %dma_wait3A_406 = tpu.memref_slice %arg2[%dma_wait3A_404, %dma_wait3A_405] : memref<20000x64xf32, #tpu.memory_space<hbm>> -> memref<20000x64xf32, #tpu.memory_space<hbm>>
      tpu.wait_indirect_dma semaphore(%arg23 : memref<!tpu.dma_semaphore, #tpu.memory_space<semaphore_mem>>) src(%dma_wait3A_406 : memref<20000x64xf32, #tpu.memory_space<hbm>>) dst(%arg13 : memref<80x64xf32, #tpu.memory_space<vmem>>)
      %add3A_407 = arith.constant 3 : i32
      %add3A_408 = arith.addi %mul3A_350, %add3A_407 : i32
      %dma_start3A_409 = arith.constant 0 : i32
      %dma_start3A_410 = tpu.memref_slice %arg9[%add3A_408, %dma_start3A_409] : memref<250x80xi32, #tpu.memory_space<vmem>> -> memref<1x80xi32, #tpu.memory_space<vmem>>
      %dma_start3A_411 = tpu.memref_squeeze %dma_start3A_410 : memref<1x80xi32, #tpu.memory_space<vmem>> -> memref<80xi32, #tpu.memory_space<vmem>>
      %dma_start3A_412 = arith.constant 0 : i32
      %dma_start3A_413 = arith.constant 0 : i32
      %dma_start3A_414 = tpu.memref_slice %arg19[%dma_start3A_412, %dma_start3A_413] : memref<10000x64xf32, #tpu.memory_space<vmem_shared>> -> memref<10000x64xf32, #tpu.memory_space<vmem_shared>>
      tpu.enqueue_indirect_dma source(%arg13 : memref<80x64xf32, #tpu.memory_space<vmem>>) target(%dma_start3A_414 : memref<10000x64xf32, #tpu.memory_space<vmem_shared>>) offsets(%dma_start3A_411 : memref<80xi32, #tpu.memory_space<vmem>>) semaphore(%arg28 : memref<!tpu.dma_semaphore, #tpu.memory_space<semaphore_mem>>) {add = true}
      %add3A_415 = arith.constant 4 : i32
      %add3A_416 = arith.addi %mul3A_350, %add3A_415 : i32
      %dma_wait3A_417 = arith.constant 0 : i32
      %dma_wait3A_418 = tpu.memref_slice %arg8[%add3A_416, %dma_wait3A_417] : memref<250x80xi32, #tpu.memory_space<vmem>> -> memref<1x80xi32, #tpu.memory_space<vmem>>
      %dma_wait3A_419 = tpu.memref_squeeze %dma_wait3A_418 : memref<1x80xi32, #tpu.memory_space<vmem>> -> memref<80xi32, #tpu.memory_space<vmem>>
      %dma_wait3A_420 = arith.constant 0 : i32
      %dma_wait3A_421 = arith.constant 0 : i32
      %dma_wait3A_422 = tpu.memref_slice %arg2[%dma_wait3A_420, %dma_wait3A_421] : memref<20000x64xf32, #tpu.memory_space<hbm>> -> memref<20000x64xf32, #tpu.memory_space<hbm>>
      tpu.wait_indirect_dma semaphore(%arg24 : memref<!tpu.dma_semaphore, #tpu.memory_space<semaphore_mem>>) src(%dma_wait3A_422 : memref<20000x64xf32, #tpu.memory_space<hbm>>) dst(%arg14 : memref<80x64xf32, #tpu.memory_space<vmem>>)
      %add3A_423 = arith.constant 4 : i32
      %add3A_424 = arith.addi %mul3A_350, %add3A_423 : i32
      %dma_start3A_425 = arith.constant 0 : i32
      %dma_start3A_426 = tpu.memref_slice %arg9[%add3A_424, %dma_start3A_425] : memref<250x80xi32, #tpu.memory_space<vmem>> -> memref<1x80xi32, #tpu.memory_space<vmem>>
      %dma_start3A_427 = tpu.memref_squeeze %dma_start3A_426 : memref<1x80xi32, #tpu.memory_space<vmem>> -> memref<80xi32, #tpu.memory_space<vmem>>
      %dma_start3A_428 = arith.constant 0 : i32
      %dma_start3A_429 = arith.constant 0 : i32
      %dma_start3A_430 = tpu.memref_slice %arg19[%dma_start3A_428, %dma_start3A_429] : memref<10000x64xf32, #tpu.memory_space<vmem_shared>> -> memref<10000x64xf32, #tpu.memory_space<vmem_shared>>
      tpu.enqueue_indirect_dma source(%arg14 : memref<80x64xf32, #tpu.memory_space<vmem>>) target(%dma_start3A_430 : memref<10000x64xf32, #tpu.memory_space<vmem_shared>>) offsets(%dma_start3A_427 : memref<80xi32, #tpu.memory_space<vmem>>) semaphore(%arg29 : memref<!tpu.dma_semaphore, #tpu.memory_space<semaphore_mem>>) {add = true}
      %add3A_431 = arith.constant 5 : i32
      %add3A_432 = arith.addi %mul3A_350, %add3A_431 : i32
      %min3A = arith.constant 245 : i32
      %min3A_433 = arith.minsi %add3A_432, %min3A : i32
      %add3A_434 = arith.constant 0 : i32
      %add3A_435 = arith.addi %mul3A_350, %add3A_434 : i32
      %dma_wait3A_436 = arith.constant 0 : i32
      %dma_wait3A_437 = tpu.memref_slice %arg9[%add3A_435, %dma_wait3A_436] : memref<250x80xi32, #tpu.memory_space<vmem>> -> memref<1x80xi32, #tpu.memory_space<vmem>>
      %dma_wait3A_438 = tpu.memref_squeeze %dma_wait3A_437 : memref<1x80xi32, #tpu.memory_space<vmem>> -> memref<80xi32, #tpu.memory_space<vmem>>
      %dma_wait3A_439 = arith.constant 0 : i32
      %dma_wait3A_440 = arith.constant 0 : i32
      %dma_wait3A_441 = tpu.memref_slice %arg19[%dma_wait3A_439, %dma_wait3A_440] : memref<10000x64xf32, #tpu.memory_space<vmem_shared>> -> memref<10000x64xf32, #tpu.memory_space<vmem_shared>>
      tpu.wait_indirect_dma semaphore(%arg25 : memref<!tpu.dma_semaphore, #tpu.memory_space<semaphore_mem>>) src(%arg10 : memref<80x64xf32, #tpu.memory_space<vmem>>) dst(%dma_wait3A_441 : memref<10000x64xf32, #tpu.memory_space<vmem_shared>>)
      %add3A_442 = arith.constant 0 : i32
      %add3A_443 = arith.addi %min3A_433, %add3A_442 : i32
      %dma_start3A_444 = arith.constant 0 : i32
      %dma_start3A_445 = tpu.memref_slice %arg8[%add3A_443, %dma_start3A_444] : memref<250x80xi32, #tpu.memory_space<vmem>> -> memref<1x80xi32, #tpu.memory_space<vmem>>
      %dma_start3A_446 = tpu.memref_squeeze %dma_start3A_445 : memref<1x80xi32, #tpu.memory_space<vmem>> -> memref<80xi32, #tpu.memory_space<vmem>>
      %dma_start3A_447 = arith.constant 0 : i32
      %dma_start3A_448 = arith.constant 0 : i32
      %dma_start3A_449 = tpu.memref_slice %arg2[%dma_start3A_447, %dma_start3A_448] : memref<20000x64xf32, #tpu.memory_space<hbm>> -> memref<20000x64xf32, #tpu.memory_space<hbm>>
      tpu.enqueue_indirect_dma source(%dma_start3A_449 : memref<20000x64xf32, #tpu.memory_space<hbm>>) target(%arg10 : memref<80x64xf32, #tpu.memory_space<vmem>>) offsets(%dma_start3A_446 : memref<80xi32, #tpu.memory_space<vmem>>) semaphore(%arg20 : memref<!tpu.dma_semaphore, #tpu.memory_space<semaphore_mem>>)
      %add3A_450 = arith.constant 1 : i32
      %add3A_451 = arith.addi %mul3A_350, %add3A_450 : i32
      %dma_wait3A_452 = arith.constant 0 : i32
      %dma_wait3A_453 = tpu.memref_slice %arg9[%add3A_451, %dma_wait3A_452] : memref<250x80xi32, #tpu.memory_space<vmem>> -> memref<1x80xi32, #tpu.memory_space<vmem>>
      %dma_wait3A_454 = tpu.memref_squeeze %dma_wait3A_453 : memref<1x80xi32, #tpu.memory_space<vmem>> -> memref<80xi32, #tpu.memory_space<vmem>>
      %dma_wait3A_455 = arith.constant 0 : i32
      %dma_wait3A_456 = arith.constant 0 : i32
      %dma_wait3A_457 = tpu.memref_slice %arg19[%dma_wait3A_455, %dma_wait3A_456] : memref<10000x64xf32, #tpu.memory_space<vmem_shared>> -> memref<10000x64xf32, #tpu.memory_space<vmem_shared>>
      tpu.wait_indirect_dma semaphore(%arg26 : memref<!tpu.dma_semaphore, #tpu.memory_space<semaphore_mem>>) src(%arg11 : memref<80x64xf32, #tpu.memory_space<vmem>>) dst(%dma_wait3A_457 : memref<10000x64xf32, #tpu.memory_space<vmem_shared>>)
      %add3A_458 = arith.constant 1 : i32
      %add3A_459 = arith.addi %min3A_433, %add3A_458 : i32
      %dma_start3A_460 = arith.constant 0 : i32
      %dma_start3A_461 = tpu.memref_slice %arg8[%add3A_459, %dma_start3A_460] : memref<250x80xi32, #tpu.memory_space<vmem>> -> memref<1x80xi32, #tpu.memory_space<vmem>>
      %dma_start3A_462 = tpu.memref_squeeze %dma_start3A_461 : memref<1x80xi32, #tpu.memory_space<vmem>> -> memref<80xi32, #tpu.memory_space<vmem>>
      %dma_start3A_463 = arith.constant 0 : i32
      %dma_start3A_464 = arith.constant 0 : i32
      %dma_start3A_465 = tpu.memref_slice %arg2[%dma_start3A_463, %dma_start3A_464] : memref<20000x64xf32, #tpu.memory_space<hbm>> -> memref<20000x64xf32, #tpu.memory_space<hbm>>
      tpu.enqueue_indirect_dma source(%dma_start3A_465 : memref<20000x64xf32, #tpu.memory_space<hbm>>) target(%arg11 : memref<80x64xf32, #tpu.memory_space<vmem>>) offsets(%dma_start3A_462 : memref<80xi32, #tpu.memory_space<vmem>>) semaphore(%arg21 : memref<!tpu.dma_semaphore, #tpu.memory_space<semaphore_mem>>)
      %add3A_466 = arith.constant 2 : i32
      %add3A_467 = arith.addi %mul3A_350, %add3A_466 : i32
      %dma_wait3A_468 = arith.constant 0 : i32
      %dma_wait3A_469 = tpu.memref_slice %arg9[%add3A_467, %dma_wait3A_468] : memref<250x80xi32, #tpu.memory_space<vmem>> -> memref<1x80xi32, #tpu.memory_space<vmem>>
      %dma_wait3A_470 = tpu.memref_squeeze %dma_wait3A_469 : memref<1x80xi32, #tpu.memory_space<vmem>> -> memref<80xi32, #tpu.memory_space<vmem>>
      %dma_wait3A_471 = arith.constant 0 : i32
      %dma_wait3A_472 = arith.constant 0 : i32
      %dma_wait3A_473 = tpu.memref_slice %arg19[%dma_wait3A_471, %dma_wait3A_472] : memref<10000x64xf32, #tpu.memory_space<vmem_shared>> -> memref<10000x64xf32, #tpu.memory_space<vmem_shared>>
      tpu.wait_indirect_dma semaphore(%arg27 : memref<!tpu.dma_semaphore, #tpu.memory_space<semaphore_mem>>) src(%arg12 : memref<80x64xf32, #tpu.memory_space<vmem>>) dst(%dma_wait3A_473 : memref<10000x64xf32, #tpu.memory_space<vmem_shared>>)
      %add3A_474 = arith.constant 2 : i32
      %add3A_475 = arith.addi %min3A_433, %add3A_474 : i32
      %dma_start3A_476 = arith.constant 0 : i32
      %dma_start3A_477 = tpu.memref_slice %arg8[%add3A_475, %dma_start3A_476] : memref<250x80xi32, #tpu.memory_space<vmem>> -> memref<1x80xi32, #tpu.memory_space<vmem>>
      %dma_start3A_478 = tpu.memref_squeeze %dma_start3A_477 : memref<1x80xi32, #tpu.memory_space<vmem>> -> memref<80xi32, #tpu.memory_space<vmem>>
      %dma_start3A_479 = arith.constant 0 : i32
      %dma_start3A_480 = arith.constant 0 : i32
      %dma_start3A_481 = tpu.memref_slice %arg2[%dma_start3A_479, %dma_start3A_480] : memref<20000x64xf32, #tpu.memory_space<hbm>> -> memref<20000x64xf32, #tpu.memory_space<hbm>>
      tpu.enqueue_indirect_dma source(%dma_start3A_481 : memref<20000x64xf32, #tpu.memory_space<hbm>>) target(%arg12 : memref<80x64xf32, #tpu.memory_space<vmem>>) offsets(%dma_start3A_478 : memref<80xi32, #tpu.memory_space<vmem>>) semaphore(%arg22 : memref<!tpu.dma_semaphore, #tpu.memory_space<semaphore_mem>>)
      %add3A_482 = arith.constant 3 : i32
      %add3A_483 = arith.addi %mul3A_350, %add3A_482 : i32
      %dma_wait3A_484 = arith.constant 0 : i32
      %dma_wait3A_485 = tpu.memref_slice %arg9[%add3A_483, %dma_wait3A_484] : memref<250x80xi32, #tpu.memory_space<vmem>> -> memref<1x80xi32, #tpu.memory_space<vmem>>
      %dma_wait3A_486 = tpu.memref_squeeze %dma_wait3A_485 : memref<1x80xi32, #tpu.memory_space<vmem>> -> memref<80xi32, #tpu.memory_space<vmem>>
      %dma_wait3A_487 = arith.constant 0 : i32
      %dma_wait3A_488 = arith.constant 0 : i32
      %dma_wait3A_489 = tpu.memref_slice %arg19[%dma_wait3A_487, %dma_wait3A_488] : memref<10000x64xf32, #tpu.memory_space<vmem_shared>> -> memref<10000x64xf32, #tpu.memory_space<vmem_shared>>
      tpu.wait_indirect_dma semaphore(%arg28 : memref<!tpu.dma_semaphore, #tpu.memory_space<semaphore_mem>>) src(%arg13 : memref<80x64xf32, #tpu.memory_space<vmem>>) dst(%dma_wait3A_489 : memref<10000x64xf32, #tpu.memory_space<vmem_shared>>)
      %add3A_490 = arith.constant 3 : i32
      %add3A_491 = arith.addi %min3A_433, %add3A_490 : i32
      %dma_start3A_492 = arith.constant 0 : i32
      %dma_start3A_493 = tpu.memref_slice %arg8[%add3A_491, %dma_start3A_492] : memref<250x80xi32, #tpu.memory_space<vmem>> -> memref<1x80xi32, #tpu.memory_space<vmem>>
      %dma_start3A_494 = tpu.memref_squeeze %dma_start3A_493 : memref<1x80xi32, #tpu.memory_space<vmem>> -> memref<80xi32, #tpu.memory_space<vmem>>
      %dma_start3A_495 = arith.constant 0 : i32
      %dma_start3A_496 = arith.constant 0 : i32
      %dma_start3A_497 = tpu.memref_slice %arg2[%dma_start3A_495, %dma_start3A_496] : memref<20000x64xf32, #tpu.memory_space<hbm>> -> memref<20000x64xf32, #tpu.memory_space<hbm>>
      tpu.enqueue_indirect_dma source(%dma_start3A_497 : memref<20000x64xf32, #tpu.memory_space<hbm>>) target(%arg13 : memref<80x64xf32, #tpu.memory_space<vmem>>) offsets(%dma_start3A_494 : memref<80xi32, #tpu.memory_space<vmem>>) semaphore(%arg23 : memref<!tpu.dma_semaphore, #tpu.memory_space<semaphore_mem>>)
      %add3A_498 = arith.constant 4 : i32
      %add3A_499 = arith.addi %mul3A_350, %add3A_498 : i32
      %dma_wait3A_500 = arith.constant 0 : i32
      %dma_wait3A_501 = tpu.memref_slice %arg9[%add3A_499, %dma_wait3A_500] : memref<250x80xi32, #tpu.memory_space<vmem>> -> memref<1x80xi32, #tpu.memory_space<vmem>>
      %dma_wait3A_502 = tpu.memref_squeeze %dma_wait3A_501 : memref<1x80xi32, #tpu.memory_space<vmem>> -> memref<80xi32, #tpu.memory_space<vmem>>
      %dma_wait3A_503 = arith.constant 0 : i32
      %dma_wait3A_504 = arith.constant 0 : i32
      %dma_wait3A_505 = tpu.memref_slice %arg19[%dma_wait3A_503, %dma_wait3A_504] : memref<10000x64xf32, #tpu.memory_space<vmem_shared>> -> memref<10000x64xf32, #tpu.memory_space<vmem_shared>>
      tpu.wait_indirect_dma semaphore(%arg29 : memref<!tpu.dma_semaphore, #tpu.memory_space<semaphore_mem>>) src(%arg14 : memref<80x64xf32, #tpu.memory_space<vmem>>) dst(%dma_wait3A_505 : memref<10000x64xf32, #tpu.memory_space<vmem_shared>>)
      %add3A_506 = arith.constant 4 : i32
      %add3A_507 = arith.addi %min3A_433, %add3A_506 : i32
      %dma_start3A_508 = arith.constant 0 : i32
      %dma_start3A_509 = tpu.memref_slice %arg8[%add3A_507, %dma_start3A_508] : memref<250x80xi32, #tpu.memory_space<vmem>> -> memref<1x80xi32, #tpu.memory_space<vmem>>
      %dma_start3A_510 = tpu.memref_squeeze %dma_start3A_509 : memref<1x80xi32, #tpu.memory_space<vmem>> -> memref<80xi32, #tpu.memory_space<vmem>>
      %dma_start3A_511 = arith.constant 0 : i32
      %dma_start3A_512 = arith.constant 0 : i32
      %dma_start3A_513 = tpu.memref_slice %arg2[%dma_start3A_511, %dma_start3A_512] : memref<20000x64xf32, #tpu.memory_space<hbm>> -> memref<20000x64xf32, #tpu.memory_space<hbm>>
      tpu.enqueue_indirect_dma source(%dma_start3A_513 : memref<20000x64xf32, #tpu.memory_space<hbm>>) target(%arg14 : memref<80x64xf32, #tpu.memory_space<vmem>>) offsets(%dma_start3A_510 : memref<80xi32, #tpu.memory_space<vmem>>) semaphore(%arg24 : memref<!tpu.dma_semaphore, #tpu.memory_space<semaphore_mem>>)
    }
    %scan3A_121 = arith.constant 50 : i32
    %dma_wait3A_122 = arith.constant 0 : i32
    %dma_wait3A_123 = arith.constant 0 : i32
    %dma_wait3A_124 = tpu.memref_slice %arg8[%dma_wait3A_122, %dma_wait3A_123] : memref<250x80xi32, #tpu.memory_space<vmem>> -> memref<1x80xi32, #tpu.memory_space<vmem>>
    %dma_wait3A_125 = tpu.memref_squeeze %dma_wait3A_124 : memref<1x80xi32, #tpu.memory_space<vmem>> -> memref<80xi32, #tpu.memory_space<vmem>>
    %dma_wait3A_126 = arith.constant 0 : i32
    %dma_wait3A_127 = arith.constant 0 : i32
    %dma_wait3A_128 = tpu.memref_slice %arg2[%dma_wait3A_126, %dma_wait3A_127] : memref<20000x64xf32, #tpu.memory_space<hbm>> -> memref<20000x64xf32, #tpu.memory_space<hbm>>
    tpu.wait_indirect_dma semaphore(%arg20 : memref<!tpu.dma_semaphore, #tpu.memory_space<semaphore_mem>>) src(%dma_wait3A_128 : memref<20000x64xf32, #tpu.memory_space<hbm>>) dst(%arg10 : memref<80x64xf32, #tpu.memory_space<vmem>>)
    %dma_wait3A_129 = arith.constant 1 : i32
    %dma_wait3A_130 = arith.constant 0 : i32
    %dma_wait3A_131 = tpu.memref_slice %arg8[%dma_wait3A_129, %dma_wait3A_130] : memref<250x80xi32, #tpu.memory_space<vmem>> -> memref<1x80xi32, #tpu.memory_space<vmem>>
    %dma_wait3A_132 = tpu.memref_squeeze %dma_wait3A_131 : memref<1x80xi32, #tpu.memory_space<vmem>> -> memref<80xi32, #tpu.memory_space<vmem>>
    %dma_wait3A_133 = arith.constant 0 : i32
    %dma_wait3A_134 = arith.constant 0 : i32
    %dma_wait3A_135 = tpu.memref_slice %arg2[%dma_wait3A_133, %dma_wait3A_134] : memref<20000x64xf32, #tpu.memory_space<hbm>> -> memref<20000x64xf32, #tpu.memory_space<hbm>>
    tpu.wait_indirect_dma semaphore(%arg21 : memref<!tpu.dma_semaphore, #tpu.memory_space<semaphore_mem>>) src(%dma_wait3A_135 : memref<20000x64xf32, #tpu.memory_space<hbm>>) dst(%arg11 : memref<80x64xf32, #tpu.memory_space<vmem>>)
    %dma_wait3A_136 = arith.constant 2 : i32
    %dma_wait3A_137 = arith.constant 0 : i32
    %dma_wait3A_138 = tpu.memref_slice %arg8[%dma_wait3A_136, %dma_wait3A_137] : memref<250x80xi32, #tpu.memory_space<vmem>> -> memref<1x80xi32, #tpu.memory_space<vmem>>
    %dma_wait3A_139 = tpu.memref_squeeze %dma_wait3A_138 : memref<1x80xi32, #tpu.memory_space<vmem>> -> memref<80xi32, #tpu.memory_space<vmem>>
    %dma_wait3A_140 = arith.constant 0 : i32
    %dma_wait3A_141 = arith.constant 0 : i32
    %dma_wait3A_142 = tpu.memref_slice %arg2[%dma_wait3A_140, %dma_wait3A_141] : memref<20000x64xf32, #tpu.memory_space<hbm>> -> memref<20000x64xf32, #tpu.memory_space<hbm>>
    tpu.wait_indirect_dma semaphore(%arg22 : memref<!tpu.dma_semaphore, #tpu.memory_space<semaphore_mem>>) src(%dma_wait3A_142 : memref<20000x64xf32, #tpu.memory_space<hbm>>) dst(%arg12 : memref<80x64xf32, #tpu.memory_space<vmem>>)
    %dma_wait3A_143 = arith.constant 3 : i32
    %dma_wait3A_144 = arith.constant 0 : i32
    %dma_wait3A_145 = tpu.memref_slice %arg8[%dma_wait3A_143, %dma_wait3A_144] : memref<250x80xi32, #tpu.memory_space<vmem>> -> memref<1x80xi32, #tpu.memory_space<vmem>>
    %dma_wait3A_146 = tpu.memref_squeeze %dma_wait3A_145 : memref<1x80xi32, #tpu.memory_space<vmem>> -> memref<80xi32, #tpu.memory_space<vmem>>
    %dma_wait3A_147 = arith.constant 0 : i32
    %dma_wait3A_148 = arith.constant 0 : i32
    %dma_wait3A_149 = tpu.memref_slice %arg2[%dma_wait3A_147, %dma_wait3A_148] : memref<20000x64xf32, #tpu.memory_space<hbm>> -> memref<20000x64xf32, #tpu.memory_space<hbm>>
    tpu.wait_indirect_dma semaphore(%arg23 : memref<!tpu.dma_semaphore, #tpu.memory_space<semaphore_mem>>) src(%dma_wait3A_149 : memref<20000x64xf32, #tpu.memory_space<hbm>>) dst(%arg13 : memref<80x64xf32, #tpu.memory_space<vmem>>)
    %dma_wait3A_150 = arith.constant 4 : i32
    %dma_wait3A_151 = arith.constant 0 : i32
    %dma_wait3A_152 = tpu.memref_slice %arg8[%dma_wait3A_150, %dma_wait3A_151] : memref<250x80xi32, #tpu.memory_space<vmem>> -> memref<1x80xi32, #tpu.memory_space<vmem>>
    %dma_wait3A_153 = tpu.memref_squeeze %dma_wait3A_152 : memref<1x80xi32, #tpu.memory_space<vmem>> -> memref<80xi32, #tpu.memory_space<vmem>>
    %dma_wait3A_154 = arith.constant 0 : i32
    %dma_wait3A_155 = arith.constant 0 : i32
    %dma_wait3A_156 = tpu.memref_slice %arg2[%dma_wait3A_154, %dma_wait3A_155] : memref<20000x64xf32, #tpu.memory_space<hbm>> -> memref<20000x64xf32, #tpu.memory_space<hbm>>
    tpu.wait_indirect_dma semaphore(%arg24 : memref<!tpu.dma_semaphore, #tpu.memory_space<semaphore_mem>>) src(%dma_wait3A_156 : memref<20000x64xf32, #tpu.memory_space<hbm>>) dst(%arg14 : memref<80x64xf32, #tpu.memory_space<vmem>>)
    %barrier3A_157 = arith.constant 0 : index
    tpu.barrier barrier_id(%barrier3A_157)
    %mul3A_158 = arith.constant 625 : i32
    %mul3A_159 = arith.muli %arg1, %mul3A_158 : i32
    %add3A_160 = arith.constant 0 : i32
    %add3A_161 = arith.addi %mul3A_159, %add3A_160 : i32
    %dma_start3A_162 = arith.constant 0 : i32
    %dma_start3A_163 = tpu.memref_slice %arg19[%add3A_161, %dma_start3A_162] : memref<10000x64xf32, #tpu.memory_space<vmem_shared>> -> memref<125x64xf32, #tpu.memory_space<vmem_shared>>
    %dma_start3A_164 = arith.constant 0 : i32
    %dma_start3A_165 = tpu.memref_slice %arg19[%add3A_161, %dma_start3A_164] : memref<10000x64xf32, #tpu.memory_space<vmem_shared>> -> memref<125x64xf32, #tpu.memory_space<vmem_shared>>
    tpu.enqueue_dma source(%dma_start3A_165 : memref<125x64xf32, #tpu.memory_space<vmem_shared>>) target(%arg15 : memref<125x64xf32, #tpu.memory_space<vmem>>) target_semaphore(%arg30 : memref<!tpu.dma_semaphore, #tpu.memory_space<semaphore_mem>>)
    %mul3A_166 = arith.constant 625 : i32
    %mul3A_167 = arith.muli %arg1, %mul3A_166 : i32
    %add3A_168 = arith.constant 0 : i32
    %add3A_169 = arith.addi %mul3A_167, %add3A_168 : i32
    %dma_wait3A_170 = arith.constant 0 : i32
    %dma_wait3A_171 = tpu.memref_slice %arg19[%add3A_169, %dma_wait3A_170] : memref<10000x64xf32, #tpu.memory_space<vmem_shared>> -> memref<125x64xf32, #tpu.memory_space<vmem_shared>>
    %dma_wait3A_172 = arith.constant 0 : i32
    %dma_wait3A_173 = tpu.memref_slice %arg19[%add3A_169, %dma_wait3A_172] : memref<10000x64xf32, #tpu.memory_space<vmem_shared>> -> memref<125x64xf32, #tpu.memory_space<vmem_shared>>
    tpu.wait_dma2 semaphore(%arg30 : memref<!tpu.dma_semaphore, #tpu.memory_space<semaphore_mem>>) src(%dma_wait3A_173 : memref<125x64xf32, #tpu.memory_space<vmem_shared>>) dst(%arg15 : memref<125x64xf32, #tpu.memory_space<vmem>>)
    %mul3A_174 = arith.constant 625 : i32
    %mul3A_175 = arith.muli %arg1, %mul3A_174 : i32
    %add3A_176 = arith.constant 125 : i32
    %add3A_177 = arith.addi %mul3A_175, %add3A_176 : i32
    %dma_start3A_178 = arith.constant 0 : i32
    %dma_start3A_179 = tpu.memref_slice %arg19[%add3A_177, %dma_start3A_178] : memref<10000x64xf32, #tpu.memory_space<vmem_shared>> -> memref<125x64xf32, #tpu.memory_space<vmem_shared>>
    %dma_start3A_180 = arith.constant 0 : i32
    %dma_start3A_181 = tpu.memref_slice %arg19[%add3A_177, %dma_start3A_180] : memref<10000x64xf32, #tpu.memory_space<vmem_shared>> -> memref<125x64xf32, #tpu.memory_space<vmem_shared>>
    tpu.enqueue_dma source(%dma_start3A_181 : memref<125x64xf32, #tpu.memory_space<vmem_shared>>) target(%arg16 : memref<125x64xf32, #tpu.memory_space<vmem>>) target_semaphore(%arg31 : memref<!tpu.dma_semaphore, #tpu.memory_space<semaphore_mem>>)
    %scan3A_182 = arith.constant 0 : i32
    %scan3A_183 = arith.constant 0 : i32
    %scan3A_184 = arith.constant 125 : i32
    %scan3A_185 = arith.addi %scan3A_183, %scan3A_184 : i32
    %scan3A_186 = arith.constant 1 : i32
    scf.for %scan3A_348 = %scan3A_183 to %scan3A_185 step %scan3A_186  : i32 {
      %get3A = arith.index_cast %scan3A_348 : i32 to index
      %get3A_349 = arith.constant 0 : index
      %get3A_350 = tpu.vector_load %arg15[%get3A, %get3A_349] {strides = array<i32>} : memref<125x64xf32, #tpu.memory_space<vmem>>, vector<1x16xf32>,
      %get3A_351 = vector.shape_cast %get3A_350 : vector<1x16xf32> to vector<16xf32>
      %get3A_352 = arith.constant 0 : index
      %get3A_353 = tpu.vector_load %arg17[%get3A_352] {strides = array<i32>} : memref<64xf32, #tpu.memory_space<vmem>>, vector<16xf32>,
      %get3A_354 = vector.shape_cast %get3A_353 : vector<16xf32> to vector<16xf32>
      %add3A_355 = arith.addf %get3A_351, %get3A_354 : vector<16xf32>
      %get3A_356 = arith.constant 0 : index
      %get3A_357 = tpu.vector_load %arg18[%get3A_356] {strides = array<i32>} : memref<64xf32, #tpu.memory_space<vmem>>, vector<16xf32>,
      %get3A_358 = vector.shape_cast %get3A_357 : vector<16xf32> to vector<16xf32>
      %mul3A_359 = arith.mulf %get3A_358, %add3A_355 : vector<16xf32>
      %max3A = arith.maximumf %add3A_355, %mul3A_359 : vector<16xf32>
      %swap3A = arith.index_cast %scan3A_348 : i32 to index
      %swap3A_360 = arith.constant 0 : index
      %swap3A_361 = tpu.vector_load %arg15[%swap3A, %swap3A_360] {strides = array<i32>} : memref<125x64xf32, #tpu.memory_space<vmem>>, vector<1x16xf32>,
      %swap3A_362 = vector.shape_cast %swap3A_361 : vector<1x16xf32> to vector<16xf32>
      %swap3A_363 = vector.shape_cast %max3A : vector<16xf32> to vector<1x16xf32>
      tpu.vector_store %arg15[%swap3A, %swap3A_360], %swap3A_363 {strides = array<i32>} : memref<125x64xf32, #tpu.memory_space<vmem>>, vector<1x16xf32>,
      %get3A_364 = arith.index_cast %scan3A_348 : i32 to index
      %get3A_365 = arith.constant 16 : index
      %get3A_366 = tpu.vector_load %arg15[%get3A_364, %get3A_365] {strides = array<i32>} : memref<125x64xf32, #tpu.memory_space<vmem>>, vector<1x16xf32>,
      %get3A_367 = vector.shape_cast %get3A_366 : vector<1x16xf32> to vector<16xf32>
      %get3A_368 = arith.constant 16 : index
      %get3A_369 = tpu.vector_load %arg17[%get3A_368] {strides = array<i32>} : memref<64xf32, #tpu.memory_space<vmem>>, vector<16xf32>,
      %get3A_370 = vector.shape_cast %get3A_369 : vector<16xf32> to vector<16xf32>
      %add3A_371 = arith.addf %get3A_367, %get3A_370 : vector<16xf32>
      %get3A_372 = arith.constant 16 : index
      %get3A_373 = tpu.vector_load %arg18[%get3A_372] {strides = array<i32>} : memref<64xf32, #tpu.memory_space<vmem>>, vector<16xf32>,
      %get3A_374 = vector.shape_cast %get3A_373 : vector<16xf32> to vector<16xf32>
      %mul3A_375 = arith.mulf %get3A_374, %add3A_371 : vector<16xf32>
      %max3A_376 = arith.maximumf %add3A_371, %mul3A_375 : vector<16xf32>
      %swap3A_377 = arith.index_cast %scan3A_348 : i32 to index
      %swap3A_378 = arith.constant 16 : index
      %swap3A_379 = tpu.vector_load %arg15[%swap3A_377, %swap3A_378] {strides = array<i32>} : memref<125x64xf32, #tpu.memory_space<vmem>>, vector<1x16xf32>,
      %swap3A_380 = vector.shape_cast %swap3A_379 : vector<1x16xf32> to vector<16xf32>
      %swap3A_381 = vector.shape_cast %max3A_376 : vector<16xf32> to vector<1x16xf32>
      tpu.vector_store %arg15[%swap3A_377, %swap3A_378], %swap3A_381 {strides = array<i32>} : memref<125x64xf32, #tpu.memory_space<vmem>>, vector<1x16xf32>,
      %get3A_382 = arith.index_cast %scan3A_348 : i32 to index
      %get3A_383 = arith.constant 32 : index
      %get3A_384 = tpu.vector_load %arg15[%get3A_382, %get3A_383] {strides = array<i32>} : memref<125x64xf32, #tpu.memory_space<vmem>>, vector<1x16xf32>,
      %get3A_385 = vector.shape_cast %get3A_384 : vector<1x16xf32> to vector<16xf32>
      %get3A_386 = arith.constant 32 : index
      %get3A_387 = tpu.vector_load %arg17[%get3A_386] {strides = array<i32>} : memref<64xf32, #tpu.memory_space<vmem>>, vector<16xf32>,
      %get3A_388 = vector.shape_cast %get3A_387 : vector<16xf32> to vector<16xf32>
      %add3A_389 = arith.addf %get3A_385, %get3A_388 : vector<16xf32>
      %get3A_390 = arith.constant 32 : index
      %get3A_391 = tpu.vector_load %arg18[%get3A_390] {strides = array<i32>} : memref<64xf32, #tpu.memory_space<vmem>>, vector<16xf32>,
      %get3A_392 = vector.shape_cast %get3A_391 : vector<16xf32> to vector<16xf32>
      %mul3A_393 = arith.mulf %get3A_392, %add3A_389 : vector<16xf32>
      %max3A_394 = arith.maximumf %add3A_389, %mul3A_393 : vector<16xf32>
      %swap3A_395 = arith.index_cast %scan3A_348 : i32 to index
      %swap3A_396 = arith.constant 32 : index
      %swap3A_397 = tpu.vector_load %arg15[%swap3A_395, %swap3A_396] {strides = array<i32>} : memref<125x64xf32, #tpu.memory_space<vmem>>, vector<1x16xf32>,
      %swap3A_398 = vector.shape_cast %swap3A_397 : vector<1x16xf32> to vector<16xf32>
      %swap3A_399 = vector.shape_cast %max3A_394 : vector<16xf32> to vector<1x16xf32>
      tpu.vector_store %arg15[%swap3A_395, %swap3A_396], %swap3A_399 {strides = array<i32>} : memref<125x64xf32, #tpu.memory_space<vmem>>, vector<1x16xf32>,
      %get3A_400 = arith.index_cast %scan3A_348 : i32 to index
      %get3A_401 = arith.constant 48 : index
      %get3A_402 = tpu.vector_load %arg15[%get3A_400, %get3A_401] {strides = array<i32>} : memref<125x64xf32, #tpu.memory_space<vmem>>, vector<1x16xf32>,
      %get3A_403 = vector.shape_cast %get3A_402 : vector<1x16xf32> to vector<16xf32>
      %get3A_404 = arith.constant 48 : index
      %get3A_405 = tpu.vector_load %arg17[%get3A_404] {strides = array<i32>} : memref<64xf32, #tpu.memory_space<vmem>>, vector<16xf32>,
      %get3A_406 = vector.shape_cast %get3A_405 : vector<16xf32> to vector<16xf32>
      %add3A_407 = arith.addf %get3A_403, %get3A_406 : vector<16xf32>
      %get3A_408 = arith.constant 48 : index
      %get3A_409 = tpu.vector_load %arg18[%get3A_408] {strides = array<i32>} : memref<64xf32, #tpu.memory_space<vmem>>, vector<16xf32>,
      %get3A_410 = vector.shape_cast %get3A_409 : vector<16xf32> to vector<16xf32>
      %mul3A_411 = arith.mulf %get3A_410, %add3A_407 : vector<16xf32>
      %max3A_412 = arith.maximumf %add3A_407, %mul3A_411 : vector<16xf32>
      %swap3A_413 = arith.index_cast %scan3A_348 : i32 to index
      %swap3A_414 = arith.constant 48 : index
      %swap3A_415 = tpu.vector_load %arg15[%swap3A_413, %swap3A_414] {strides = array<i32>} : memref<125x64xf32, #tpu.memory_space<vmem>>, vector<1x16xf32>,
      %swap3A_416 = vector.shape_cast %swap3A_415 : vector<1x16xf32> to vector<16xf32>
      %swap3A_417 = vector.shape_cast %max3A_412 : vector<16xf32> to vector<1x16xf32>
      tpu.vector_store %arg15[%swap3A_413, %swap3A_414], %swap3A_417 {strides = array<i32>} : memref<125x64xf32, #tpu.memory_space<vmem>>, vector<1x16xf32>,
    }
    %scan3A_187 = arith.constant 125 : i32
    %mul3A_188 = arith.constant 625 : i32
    %mul3A_189 = arith.muli %arg1, %mul3A_188 : i32
    %add3A_190 = arith.constant 0 : i32
    %add3A_191 = arith.addi %mul3A_189, %add3A_190 : i32
    %mul3A_192 = arith.constant 64 : i32
    %mul3A_193 = arith.muli %arg0, %mul3A_192 : i32
    %dma_start3A_194 = tpu.memref_slice %arg7[%add3A_191, %mul3A_193] : memref<10000x128xf32, #tpu.memory_space<hbm>> -> memref<125x64xf32, #tpu.memory_space<hbm>>
    %dma_start3A_195 = tpu.memref_slice %arg7[%add3A_191, %mul3A_193] : memref<10000x128xf32, #tpu.memory_space<hbm>> -> memref<125x64xf32, #tpu.memory_space<hbm>>
    tpu.enqueue_dma source(%arg15 : memref<125x64xf32, #tpu.memory_space<vmem>>) target(%dma_start3A_195 : memref<125x64xf32, #tpu.memory_space<hbm>>) target_semaphore(%arg32 : memref<!tpu.dma_semaphore, #tpu.memory_space<semaphore_mem>>)
    %mul3A_196 = arith.constant 625 : i32
    %mul3A_197 = arith.muli %arg1, %mul3A_196 : i32
    %add3A_198 = arith.constant 125 : i32
    %add3A_199 = arith.addi %mul3A_197, %add3A_198 : i32
    %dma_wait3A_200 = arith.constant 0 : i32
    %dma_wait3A_201 = tpu.memref_slice %arg19[%add3A_199, %dma_wait3A_200] : memref<10000x64xf32, #tpu.memory_space<vmem_shared>> -> memref<125x64xf32, #tpu.memory_space<vmem_shared>>
    %dma_wait3A_202 = arith.constant 0 : i32
    %dma_wait3A_203 = tpu.memref_slice %arg19[%add3A_199, %dma_wait3A_202] : memref<10000x64xf32, #tpu.memory_space<vmem_shared>> -> memref<125x64xf32, #tpu.memory_space<vmem_shared>>
    tpu.wait_dma2 semaphore(%arg31 : memref<!tpu.dma_semaphore, #tpu.memory_space<semaphore_mem>>) src(%dma_wait3A_203 : memref<125x64xf32, #tpu.memory_space<vmem_shared>>) dst(%arg16 : memref<125x64xf32, #tpu.memory_space<vmem>>)
    %mul3A_204 = arith.constant 625 : i32
    %mul3A_205 = arith.muli %arg1, %mul3A_204 : i32
    %add3A_206 = arith.constant 0 : i32
    %add3A_207 = arith.addi %mul3A_205, %add3A_206 : i32
    %mul3A_208 = arith.constant 64 : i32
    %mul3A_209 = arith.muli %arg0, %mul3A_208 : i32
    %dma_wait3A_210 = tpu.memref_slice %arg7[%add3A_207, %mul3A_209] : memref<10000x128xf32, #tpu.memory_space<hbm>> -> memref<125x64xf32, #tpu.memory_space<hbm>>
    %dma_wait3A_211 = tpu.memref_slice %arg7[%add3A_207, %mul3A_209] : memref<10000x128xf32, #tpu.memory_space<hbm>> -> memref<125x64xf32, #tpu.memory_space<hbm>>
    tpu.wait_dma2 semaphore(%arg32 : memref<!tpu.dma_semaphore, #tpu.memory_space<semaphore_mem>>) src(%arg15 : memref<125x64xf32, #tpu.memory_space<vmem>>) dst(%dma_wait3A_211 : memref<125x64xf32, #tpu.memory_space<hbm>>)
    %mul3A_212 = arith.constant 625 : i32
    %mul3A_213 = arith.muli %arg1, %mul3A_212 : i32
    %add3A_214 = arith.constant 250 : i32
    %add3A_215 = arith.addi %mul3A_213, %add3A_214 : i32
    %dma_start3A_216 = arith.constant 0 : i32
    %dma_start3A_217 = tpu.memref_slice %arg19[%add3A_215, %dma_start3A_216] : memref<10000x64xf32, #tpu.memory_space<vmem_shared>> -> memref<125x64xf32, #tpu.memory_space<vmem_shared>>
    %dma_start3A_218 = arith.constant 0 : i32
    %dma_start3A_219 = tpu.memref_slice %arg19[%add3A_215, %dma_start3A_218] : memref<10000x64xf32, #tpu.memory_space<vmem_shared>> -> memref<125x64xf32, #tpu.memory_space<vmem_shared>>
    tpu.enqueue_dma source(%dma_start3A_219 : memref<125x64xf32, #tpu.memory_space<vmem_shared>>) target(%arg15 : memref<125x64xf32, #tpu.memory_space<vmem>>) target_semaphore(%arg30 : memref<!tpu.dma_semaphore, #tpu.memory_space<semaphore_mem>>)
    %scan3A_220 = arith.constant 0 : i32
    %scan3A_221 = arith.constant 0 : i32
    %scan3A_222 = arith.constant 125 : i32
    %scan3A_223 = arith.addi %scan3A_221, %scan3A_222 : i32
    %scan3A_224 = arith.constant 1 : i32
    scf.for %scan3A_348 = %scan3A_221 to %scan3A_223 step %scan3A_224  : i32 {
      %get3A = arith.index_cast %scan3A_348 : i32 to index
      %get3A_349 = arith.constant 0 : index
      %get3A_350 = tpu.vector_load %arg16[%get3A, %get3A_349] {strides = array<i32>} : memref<125x64xf32, #tpu.memory_space<vmem>>, vector<1x16xf32>,
      %get3A_351 = vector.shape_cast %get3A_350 : vector<1x16xf32> to vector<16xf32>
      %get3A_352 = arith.constant 0 : index
      %get3A_353 = tpu.vector_load %arg17[%get3A_352] {strides = array<i32>} : memref<64xf32, #tpu.memory_space<vmem>>, vector<16xf32>,
      %get3A_354 = vector.shape_cast %get3A_353 : vector<16xf32> to vector<16xf32>
      %add3A_355 = arith.addf %get3A_351, %get3A_354 : vector<16xf32>
      %get3A_356 = arith.constant 0 : index
      %get3A_357 = tpu.vector_load %arg18[%get3A_356] {strides = array<i32>} : memref<64xf32, #tpu.memory_space<vmem>>, vector<16xf32>,
      %get3A_358 = vector.shape_cast %get3A_357 : vector<16xf32> to vector<16xf32>
      %mul3A_359 = arith.mulf %get3A_358, %add3A_355 : vector<16xf32>
      %max3A = arith.maximumf %add3A_355, %mul3A_359 : vector<16xf32>
      %swap3A = arith.index_cast %scan3A_348 : i32 to index
      %swap3A_360 = arith.constant 0 : index
      %swap3A_361 = tpu.vector_load %arg16[%swap3A, %swap3A_360] {strides = array<i32>} : memref<125x64xf32, #tpu.memory_space<vmem>>, vector<1x16xf32>,
      %swap3A_362 = vector.shape_cast %swap3A_361 : vector<1x16xf32> to vector<16xf32>
      %swap3A_363 = vector.shape_cast %max3A : vector<16xf32> to vector<1x16xf32>
      tpu.vector_store %arg16[%swap3A, %swap3A_360], %swap3A_363 {strides = array<i32>} : memref<125x64xf32, #tpu.memory_space<vmem>>, vector<1x16xf32>,
      %get3A_364 = arith.index_cast %scan3A_348 : i32 to index
      %get3A_365 = arith.constant 16 : index
      %get3A_366 = tpu.vector_load %arg16[%get3A_364, %get3A_365] {strides = array<i32>} : memref<125x64xf32, #tpu.memory_space<vmem>>, vector<1x16xf32>,
      %get3A_367 = vector.shape_cast %get3A_366 : vector<1x16xf32> to vector<16xf32>
      %get3A_368 = arith.constant 16 : index
      %get3A_369 = tpu.vector_load %arg17[%get3A_368] {strides = array<i32>} : memref<64xf32, #tpu.memory_space<vmem>>, vector<16xf32>,
      %get3A_370 = vector.shape_cast %get3A_369 : vector<16xf32> to vector<16xf32>
      %add3A_371 = arith.addf %get3A_367, %get3A_370 : vector<16xf32>
      %get3A_372 = arith.constant 16 : index
      %get3A_373 = tpu.vector_load %arg18[%get3A_372] {strides = array<i32>} : memref<64xf32, #tpu.memory_space<vmem>>, vector<16xf32>,
      %get3A_374 = vector.shape_cast %get3A_373 : vector<16xf32> to vector<16xf32>
      %mul3A_375 = arith.mulf %get3A_374, %add3A_371 : vector<16xf32>
      %max3A_376 = arith.maximumf %add3A_371, %mul3A_375 : vector<16xf32>
      %swap3A_377 = arith.index_cast %scan3A_348 : i32 to index
      %swap3A_378 = arith.constant 16 : index
      %swap3A_379 = tpu.vector_load %arg16[%swap3A_377, %swap3A_378] {strides = array<i32>} : memref<125x64xf32, #tpu.memory_space<vmem>>, vector<1x16xf32>,
      %swap3A_380 = vector.shape_cast %swap3A_379 : vector<1x16xf32> to vector<16xf32>
      %swap3A_381 = vector.shape_cast %max3A_376 : vector<16xf32> to vector<1x16xf32>
      tpu.vector_store %arg16[%swap3A_377, %swap3A_378], %swap3A_381 {strides = array<i32>} : memref<125x64xf32, #tpu.memory_space<vmem>>, vector<1x16xf32>,
      %get3A_382 = arith.index_cast %scan3A_348 : i32 to index
      %get3A_383 = arith.constant 32 : index
      %get3A_384 = tpu.vector_load %arg16[%get3A_382, %get3A_383] {strides = array<i32>} : memref<125x64xf32, #tpu.memory_space<vmem>>, vector<1x16xf32>,
      %get3A_385 = vector.shape_cast %get3A_384 : vector<1x16xf32> to vector<16xf32>
      %get3A_386 = arith.constant 32 : index
      %get3A_387 = tpu.vector_load %arg17[%get3A_386] {strides = array<i32>} : memref<64xf32, #tpu.memory_space<vmem>>, vector<16xf32>,
      %get3A_388 = vector.shape_cast %get3A_387 : vector<16xf32> to vector<16xf32>
      %add3A_389 = arith.addf %get3A_385, %get3A_388 : vector<16xf32>
      %get3A_390 = arith.constant 32 : index
      %get3A_391 = tpu.vector_load %arg18[%get3A_390] {strides = array<i32>} : memref<64xf32, #tpu.memory_space<vmem>>, vector<16xf32>,
      %get3A_392 = vector.shape_cast %get3A_391 : vector<16xf32> to vector<16xf32>
      %mul3A_393 = arith.mulf %get3A_392, %add3A_389 : vector<16xf32>
      %max3A_394 = arith.maximumf %add3A_389, %mul3A_393 : vector<16xf32>
      %swap3A_395 = arith.index_cast %scan3A_348 : i32 to index
      %swap3A_396 = arith.constant 32 : index
      %swap3A_397 = tpu.vector_load %arg16[%swap3A_395, %swap3A_396] {strides = array<i32>} : memref<125x64xf32, #tpu.memory_space<vmem>>, vector<1x16xf32>,
      %swap3A_398 = vector.shape_cast %swap3A_397 : vector<1x16xf32> to vector<16xf32>
      %swap3A_399 = vector.shape_cast %max3A_394 : vector<16xf32> to vector<1x16xf32>
      tpu.vector_store %arg16[%swap3A_395, %swap3A_396], %swap3A_399 {strides = array<i32>} : memref<125x64xf32, #tpu.memory_space<vmem>>, vector<1x16xf32>,
      %get3A_400 = arith.index_cast %scan3A_348 : i32 to index
      %get3A_401 = arith.constant 48 : index
      %get3A_402 = tpu.vector_load %arg16[%get3A_400, %get3A_401] {strides = array<i32>} : memref<125x64xf32, #tpu.memory_space<vmem>>, vector<1x16xf32>,
      %get3A_403 = vector.shape_cast %get3A_402 : vector<1x16xf32> to vector<16xf32>
      %get3A_404 = arith.constant 48 : index
      %get3A_405 = tpu.vector_load %arg17[%get3A_404] {strides = array<i32>} : memref<64xf32, #tpu.memory_space<vmem>>, vector<16xf32>,
      %get3A_406 = vector.shape_cast %get3A_405 : vector<16xf32> to vector<16xf32>
      %add3A_407 = arith.addf %get3A_403, %get3A_406 : vector<16xf32>
      %get3A_408 = arith.constant 48 : index
      %get3A_409 = tpu.vector_load %arg18[%get3A_408] {strides = array<i32>} : memref<64xf32, #tpu.memory_space<vmem>>, vector<16xf32>,
      %get3A_410 = vector.shape_cast %get3A_409 : vector<16xf32> to vector<16xf32>
      %mul3A_411 = arith.mulf %get3A_410, %add3A_407 : vector<16xf32>
      %max3A_412 = arith.maximumf %add3A_407, %mul3A_411 : vector<16xf32>
      %swap3A_413 = arith.index_cast %scan3A_348 : i32 to index
      %swap3A_414 = arith.constant 48 : index
      %swap3A_415 = tpu.vector_load %arg16[%swap3A_413, %swap3A_414] {strides = array<i32>} : memref<125x64xf32, #tpu.memory_space<vmem>>, vector<1x16xf32>,
      %swap3A_416 = vector.shape_cast %swap3A_415 : vector<1x16xf32> to vector<16xf32>
      %swap3A_417 = vector.shape_cast %max3A_412 : vector<16xf32> to vector<1x16xf32>
      tpu.vector_store %arg16[%swap3A_413, %swap3A_414], %swap3A_417 {strides = array<i32>} : memref<125x64xf32, #tpu.memory_space<vmem>>, vector<1x16xf32>,
    }
    %scan3A_225 = arith.constant 125 : i32
    %mul3A_226 = arith.constant 625 : i32
    %mul3A_227 = arith.muli %arg1, %mul3A_226 : i32
    %add3A_228 = arith.constant 125 : i32
    %add3A_229 = arith.addi %mul3A_227, %add3A_228 : i32
    %mul3A_230 = arith.constant 64 : i32
    %mul3A_231 = arith.muli %arg0, %mul3A_230 : i32
    %dma_start3A_232 = tpu.memref_slice %arg7[%add3A_229, %mul3A_231] : memref<10000x128xf32, #tpu.memory_space<hbm>> -> memref<125x64xf32, #tpu.memory_space<hbm>>
    %dma_start3A_233 = tpu.memref_slice %arg7[%add3A_229, %mul3A_231] : memref<10000x128xf32, #tpu.memory_space<hbm>> -> memref<125x64xf32, #tpu.memory_space<hbm>>
    tpu.enqueue_dma source(%arg16 : memref<125x64xf32, #tpu.memory_space<vmem>>) target(%dma_start3A_233 : memref<125x64xf32, #tpu.memory_space<hbm>>) target_semaphore(%arg33 : memref<!tpu.dma_semaphore, #tpu.memory_space<semaphore_mem>>)
    %mul3A_234 = arith.constant 625 : i32
    %mul3A_235 = arith.muli %arg1, %mul3A_234 : i32
    %add3A_236 = arith.constant 250 : i32
    %add3A_237 = arith.addi %mul3A_235, %add3A_236 : i32
    %dma_wait3A_238 = arith.constant 0 : i32
    %dma_wait3A_239 = tpu.memref_slice %arg19[%add3A_237, %dma_wait3A_238] : memref<10000x64xf32, #tpu.memory_space<vmem_shared>> -> memref<125x64xf32, #tpu.memory_space<vmem_shared>>
    %dma_wait3A_240 = arith.constant 0 : i32
    %dma_wait3A_241 = tpu.memref_slice %arg19[%add3A_237, %dma_wait3A_240] : memref<10000x64xf32, #tpu.memory_space<vmem_shared>> -> memref<125x64xf32, #tpu.memory_space<vmem_shared>>
    tpu.wait_dma2 semaphore(%arg30 : memref<!tpu.dma_semaphore, #tpu.memory_space<semaphore_mem>>) src(%dma_wait3A_241 : memref<125x64xf32, #tpu.memory_space<vmem_shared>>) dst(%arg15 : memref<125x64xf32, #tpu.memory_space<vmem>>)
    %mul3A_242 = arith.constant 625 : i32
    %mul3A_243 = arith.muli %arg1, %mul3A_242 : i32
    %add3A_244 = arith.constant 125 : i32
    %add3A_245 = arith.addi %mul3A_243, %add3A_244 : i32
    %mul3A_246 = arith.constant 64 : i32
    %mul3A_247 = arith.muli %arg0, %mul3A_246 : i32
    %dma_wait3A_248 = tpu.memref_slice %arg7[%add3A_245, %mul3A_247] : memref<10000x128xf32, #tpu.memory_space<hbm>> -> memref<125x64xf32, #tpu.memory_space<hbm>>
    %dma_wait3A_249 = tpu.memref_slice %arg7[%add3A_245, %mul3A_247] : memref<10000x128xf32, #tpu.memory_space<hbm>> -> memref<125x64xf32, #tpu.memory_space<hbm>>
    tpu.wait_dma2 semaphore(%arg33 : memref<!tpu.dma_semaphore, #tpu.memory_space<semaphore_mem>>) src(%arg16 : memref<125x64xf32, #tpu.memory_space<vmem>>) dst(%dma_wait3A_249 : memref<125x64xf32, #tpu.memory_space<hbm>>)
    %mul3A_250 = arith.constant 625 : i32
    %mul3A_251 = arith.muli %arg1, %mul3A_250 : i32
    %add3A_252 = arith.constant 375 : i32
    %add3A_253 = arith.addi %mul3A_251, %add3A_252 : i32
    %dma_start3A_254 = arith.constant 0 : i32
    %dma_start3A_255 = tpu.memref_slice %arg19[%add3A_253, %dma_start3A_254] : memref<10000x64xf32, #tpu.memory_space<vmem_shared>> -> memref<125x64xf32, #tpu.memory_space<vmem_shared>>
    %dma_start3A_256 = arith.constant 0 : i32
    %dma_start3A_257 = tpu.memref_slice %arg19[%add3A_253, %dma_start3A_256] : memref<10000x64xf32, #tpu.memory_space<vmem_shared>> -> memref<125x64xf32, #tpu.memory_space<vmem_shared>>
    tpu.enqueue_dma source(%dma_start3A_257 : memref<125x64xf32, #tpu.memory_space<vmem_shared>>) target(%arg16 : memref<125x64xf32, #tpu.memory_space<vmem>>) target_semaphore(%arg31 : memref<!tpu.dma_semaphore, #tpu.memory_space<semaphore_mem>>)
    %scan3A_258 = arith.constant 0 : i32
    %scan3A_259 = arith.constant 0 : i32
    %scan3A_260 = arith.constant 125 : i32
    %scan3A_261 = arith.addi %scan3A_259, %scan3A_260 : i32
    %scan3A_262 = arith.constant 1 : i32
    scf.for %scan3A_348 = %scan3A_259 to %scan3A_261 step %scan3A_262  : i32 {
      %get3A = arith.index_cast %scan3A_348 : i32 to index
      %get3A_349 = arith.constant 0 : index
      %get3A_350 = tpu.vector_load %arg15[%get3A, %get3A_349] {strides = array<i32>} : memref<125x64xf32, #tpu.memory_space<vmem>>, vector<1x16xf32>,
      %get3A_351 = vector.shape_cast %get3A_350 : vector<1x16xf32> to vector<16xf32>
      %get3A_352 = arith.constant 0 : index
      %get3A_353 = tpu.vector_load %arg17[%get3A_352] {strides = array<i32>} : memref<64xf32, #tpu.memory_space<vmem>>, vector<16xf32>,
      %get3A_354 = vector.shape_cast %get3A_353 : vector<16xf32> to vector<16xf32>
      %add3A_355 = arith.addf %get3A_351, %get3A_354 : vector<16xf32>
      %get3A_356 = arith.constant 0 : index
      %get3A_357 = tpu.vector_load %arg18[%get3A_356] {strides = array<i32>} : memref<64xf32, #tpu.memory_space<vmem>>, vector<16xf32>,
      %get3A_358 = vector.shape_cast %get3A_357 : vector<16xf32> to vector<16xf32>
      %mul3A_359 = arith.mulf %get3A_358, %add3A_355 : vector<16xf32>
      %max3A = arith.maximumf %add3A_355, %mul3A_359 : vector<16xf32>
      %swap3A = arith.index_cast %scan3A_348 : i32 to index
      %swap3A_360 = arith.constant 0 : index
      %swap3A_361 = tpu.vector_load %arg15[%swap3A, %swap3A_360] {strides = array<i32>} : memref<125x64xf32, #tpu.memory_space<vmem>>, vector<1x16xf32>,
      %swap3A_362 = vector.shape_cast %swap3A_361 : vector<1x16xf32> to vector<16xf32>
      %swap3A_363 = vector.shape_cast %max3A : vector<16xf32> to vector<1x16xf32>
      tpu.vector_store %arg15[%swap3A, %swap3A_360], %swap3A_363 {strides = array<i32>} : memref<125x64xf32, #tpu.memory_space<vmem>>, vector<1x16xf32>,
      %get3A_364 = arith.index_cast %scan3A_348 : i32 to index
      %get3A_365 = arith.constant 16 : index
      %get3A_366 = tpu.vector_load %arg15[%get3A_364, %get3A_365] {strides = array<i32>} : memref<125x64xf32, #tpu.memory_space<vmem>>, vector<1x16xf32>,
      %get3A_367 = vector.shape_cast %get3A_366 : vector<1x16xf32> to vector<16xf32>
      %get3A_368 = arith.constant 16 : index
      %get3A_369 = tpu.vector_load %arg17[%get3A_368] {strides = array<i32>} : memref<64xf32, #tpu.memory_space<vmem>>, vector<16xf32>,
      %get3A_370 = vector.shape_cast %get3A_369 : vector<16xf32> to vector<16xf32>
      %add3A_371 = arith.addf %get3A_367, %get3A_370 : vector<16xf32>
      %get3A_372 = arith.constant 16 : index
      %get3A_373 = tpu.vector_load %arg18[%get3A_372] {strides = array<i32>} : memref<64xf32, #tpu.memory_space<vmem>>, vector<16xf32>,
      %get3A_374 = vector.shape_cast %get3A_373 : vector<16xf32> to vector<16xf32>
      %mul3A_375 = arith.mulf %get3A_374, %add3A_371 : vector<16xf32>
      %max3A_376 = arith.maximumf %add3A_371, %mul3A_375 : vector<16xf32>
      %swap3A_377 = arith.index_cast %scan3A_348 : i32 to index
      %swap3A_378 = arith.constant 16 : index
      %swap3A_379 = tpu.vector_load %arg15[%swap3A_377, %swap3A_378] {strides = array<i32>} : memref<125x64xf32, #tpu.memory_space<vmem>>, vector<1x16xf32>,
      %swap3A_380 = vector.shape_cast %swap3A_379 : vector<1x16xf32> to vector<16xf32>
      %swap3A_381 = vector.shape_cast %max3A_376 : vector<16xf32> to vector<1x16xf32>
      tpu.vector_store %arg15[%swap3A_377, %swap3A_378], %swap3A_381 {strides = array<i32>} : memref<125x64xf32, #tpu.memory_space<vmem>>, vector<1x16xf32>,
      %get3A_382 = arith.index_cast %scan3A_348 : i32 to index
      %get3A_383 = arith.constant 32 : index
      %get3A_384 = tpu.vector_load %arg15[%get3A_382, %get3A_383] {strides = array<i32>} : memref<125x64xf32, #tpu.memory_space<vmem>>, vector<1x16xf32>,
      %get3A_385 = vector.shape_cast %get3A_384 : vector<1x16xf32> to vector<16xf32>
      %get3A_386 = arith.constant 32 : index
      %get3A_387 = tpu.vector_load %arg17[%get3A_386] {strides = array<i32>} : memref<64xf32, #tpu.memory_space<vmem>>, vector<16xf32>,
      %get3A_388 = vector.shape_cast %get3A_387 : vector<16xf32> to vector<16xf32>
      %add3A_389 = arith.addf %get3A_385, %get3A_388 : vector<16xf32>
      %get3A_390 = arith.constant 32 : index
      %get3A_391 = tpu.vector_load %arg18[%get3A_390] {strides = array<i32>} : memref<64xf32, #tpu.memory_space<vmem>>, vector<16xf32>,
      %get3A_392 = vector.shape_cast %get3A_391 : vector<16xf32> to vector<16xf32>
      %mul3A_393 = arith.mulf %get3A_392, %add3A_389 : vector<16xf32>
      %max3A_394 = arith.maximumf %add3A_389, %mul3A_393 : vector<16xf32>
      %swap3A_395 = arith.index_cast %scan3A_348 : i32 to index
      %swap3A_396 = arith.constant 32 : index
      %swap3A_397 = tpu.vector_load %arg15[%swap3A_395, %swap3A_396] {strides = array<i32>} : memref<125x64xf32, #tpu.memory_space<vmem>>, vector<1x16xf32>,
      %swap3A_398 = vector.shape_cast %swap3A_397 : vector<1x16xf32> to vector<16xf32>
      %swap3A_399 = vector.shape_cast %max3A_394 : vector<16xf32> to vector<1x16xf32>
      tpu.vector_store %arg15[%swap3A_395, %swap3A_396], %swap3A_399 {strides = array<i32>} : memref<125x64xf32, #tpu.memory_space<vmem>>, vector<1x16xf32>,
      %get3A_400 = arith.index_cast %scan3A_348 : i32 to index
      %get3A_401 = arith.constant 48 : index
      %get3A_402 = tpu.vector_load %arg15[%get3A_400, %get3A_401] {strides = array<i32>} : memref<125x64xf32, #tpu.memory_space<vmem>>, vector<1x16xf32>,
      %get3A_403 = vector.shape_cast %get3A_402 : vector<1x16xf32> to vector<16xf32>
      %get3A_404 = arith.constant 48 : index
      %get3A_405 = tpu.vector_load %arg17[%get3A_404] {strides = array<i32>} : memref<64xf32, #tpu.memory_space<vmem>>, vector<16xf32>,
      %get3A_406 = vector.shape_cast %get3A_405 : vector<16xf32> to vector<16xf32>
      %add3A_407 = arith.addf %get3A_403, %get3A_406 : vector<16xf32>
      %get3A_408 = arith.constant 48 : index
      %get3A_409 = tpu.vector_load %arg18[%get3A_408] {strides = array<i32>} : memref<64xf32, #tpu.memory_space<vmem>>, vector<16xf32>,
      %get3A_410 = vector.shape_cast %get3A_409 : vector<16xf32> to vector<16xf32>
      %mul3A_411 = arith.mulf %get3A_410, %add3A_407 : vector<16xf32>
      %max3A_412 = arith.maximumf %add3A_407, %mul3A_411 : vector<16xf32>
      %swap3A_413 = arith.index_cast %scan3A_348 : i32 to index
      %swap3A_414 = arith.constant 48 : index
      %swap3A_415 = tpu.vector_load %arg15[%swap3A_413, %swap3A_414] {strides = array<i32>} : memref<125x64xf32, #tpu.memory_space<vmem>>, vector<1x16xf32>,
      %swap3A_416 = vector.shape_cast %swap3A_415 : vector<1x16xf32> to vector<16xf32>
      %swap3A_417 = vector.shape_cast %max3A_412 : vector<16xf32> to vector<1x16xf32>
      tpu.vector_store %arg15[%swap3A_413, %swap3A_414], %swap3A_417 {strides = array<i32>} : memref<125x64xf32, #tpu.memory_space<vmem>>, vector<1x16xf32>,
    }
    %scan3A_263 = arith.constant 125 : i32
    %mul3A_264 = arith.constant 625 : i32
    %mul3A_265 = arith.muli %arg1, %mul3A_264 : i32
    %add3A_266 = arith.constant 250 : i32
    %add3A_267 = arith.addi %mul3A_265, %add3A_266 : i32
    %mul3A_268 = arith.constant 64 : i32
    %mul3A_269 = arith.muli %arg0, %mul3A_268 : i32
    %dma_start3A_270 = tpu.memref_slice %arg7[%add3A_267, %mul3A_269] : memref<10000x128xf32, #tpu.memory_space<hbm>> -> memref<125x64xf32, #tpu.memory_space<hbm>>
    %dma_start3A_271 = tpu.memref_slice %arg7[%add3A_267, %mul3A_269] : memref<10000x128xf32, #tpu.memory_space<hbm>> -> memref<125x64xf32, #tpu.memory_space<hbm>>
    tpu.enqueue_dma source(%arg15 : memref<125x64xf32, #tpu.memory_space<vmem>>) target(%dma_start3A_271 : memref<125x64xf32, #tpu.memory_space<hbm>>) target_semaphore(%arg32 : memref<!tpu.dma_semaphore, #tpu.memory_space<semaphore_mem>>)
    %mul3A_272 = arith.constant 625 : i32
    %mul3A_273 = arith.muli %arg1, %mul3A_272 : i32
    %add3A_274 = arith.constant 375 : i32
    %add3A_275 = arith.addi %mul3A_273, %add3A_274 : i32
    %dma_wait3A_276 = arith.constant 0 : i32
    %dma_wait3A_277 = tpu.memref_slice %arg19[%add3A_275, %dma_wait3A_276] : memref<10000x64xf32, #tpu.memory_space<vmem_shared>> -> memref<125x64xf32, #tpu.memory_space<vmem_shared>>
    %dma_wait3A_278 = arith.constant 0 : i32
    %dma_wait3A_279 = tpu.memref_slice %arg19[%add3A_275, %dma_wait3A_278] : memref<10000x64xf32, #tpu.memory_space<vmem_shared>> -> memref<125x64xf32, #tpu.memory_space<vmem_shared>>
    tpu.wait_dma2 semaphore(%arg31 : memref<!tpu.dma_semaphore, #tpu.memory_space<semaphore_mem>>) src(%dma_wait3A_279 : memref<125x64xf32, #tpu.memory_space<vmem_shared>>) dst(%arg16 : memref<125x64xf32, #tpu.memory_space<vmem>>)
    %mul3A_280 = arith.constant 625 : i32
    %mul3A_281 = arith.muli %arg1, %mul3A_280 : i32
    %add3A_282 = arith.constant 250 : i32
    %add3A_283 = arith.addi %mul3A_281, %add3A_282 : i32
    %mul3A_284 = arith.constant 64 : i32
    %mul3A_285 = arith.muli %arg0, %mul3A_284 : i32
    %dma_wait3A_286 = tpu.memref_slice %arg7[%add3A_283, %mul3A_285] : memref<10000x128xf32, #tpu.memory_space<hbm>> -> memref<125x64xf32, #tpu.memory_space<hbm>>
    %dma_wait3A_287 = tpu.memref_slice %arg7[%add3A_283, %mul3A_285] : memref<10000x128xf32, #tpu.memory_space<hbm>> -> memref<125x64xf32, #tpu.memory_space<hbm>>
    tpu.wait_dma2 semaphore(%arg32 : memref<!tpu.dma_semaphore, #tpu.memory_space<semaphore_mem>>) src(%arg15 : memref<125x64xf32, #tpu.memory_space<vmem>>) dst(%dma_wait3A_287 : memref<125x64xf32, #tpu.memory_space<hbm>>)
    %mul3A_288 = arith.constant 625 : i32
    %mul3A_289 = arith.muli %arg1, %mul3A_288 : i32
    %add3A_290 = arith.constant 500 : i32
    %add3A_291 = arith.addi %mul3A_289, %add3A_290 : i32
    %dma_start3A_292 = arith.constant 0 : i32
    %dma_start3A_293 = tpu.memref_slice %arg19[%add3A_291, %dma_start3A_292] : memref<10000x64xf32, #tpu.memory_space<vmem_shared>> -> memref<125x64xf32, #tpu.memory_space<vmem_shared>>
    %dma_start3A_294 = arith.constant 0 : i32
    %dma_start3A_295 = tpu.memref_slice %arg19[%add3A_291, %dma_start3A_294] : memref<10000x64xf32, #tpu.memory_space<vmem_shared>> -> memref<125x64xf32, #tpu.memory_space<vmem_shared>>
    tpu.enqueue_dma source(%dma_start3A_295 : memref<125x64xf32, #tpu.memory_space<vmem_shared>>) target(%arg15 : memref<125x64xf32, #tpu.memory_space<vmem>>) target_semaphore(%arg30 : memref<!tpu.dma_semaphore, #tpu.memory_space<semaphore_mem>>)
    %scan3A_296 = arith.constant 0 : i32
    %scan3A_297 = arith.constant 0 : i32
    %scan3A_298 = arith.constant 125 : i32
    %scan3A_299 = arith.addi %scan3A_297, %scan3A_298 : i32
    %scan3A_300 = arith.constant 1 : i32
    scf.for %scan3A_348 = %scan3A_297 to %scan3A_299 step %scan3A_300  : i32 {
      %get3A = arith.index_cast %scan3A_348 : i32 to index
      %get3A_349 = arith.constant 0 : index
      %get3A_350 = tpu.vector_load %arg16[%get3A, %get3A_349] {strides = array<i32>} : memref<125x64xf32, #tpu.memory_space<vmem>>, vector<1x16xf32>,
      %get3A_351 = vector.shape_cast %get3A_350 : vector<1x16xf32> to vector<16xf32>
      %get3A_352 = arith.constant 0 : index
      %get3A_353 = tpu.vector_load %arg17[%get3A_352] {strides = array<i32>} : memref<64xf32, #tpu.memory_space<vmem>>, vector<16xf32>,
      %get3A_354 = vector.shape_cast %get3A_353 : vector<16xf32> to vector<16xf32>
      %add3A_355 = arith.addf %get3A_351, %get3A_354 : vector<16xf32>
      %get3A_356 = arith.constant 0 : index
      %get3A_357 = tpu.vector_load %arg18[%get3A_356] {strides = array<i32>} : memref<64xf32, #tpu.memory_space<vmem>>, vector<16xf32>,
      %get3A_358 = vector.shape_cast %get3A_357 : vector<16xf32> to vector<16xf32>
      %mul3A_359 = arith.mulf %get3A_358, %add3A_355 : vector<16xf32>
      %max3A = arith.maximumf %add3A_355, %mul3A_359 : vector<16xf32>
      %swap3A = arith.index_cast %scan3A_348 : i32 to index
      %swap3A_360 = arith.constant 0 : index
      %swap3A_361 = tpu.vector_load %arg16[%swap3A, %swap3A_360] {strides = array<i32>} : memref<125x64xf32, #tpu.memory_space<vmem>>, vector<1x16xf32>,
      %swap3A_362 = vector.shape_cast %swap3A_361 : vector<1x16xf32> to vector<16xf32>
      %swap3A_363 = vector.shape_cast %max3A : vector<16xf32> to vector<1x16xf32>
      tpu.vector_store %arg16[%swap3A, %swap3A_360], %swap3A_363 {strides = array<i32>} : memref<125x64xf32, #tpu.memory_space<vmem>>, vector<1x16xf32>,
      %get3A_364 = arith.index_cast %scan3A_348 : i32 to index
      %get3A_365 = arith.constant 16 : index
      %get3A_366 = tpu.vector_load %arg16[%get3A_364, %get3A_365] {strides = array<i32>} : memref<125x64xf32, #tpu.memory_space<vmem>>, vector<1x16xf32>,
      %get3A_367 = vector.shape_cast %get3A_366 : vector<1x16xf32> to vector<16xf32>
      %get3A_368 = arith.constant 16 : index
      %get3A_369 = tpu.vector_load %arg17[%get3A_368] {strides = array<i32>} : memref<64xf32, #tpu.memory_space<vmem>>, vector<16xf32>,
      %get3A_370 = vector.shape_cast %get3A_369 : vector<16xf32> to vector<16xf32>
      %add3A_371 = arith.addf %get3A_367, %get3A_370 : vector<16xf32>
      %get3A_372 = arith.constant 16 : index
      %get3A_373 = tpu.vector_load %arg18[%get3A_372] {strides = array<i32>} : memref<64xf32, #tpu.memory_space<vmem>>, vector<16xf32>,
      %get3A_374 = vector.shape_cast %get3A_373 : vector<16xf32> to vector<16xf32>
      %mul3A_375 = arith.mulf %get3A_374, %add3A_371 : vector<16xf32>
      %max3A_376 = arith.maximumf %add3A_371, %mul3A_375 : vector<16xf32>
      %swap3A_377 = arith.index_cast %scan3A_348 : i32 to index
      %swap3A_378 = arith.constant 16 : index
      %swap3A_379 = tpu.vector_load %arg16[%swap3A_377, %swap3A_378] {strides = array<i32>} : memref<125x64xf32, #tpu.memory_space<vmem>>, vector<1x16xf32>,
      %swap3A_380 = vector.shape_cast %swap3A_379 : vector<1x16xf32> to vector<16xf32>
      %swap3A_381 = vector.shape_cast %max3A_376 : vector<16xf32> to vector<1x16xf32>
      tpu.vector_store %arg16[%swap3A_377, %swap3A_378], %swap3A_381 {strides = array<i32>} : memref<125x64xf32, #tpu.memory_space<vmem>>, vector<1x16xf32>,
      %get3A_382 = arith.index_cast %scan3A_348 : i32 to index
      %get3A_383 = arith.constant 32 : index
      %get3A_384 = tpu.vector_load %arg16[%get3A_382, %get3A_383] {strides = array<i32>} : memref<125x64xf32, #tpu.memory_space<vmem>>, vector<1x16xf32>,
      %get3A_385 = vector.shape_cast %get3A_384 : vector<1x16xf32> to vector<16xf32>
      %get3A_386 = arith.constant 32 : index
      %get3A_387 = tpu.vector_load %arg17[%get3A_386] {strides = array<i32>} : memref<64xf32, #tpu.memory_space<vmem>>, vector<16xf32>,
      %get3A_388 = vector.shape_cast %get3A_387 : vector<16xf32> to vector<16xf32>
      %add3A_389 = arith.addf %get3A_385, %get3A_388 : vector<16xf32>
      %get3A_390 = arith.constant 32 : index
      %get3A_391 = tpu.vector_load %arg18[%get3A_390] {strides = array<i32>} : memref<64xf32, #tpu.memory_space<vmem>>, vector<16xf32>,
      %get3A_392 = vector.shape_cast %get3A_391 : vector<16xf32> to vector<16xf32>
      %mul3A_393 = arith.mulf %get3A_392, %add3A_389 : vector<16xf32>
      %max3A_394 = arith.maximumf %add3A_389, %mul3A_393 : vector<16xf32>
      %swap3A_395 = arith.index_cast %scan3A_348 : i32 to index
      %swap3A_396 = arith.constant 32 : index
      %swap3A_397 = tpu.vector_load %arg16[%swap3A_395, %swap3A_396] {strides = array<i32>} : memref<125x64xf32, #tpu.memory_space<vmem>>, vector<1x16xf32>,
      %swap3A_398 = vector.shape_cast %swap3A_397 : vector<1x16xf32> to vector<16xf32>
      %swap3A_399 = vector.shape_cast %max3A_394 : vector<16xf32> to vector<1x16xf32>
      tpu.vector_store %arg16[%swap3A_395, %swap3A_396], %swap3A_399 {strides = array<i32>} : memref<125x64xf32, #tpu.memory_space<vmem>>, vector<1x16xf32>,
      %get3A_400 = arith.index_cast %scan3A_348 : i32 to index
      %get3A_401 = arith.constant 48 : index
      %get3A_402 = tpu.vector_load %arg16[%get3A_400, %get3A_401] {strides = array<i32>} : memref<125x64xf32, #tpu.memory_space<vmem>>, vector<1x16xf32>,
      %get3A_403 = vector.shape_cast %get3A_402 : vector<1x16xf32> to vector<16xf32>
      %get3A_404 = arith.constant 48 : index
      %get3A_405 = tpu.vector_load %arg17[%get3A_404] {strides = array<i32>} : memref<64xf32, #tpu.memory_space<vmem>>, vector<16xf32>,
      %get3A_406 = vector.shape_cast %get3A_405 : vector<16xf32> to vector<16xf32>
      %add3A_407 = arith.addf %get3A_403, %get3A_406 : vector<16xf32>
      %get3A_408 = arith.constant 48 : index
      %get3A_409 = tpu.vector_load %arg18[%get3A_408] {strides = array<i32>} : memref<64xf32, #tpu.memory_space<vmem>>, vector<16xf32>,
      %get3A_410 = vector.shape_cast %get3A_409 : vector<16xf32> to vector<16xf32>
      %mul3A_411 = arith.mulf %get3A_410, %add3A_407 : vector<16xf32>
      %max3A_412 = arith.maximumf %add3A_407, %mul3A_411 : vector<16xf32>
      %swap3A_413 = arith.index_cast %scan3A_348 : i32 to index
      %swap3A_414 = arith.constant 48 : index
      %swap3A_415 = tpu.vector_load %arg16[%swap3A_413, %swap3A_414] {strides = array<i32>} : memref<125x64xf32, #tpu.memory_space<vmem>>, vector<1x16xf32>,
      %swap3A_416 = vector.shape_cast %swap3A_415 : vector<1x16xf32> to vector<16xf32>
      %swap3A_417 = vector.shape_cast %max3A_412 : vector<16xf32> to vector<1x16xf32>
      tpu.vector_store %arg16[%swap3A_413, %swap3A_414], %swap3A_417 {strides = array<i32>} : memref<125x64xf32, #tpu.memory_space<vmem>>, vector<1x16xf32>,
    }
    %scan3A_301 = arith.constant 125 : i32
    %mul3A_302 = arith.constant 625 : i32
    %mul3A_303 = arith.muli %arg1, %mul3A_302 : i32
    %add3A_304 = arith.constant 375 : i32
    %add3A_305 = arith.addi %mul3A_303, %add3A_304 : i32
    %mul3A_306 = arith.constant 64 : i32
    %mul3A_307 = arith.muli %arg0, %mul3A_306 : i32
    %dma_start3A_308 = tpu.memref_slice %arg7[%add3A_305, %mul3A_307] : memref<10000x128xf32, #tpu.memory_space<hbm>> -> memref<125x64xf32, #tpu.memory_space<hbm>>
    %dma_start3A_309 = tpu.memref_slice %arg7[%add3A_305, %mul3A_307] : memref<10000x128xf32, #tpu.memory_space<hbm>> -> memref<125x64xf32, #tpu.memory_space<hbm>>
    tpu.enqueue_dma source(%arg16 : memref<125x64xf32, #tpu.memory_space<vmem>>) target(%dma_start3A_309 : memref<125x64xf32, #tpu.memory_space<hbm>>) target_semaphore(%arg33 : memref<!tpu.dma_semaphore, #tpu.memory_space<semaphore_mem>>)
    %mul3A_310 = arith.constant 625 : i32
    %mul3A_311 = arith.muli %arg1, %mul3A_310 : i32
    %add3A_312 = arith.constant 500 : i32
    %add3A_313 = arith.addi %mul3A_311, %add3A_312 : i32
    %dma_wait3A_314 = arith.constant 0 : i32
    %dma_wait3A_315 = tpu.memref_slice %arg19[%add3A_313, %dma_wait3A_314] : memref<10000x64xf32, #tpu.memory_space<vmem_shared>> -> memref<125x64xf32, #tpu.memory_space<vmem_shared>>
    %dma_wait3A_316 = arith.constant 0 : i32
    %dma_wait3A_317 = tpu.memref_slice %arg19[%add3A_313, %dma_wait3A_316] : memref<10000x64xf32, #tpu.memory_space<vmem_shared>> -> memref<125x64xf32, #tpu.memory_space<vmem_shared>>
    tpu.wait_dma2 semaphore(%arg30 : memref<!tpu.dma_semaphore, #tpu.memory_space<semaphore_mem>>) src(%dma_wait3A_317 : memref<125x64xf32, #tpu.memory_space<vmem_shared>>) dst(%arg15 : memref<125x64xf32, #tpu.memory_space<vmem>>)
    %scan3A_318 = arith.constant 0 : i32
    %scan3A_319 = arith.constant 0 : i32
    %scan3A_320 = arith.constant 125 : i32
    %scan3A_321 = arith.addi %scan3A_319, %scan3A_320 : i32
    %scan3A_322 = arith.constant 1 : i32
    scf.for %scan3A_348 = %scan3A_319 to %scan3A_321 step %scan3A_322  : i32 {
      %get3A = arith.index_cast %scan3A_348 : i32 to index
      %get3A_349 = arith.constant 0 : index
      %get3A_350 = tpu.vector_load %arg15[%get3A, %get3A_349] {strides = array<i32>} : memref<125x64xf32, #tpu.memory_space<vmem>>, vector<1x16xf32>,
      %get3A_351 = vector.shape_cast %get3A_350 : vector<1x16xf32> to vector<16xf32>
      %get3A_352 = arith.constant 0 : index
      %get3A_353 = tpu.vector_load %arg17[%get3A_352] {strides = array<i32>} : memref<64xf32, #tpu.memory_space<vmem>>, vector<16xf32>,
      %get3A_354 = vector.shape_cast %get3A_353 : vector<16xf32> to vector<16xf32>
      %add3A_355 = arith.addf %get3A_351, %get3A_354 : vector<16xf32>
      %get3A_356 = arith.constant 0 : index
      %get3A_357 = tpu.vector_load %arg18[%get3A_356] {strides = array<i32>} : memref<64xf32, #tpu.memory_space<vmem>>, vector<16xf32>,
      %get3A_358 = vector.shape_cast %get3A_357 : vector<16xf32> to vector<16xf32>
      %mul3A_359 = arith.mulf %get3A_358, %add3A_355 : vector<16xf32>
      %max3A = arith.maximumf %add3A_355, %mul3A_359 : vector<16xf32>
      %swap3A = arith.index_cast %scan3A_348 : i32 to index
      %swap3A_360 = arith.constant 0 : index
      %swap3A_361 = tpu.vector_load %arg15[%swap3A, %swap3A_360] {strides = array<i32>} : memref<125x64xf32, #tpu.memory_space<vmem>>, vector<1x16xf32>,
      %swap3A_362 = vector.shape_cast %swap3A_361 : vector<1x16xf32> to vector<16xf32>
      %swap3A_363 = vector.shape_cast %max3A : vector<16xf32> to vector<1x16xf32>
      tpu.vector_store %arg15[%swap3A, %swap3A_360], %swap3A_363 {strides = array<i32>} : memref<125x64xf32, #tpu.memory_space<vmem>>, vector<1x16xf32>,
      %get3A_364 = arith.index_cast %scan3A_348 : i32 to index
      %get3A_365 = arith.constant 16 : index
      %get3A_366 = tpu.vector_load %arg15[%get3A_364, %get3A_365] {strides = array<i32>} : memref<125x64xf32, #tpu.memory_space<vmem>>, vector<1x16xf32>,
      %get3A_367 = vector.shape_cast %get3A_366 : vector<1x16xf32> to vector<16xf32>
      %get3A_368 = arith.constant 16 : index
      %get3A_369 = tpu.vector_load %arg17[%get3A_368] {strides = array<i32>} : memref<64xf32, #tpu.memory_space<vmem>>, vector<16xf32>,
      %get3A_370 = vector.shape_cast %get3A_369 : vector<16xf32> to vector<16xf32>
      %add3A_371 = arith.addf %get3A_367, %get3A_370 : vector<16xf32>
      %get3A_372 = arith.constant 16 : index
      %get3A_373 = tpu.vector_load %arg18[%get3A_372] {strides = array<i32>} : memref<64xf32, #tpu.memory_space<vmem>>, vector<16xf32>,
      %get3A_374 = vector.shape_cast %get3A_373 : vector<16xf32> to vector<16xf32>
      %mul3A_375 = arith.mulf %get3A_374, %add3A_371 : vector<16xf32>
      %max3A_376 = arith.maximumf %add3A_371, %mul3A_375 : vector<16xf32>
      %swap3A_377 = arith.index_cast %scan3A_348 : i32 to index
      %swap3A_378 = arith.constant 16 : index
      %swap3A_379 = tpu.vector_load %arg15[%swap3A_377, %swap3A_378] {strides = array<i32>} : memref<125x64xf32, #tpu.memory_space<vmem>>, vector<1x16xf32>,
      %swap3A_380 = vector.shape_cast %swap3A_379 : vector<1x16xf32> to vector<16xf32>
      %swap3A_381 = vector.shape_cast %max3A_376 : vector<16xf32> to vector<1x16xf32>
      tpu.vector_store %arg15[%swap3A_377, %swap3A_378], %swap3A_381 {strides = array<i32>} : memref<125x64xf32, #tpu.memory_space<vmem>>, vector<1x16xf32>,
      %get3A_382 = arith.index_cast %scan3A_348 : i32 to index
      %get3A_383 = arith.constant 32 : index
      %get3A_384 = tpu.vector_load %arg15[%get3A_382, %get3A_383] {strides = array<i32>} : memref<125x64xf32, #tpu.memory_space<vmem>>, vector<1x16xf32>,
      %get3A_385 = vector.shape_cast %get3A_384 : vector<1x16xf32> to vector<16xf32>
      %get3A_386 = arith.constant 32 : index
      %get3A_387 = tpu.vector_load %arg17[%get3A_386] {strides = array<i32>} : memref<64xf32, #tpu.memory_space<vmem>>, vector<16xf32>,
      %get3A_388 = vector.shape_cast %get3A_387 : vector<16xf32> to vector<16xf32>
      %add3A_389 = arith.addf %get3A_385, %get3A_388 : vector<16xf32>
      %get3A_390 = arith.constant 32 : index
      %get3A_391 = tpu.vector_load %arg18[%get3A_390] {strides = array<i32>} : memref<64xf32, #tpu.memory_space<vmem>>, vector<16xf32>,
      %get3A_392 = vector.shape_cast %get3A_391 : vector<16xf32> to vector<16xf32>
      %mul3A_393 = arith.mulf %get3A_392, %add3A_389 : vector<16xf32>
      %max3A_394 = arith.maximumf %add3A_389, %mul3A_393 : vector<16xf32>
      %swap3A_395 = arith.index_cast %scan3A_348 : i32 to index
      %swap3A_396 = arith.constant 32 : index
      %swap3A_397 = tpu.vector_load %arg15[%swap3A_395, %swap3A_396] {strides = array<i32>} : memref<125x64xf32, #tpu.memory_space<vmem>>, vector<1x16xf32>,
      %swap3A_398 = vector.shape_cast %swap3A_397 : vector<1x16xf32> to vector<16xf32>
      %swap3A_399 = vector.shape_cast %max3A_394 : vector<16xf32> to vector<1x16xf32>
      tpu.vector_store %arg15[%swap3A_395, %swap3A_396], %swap3A_399 {strides = array<i32>} : memref<125x64xf32, #tpu.memory_space<vmem>>, vector<1x16xf32>,
      %get3A_400 = arith.index_cast %scan3A_348 : i32 to index
      %get3A_401 = arith.constant 48 : index
      %get3A_402 = tpu.vector_load %arg15[%get3A_400, %get3A_401] {strides = array<i32>} : memref<125x64xf32, #tpu.memory_space<vmem>>, vector<1x16xf32>,
      %get3A_403 = vector.shape_cast %get3A_402 : vector<1x16xf32> to vector<16xf32>
      %get3A_404 = arith.constant 48 : index
      %get3A_405 = tpu.vector_load %arg17[%get3A_404] {strides = array<i32>} : memref<64xf32, #tpu.memory_space<vmem>>, vector<16xf32>,
      %get3A_406 = vector.shape_cast %get3A_405 : vector<16xf32> to vector<16xf32>
      %add3A_407 = arith.addf %get3A_403, %get3A_406 : vector<16xf32>
      %get3A_408 = arith.constant 48 : index
      %get3A_409 = tpu.vector_load %arg18[%get3A_408] {strides = array<i32>} : memref<64xf32, #tpu.memory_space<vmem>>, vector<16xf32>,
      %get3A_410 = vector.shape_cast %get3A_409 : vector<16xf32> to vector<16xf32>
      %mul3A_411 = arith.mulf %get3A_410, %add3A_407 : vector<16xf32>
      %max3A_412 = arith.maximumf %add3A_407, %mul3A_411 : vector<16xf32>
      %swap3A_413 = arith.index_cast %scan3A_348 : i32 to index
      %swap3A_414 = arith.constant 48 : index
      %swap3A_415 = tpu.vector_load %arg15[%swap3A_413, %swap3A_414] {strides = array<i32>} : memref<125x64xf32, #tpu.memory_space<vmem>>, vector<1x16xf32>,
      %swap3A_416 = vector.shape_cast %swap3A_415 : vector<1x16xf32> to vector<16xf32>
      %swap3A_417 = vector.shape_cast %max3A_412 : vector<16xf32> to vector<1x16xf32>
      tpu.vector_store %arg15[%swap3A_413, %swap3A_414], %swap3A_417 {strides = array<i32>} : memref<125x64xf32, #tpu.memory_space<vmem>>, vector<1x16xf32>,
    }
    %scan3A_323 = arith.constant 125 : i32
    %mul3A_324 = arith.constant 625 : i32
    %mul3A_325 = arith.muli %arg1, %mul3A_324 : i32
    %add3A_326 = arith.constant 500 : i32
    %add3A_327 = arith.addi %mul3A_325, %add3A_326 : i32
    %mul3A_328 = arith.constant 64 : i32
    %mul3A_329 = arith.muli %arg0, %mul3A_328 : i32
    %dma_start3A_330 = tpu.memref_slice %arg7[%add3A_327, %mul3A_329] : memref<10000x128xf32, #tpu.memory_space<hbm>> -> memref<125x64xf32, #tpu.memory_space<hbm>>
    %dma_start3A_331 = tpu.memref_slice %arg7[%add3A_327, %mul3A_329] : memref<10000x128xf32, #tpu.memory_space<hbm>> -> memref<125x64xf32, #tpu.memory_space<hbm>>
    tpu.enqueue_dma source(%arg15 : memref<125x64xf32, #tpu.memory_space<vmem>>) target(%dma_start3A_331 : memref<125x64xf32, #tpu.memory_space<hbm>>) target_semaphore(%arg32 : memref<!tpu.dma_semaphore, #tpu.memory_space<semaphore_mem>>)
    %mul3A_332 = arith.constant 625 : i32
    %mul3A_333 = arith.muli %arg1, %mul3A_332 : i32
    %add3A_334 = arith.constant 375 : i32
    %add3A_335 = arith.addi %mul3A_333, %add3A_334 : i32
    %mul3A_336 = arith.constant 64 : i32
    %mul3A_337 = arith.muli %arg0, %mul3A_336 : i32
    %dma_wait3A_338 = tpu.memref_slice %arg7[%add3A_335, %mul3A_337] : memref<10000x128xf32, #tpu.memory_space<hbm>> -> memref<125x64xf32, #tpu.memory_space<hbm>>
    %dma_wait3A_339 = tpu.memref_slice %arg7[%add3A_335, %mul3A_337] : memref<10000x128xf32, #tpu.memory_space<hbm>> -> memref<125x64xf32, #tpu.memory_space<hbm>>
    tpu.wait_dma2 semaphore(%arg33 : memref<!tpu.dma_semaphore, #tpu.memory_space<semaphore_mem>>) src(%arg16 : memref<125x64xf32, #tpu.memory_space<vmem>>) dst(%dma_wait3A_339 : memref<125x64xf32, #tpu.memory_space<hbm>>)
    %mul3A_340 = arith.constant 625 : i32
    %mul3A_341 = arith.muli %arg1, %mul3A_340 : i32
    %add3A_342 = arith.constant 500 : i32
    %add3A_343 = arith.addi %mul3A_341, %add3A_342 : i32
    %mul3A_344 = arith.constant 64 : i32
    %mul3A_345 = arith.muli %arg0, %mul3A_344 : i32
    %dma_wait3A_346 = tpu.memref_slice %arg7[%add3A_343, %mul3A_345] : memref<10000x128xf32, #tpu.memory_space<hbm>> -> memref<125x64xf32, #tpu.memory_space<hbm>>
    %dma_wait3A_347 = tpu.memref_slice %arg7[%add3A_343, %mul3A_345] : memref<10000x128xf32, #tpu.memory_space<hbm>> -> memref<125x64xf32, #tpu.memory_space<hbm>>
    tpu.wait_dma2 semaphore(%arg32 : memref<!tpu.dma_semaphore, #tpu.memory_space<semaphore_mem>>) src(%arg15 : memref<125x64xf32, #tpu.memory_space<vmem>>) dst(%dma_wait3A_347 : memref<125x64xf32, #tpu.memory_space<hbm>>)
    return
  }
}

#map = affine_map<(d0, d1) -> (0, 0)>
#map1 = affine_map<(d0, d1) -> (0, 0, 0, 0)>
#map2 = affine_map<(d0, d1) -> (0, 0, 0)>
module attributes {stable_mosaic.version = 14 : i64} {
  func.func @sc_scatter(%arg0: i32, %arg1: i32, %arg2: memref<20000x64xf32, #tpu.memory_space<hbm>>, %arg3: memref<2x16x250x80xi32, #tpu.memory_space<hbm>>, %arg4: memref<16x250x80xi32, #tpu.memory_space<hbm>>, %arg5: memref<2x64xf32, #tpu.memory_space<hbm>>, %arg6: memref<2x64xf32, #tpu.memory_space<hbm>>, %arg7: memref<10000x128xf32, #tpu.memory_space<hbm>>, %arg8: memref<250x80xi32, #tpu.memory_space<vmem>>, %arg9: memref<250x80xi32, #tpu.memory_space<vmem>>, %arg10: memref<80x64xf32, #tpu.memory_space<vmem>>, %arg11: memref<80x64xf32, #tpu.memory_space<vmem>>, %arg12: memref<80x64xf32, #tpu.memory_space<vmem>>, %arg13: memref<80x64xf32, #tpu.memory_space<vmem>>, %arg14: memref<80x64xf32, #tpu.memory_space<vmem>>, %arg15: memref<125x64xf32, #tpu.memory_space<vmem>>, %arg16: memref<125x64xf32, #tpu.memory_space<vmem>>, %arg17: memref<64xf32, #tpu.memory_space<vmem>>, %arg18: memref<64xf32, #tpu.memory_space<vmem>>, %arg19: memref<10000x64xf32, #tpu.memory_space<vmem_shared>>, %arg20: memref<!tpu.dma_semaphore, #tpu.memory_space<semaphore_mem>>, %arg21: memref<!tpu.dma_semaphore, #tpu.memory_space<semaphore_mem>>, %arg22: memref<!tpu.dma_semaphore, #tpu.memory_space<semaphore_mem>>, %arg23: memref<!tpu.dma_semaphore, #tpu.memory_space<semaphore_mem>>, %arg24: memref<!tpu.dma_semaphore, #tpu.memory_space<semaphore_mem>>, %arg25: memref<!tpu.dma_semaphore, #tpu.memory_space<semaphore_mem>>, %arg26: memref<!tpu.dma_semaphore, #tpu.memory_space<semaphore_mem>>, %arg27: memref<!tpu.dma_semaphore, #tpu.memory_space<semaphore_mem>>, %arg28: memref<!tpu.dma_semaphore, #tpu.memory_space<semaphore_mem>>, %arg29: memref<!tpu.dma_semaphore, #tpu.memory_space<semaphore_mem>>, %arg30: memref<!tpu.dma_semaphore, #tpu.memory_space<semaphore_mem>>, %arg31: memref<!tpu.dma_semaphore, #tpu.memory_space<semaphore_mem>>, %arg32: memref<!tpu.dma_semaphore, #tpu.memory_space<semaphore_mem>>, %arg33: memref<!tpu.dma_semaphore, #tpu.memory_space<semaphore_mem>>) attributes {dimension_semantics = [#tpu.dimension_semantics<core_parallel>, #tpu.dimension_semantics<subcore_parallel>], iteration_bounds = array<i64: 2, 16>, scalar_prefetch = 0 : i64, scratch_operands = 26 : i64, tpu.core_type = #tpu.core_type<sc_vector_subcore>, window_params = [{transform_indices = #map}, {transform_indices = #map1}, {transform_indices = #map2}, {transform_indices = #map}, {transform_indices = #map}, {transform_indices = #map}]} {
    "tpu.region"() ({
      %run_scoped3A = tpu.sem_alloc : memref<!tpu.dma_semaphore, #tpu.memory_space<semaphore_mem>>
      %dma_start3A_348 = arith.constant 0 : i32
      %dma_start3A_349 = arith.constant 0 : i32
      %dma_start3A_350 = tpu.memref_slice %arg3[%arg0, %arg1, %dma_start3A_348, %dma_start3A_349] : memref<2x16x250x80xi32, #tpu.memory_space<hbm>> -> memref<1x1x250x80xi32, #tpu.memory_space<hbm>>
      %dma_start3A_351 = tpu.memref_squeeze %dma_start3A_350 : memref<1x1x250x80xi32, #tpu.memory_space<hbm>> -> memref<250x80xi32, #tpu.memory_space<hbm>>
      %dma_start3A_352 = arith.constant 0 : i32
      %dma_start3A_353 = arith.constant 0 : i32
      %dma_start3A_354 = tpu.memref_slice %arg3[%arg0, %arg1, %dma_start3A_352, %dma_start3A_353] : memref<2x16x250x80xi32, #tpu.memory_space<hbm>> -> memref<1x1x250x80xi32, #tpu.memory_space<hbm>>
      %dma_start3A_355 = tpu.memref_squeeze %dma_start3A_354 : memref<1x1x250x80xi32, #tpu.memory_space<hbm>> -> memref<250x80xi32, #tpu.memory_space<hbm>>
      tpu.enqueue_dma source(%dma_start3A_355 : memref<250x80xi32, #tpu.memory_space<hbm>>) target(%arg8 : memref<250x80xi32, #tpu.memory_space<vmem>>) target_semaphore(%run_scoped3A : memref<!tpu.dma_semaphore, #tpu.memory_space<semaphore_mem>>)
      %dma_wait3A_356 = arith.constant 0 : i32
      %dma_wait3A_357 = arith.constant 0 : i32
      %dma_wait3A_358 = tpu.memref_slice %arg3[%arg0, %arg1, %dma_wait3A_356, %dma_wait3A_357] : memref<2x16x250x80xi32, #tpu.memory_space<hbm>> -> memref<1x1x250x80xi32, #tpu.memory_space<hbm>>
      %dma_wait3A_359 = tpu.memref_squeeze %dma_wait3A_358 : memref<1x1x250x80xi32, #tpu.memory_space<hbm>> -> memref<250x80xi32, #tpu.memory_space<hbm>>
      %dma_wait3A_360 = arith.constant 0 : i32
      %dma_wait3A_361 = arith.constant 0 : i32
      %dma_wait3A_362 = tpu.memref_slice %arg3[%arg0, %arg1, %dma_wait3A_360, %dma_wait3A_361] : memref<2x16x250x80xi32, #tpu.memory_space<hbm>> -> memref<1x1x250x80xi32, #tpu.memory_space<hbm>>
      %dma_wait3A_363 = tpu.memref_squeeze %dma_wait3A_362 : memref<1x1x250x80xi32, #tpu.memory_space<hbm>> -> memref<250x80xi32, #tpu.memory_space<hbm>>
      tpu.wait_dma2 semaphore(%run_scoped3A : memref<!tpu.dma_semaphore, #tpu.memory_space<semaphore_mem>>) src(%dma_wait3A_363 : memref<250x80xi32, #tpu.memory_space<hbm>>) dst(%arg8 : memref<250x80xi32, #tpu.memory_space<vmem>>)
      tpu.yield
    }) : () -> ()
    "tpu.region"() ({
      %run_scoped3A = tpu.sem_alloc : memref<!tpu.dma_semaphore, #tpu.memory_space<semaphore_mem>>
      %dma_start3A_348 = arith.constant 0 : i32
      %dma_start3A_349 = arith.constant 0 : i32
      %dma_start3A_350 = tpu.memref_slice %arg4[%arg1, %dma_start3A_348, %dma_start3A_349] : memref<16x250x80xi32, #tpu.memory_space<hbm>> -> memref<1x250x80xi32, #tpu.memory_space<hbm>>
      %dma_start3A_351 = tpu.memref_squeeze %dma_start3A_350 : memref<1x250x80xi32, #tpu.memory_space<hbm>> -> memref<250x80xi32, #tpu.memory_space<hbm>>
      %dma_start3A_352 = arith.constant 0 : i32
      %dma_start3A_353 = arith.constant 0 : i32
      %dma_start3A_354 = tpu.memref_slice %arg4[%arg1, %dma_start3A_352, %dma_start3A_353] : memref<16x250x80xi32, #tpu.memory_space<hbm>> -> memref<1x250x80xi32, #tpu.memory_space<hbm>>
      %dma_start3A_355 = tpu.memref_squeeze %dma_start3A_354 : memref<1x250x80xi32, #tpu.memory_space<hbm>> -> memref<250x80xi32, #tpu.memory_space<hbm>>
      tpu.enqueue_dma source(%dma_start3A_355 : memref<250x80xi32, #tpu.memory_space<hbm>>) target(%arg9 : memref<250x80xi32, #tpu.memory_space<vmem>>) target_semaphore(%run_scoped3A : memref<!tpu.dma_semaphore, #tpu.memory_space<semaphore_mem>>)
      %dma_wait3A_356 = arith.constant 0 : i32
      %dma_wait3A_357 = arith.constant 0 : i32
      %dma_wait3A_358 = tpu.memref_slice %arg4[%arg1, %dma_wait3A_356, %dma_wait3A_357] : memref<16x250x80xi32, #tpu.memory_space<hbm>> -> memref<1x250x80xi32, #tpu.memory_space<hbm>>
      %dma_wait3A_359 = tpu.memref_squeeze %dma_wait3A_358 : memref<1x250x80xi32, #tpu.memory_space<hbm>> -> memref<250x80xi32, #tpu.memory_space<hbm>>
      %dma_wait3A_360 = arith.constant 0 : i32
      %dma_wait3A_361 = arith.constant 0 : i32
      %dma_wait3A_362 = tpu.memref_slice %arg4[%arg1, %dma_wait3A_360, %dma_wait3A_361] : memref<16x250x80xi32, #tpu.memory_space<hbm>> -> memref<1x250x80xi32, #tpu.memory_space<hbm>>
      %dma_wait3A_363 = tpu.memref_squeeze %dma_wait3A_362 : memref<1x250x80xi32, #tpu.memory_space<hbm>> -> memref<250x80xi32, #tpu.memory_space<hbm>>
      tpu.wait_dma2 semaphore(%run_scoped3A : memref<!tpu.dma_semaphore, #tpu.memory_space<semaphore_mem>>) src(%dma_wait3A_363 : memref<250x80xi32, #tpu.memory_space<hbm>>) dst(%arg9 : memref<250x80xi32, #tpu.memory_space<vmem>>)
      tpu.yield
    }) : () -> ()
    "tpu.region"() ({
      %run_scoped3A = tpu.sem_alloc : memref<!tpu.dma_semaphore, #tpu.memory_space<semaphore_mem>>
      %dma_start3A_348 = arith.constant 0 : i32
      %dma_start3A_349 = tpu.memref_slice %arg5[%arg0, %dma_start3A_348] : memref<2x64xf32, #tpu.memory_space<hbm>> -> memref<1x64xf32, #tpu.memory_space<hbm>>
      %dma_start3A_350 = tpu.memref_squeeze %dma_start3A_349 : memref<1x64xf32, #tpu.memory_space<hbm>> -> memref<64xf32, #tpu.memory_space<hbm>>
      %dma_start3A_351 = arith.constant 0 : i32
      %dma_start3A_352 = tpu.memref_slice %arg5[%arg0, %dma_start3A_351] : memref<2x64xf32, #tpu.memory_space<hbm>> -> memref<1x64xf32, #tpu.memory_space<hbm>>
      %dma_start3A_353 = tpu.memref_squeeze %dma_start3A_352 : memref<1x64xf32, #tpu.memory_space<hbm>> -> memref<64xf32, #tpu.memory_space<hbm>>
      tpu.enqueue_dma source(%dma_start3A_353 : memref<64xf32, #tpu.memory_space<hbm>>) target(%arg17 : memref<64xf32, #tpu.memory_space<vmem>>) target_semaphore(%run_scoped3A : memref<!tpu.dma_semaphore, #tpu.memory_space<semaphore_mem>>)
      %dma_wait3A_354 = arith.constant 0 : i32
      %dma_wait3A_355 = tpu.memref_slice %arg5[%arg0, %dma_wait3A_354] : memref<2x64xf32, #tpu.memory_space<hbm>> -> memref<1x64xf32, #tpu.memory_space<hbm>>
      %dma_wait3A_356 = tpu.memref_squeeze %dma_wait3A_355 : memref<1x64xf32, #tpu.memory_space<hbm>> -> memref<64xf32, #tpu.memory_space<hbm>>
      %dma_wait3A_357 = arith.constant 0 : i32
      %dma_wait3A_358 = tpu.memref_slice %arg5[%arg0, %dma_wait3A_357] : memref<2x64xf32, #tpu.memory_space<hbm>> -> memref<1x64xf32, #tpu.memory_space<hbm>>
      %dma_wait3A_359 = tpu.memref_squeeze %dma_wait3A_358 : memref<1x64xf32, #tpu.memory_space<hbm>> -> memref<64xf32, #tpu.memory_space<hbm>>
      tpu.wait_dma2 semaphore(%run_scoped3A : memref<!tpu.dma_semaphore, #tpu.memory_space<semaphore_mem>>) src(%dma_wait3A_359 : memref<64xf32, #tpu.memory_space<hbm>>) dst(%arg17 : memref<64xf32, #tpu.memory_space<vmem>>)
      tpu.yield
    }) : () -> ()
    "tpu.region"() ({
      %run_scoped3A = tpu.sem_alloc : memref<!tpu.dma_semaphore, #tpu.memory_space<semaphore_mem>>
      %dma_start3A_348 = arith.constant 0 : i32
      %dma_start3A_349 = tpu.memref_slice %arg6[%arg0, %dma_start3A_348] : memref<2x64xf32, #tpu.memory_space<hbm>> -> memref<1x64xf32, #tpu.memory_space<hbm>>
      %dma_start3A_350 = tpu.memref_squeeze %dma_start3A_349 : memref<1x64xf32, #tpu.memory_space<hbm>> -> memref<64xf32, #tpu.memory_space<hbm>>
      %dma_start3A_351 = arith.constant 0 : i32
      %dma_start3A_352 = tpu.memref_slice %arg6[%arg0, %dma_start3A_351] : memref<2x64xf32, #tpu.memory_space<hbm>> -> memref<1x64xf32, #tpu.memory_space<hbm>>
      %dma_start3A_353 = tpu.memref_squeeze %dma_start3A_352 : memref<1x64xf32, #tpu.memory_space<hbm>> -> memref<64xf32, #tpu.memory_space<hbm>>
      tpu.enqueue_dma source(%dma_start3A_353 : memref<64xf32, #tpu.memory_space<hbm>>) target(%arg18 : memref<64xf32, #tpu.memory_space<vmem>>) target_semaphore(%run_scoped3A : memref<!tpu.dma_semaphore, #tpu.memory_space<semaphore_mem>>)
      %dma_wait3A_354 = arith.constant 0 : i32
      %dma_wait3A_355 = tpu.memref_slice %arg6[%arg0, %dma_wait3A_354] : memref<2x64xf32, #tpu.memory_space<hbm>> -> memref<1x64xf32, #tpu.memory_space<hbm>>
      %dma_wait3A_356 = tpu.memref_squeeze %dma_wait3A_355 : memref<1x64xf32, #tpu.memory_space<hbm>> -> memref<64xf32, #tpu.memory_space<hbm>>
      %dma_wait3A_357 = arith.constant 0 : i32
      %dma_wait3A_358 = tpu.memref_slice %arg6[%arg0, %dma_wait3A_357] : memref<2x64xf32, #tpu.memory_space<hbm>> -> memref<1x64xf32, #tpu.memory_space<hbm>>
      %dma_wait3A_359 = tpu.memref_squeeze %dma_wait3A_358 : memref<1x64xf32, #tpu.memory_space<hbm>> -> memref<64xf32, #tpu.memory_space<hbm>>
      tpu.wait_dma2 semaphore(%run_scoped3A : memref<!tpu.dma_semaphore, #tpu.memory_space<semaphore_mem>>) src(%dma_wait3A_359 : memref<64xf32, #tpu.memory_space<hbm>>) dst(%arg18 : memref<64xf32, #tpu.memory_space<vmem>>)
      tpu.yield
    }) : () -> ()
    %scan3A = arith.constant 0 : i32
    %scan3A_0 = arith.constant 0 : i32
    %scan3A_1 = arith.constant 125 : i32
    %scan3A_2 = arith.addi %scan3A_0, %scan3A_1 : i32
    %scan3A_3 = arith.constant 1 : i32
    scf.for %scan3A_348 = %scan3A_0 to %scan3A_2 step %scan3A_3  : i32 {
      %broadcast_in_dim3A = arith.constant 0.000000e+00 : f32
      %broadcast_in_dim3A_349 = vector.broadcast %broadcast_in_dim3A : f32 to vector<16xf32>
      %swap3A = arith.index_cast %scan3A_348 : i32 to index
      %swap3A_350 = arith.constant 0 : index
      %swap3A_351 = tpu.vector_load %arg15[%swap3A, %swap3A_350] {strides = array<i32>} : memref<125x64xf32, #tpu.memory_space<vmem>>, vector<1x16xf32>,
      %swap3A_352 = vector.shape_cast %swap3A_351 : vector<1x16xf32> to vector<16xf32>
      %swap3A_353 = vector.shape_cast %broadcast_in_dim3A_349 : vector<16xf32> to vector<1x16xf32>
      tpu.vector_store %arg15[%swap3A, %swap3A_350], %swap3A_353 {strides = array<i32>} : memref<125x64xf32, #tpu.memory_space<vmem>>, vector<1x16xf32>,
      %broadcast_in_dim3A_354 = arith.constant 0.000000e+00 : f32
      %broadcast_in_dim3A_355 = vector.broadcast %broadcast_in_dim3A_354 : f32 to vector<16xf32>
      %swap3A_356 = arith.index_cast %scan3A_348 : i32 to index
      %swap3A_357 = arith.constant 16 : index
      %swap3A_358 = tpu.vector_load %arg15[%swap3A_356, %swap3A_357] {strides = array<i32>} : memref<125x64xf32, #tpu.memory_space<vmem>>, vector<1x16xf32>,
      %swap3A_359 = vector.shape_cast %swap3A_358 : vector<1x16xf32> to vector<16xf32>
      %swap3A_360 = vector.shape_cast %broadcast_in_dim3A_355 : vector<16xf32> to vector<1x16xf32>
      tpu.vector_store %arg15[%swap3A_356, %swap3A_357], %swap3A_360 {strides = array<i32>} : memref<125x64xf32, #tpu.memory_space<vmem>>, vector<1x16xf32>,
      %broadcast_in_dim3A_361 = arith.constant 0.000000e+00 : f32
      %broadcast_in_dim3A_362 = vector.broadcast %broadcast_in_dim3A_361 : f32 to vector<16xf32>
      %swap3A_363 = arith.index_cast %scan3A_348 : i32 to index
      %swap3A_364 = arith.constant 32 : index
      %swap3A_365 = tpu.vector_load %arg15[%swap3A_363, %swap3A_364] {strides = array<i32>} : memref<125x64xf32, #tpu.memory_space<vmem>>, vector<1x16xf32>,
      %swap3A_366 = vector.shape_cast %swap3A_365 : vector<1x16xf32> to vector<16xf32>
      %swap3A_367 = vector.shape_cast %broadcast_in_dim3A_362 : vector<16xf32> to vector<1x16xf32>
      tpu.vector_store %arg15[%swap3A_363, %swap3A_364], %swap3A_367 {strides = array<i32>} : memref<125x64xf32, #tpu.memory_space<vmem>>, vector<1x16xf32>,
      %broadcast_in_dim3A_368 = arith.constant 0.000000e+00 : f32
      %broadcast_in_dim3A_369 = vector.broadcast %broadcast_in_dim3A_368 : f32 to vector<16xf32>
      %swap3A_370 = arith.index_cast %scan3A_348 : i32 to index
      %swap3A_371 = arith.constant 48 : index
      %swap3A_372 = tpu.vector_load %arg15[%swap3A_370, %swap3A_371] {strides = array<i32>} : memref<125x64xf32, #tpu.memory_space<vmem>>, vector<1x16xf32>,
      %swap3A_373 = vector.shape_cast %swap3A_372 : vector<1x16xf32> to vector<16xf32>
      %swap3A_374 = vector.shape_cast %broadcast_in_dim3A_369 : vector<16xf32> to vector<1x16xf32>
      tpu.vector_store %arg15[%swap3A_370, %swap3A_371], %swap3A_374 {strides = array<i32>} : memref<125x64xf32, #tpu.memory_space<vmem>>, vector<1x16xf32>,
    }
    %scan3A_4 = arith.constant 125 : i32
    %mul3A = arith.constant 625 : i32
    %mul3A_5 = arith.muli %arg1, %mul3A : i32
    %add3A = arith.constant 0 : i32
    %add3A_6 = arith.addi %mul3A_5, %add3A : i32
    %dma_start3A = arith.constant 0 : i32
    %dma_start3A_7 = tpu.memref_slice %arg19[%add3A_6, %dma_start3A] : memref<10000x64xf32, #tpu.memory_space<vmem_shared>> -> memref<125x64xf32, #tpu.memory_space<vmem_shared>>
    %dma_start3A_8 = arith.constant 0 : i32
    %dma_start3A_9 = tpu.memref_slice %arg19[%add3A_6, %dma_start3A_8] : memref<10000x64xf32, #tpu.memory_space<vmem_shared>> -> memref<125x64xf32, #tpu.memory_space<vmem_shared>>
    tpu.enqueue_dma source(%arg15 : memref<125x64xf32, #tpu.memory_space<vmem>>) target(%dma_start3A_9 : memref<125x64xf32, #tpu.memory_space<vmem_shared>>) target_semaphore(%arg30 : memref<!tpu.dma_semaphore, #tpu.memory_space<semaphore_mem>>)
    %mul3A_10 = arith.constant 625 : i32
    %mul3A_11 = arith.muli %arg1, %mul3A_10 : i32
    %add3A_12 = arith.constant 125 : i32
    %add3A_13 = arith.addi %mul3A_11, %add3A_12 : i32
    %dma_start3A_14 = arith.constant 0 : i32
    %dma_start3A_15 = tpu.memref_slice %arg19[%add3A_13, %dma_start3A_14] : memref<10000x64xf32, #tpu.memory_space<vmem_shared>> -> memref<125x64xf32, #tpu.memory_space<vmem_shared>>
    %dma_start3A_16 = arith.constant 0 : i32
    %dma_start3A_17 = tpu.memref_slice %arg19[%add3A_13, %dma_start3A_16] : memref<10000x64xf32, #tpu.memory_space<vmem_shared>> -> memref<125x64xf32, #tpu.memory_space<vmem_shared>>
    tpu.enqueue_dma source(%arg15 : memref<125x64xf32, #tpu.memory_space<vmem>>) target(%dma_start3A_17 : memref<125x64xf32, #tpu.memory_space<vmem_shared>>) target_semaphore(%arg30 : memref<!tpu.dma_semaphore, #tpu.memory_space<semaphore_mem>>)
    %mul3A_18 = arith.constant 625 : i32
    %mul3A_19 = arith.muli %arg1, %mul3A_18 : i32
    %add3A_20 = arith.constant 250 : i32
    %add3A_21 = arith.addi %mul3A_19, %add3A_20 : i32
    %dma_start3A_22 = arith.constant 0 : i32
    %dma_start3A_23 = tpu.memref_slice %arg19[%add3A_21, %dma_start3A_22] : memref<10000x64xf32, #tpu.memory_space<vmem_shared>> -> memref<125x64xf32, #tpu.memory_space<vmem_shared>>
    %dma_start3A_24 = arith.constant 0 : i32
    %dma_start3A_25 = tpu.memref_slice %arg19[%add3A_21, %dma_start3A_24] : memref<10000x64xf32, #tpu.memory_space<vmem_shared>> -> memref<125x64xf32, #tpu.memory_space<vmem_shared>>
    tpu.enqueue_dma source(%arg15 : memref<125x64xf32, #tpu.memory_space<vmem>>) target(%dma_start3A_25 : memref<125x64xf32, #tpu.memory_space<vmem_shared>>) target_semaphore(%arg30 : memref<!tpu.dma_semaphore, #tpu.memory_space<semaphore_mem>>)
    %mul3A_26 = arith.constant 625 : i32
    %mul3A_27 = arith.muli %arg1, %mul3A_26 : i32
    %add3A_28 = arith.constant 375 : i32
    %add3A_29 = arith.addi %mul3A_27, %add3A_28 : i32
    %dma_start3A_30 = arith.constant 0 : i32
    %dma_start3A_31 = tpu.memref_slice %arg19[%add3A_29, %dma_start3A_30] : memref<10000x64xf32, #tpu.memory_space<vmem_shared>> -> memref<125x64xf32, #tpu.memory_space<vmem_shared>>
    %dma_start3A_32 = arith.constant 0 : i32
    %dma_start3A_33 = tpu.memref_slice %arg19[%add3A_29, %dma_start3A_32] : memref<10000x64xf32, #tpu.memory_space<vmem_shared>> -> memref<125x64xf32, #tpu.memory_space<vmem_shared>>
    tpu.enqueue_dma source(%arg15 : memref<125x64xf32, #tpu.memory_space<vmem>>) target(%dma_start3A_33 : memref<125x64xf32, #tpu.memory_space<vmem_shared>>) target_semaphore(%arg30 : memref<!tpu.dma_semaphore, #tpu.memory_space<semaphore_mem>>)
    %mul3A_34 = arith.constant 625 : i32
    %mul3A_35 = arith.muli %arg1, %mul3A_34 : i32
    %add3A_36 = arith.constant 500 : i32
    %add3A_37 = arith.addi %mul3A_35, %add3A_36 : i32
    %dma_start3A_38 = arith.constant 0 : i32
    %dma_start3A_39 = tpu.memref_slice %arg19[%add3A_37, %dma_start3A_38] : memref<10000x64xf32, #tpu.memory_space<vmem_shared>> -> memref<125x64xf32, #tpu.memory_space<vmem_shared>>
    %dma_start3A_40 = arith.constant 0 : i32
    %dma_start3A_41 = tpu.memref_slice %arg19[%add3A_37, %dma_start3A_40] : memref<10000x64xf32, #tpu.memory_space<vmem_shared>> -> memref<125x64xf32, #tpu.memory_space<vmem_shared>>
    tpu.enqueue_dma source(%arg15 : memref<125x64xf32, #tpu.memory_space<vmem>>) target(%dma_start3A_41 : memref<125x64xf32, #tpu.memory_space<vmem_shared>>) target_semaphore(%arg30 : memref<!tpu.dma_semaphore, #tpu.memory_space<semaphore_mem>>)
    %mul3A_42 = arith.constant 625 : i32
    %mul3A_43 = arith.muli %arg1, %mul3A_42 : i32
    %add3A_44 = arith.constant 0 : i32
    %add3A_45 = arith.addi %mul3A_43, %add3A_44 : i32
    %dma_wait3A = arith.constant 0 : i32
    %dma_wait3A_46 = tpu.memref_slice %arg19[%add3A_45, %dma_wait3A] : memref<10000x64xf32, #tpu.memory_space<vmem_shared>> -> memref<125x64xf32, #tpu.memory_space<vmem_shared>>
    %dma_wait3A_47 = arith.constant 0 : i32
    %dma_wait3A_48 = tpu.memref_slice %arg19[%add3A_45, %dma_wait3A_47] : memref<10000x64xf32, #tpu.memory_space<vmem_shared>> -> memref<125x64xf32, #tpu.memory_space<vmem_shared>>
    tpu.wait_dma2 semaphore(%arg30 : memref<!tpu.dma_semaphore, #tpu.memory_space<semaphore_mem>>) src(%arg15 : memref<125x64xf32, #tpu.memory_space<vmem>>) dst(%dma_wait3A_48 : memref<125x64xf32, #tpu.memory_space<vmem_shared>>)
    %mul3A_49 = arith.constant 625 : i32
    %mul3A_50 = arith.muli %arg1, %mul3A_49 : i32
    %add3A_51 = arith.constant 125 : i32
    %add3A_52 = arith.addi %mul3A_50, %add3A_51 : i32
    %dma_wait3A_53 = arith.constant 0 : i32
    %dma_wait3A_54 = tpu.memref_slice %arg19[%add3A_52, %dma_wait3A_53] : memref<10000x64xf32, #tpu.memory_space<vmem_shared>> -> memref<125x64xf32, #tpu.memory_space<vmem_shared>>
    %dma_wait3A_55 = arith.constant 0 : i32
    %dma_wait3A_56 = tpu.memref_slice %arg19[%add3A_52, %dma_wait3A_55] : memref<10000x64xf32, #tpu.memory_space<vmem_shared>> -> memref<125x64xf32, #tpu.memory_space<vmem_shared>>
    tpu.wait_dma2 semaphore(%arg30 : memref<!tpu.dma_semaphore, #tpu.memory_space<semaphore_mem>>) src(%arg15 : memref<125x64xf32, #tpu.memory_space<vmem>>) dst(%dma_wait3A_56 : memref<125x64xf32, #tpu.memory_space<vmem_shared>>)
    %mul3A_57 = arith.constant 625 : i32
    %mul3A_58 = arith.muli %arg1, %mul3A_57 : i32
    %add3A_59 = arith.constant 250 : i32
    %add3A_60 = arith.addi %mul3A_58, %add3A_59 : i32
    %dma_wait3A_61 = arith.constant 0 : i32
    %dma_wait3A_62 = tpu.memref_slice %arg19[%add3A_60, %dma_wait3A_61] : memref<10000x64xf32, #tpu.memory_space<vmem_shared>> -> memref<125x64xf32, #tpu.memory_space<vmem_shared>>
    %dma_wait3A_63 = arith.constant 0 : i32
    %dma_wait3A_64 = tpu.memref_slice %arg19[%add3A_60, %dma_wait3A_63] : memref<10000x64xf32, #tpu.memory_space<vmem_shared>> -> memref<125x64xf32, #tpu.memory_space<vmem_shared>>
    tpu.wait_dma2 semaphore(%arg30 : memref<!tpu.dma_semaphore, #tpu.memory_space<semaphore_mem>>) src(%arg15 : memref<125x64xf32, #tpu.memory_space<vmem>>) dst(%dma_wait3A_64 : memref<125x64xf32, #tpu.memory_space<vmem_shared>>)
    %mul3A_65 = arith.constant 625 : i32
    %mul3A_66 = arith.muli %arg1, %mul3A_65 : i32
    %add3A_67 = arith.constant 375 : i32
    %add3A_68 = arith.addi %mul3A_66, %add3A_67 : i32
    %dma_wait3A_69 = arith.constant 0 : i32
    %dma_wait3A_70 = tpu.memref_slice %arg19[%add3A_68, %dma_wait3A_69] : memref<10000x64xf32, #tpu.memory_space<vmem_shared>> -> memref<125x64xf32, #tpu.memory_space<vmem_shared>>
    %dma_wait3A_71 = arith.constant 0 : i32
    %dma_wait3A_72 = tpu.memref_slice %arg19[%add3A_68, %dma_wait3A_71] : memref<10000x64xf32, #tpu.memory_space<vmem_shared>> -> memref<125x64xf32, #tpu.memory_space<vmem_shared>>
    tpu.wait_dma2 semaphore(%arg30 : memref<!tpu.dma_semaphore, #tpu.memory_space<semaphore_mem>>) src(%arg15 : memref<125x64xf32, #tpu.memory_space<vmem>>) dst(%dma_wait3A_72 : memref<125x64xf32, #tpu.memory_space<vmem_shared>>)
    %mul3A_73 = arith.constant 625 : i32
    %mul3A_74 = arith.muli %arg1, %mul3A_73 : i32
    %add3A_75 = arith.constant 500 : i32
    %add3A_76 = arith.addi %mul3A_74, %add3A_75 : i32
    %dma_wait3A_77 = arith.constant 0 : i32
    %dma_wait3A_78 = tpu.memref_slice %arg19[%add3A_76, %dma_wait3A_77] : memref<10000x64xf32, #tpu.memory_space<vmem_shared>> -> memref<125x64xf32, #tpu.memory_space<vmem_shared>>
    %dma_wait3A_79 = arith.constant 0 : i32
    %dma_wait3A_80 = tpu.memref_slice %arg19[%add3A_76, %dma_wait3A_79] : memref<10000x64xf32, #tpu.memory_space<vmem_shared>> -> memref<125x64xf32, #tpu.memory_space<vmem_shared>>
    tpu.wait_dma2 semaphore(%arg30 : memref<!tpu.dma_semaphore, #tpu.memory_space<semaphore_mem>>) src(%arg15 : memref<125x64xf32, #tpu.memory_space<vmem>>) dst(%dma_wait3A_80 : memref<125x64xf32, #tpu.memory_space<vmem_shared>>)
    %barrier3A = arith.constant 0 : index
    tpu.barrier barrier_id(%barrier3A)
    %dma_start3A_81 = arith.constant 0 : i32
    %dma_start3A_82 = arith.constant 0 : i32
    %dma_start3A_83 = tpu.memref_slice %arg8[%dma_start3A_81, %dma_start3A_82] : memref<250x80xi32, #tpu.memory_space<vmem>> -> memref<1x80xi32, #tpu.memory_space<vmem>>
    %dma_start3A_84 = tpu.memref_squeeze %dma_start3A_83 : memref<1x80xi32, #tpu.memory_space<vmem>> -> memref<80xi32, #tpu.memory_space<vmem>>
    %dma_start3A_85 = arith.constant 0 : i32
    %dma_start3A_86 = arith.constant 0 : i32
    %dma_start3A_87 = tpu.memref_slice %arg2[%dma_start3A_85, %dma_start3A_86] : memref<20000x64xf32, #tpu.memory_space<hbm>> -> memref<20000x64xf32, #tpu.memory_space<hbm>>
    tpu.enqueue_indirect_dma source(%dma_start3A_87 : memref<20000x64xf32, #tpu.memory_space<hbm>>) target(%arg10 : memref<80x64xf32, #tpu.memory_space<vmem>>) offsets(%dma_start3A_84 : memref<80xi32, #tpu.memory_space<vmem>>) semaphore(%arg20 : memref<!tpu.dma_semaphore, #tpu.memory_space<semaphore_mem>>)
    %dma_start3A_88 = arith.constant 1 : i32
    %dma_start3A_89 = arith.constant 0 : i32
    %dma_start3A_90 = tpu.memref_slice %arg8[%dma_start3A_88, %dma_start3A_89] : memref<250x80xi32, #tpu.memory_space<vmem>> -> memref<1x80xi32, #tpu.memory_space<vmem>>
    %dma_start3A_91 = tpu.memref_squeeze %dma_start3A_90 : memref<1x80xi32, #tpu.memory_space<vmem>> -> memref<80xi32, #tpu.memory_space<vmem>>
    %dma_start3A_92 = arith.constant 0 : i32
    %dma_start3A_93 = arith.constant 0 : i32
    %dma_start3A_94 = tpu.memref_slice %arg2[%dma_start3A_92, %dma_start3A_93] : memref<20000x64xf32, #tpu.memory_space<hbm>> -> memref<20000x64xf32, #tpu.memory_space<hbm>>
    tpu.enqueue_indirect_dma source(%dma_start3A_94 : memref<20000x64xf32, #tpu.memory_space<hbm>>) target(%arg11 : memref<80x64xf32, #tpu.memory_space<vmem>>) offsets(%dma_start3A_91 : memref<80xi32, #tpu.memory_space<vmem>>) semaphore(%arg21 : memref<!tpu.dma_semaphore, #tpu.memory_space<semaphore_mem>>)
    %dma_start3A_95 = arith.constant 2 : i32
    %dma_start3A_96 = arith.constant 0 : i32
    %dma_start3A_97 = tpu.memref_slice %arg8[%dma_start3A_95, %dma_start3A_96] : memref<250x80xi32, #tpu.memory_space<vmem>> -> memref<1x80xi32, #tpu.memory_space<vmem>>
    %dma_start3A_98 = tpu.memref_squeeze %dma_start3A_97 : memref<1x80xi32, #tpu.memory_space<vmem>> -> memref<80xi32, #tpu.memory_space<vmem>>
    %dma_start3A_99 = arith.constant 0 : i32
    %dma_start3A_100 = arith.constant 0 : i32
    %dma_start3A_101 = tpu.memref_slice %arg2[%dma_start3A_99, %dma_start3A_100] : memref<20000x64xf32, #tpu.memory_space<hbm>> -> memref<20000x64xf32, #tpu.memory_space<hbm>>
    tpu.enqueue_indirect_dma source(%dma_start3A_101 : memref<20000x64xf32, #tpu.memory_space<hbm>>) target(%arg12 : memref<80x64xf32, #tpu.memory_space<vmem>>) offsets(%dma_start3A_98 : memref<80xi32, #tpu.memory_space<vmem>>) semaphore(%arg22 : memref<!tpu.dma_semaphore, #tpu.memory_space<semaphore_mem>>)
    %dma_start3A_102 = arith.constant 3 : i32
    %dma_start3A_103 = arith.constant 0 : i32
    %dma_start3A_104 = tpu.memref_slice %arg8[%dma_start3A_102, %dma_start3A_103] : memref<250x80xi32, #tpu.memory_space<vmem>> -> memref<1x80xi32, #tpu.memory_space<vmem>>
    %dma_start3A_105 = tpu.memref_squeeze %dma_start3A_104 : memref<1x80xi32, #tpu.memory_space<vmem>> -> memref<80xi32, #tpu.memory_space<vmem>>
    %dma_start3A_106 = arith.constant 0 : i32
    %dma_start3A_107 = arith.constant 0 : i32
    %dma_start3A_108 = tpu.memref_slice %arg2[%dma_start3A_106, %dma_start3A_107] : memref<20000x64xf32, #tpu.memory_space<hbm>> -> memref<20000x64xf32, #tpu.memory_space<hbm>>
    tpu.enqueue_indirect_dma source(%dma_start3A_108 : memref<20000x64xf32, #tpu.memory_space<hbm>>) target(%arg13 : memref<80x64xf32, #tpu.memory_space<vmem>>) offsets(%dma_start3A_105 : memref<80xi32, #tpu.memory_space<vmem>>) semaphore(%arg23 : memref<!tpu.dma_semaphore, #tpu.memory_space<semaphore_mem>>)
    %dma_start3A_109 = arith.constant 4 : i32
    %dma_start3A_110 = arith.constant 0 : i32
    %dma_start3A_111 = tpu.memref_slice %arg8[%dma_start3A_109, %dma_start3A_110] : memref<250x80xi32, #tpu.memory_space<vmem>> -> memref<1x80xi32, #tpu.memory_space<vmem>>
    %dma_start3A_112 = tpu.memref_squeeze %dma_start3A_111 : memref<1x80xi32, #tpu.memory_space<vmem>> -> memref<80xi32, #tpu.memory_space<vmem>>
    %dma_start3A_113 = arith.constant 0 : i32
    %dma_start3A_114 = arith.constant 0 : i32
    %dma_start3A_115 = tpu.memref_slice %arg2[%dma_start3A_113, %dma_start3A_114] : memref<20000x64xf32, #tpu.memory_space<hbm>> -> memref<20000x64xf32, #tpu.memory_space<hbm>>
    tpu.enqueue_indirect_dma source(%dma_start3A_115 : memref<20000x64xf32, #tpu.memory_space<hbm>>) target(%arg14 : memref<80x64xf32, #tpu.memory_space<vmem>>) offsets(%dma_start3A_112 : memref<80xi32, #tpu.memory_space<vmem>>) semaphore(%arg24 : memref<!tpu.dma_semaphore, #tpu.memory_space<semaphore_mem>>)
    %scan3A_116 = arith.constant 0 : i32
    %scan3A_117 = arith.constant 0 : i32
    %scan3A_118 = arith.constant 50 : i32
    %scan3A_119 = arith.addi %scan3A_117, %scan3A_118 : i32
    %scan3A_120 = arith.constant 1 : i32
    scf.for %scan3A_348 = %scan3A_117 to %scan3A_119 step %scan3A_120  : i32 {
      %mul3A_349 = arith.constant 5 : i32
      %mul3A_350 = arith.muli %mul3A_349, %scan3A_348 : i32
      %add3A_351 = arith.constant 0 : i32
      %add3A_352 = arith.addi %mul3A_350, %add3A_351 : i32
      %dma_wait3A_353 = arith.constant 0 : i32
      %dma_wait3A_354 = tpu.memref_slice %arg8[%add3A_352, %dma_wait3A_353] : memref<250x80xi32, #tpu.memory_space<vmem>> -> memref<1x80xi32, #tpu.memory_space<vmem>>
      %dma_wait3A_355 = tpu.memref_squeeze %dma_wait3A_354 : memref<1x80xi32, #tpu.memory_space<vmem>> -> memref<80xi32, #tpu.memory_space<vmem>>
      %dma_wait3A_356 = arith.constant 0 : i32
      %dma_wait3A_357 = arith.constant 0 : i32
      %dma_wait3A_358 = tpu.memref_slice %arg2[%dma_wait3A_356, %dma_wait3A_357] : memref<20000x64xf32, #tpu.memory_space<hbm>> -> memref<20000x64xf32, #tpu.memory_space<hbm>>
      tpu.wait_indirect_dma semaphore(%arg20 : memref<!tpu.dma_semaphore, #tpu.memory_space<semaphore_mem>>) src(%dma_wait3A_358 : memref<20000x64xf32, #tpu.memory_space<hbm>>) dst(%arg10 : memref<80x64xf32, #tpu.memory_space<vmem>>)
      %add3A_359 = arith.constant 0 : i32
      %add3A_360 = arith.addi %mul3A_350, %add3A_359 : i32
      %dma_start3A_361 = arith.constant 0 : i32
      %dma_start3A_362 = tpu.memref_slice %arg9[%add3A_360, %dma_start3A_361] : memref<250x80xi32, #tpu.memory_space<vmem>> -> memref<1x80xi32, #tpu.memory_space<vmem>>
      %dma_start3A_363 = tpu.memref_squeeze %dma_start3A_362 : memref<1x80xi32, #tpu.memory_space<vmem>> -> memref<80xi32, #tpu.memory_space<vmem>>
      %dma_start3A_364 = arith.constant 0 : i32
      %dma_start3A_365 = arith.constant 0 : i32
      %dma_start3A_366 = tpu.memref_slice %arg19[%dma_start3A_364, %dma_start3A_365] : memref<10000x64xf32, #tpu.memory_space<vmem_shared>> -> memref<10000x64xf32, #tpu.memory_space<vmem_shared>>
      tpu.enqueue_indirect_dma source(%arg10 : memref<80x64xf32, #tpu.memory_space<vmem>>) target(%dma_start3A_366 : memref<10000x64xf32, #tpu.memory_space<vmem_shared>>) offsets(%dma_start3A_363 : memref<80xi32, #tpu.memory_space<vmem>>) semaphore(%arg25 : memref<!tpu.dma_semaphore, #tpu.memory_space<semaphore_mem>>) {add = true}
      %add3A_367 = arith.constant 1 : i32
      %add3A_368 = arith.addi %mul3A_350, %add3A_367 : i32
      %dma_wait3A_369 = arith.constant 0 : i32
      %dma_wait3A_370 = tpu.memref_slice %arg8[%add3A_368, %dma_wait3A_369] : memref<250x80xi32, #tpu.memory_space<vmem>> -> memref<1x80xi32, #tpu.memory_space<vmem>>
      %dma_wait3A_371 = tpu.memref_squeeze %dma_wait3A_370 : memref<1x80xi32, #tpu.memory_space<vmem>> -> memref<80xi32, #tpu.memory_space<vmem>>
      %dma_wait3A_372 = arith.constant 0 : i32
      %dma_wait3A_373 = arith.constant 0 : i32
      %dma_wait3A_374 = tpu.memref_slice %arg2[%dma_wait3A_372, %dma_wait3A_373] : memref<20000x64xf32, #tpu.memory_space<hbm>> -> memref<20000x64xf32, #tpu.memory_space<hbm>>
      tpu.wait_indirect_dma semaphore(%arg21 : memref<!tpu.dma_semaphore, #tpu.memory_space<semaphore_mem>>) src(%dma_wait3A_374 : memref<20000x64xf32, #tpu.memory_space<hbm>>) dst(%arg11 : memref<80x64xf32, #tpu.memory_space<vmem>>)
      %add3A_375 = arith.constant 1 : i32
      %add3A_376 = arith.addi %mul3A_350, %add3A_375 : i32
      %dma_start3A_377 = arith.constant 0 : i32
      %dma_start3A_378 = tpu.memref_slice %arg9[%add3A_376, %dma_start3A_377] : memref<250x80xi32, #tpu.memory_space<vmem>> -> memref<1x80xi32, #tpu.memory_space<vmem>>
      %dma_start3A_379 = tpu.memref_squeeze %dma_start3A_378 : memref<1x80xi32, #tpu.memory_space<vmem>> -> memref<80xi32, #tpu.memory_space<vmem>>
      %dma_start3A_380 = arith.constant 0 : i32
      %dma_start3A_381 = arith.constant 0 : i32
      %dma_start3A_382 = tpu.memref_slice %arg19[%dma_start3A_380, %dma_start3A_381] : memref<10000x64xf32, #tpu.memory_space<vmem_shared>> -> memref<10000x64xf32, #tpu.memory_space<vmem_shared>>
      tpu.enqueue_indirect_dma source(%arg11 : memref<80x64xf32, #tpu.memory_space<vmem>>) target(%dma_start3A_382 : memref<10000x64xf32, #tpu.memory_space<vmem_shared>>) offsets(%dma_start3A_379 : memref<80xi32, #tpu.memory_space<vmem>>) semaphore(%arg26 : memref<!tpu.dma_semaphore, #tpu.memory_space<semaphore_mem>>) {add = true}
      %add3A_383 = arith.constant 2 : i32
      %add3A_384 = arith.addi %mul3A_350, %add3A_383 : i32
      %dma_wait3A_385 = arith.constant 0 : i32
      %dma_wait3A_386 = tpu.memref_slice %arg8[%add3A_384, %dma_wait3A_385] : memref<250x80xi32, #tpu.memory_space<vmem>> -> memref<1x80xi32, #tpu.memory_space<vmem>>
      %dma_wait3A_387 = tpu.memref_squeeze %dma_wait3A_386 : memref<1x80xi32, #tpu.memory_space<vmem>> -> memref<80xi32, #tpu.memory_space<vmem>>
      %dma_wait3A_388 = arith.constant 0 : i32
      %dma_wait3A_389 = arith.constant 0 : i32
      %dma_wait3A_390 = tpu.memref_slice %arg2[%dma_wait3A_388, %dma_wait3A_389] : memref<20000x64xf32, #tpu.memory_space<hbm>> -> memref<20000x64xf32, #tpu.memory_space<hbm>>
      tpu.wait_indirect_dma semaphore(%arg22 : memref<!tpu.dma_semaphore, #tpu.memory_space<semaphore_mem>>) src(%dma_wait3A_390 : memref<20000x64xf32, #tpu.memory_space<hbm>>) dst(%arg12 : memref<80x64xf32, #tpu.memory_space<vmem>>)
      %add3A_391 = arith.constant 2 : i32
      %add3A_392 = arith.addi %mul3A_350, %add3A_391 : i32
      %dma_start3A_393 = arith.constant 0 : i32
      %dma_start3A_394 = tpu.memref_slice %arg9[%add3A_392, %dma_start3A_393] : memref<250x80xi32, #tpu.memory_space<vmem>> -> memref<1x80xi32, #tpu.memory_space<vmem>>
      %dma_start3A_395 = tpu.memref_squeeze %dma_start3A_394 : memref<1x80xi32, #tpu.memory_space<vmem>> -> memref<80xi32, #tpu.memory_space<vmem>>
      %dma_start3A_396 = arith.constant 0 : i32
      %dma_start3A_397 = arith.constant 0 : i32
      %dma_start3A_398 = tpu.memref_slice %arg19[%dma_start3A_396, %dma_start3A_397] : memref<10000x64xf32, #tpu.memory_space<vmem_shared>> -> memref<10000x64xf32, #tpu.memory_space<vmem_shared>>
      tpu.enqueue_indirect_dma source(%arg12 : memref<80x64xf32, #tpu.memory_space<vmem>>) target(%dma_start3A_398 : memref<10000x64xf32, #tpu.memory_space<vmem_shared>>) offsets(%dma_start3A_395 : memref<80xi32, #tpu.memory_space<vmem>>) semaphore(%arg27 : memref<!tpu.dma_semaphore, #tpu.memory_space<semaphore_mem>>) {add = true}
      %add3A_399 = arith.constant 3 : i32
      %add3A_400 = arith.addi %mul3A_350, %add3A_399 : i32
      %dma_wait3A_401 = arith.constant 0 : i32
      %dma_wait3A_402 = tpu.memref_slice %arg8[%add3A_400, %dma_wait3A_401] : memref<250x80xi32, #tpu.memory_space<vmem>> -> memref<1x80xi32, #tpu.memory_space<vmem>>
      %dma_wait3A_403 = tpu.memref_squeeze %dma_wait3A_402 : memref<1x80xi32, #tpu.memory_space<vmem>> -> memref<80xi32, #tpu.memory_space<vmem>>
      %dma_wait3A_404 = arith.constant 0 : i32
      %dma_wait3A_405 = arith.constant 0 : i32
      %dma_wait3A_406 = tpu.memref_slice %arg2[%dma_wait3A_404, %dma_wait3A_405] : memref<20000x64xf32, #tpu.memory_space<hbm>> -> memref<20000x64xf32, #tpu.memory_space<hbm>>
      tpu.wait_indirect_dma semaphore(%arg23 : memref<!tpu.dma_semaphore, #tpu.memory_space<semaphore_mem>>) src(%dma_wait3A_406 : memref<20000x64xf32, #tpu.memory_space<hbm>>) dst(%arg13 : memref<80x64xf32, #tpu.memory_space<vmem>>)
      %add3A_407 = arith.constant 3 : i32
      %add3A_408 = arith.addi %mul3A_350, %add3A_407 : i32
      %dma_start3A_409 = arith.constant 0 : i32
      %dma_start3A_410 = tpu.memref_slice %arg9[%add3A_408, %dma_start3A_409] : memref<250x80xi32, #tpu.memory_space<vmem>> -> memref<1x80xi32, #tpu.memory_space<vmem>>
      %dma_start3A_411 = tpu.memref_squeeze %dma_start3A_410 : memref<1x80xi32, #tpu.memory_space<vmem>> -> memref<80xi32, #tpu.memory_space<vmem>>
      %dma_start3A_412 = arith.constant 0 : i32
      %dma_start3A_413 = arith.constant 0 : i32
      %dma_start3A_414 = tpu.memref_slice %arg19[%dma_start3A_412, %dma_start3A_413] : memref<10000x64xf32, #tpu.memory_space<vmem_shared>> -> memref<10000x64xf32, #tpu.memory_space<vmem_shared>>
      tpu.enqueue_indirect_dma source(%arg13 : memref<80x64xf32, #tpu.memory_space<vmem>>) target(%dma_start3A_414 : memref<10000x64xf32, #tpu.memory_space<vmem_shared>>) offsets(%dma_start3A_411 : memref<80xi32, #tpu.memory_space<vmem>>) semaphore(%arg28 : memref<!tpu.dma_semaphore, #tpu.memory_space<semaphore_mem>>) {add = true}
      %add3A_415 = arith.constant 4 : i32
      %add3A_416 = arith.addi %mul3A_350, %add3A_415 : i32
      %dma_wait3A_417 = arith.constant 0 : i32
      %dma_wait3A_418 = tpu.memref_slice %arg8[%add3A_416, %dma_wait3A_417] : memref<250x80xi32, #tpu.memory_space<vmem>> -> memref<1x80xi32, #tpu.memory_space<vmem>>
      %dma_wait3A_419 = tpu.memref_squeeze %dma_wait3A_418 : memref<1x80xi32, #tpu.memory_space<vmem>> -> memref<80xi32, #tpu.memory_space<vmem>>
      %dma_wait3A_420 = arith.constant 0 : i32
      %dma_wait3A_421 = arith.constant 0 : i32
      %dma_wait3A_422 = tpu.memref_slice %arg2[%dma_wait3A_420, %dma_wait3A_421] : memref<20000x64xf32, #tpu.memory_space<hbm>> -> memref<20000x64xf32, #tpu.memory_space<hbm>>
      tpu.wait_indirect_dma semaphore(%arg24 : memref<!tpu.dma_semaphore, #tpu.memory_space<semaphore_mem>>) src(%dma_wait3A_422 : memref<20000x64xf32, #tpu.memory_space<hbm>>) dst(%arg14 : memref<80x64xf32, #tpu.memory_space<vmem>>)
      %add3A_423 = arith.constant 4 : i32
      %add3A_424 = arith.addi %mul3A_350, %add3A_423 : i32
      %dma_start3A_425 = arith.constant 0 : i32
      %dma_start3A_426 = tpu.memref_slice %arg9[%add3A_424, %dma_start3A_425] : memref<250x80xi32, #tpu.memory_space<vmem>> -> memref<1x80xi32, #tpu.memory_space<vmem>>
      %dma_start3A_427 = tpu.memref_squeeze %dma_start3A_426 : memref<1x80xi32, #tpu.memory_space<vmem>> -> memref<80xi32, #tpu.memory_space<vmem>>
      %dma_start3A_428 = arith.constant 0 : i32
      %dma_start3A_429 = arith.constant 0 : i32
      %dma_start3A_430 = tpu.memref_slice %arg19[%dma_start3A_428, %dma_start3A_429] : memref<10000x64xf32, #tpu.memory_space<vmem_shared>> -> memref<10000x64xf32, #tpu.memory_space<vmem_shared>>
      tpu.enqueue_indirect_dma source(%arg14 : memref<80x64xf32, #tpu.memory_space<vmem>>) target(%dma_start3A_430 : memref<10000x64xf32, #tpu.memory_space<vmem_shared>>) offsets(%dma_start3A_427 : memref<80xi32, #tpu.memory_space<vmem>>) semaphore(%arg29 : memref<!tpu.dma_semaphore, #tpu.memory_space<semaphore_mem>>) {add = true}
      %add3A_431 = arith.constant 5 : i32
      %add3A_432 = arith.addi %mul3A_350, %add3A_431 : i32
      %min3A = arith.constant 245 : i32
      %min3A_433 = arith.minsi %add3A_432, %min3A : i32
      %add3A_434 = arith.constant 0 : i32
      %add3A_435 = arith.addi %mul3A_350, %add3A_434 : i32
      %dma_wait3A_436 = arith.constant 0 : i32
      %dma_wait3A_437 = tpu.memref_slice %arg9[%add3A_435, %dma_wait3A_436] : memref<250x80xi32, #tpu.memory_space<vmem>> -> memref<1x80xi32, #tpu.memory_space<vmem>>
      %dma_wait3A_438 = tpu.memref_squeeze %dma_wait3A_437 : memref<1x80xi32, #tpu.memory_space<vmem>> -> memref<80xi32, #tpu.memory_space<vmem>>
      %dma_wait3A_439 = arith.constant 0 : i32
      %dma_wait3A_440 = arith.constant 0 : i32
      %dma_wait3A_441 = tpu.memref_slice %arg19[%dma_wait3A_439, %dma_wait3A_440] : memref<10000x64xf32, #tpu.memory_space<vmem_shared>> -> memref<10000x64xf32, #tpu.memory_space<vmem_shared>>
      tpu.wait_indirect_dma semaphore(%arg25 : memref<!tpu.dma_semaphore, #tpu.memory_space<semaphore_mem>>) src(%arg10 : memref<80x64xf32, #tpu.memory_space<vmem>>) dst(%dma_wait3A_441 : memref<10000x64xf32, #tpu.memory_space<vmem_shared>>)
      %add3A_442 = arith.constant 0 : i32
      %add3A_443 = arith.addi %min3A_433, %add3A_442 : i32
      %dma_start3A_444 = arith.constant 0 : i32
      %dma_start3A_445 = tpu.memref_slice %arg8[%add3A_443, %dma_start3A_444] : memref<250x80xi32, #tpu.memory_space<vmem>> -> memref<1x80xi32, #tpu.memory_space<vmem>>
      %dma_start3A_446 = tpu.memref_squeeze %dma_start3A_445 : memref<1x80xi32, #tpu.memory_space<vmem>> -> memref<80xi32, #tpu.memory_space<vmem>>
      %dma_start3A_447 = arith.constant 0 : i32
      %dma_start3A_448 = arith.constant 0 : i32
      %dma_start3A_449 = tpu.memref_slice %arg2[%dma_start3A_447, %dma_start3A_448] : memref<20000x64xf32, #tpu.memory_space<hbm>> -> memref<20000x64xf32, #tpu.memory_space<hbm>>
      tpu.enqueue_indirect_dma source(%dma_start3A_449 : memref<20000x64xf32, #tpu.memory_space<hbm>>) target(%arg10 : memref<80x64xf32, #tpu.memory_space<vmem>>) offsets(%dma_start3A_446 : memref<80xi32, #tpu.memory_space<vmem>>) semaphore(%arg20 : memref<!tpu.dma_semaphore, #tpu.memory_space<semaphore_mem>>)
      %add3A_450 = arith.constant 1 : i32
      %add3A_451 = arith.addi %mul3A_350, %add3A_450 : i32
      %dma_wait3A_452 = arith.constant 0 : i32
      %dma_wait3A_453 = tpu.memref_slice %arg9[%add3A_451, %dma_wait3A_452] : memref<250x80xi32, #tpu.memory_space<vmem>> -> memref<1x80xi32, #tpu.memory_space<vmem>>
      %dma_wait3A_454 = tpu.memref_squeeze %dma_wait3A_453 : memref<1x80xi32, #tpu.memory_space<vmem>> -> memref<80xi32, #tpu.memory_space<vmem>>
      %dma_wait3A_455 = arith.constant 0 : i32
      %dma_wait3A_456 = arith.constant 0 : i32
      %dma_wait3A_457 = tpu.memref_slice %arg19[%dma_wait3A_455, %dma_wait3A_456] : memref<10000x64xf32, #tpu.memory_space<vmem_shared>> -> memref<10000x64xf32, #tpu.memory_space<vmem_shared>>
      tpu.wait_indirect_dma semaphore(%arg26 : memref<!tpu.dma_semaphore, #tpu.memory_space<semaphore_mem>>) src(%arg11 : memref<80x64xf32, #tpu.memory_space<vmem>>) dst(%dma_wait3A_457 : memref<10000x64xf32, #tpu.memory_space<vmem_shared>>)
      %add3A_458 = arith.constant 1 : i32
      %add3A_459 = arith.addi %min3A_433, %add3A_458 : i32
      %dma_start3A_460 = arith.constant 0 : i32
      %dma_start3A_461 = tpu.memref_slice %arg8[%add3A_459, %dma_start3A_460] : memref<250x80xi32, #tpu.memory_space<vmem>> -> memref<1x80xi32, #tpu.memory_space<vmem>>
      %dma_start3A_462 = tpu.memref_squeeze %dma_start3A_461 : memref<1x80xi32, #tpu.memory_space<vmem>> -> memref<80xi32, #tpu.memory_space<vmem>>
      %dma_start3A_463 = arith.constant 0 : i32
      %dma_start3A_464 = arith.constant 0 : i32
      %dma_start3A_465 = tpu.memref_slice %arg2[%dma_start3A_463, %dma_start3A_464] : memref<20000x64xf32, #tpu.memory_space<hbm>> -> memref<20000x64xf32, #tpu.memory_space<hbm>>
      tpu.enqueue_indirect_dma source(%dma_start3A_465 : memref<20000x64xf32, #tpu.memory_space<hbm>>) target(%arg11 : memref<80x64xf32, #tpu.memory_space<vmem>>) offsets(%dma_start3A_462 : memref<80xi32, #tpu.memory_space<vmem>>) semaphore(%arg21 : memref<!tpu.dma_semaphore, #tpu.memory_space<semaphore_mem>>)
      %add3A_466 = arith.constant 2 : i32
      %add3A_467 = arith.addi %mul3A_350, %add3A_466 : i32
      %dma_wait3A_468 = arith.constant 0 : i32
      %dma_wait3A_469 = tpu.memref_slice %arg9[%add3A_467, %dma_wait3A_468] : memref<250x80xi32, #tpu.memory_space<vmem>> -> memref<1x80xi32, #tpu.memory_space<vmem>>
      %dma_wait3A_470 = tpu.memref_squeeze %dma_wait3A_469 : memref<1x80xi32, #tpu.memory_space<vmem>> -> memref<80xi32, #tpu.memory_space<vmem>>
      %dma_wait3A_471 = arith.constant 0 : i32
      %dma_wait3A_472 = arith.constant 0 : i32
      %dma_wait3A_473 = tpu.memref_slice %arg19[%dma_wait3A_471, %dma_wait3A_472] : memref<10000x64xf32, #tpu.memory_space<vmem_shared>> -> memref<10000x64xf32, #tpu.memory_space<vmem_shared>>
      tpu.wait_indirect_dma semaphore(%arg27 : memref<!tpu.dma_semaphore, #tpu.memory_space<semaphore_mem>>) src(%arg12 : memref<80x64xf32, #tpu.memory_space<vmem>>) dst(%dma_wait3A_473 : memref<10000x64xf32, #tpu.memory_space<vmem_shared>>)
      %add3A_474 = arith.constant 2 : i32
      %add3A_475 = arith.addi %min3A_433, %add3A_474 : i32
      %dma_start3A_476 = arith.constant 0 : i32
      %dma_start3A_477 = tpu.memref_slice %arg8[%add3A_475, %dma_start3A_476] : memref<250x80xi32, #tpu.memory_space<vmem>> -> memref<1x80xi32, #tpu.memory_space<vmem>>
      %dma_start3A_478 = tpu.memref_squeeze %dma_start3A_477 : memref<1x80xi32, #tpu.memory_space<vmem>> -> memref<80xi32, #tpu.memory_space<vmem>>
      %dma_start3A_479 = arith.constant 0 : i32
      %dma_start3A_480 = arith.constant 0 : i32
      %dma_start3A_481 = tpu.memref_slice %arg2[%dma_start3A_479, %dma_start3A_480] : memref<20000x64xf32, #tpu.memory_space<hbm>> -> memref<20000x64xf32, #tpu.memory_space<hbm>>
      tpu.enqueue_indirect_dma source(%dma_start3A_481 : memref<20000x64xf32, #tpu.memory_space<hbm>>) target(%arg12 : memref<80x64xf32, #tpu.memory_space<vmem>>) offsets(%dma_start3A_478 : memref<80xi32, #tpu.memory_space<vmem>>) semaphore(%arg22 : memref<!tpu.dma_semaphore, #tpu.memory_space<semaphore_mem>>)
      %add3A_482 = arith.constant 3 : i32
      %add3A_483 = arith.addi %mul3A_350, %add3A_482 : i32
      %dma_wait3A_484 = arith.constant 0 : i32
      %dma_wait3A_485 = tpu.memref_slice %arg9[%add3A_483, %dma_wait3A_484] : memref<250x80xi32, #tpu.memory_space<vmem>> -> memref<1x80xi32, #tpu.memory_space<vmem>>
      %dma_wait3A_486 = tpu.memref_squeeze %dma_wait3A_485 : memref<1x80xi32, #tpu.memory_space<vmem>> -> memref<80xi32, #tpu.memory_space<vmem>>
      %dma_wait3A_487 = arith.constant 0 : i32
      %dma_wait3A_488 = arith.constant 0 : i32
      %dma_wait3A_489 = tpu.memref_slice %arg19[%dma_wait3A_487, %dma_wait3A_488] : memref<10000x64xf32, #tpu.memory_space<vmem_shared>> -> memref<10000x64xf32, #tpu.memory_space<vmem_shared>>
      tpu.wait_indirect_dma semaphore(%arg28 : memref<!tpu.dma_semaphore, #tpu.memory_space<semaphore_mem>>) src(%arg13 : memref<80x64xf32, #tpu.memory_space<vmem>>) dst(%dma_wait3A_489 : memref<10000x64xf32, #tpu.memory_space<vmem_shared>>)
      %add3A_490 = arith.constant 3 : i32
      %add3A_491 = arith.addi %min3A_433, %add3A_490 : i32
      %dma_start3A_492 = arith.constant 0 : i32
      %dma_start3A_493 = tpu.memref_slice %arg8[%add3A_491, %dma_start3A_492] : memref<250x80xi32, #tpu.memory_space<vmem>> -> memref<1x80xi32, #tpu.memory_space<vmem>>
      %dma_start3A_494 = tpu.memref_squeeze %dma_start3A_493 : memref<1x80xi32, #tpu.memory_space<vmem>> -> memref<80xi32, #tpu.memory_space<vmem>>
      %dma_start3A_495 = arith.constant 0 : i32
      %dma_start3A_496 = arith.constant 0 : i32
      %dma_start3A_497 = tpu.memref_slice %arg2[%dma_start3A_495, %dma_start3A_496] : memref<20000x64xf32, #tpu.memory_space<hbm>> -> memref<20000x64xf32, #tpu.memory_space<hbm>>
      tpu.enqueue_indirect_dma source(%dma_start3A_497 : memref<20000x64xf32, #tpu.memory_space<hbm>>) target(%arg13 : memref<80x64xf32, #tpu.memory_space<vmem>>) offsets(%dma_start3A_494 : memref<80xi32, #tpu.memory_space<vmem>>) semaphore(%arg23 : memref<!tpu.dma_semaphore, #tpu.memory_space<semaphore_mem>>)
      %add3A_498 = arith.constant 4 : i32
      %add3A_499 = arith.addi %mul3A_350, %add3A_498 : i32
      %dma_wait3A_500 = arith.constant 0 : i32
      %dma_wait3A_501 = tpu.memref_slice %arg9[%add3A_499, %dma_wait3A_500] : memref<250x80xi32, #tpu.memory_space<vmem>> -> memref<1x80xi32, #tpu.memory_space<vmem>>
      %dma_wait3A_502 = tpu.memref_squeeze %dma_wait3A_501 : memref<1x80xi32, #tpu.memory_space<vmem>> -> memref<80xi32, #tpu.memory_space<vmem>>
      %dma_wait3A_503 = arith.constant 0 : i32
      %dma_wait3A_504 = arith.constant 0 : i32
      %dma_wait3A_505 = tpu.memref_slice %arg19[%dma_wait3A_503, %dma_wait3A_504] : memref<10000x64xf32, #tpu.memory_space<vmem_shared>> -> memref<10000x64xf32, #tpu.memory_space<vmem_shared>>
      tpu.wait_indirect_dma semaphore(%arg29 : memref<!tpu.dma_semaphore, #tpu.memory_space<semaphore_mem>>) src(%arg14 : memref<80x64xf32, #tpu.memory_space<vmem>>) dst(%dma_wait3A_505 : memref<10000x64xf32, #tpu.memory_space<vmem_shared>>)
      %add3A_506 = arith.constant 4 : i32
      %add3A_507 = arith.addi %min3A_433, %add3A_506 : i32
      %dma_start3A_508 = arith.constant 0 : i32
      %dma_start3A_509 = tpu.memref_slice %arg8[%add3A_507, %dma_start3A_508] : memref<250x80xi32, #tpu.memory_space<vmem>> -> memref<1x80xi32, #tpu.memory_space<vmem>>
      %dma_start3A_510 = tpu.memref_squeeze %dma_start3A_509 : memref<1x80xi32, #tpu.memory_space<vmem>> -> memref<80xi32, #tpu.memory_space<vmem>>
      %dma_start3A_511 = arith.constant 0 : i32
      %dma_start3A_512 = arith.constant 0 : i32
      %dma_start3A_513 = tpu.memref_slice %arg2[%dma_start3A_511, %dma_start3A_512] : memref<20000x64xf32, #tpu.memory_space<hbm>> -> memref<20000x64xf32, #tpu.memory_space<hbm>>
      tpu.enqueue_indirect_dma source(%dma_start3A_513 : memref<20000x64xf32, #tpu.memory_space<hbm>>) target(%arg14 : memref<80x64xf32, #tpu.memory_space<vmem>>) offsets(%dma_start3A_510 : memref<80xi32, #tpu.memory_space<vmem>>) semaphore(%arg24 : memref<!tpu.dma_semaphore, #tpu.memory_space<semaphore_mem>>)
    }
    %scan3A_121 = arith.constant 50 : i32
    %dma_wait3A_122 = arith.constant 0 : i32
    %dma_wait3A_123 = arith.constant 0 : i32
    %dma_wait3A_124 = tpu.memref_slice %arg8[%dma_wait3A_122, %dma_wait3A_123] : memref<250x80xi32, #tpu.memory_space<vmem>> -> memref<1x80xi32, #tpu.memory_space<vmem>>
    %dma_wait3A_125 = tpu.memref_squeeze %dma_wait3A_124 : memref<1x80xi32, #tpu.memory_space<vmem>> -> memref<80xi32, #tpu.memory_space<vmem>>
    %dma_wait3A_126 = arith.constant 0 : i32
    %dma_wait3A_127 = arith.constant 0 : i32
    %dma_wait3A_128 = tpu.memref_slice %arg2[%dma_wait3A_126, %dma_wait3A_127] : memref<20000x64xf32, #tpu.memory_space<hbm>> -> memref<20000x64xf32, #tpu.memory_space<hbm>>
    tpu.wait_indirect_dma semaphore(%arg20 : memref<!tpu.dma_semaphore, #tpu.memory_space<semaphore_mem>>) src(%dma_wait3A_128 : memref<20000x64xf32, #tpu.memory_space<hbm>>) dst(%arg10 : memref<80x64xf32, #tpu.memory_space<vmem>>)
    %dma_wait3A_129 = arith.constant 1 : i32
    %dma_wait3A_130 = arith.constant 0 : i32
    %dma_wait3A_131 = tpu.memref_slice %arg8[%dma_wait3A_129, %dma_wait3A_130] : memref<250x80xi32, #tpu.memory_space<vmem>> -> memref<1x80xi32, #tpu.memory_space<vmem>>
    %dma_wait3A_132 = tpu.memref_squeeze %dma_wait3A_131 : memref<1x80xi32, #tpu.memory_space<vmem>> -> memref<80xi32, #tpu.memory_space<vmem>>
    %dma_wait3A_133 = arith.constant 0 : i32
    %dma_wait3A_134 = arith.constant 0 : i32
    %dma_wait3A_135 = tpu.memref_slice %arg2[%dma_wait3A_133, %dma_wait3A_134] : memref<20000x64xf32, #tpu.memory_space<hbm>> -> memref<20000x64xf32, #tpu.memory_space<hbm>>
    tpu.wait_indirect_dma semaphore(%arg21 : memref<!tpu.dma_semaphore, #tpu.memory_space<semaphore_mem>>) src(%dma_wait3A_135 : memref<20000x64xf32, #tpu.memory_space<hbm>>) dst(%arg11 : memref<80x64xf32, #tpu.memory_space<vmem>>)
    %dma_wait3A_136 = arith.constant 2 : i32
    %dma_wait3A_137 = arith.constant 0 : i32
    %dma_wait3A_138 = tpu.memref_slice %arg8[%dma_wait3A_136, %dma_wait3A_137] : memref<250x80xi32, #tpu.memory_space<vmem>> -> memref<1x80xi32, #tpu.memory_space<vmem>>
    %dma_wait3A_139 = tpu.memref_squeeze %dma_wait3A_138 : memref<1x80xi32, #tpu.memory_space<vmem>> -> memref<80xi32, #tpu.memory_space<vmem>>
    %dma_wait3A_140 = arith.constant 0 : i32
    %dma_wait3A_141 = arith.constant 0 : i32
    %dma_wait3A_142 = tpu.memref_slice %arg2[%dma_wait3A_140, %dma_wait3A_141] : memref<20000x64xf32, #tpu.memory_space<hbm>> -> memref<20000x64xf32, #tpu.memory_space<hbm>>
    tpu.wait_indirect_dma semaphore(%arg22 : memref<!tpu.dma_semaphore, #tpu.memory_space<semaphore_mem>>) src(%dma_wait3A_142 : memref<20000x64xf32, #tpu.memory_space<hbm>>) dst(%arg12 : memref<80x64xf32, #tpu.memory_space<vmem>>)
    %dma_wait3A_143 = arith.constant 3 : i32
    %dma_wait3A_144 = arith.constant 0 : i32
    %dma_wait3A_145 = tpu.memref_slice %arg8[%dma_wait3A_143, %dma_wait3A_144] : memref<250x80xi32, #tpu.memory_space<vmem>> -> memref<1x80xi32, #tpu.memory_space<vmem>>
    %dma_wait3A_146 = tpu.memref_squeeze %dma_wait3A_145 : memref<1x80xi32, #tpu.memory_space<vmem>> -> memref<80xi32, #tpu.memory_space<vmem>>
    %dma_wait3A_147 = arith.constant 0 : i32
    %dma_wait3A_148 = arith.constant 0 : i32
    %dma_wait3A_149 = tpu.memref_slice %arg2[%dma_wait3A_147, %dma_wait3A_148] : memref<20000x64xf32, #tpu.memory_space<hbm>> -> memref<20000x64xf32, #tpu.memory_space<hbm>>
    tpu.wait_indirect_dma semaphore(%arg23 : memref<!tpu.dma_semaphore, #tpu.memory_space<semaphore_mem>>) src(%dma_wait3A_149 : memref<20000x64xf32, #tpu.memory_space<hbm>>) dst(%arg13 : memref<80x64xf32, #tpu.memory_space<vmem>>)
    %dma_wait3A_150 = arith.constant 4 : i32
    %dma_wait3A_151 = arith.constant 0 : i32
    %dma_wait3A_152 = tpu.memref_slice %arg8[%dma_wait3A_150, %dma_wait3A_151] : memref<250x80xi32, #tpu.memory_space<vmem>> -> memref<1x80xi32, #tpu.memory_space<vmem>>
    %dma_wait3A_153 = tpu.memref_squeeze %dma_wait3A_152 : memref<1x80xi32, #tpu.memory_space<vmem>> -> memref<80xi32, #tpu.memory_space<vmem>>
    %dma_wait3A_154 = arith.constant 0 : i32
    %dma_wait3A_155 = arith.constant 0 : i32
    %dma_wait3A_156 = tpu.memref_slice %arg2[%dma_wait3A_154, %dma_wait3A_155] : memref<20000x64xf32, #tpu.memory_space<hbm>> -> memref<20000x64xf32, #tpu.memory_space<hbm>>
    tpu.wait_indirect_dma semaphore(%arg24 : memref<!tpu.dma_semaphore, #tpu.memory_space<semaphore_mem>>) src(%dma_wait3A_156 : memref<20000x64xf32, #tpu.memory_space<hbm>>) dst(%arg14 : memref<80x64xf32, #tpu.memory_space<vmem>>)
    %barrier3A_157 = arith.constant 0 : index
    tpu.barrier barrier_id(%barrier3A_157)
    %mul3A_158 = arith.constant 625 : i32
    %mul3A_159 = arith.muli %arg1, %mul3A_158 : i32
    %add3A_160 = arith.constant 0 : i32
    %add3A_161 = arith.addi %mul3A_159, %add3A_160 : i32
    %dma_start3A_162 = arith.constant 0 : i32
    %dma_start3A_163 = tpu.memref_slice %arg19[%add3A_161, %dma_start3A_162] : memref<10000x64xf32, #tpu.memory_space<vmem_shared>> -> memref<125x64xf32, #tpu.memory_space<vmem_shared>>
    %dma_start3A_164 = arith.constant 0 : i32
    %dma_start3A_165 = tpu.memref_slice %arg19[%add3A_161, %dma_start3A_164] : memref<10000x64xf32, #tpu.memory_space<vmem_shared>> -> memref<125x64xf32, #tpu.memory_space<vmem_shared>>
    tpu.enqueue_dma source(%dma_start3A_165 : memref<125x64xf32, #tpu.memory_space<vmem_shared>>) target(%arg15 : memref<125x64xf32, #tpu.memory_space<vmem>>) target_semaphore(%arg30 : memref<!tpu.dma_semaphore, #tpu.memory_space<semaphore_mem>>)
    %mul3A_166 = arith.constant 625 : i32
    %mul3A_167 = arith.muli %arg1, %mul3A_166 : i32
    %add3A_168 = arith.constant 0 : i32
    %add3A_169 = arith.addi %mul3A_167, %add3A_168 : i32
    %dma_wait3A_170 = arith.constant 0 : i32
    %dma_wait3A_171 = tpu.memref_slice %arg19[%add3A_169, %dma_wait3A_170] : memref<10000x64xf32, #tpu.memory_space<vmem_shared>> -> memref<125x64xf32, #tpu.memory_space<vmem_shared>>
    %dma_wait3A_172 = arith.constant 0 : i32
    %dma_wait3A_173 = tpu.memref_slice %arg19[%add3A_169, %dma_wait3A_172] : memref<10000x64xf32, #tpu.memory_space<vmem_shared>> -> memref<125x64xf32, #tpu.memory_space<vmem_shared>>
    tpu.wait_dma2 semaphore(%arg30 : memref<!tpu.dma_semaphore, #tpu.memory_space<semaphore_mem>>) src(%dma_wait3A_173 : memref<125x64xf32, #tpu.memory_space<vmem_shared>>) dst(%arg15 : memref<125x64xf32, #tpu.memory_space<vmem>>)
    %mul3A_174 = arith.constant 625 : i32
    %mul3A_175 = arith.muli %arg1, %mul3A_174 : i32
    %add3A_176 = arith.constant 125 : i32
    %add3A_177 = arith.addi %mul3A_175, %add3A_176 : i32
    %dma_start3A_178 = arith.constant 0 : i32
    %dma_start3A_179 = tpu.memref_slice %arg19[%add3A_177, %dma_start3A_178] : memref<10000x64xf32, #tpu.memory_space<vmem_shared>> -> memref<125x64xf32, #tpu.memory_space<vmem_shared>>
    %dma_start3A_180 = arith.constant 0 : i32
    %dma_start3A_181 = tpu.memref_slice %arg19[%add3A_177, %dma_start3A_180] : memref<10000x64xf32, #tpu.memory_space<vmem_shared>> -> memref<125x64xf32, #tpu.memory_space<vmem_shared>>
    tpu.enqueue_dma source(%dma_start3A_181 : memref<125x64xf32, #tpu.memory_space<vmem_shared>>) target(%arg16 : memref<125x64xf32, #tpu.memory_space<vmem>>) target_semaphore(%arg31 : memref<!tpu.dma_semaphore, #tpu.memory_space<semaphore_mem>>)
    %scan3A_182 = arith.constant 0 : i32
    %scan3A_183 = arith.constant 0 : i32
    %scan3A_184 = arith.constant 125 : i32
    %scan3A_185 = arith.addi %scan3A_183, %scan3A_184 : i32
    %scan3A_186 = arith.constant 1 : i32
    scf.for %scan3A_348 = %scan3A_183 to %scan3A_185 step %scan3A_186  : i32 {
      %get3A = arith.index_cast %scan3A_348 : i32 to index
      %get3A_349 = arith.constant 0 : index
      %get3A_350 = tpu.vector_load %arg15[%get3A, %get3A_349] {strides = array<i32>} : memref<125x64xf32, #tpu.memory_space<vmem>>, vector<1x16xf32>,
      %get3A_351 = vector.shape_cast %get3A_350 : vector<1x16xf32> to vector<16xf32>
      %get3A_352 = arith.constant 0 : index
      %get3A_353 = tpu.vector_load %arg17[%get3A_352] {strides = array<i32>} : memref<64xf32, #tpu.memory_space<vmem>>, vector<16xf32>,
      %get3A_354 = vector.shape_cast %get3A_353 : vector<16xf32> to vector<16xf32>
      %add3A_355 = arith.addf %get3A_351, %get3A_354 : vector<16xf32>
      %get3A_356 = arith.constant 0 : index
      %get3A_357 = tpu.vector_load %arg18[%get3A_356] {strides = array<i32>} : memref<64xf32, #tpu.memory_space<vmem>>, vector<16xf32>,
      %get3A_358 = vector.shape_cast %get3A_357 : vector<16xf32> to vector<16xf32>
      %mul3A_359 = arith.mulf %get3A_358, %add3A_355 : vector<16xf32>
      %max3A = arith.maximumf %add3A_355, %mul3A_359 : vector<16xf32>
      %swap3A = arith.index_cast %scan3A_348 : i32 to index
      %swap3A_360 = arith.constant 0 : index
      %swap3A_361 = tpu.vector_load %arg15[%swap3A, %swap3A_360] {strides = array<i32>} : memref<125x64xf32, #tpu.memory_space<vmem>>, vector<1x16xf32>,
      %swap3A_362 = vector.shape_cast %swap3A_361 : vector<1x16xf32> to vector<16xf32>
      %swap3A_363 = vector.shape_cast %max3A : vector<16xf32> to vector<1x16xf32>
      tpu.vector_store %arg15[%swap3A, %swap3A_360], %swap3A_363 {strides = array<i32>} : memref<125x64xf32, #tpu.memory_space<vmem>>, vector<1x16xf32>,
      %get3A_364 = arith.index_cast %scan3A_348 : i32 to index
      %get3A_365 = arith.constant 16 : index
      %get3A_366 = tpu.vector_load %arg15[%get3A_364, %get3A_365] {strides = array<i32>} : memref<125x64xf32, #tpu.memory_space<vmem>>, vector<1x16xf32>,
      %get3A_367 = vector.shape_cast %get3A_366 : vector<1x16xf32> to vector<16xf32>
      %get3A_368 = arith.constant 16 : index
      %get3A_369 = tpu.vector_load %arg17[%get3A_368] {strides = array<i32>} : memref<64xf32, #tpu.memory_space<vmem>>, vector<16xf32>,
      %get3A_370 = vector.shape_cast %get3A_369 : vector<16xf32> to vector<16xf32>
      %add3A_371 = arith.addf %get3A_367, %get3A_370 : vector<16xf32>
      %get3A_372 = arith.constant 16 : index
      %get3A_373 = tpu.vector_load %arg18[%get3A_372] {strides = array<i32>} : memref<64xf32, #tpu.memory_space<vmem>>, vector<16xf32>,
      %get3A_374 = vector.shape_cast %get3A_373 : vector<16xf32> to vector<16xf32>
      %mul3A_375 = arith.mulf %get3A_374, %add3A_371 : vector<16xf32>
      %max3A_376 = arith.maximumf %add3A_371, %mul3A_375 : vector<16xf32>
      %swap3A_377 = arith.index_cast %scan3A_348 : i32 to index
      %swap3A_378 = arith.constant 16 : index
      %swap3A_379 = tpu.vector_load %arg15[%swap3A_377, %swap3A_378] {strides = array<i32>} : memref<125x64xf32, #tpu.memory_space<vmem>>, vector<1x16xf32>,
      %swap3A_380 = vector.shape_cast %swap3A_379 : vector<1x16xf32> to vector<16xf32>
      %swap3A_381 = vector.shape_cast %max3A_376 : vector<16xf32> to vector<1x16xf32>
      tpu.vector_store %arg15[%swap3A_377, %swap3A_378], %swap3A_381 {strides = array<i32>} : memref<125x64xf32, #tpu.memory_space<vmem>>, vector<1x16xf32>,
      %get3A_382 = arith.index_cast %scan3A_348 : i32 to index
      %get3A_383 = arith.constant 32 : index
      %get3A_384 = tpu.vector_load %arg15[%get3A_382, %get3A_383] {strides = array<i32>} : memref<125x64xf32, #tpu.memory_space<vmem>>, vector<1x16xf32>,
      %get3A_385 = vector.shape_cast %get3A_384 : vector<1x16xf32> to vector<16xf32>
      %get3A_386 = arith.constant 32 : index
      %get3A_387 = tpu.vector_load %arg17[%get3A_386] {strides = array<i32>} : memref<64xf32, #tpu.memory_space<vmem>>, vector<16xf32>,
      %get3A_388 = vector.shape_cast %get3A_387 : vector<16xf32> to vector<16xf32>
      %add3A_389 = arith.addf %get3A_385, %get3A_388 : vector<16xf32>
      %get3A_390 = arith.constant 32 : index
      %get3A_391 = tpu.vector_load %arg18[%get3A_390] {strides = array<i32>} : memref<64xf32, #tpu.memory_space<vmem>>, vector<16xf32>,
      %get3A_392 = vector.shape_cast %get3A_391 : vector<16xf32> to vector<16xf32>
      %mul3A_393 = arith.mulf %get3A_392, %add3A_389 : vector<16xf32>
      %max3A_394 = arith.maximumf %add3A_389, %mul3A_393 : vector<16xf32>
      %swap3A_395 = arith.index_cast %scan3A_348 : i32 to index
      %swap3A_396 = arith.constant 32 : index
      %swap3A_397 = tpu.vector_load %arg15[%swap3A_395, %swap3A_396] {strides = array<i32>} : memref<125x64xf32, #tpu.memory_space<vmem>>, vector<1x16xf32>,
      %swap3A_398 = vector.shape_cast %swap3A_397 : vector<1x16xf32> to vector<16xf32>
      %swap3A_399 = vector.shape_cast %max3A_394 : vector<16xf32> to vector<1x16xf32>
      tpu.vector_store %arg15[%swap3A_395, %swap3A_396], %swap3A_399 {strides = array<i32>} : memref<125x64xf32, #tpu.memory_space<vmem>>, vector<1x16xf32>,
      %get3A_400 = arith.index_cast %scan3A_348 : i32 to index
      %get3A_401 = arith.constant 48 : index
      %get3A_402 = tpu.vector_load %arg15[%get3A_400, %get3A_401] {strides = array<i32>} : memref<125x64xf32, #tpu.memory_space<vmem>>, vector<1x16xf32>,
      %get3A_403 = vector.shape_cast %get3A_402 : vector<1x16xf32> to vector<16xf32>
      %get3A_404 = arith.constant 48 : index
      %get3A_405 = tpu.vector_load %arg17[%get3A_404] {strides = array<i32>} : memref<64xf32, #tpu.memory_space<vmem>>, vector<16xf32>,
      %get3A_406 = vector.shape_cast %get3A_405 : vector<16xf32> to vector<16xf32>
      %add3A_407 = arith.addf %get3A_403, %get3A_406 : vector<16xf32>
      %get3A_408 = arith.constant 48 : index
      %get3A_409 = tpu.vector_load %arg18[%get3A_408] {strides = array<i32>} : memref<64xf32, #tpu.memory_space<vmem>>, vector<16xf32>,
      %get3A_410 = vector.shape_cast %get3A_409 : vector<16xf32> to vector<16xf32>
      %mul3A_411 = arith.mulf %get3A_410, %add3A_407 : vector<16xf32>
      %max3A_412 = arith.maximumf %add3A_407, %mul3A_411 : vector<16xf32>
      %swap3A_413 = arith.index_cast %scan3A_348 : i32 to index
      %swap3A_414 = arith.constant 48 : index
      %swap3A_415 = tpu.vector_load %arg15[%swap3A_413, %swap3A_414] {strides = array<i32>} : memref<125x64xf32, #tpu.memory_space<vmem>>, vector<1x16xf32>,
      %swap3A_416 = vector.shape_cast %swap3A_415 : vector<1x16xf32> to vector<16xf32>
      %swap3A_417 = vector.shape_cast %max3A_412 : vector<16xf32> to vector<1x16xf32>
      tpu.vector_store %arg15[%swap3A_413, %swap3A_414], %swap3A_417 {strides = array<i32>} : memref<125x64xf32, #tpu.memory_space<vmem>>, vector<1x16xf32>,
    }
    %scan3A_187 = arith.constant 125 : i32
    %mul3A_188 = arith.constant 625 : i32
    %mul3A_189 = arith.muli %arg1, %mul3A_188 : i32
    %add3A_190 = arith.constant 0 : i32
    %add3A_191 = arith.addi %mul3A_189, %add3A_190 : i32
    %mul3A_192 = arith.constant 64 : i32
    %mul3A_193 = arith.muli %arg0, %mul3A_192 : i32
    %dma_start3A_194 = tpu.memref_slice %arg7[%add3A_191, %mul3A_193] : memref<10000x128xf32, #tpu.memory_space<hbm>> -> memref<125x64xf32, #tpu.memory_space<hbm>>
    %dma_start3A_195 = tpu.memref_slice %arg7[%add3A_191, %mul3A_193] : memref<10000x128xf32, #tpu.memory_space<hbm>> -> memref<125x64xf32, #tpu.memory_space<hbm>>
    tpu.enqueue_dma source(%arg15 : memref<125x64xf32, #tpu.memory_space<vmem>>) target(%dma_start3A_195 : memref<125x64xf32, #tpu.memory_space<hbm>>) target_semaphore(%arg32 : memref<!tpu.dma_semaphore, #tpu.memory_space<semaphore_mem>>)
    %mul3A_196 = arith.constant 625 : i32
    %mul3A_197 = arith.muli %arg1, %mul3A_196 : i32
    %add3A_198 = arith.constant 125 : i32
    %add3A_199 = arith.addi %mul3A_197, %add3A_198 : i32
    %dma_wait3A_200 = arith.constant 0 : i32
    %dma_wait3A_201 = tpu.memref_slice %arg19[%add3A_199, %dma_wait3A_200] : memref<10000x64xf32, #tpu.memory_space<vmem_shared>> -> memref<125x64xf32, #tpu.memory_space<vmem_shared>>
    %dma_wait3A_202 = arith.constant 0 : i32
    %dma_wait3A_203 = tpu.memref_slice %arg19[%add3A_199, %dma_wait3A_202] : memref<10000x64xf32, #tpu.memory_space<vmem_shared>> -> memref<125x64xf32, #tpu.memory_space<vmem_shared>>
    tpu.wait_dma2 semaphore(%arg31 : memref<!tpu.dma_semaphore, #tpu.memory_space<semaphore_mem>>) src(%dma_wait3A_203 : memref<125x64xf32, #tpu.memory_space<vmem_shared>>) dst(%arg16 : memref<125x64xf32, #tpu.memory_space<vmem>>)
    %mul3A_204 = arith.constant 625 : i32
    %mul3A_205 = arith.muli %arg1, %mul3A_204 : i32
    %add3A_206 = arith.constant 0 : i32
    %add3A_207 = arith.addi %mul3A_205, %add3A_206 : i32
    %mul3A_208 = arith.constant 64 : i32
    %mul3A_209 = arith.muli %arg0, %mul3A_208 : i32
    %dma_wait3A_210 = tpu.memref_slice %arg7[%add3A_207, %mul3A_209] : memref<10000x128xf32, #tpu.memory_space<hbm>> -> memref<125x64xf32, #tpu.memory_space<hbm>>
    %dma_wait3A_211 = tpu.memref_slice %arg7[%add3A_207, %mul3A_209] : memref<10000x128xf32, #tpu.memory_space<hbm>> -> memref<125x64xf32, #tpu.memory_space<hbm>>
    tpu.wait_dma2 semaphore(%arg32 : memref<!tpu.dma_semaphore, #tpu.memory_space<semaphore_mem>>) src(%arg15 : memref<125x64xf32, #tpu.memory_space<vmem>>) dst(%dma_wait3A_211 : memref<125x64xf32, #tpu.memory_space<hbm>>)
    %mul3A_212 = arith.constant 625 : i32
    %mul3A_213 = arith.muli %arg1, %mul3A_212 : i32
    %add3A_214 = arith.constant 250 : i32
    %add3A_215 = arith.addi %mul3A_213, %add3A_214 : i32
    %dma_start3A_216 = arith.constant 0 : i32
    %dma_start3A_217 = tpu.memref_slice %arg19[%add3A_215, %dma_start3A_216] : memref<10000x64xf32, #tpu.memory_space<vmem_shared>> -> memref<125x64xf32, #tpu.memory_space<vmem_shared>>
    %dma_start3A_218 = arith.constant 0 : i32
    %dma_start3A_219 = tpu.memref_slice %arg19[%add3A_215, %dma_start3A_218] : memref<10000x64xf32, #tpu.memory_space<vmem_shared>> -> memref<125x64xf32, #tpu.memory_space<vmem_shared>>
    tpu.enqueue_dma source(%dma_start3A_219 : memref<125x64xf32, #tpu.memory_space<vmem_shared>>) target(%arg15 : memref<125x64xf32, #tpu.memory_space<vmem>>) target_semaphore(%arg30 : memref<!tpu.dma_semaphore, #tpu.memory_space<semaphore_mem>>)
    %scan3A_220 = arith.constant 0 : i32
    %scan3A_221 = arith.constant 0 : i32
    %scan3A_222 = arith.constant 125 : i32
    %scan3A_223 = arith.addi %scan3A_221, %scan3A_222 : i32
    %scan3A_224 = arith.constant 1 : i32
    scf.for %scan3A_348 = %scan3A_221 to %scan3A_223 step %scan3A_224  : i32 {
      %get3A = arith.index_cast %scan3A_348 : i32 to index
      %get3A_349 = arith.constant 0 : index
      %get3A_350 = tpu.vector_load %arg16[%get3A, %get3A_349] {strides = array<i32>} : memref<125x64xf32, #tpu.memory_space<vmem>>, vector<1x16xf32>,
      %get3A_351 = vector.shape_cast %get3A_350 : vector<1x16xf32> to vector<16xf32>
      %get3A_352 = arith.constant 0 : index
      %get3A_353 = tpu.vector_load %arg17[%get3A_352] {strides = array<i32>} : memref<64xf32, #tpu.memory_space<vmem>>, vector<16xf32>,
      %get3A_354 = vector.shape_cast %get3A_353 : vector<16xf32> to vector<16xf32>
      %add3A_355 = arith.addf %get3A_351, %get3A_354 : vector<16xf32>
      %get3A_356 = arith.constant 0 : index
      %get3A_357 = tpu.vector_load %arg18[%get3A_356] {strides = array<i32>} : memref<64xf32, #tpu.memory_space<vmem>>, vector<16xf32>,
      %get3A_358 = vector.shape_cast %get3A_357 : vector<16xf32> to vector<16xf32>
      %mul3A_359 = arith.mulf %get3A_358, %add3A_355 : vector<16xf32>
      %max3A = arith.maximumf %add3A_355, %mul3A_359 : vector<16xf32>
      %swap3A = arith.index_cast %scan3A_348 : i32 to index
      %swap3A_360 = arith.constant 0 : index
      %swap3A_361 = tpu.vector_load %arg16[%swap3A, %swap3A_360] {strides = array<i32>} : memref<125x64xf32, #tpu.memory_space<vmem>>, vector<1x16xf32>,
      %swap3A_362 = vector.shape_cast %swap3A_361 : vector<1x16xf32> to vector<16xf32>
      %swap3A_363 = vector.shape_cast %max3A : vector<16xf32> to vector<1x16xf32>
      tpu.vector_store %arg16[%swap3A, %swap3A_360], %swap3A_363 {strides = array<i32>} : memref<125x64xf32, #tpu.memory_space<vmem>>, vector<1x16xf32>,
      %get3A_364 = arith.index_cast %scan3A_348 : i32 to index
      %get3A_365 = arith.constant 16 : index
      %get3A_366 = tpu.vector_load %arg16[%get3A_364, %get3A_365] {strides = array<i32>} : memref<125x64xf32, #tpu.memory_space<vmem>>, vector<1x16xf32>,
      %get3A_367 = vector.shape_cast %get3A_366 : vector<1x16xf32> to vector<16xf32>
      %get3A_368 = arith.constant 16 : index
      %get3A_369 = tpu.vector_load %arg17[%get3A_368] {strides = array<i32>} : memref<64xf32, #tpu.memory_space<vmem>>, vector<16xf32>,
      %get3A_370 = vector.shape_cast %get3A_369 : vector<16xf32> to vector<16xf32>
      %add3A_371 = arith.addf %get3A_367, %get3A_370 : vector<16xf32>
      %get3A_372 = arith.constant 16 : index
      %get3A_373 = tpu.vector_load %arg18[%get3A_372] {strides = array<i32>} : memref<64xf32, #tpu.memory_space<vmem>>, vector<16xf32>,
      %get3A_374 = vector.shape_cast %get3A_373 : vector<16xf32> to vector<16xf32>
      %mul3A_375 = arith.mulf %get3A_374, %add3A_371 : vector<16xf32>
      %max3A_376 = arith.maximumf %add3A_371, %mul3A_375 : vector<16xf32>
      %swap3A_377 = arith.index_cast %scan3A_348 : i32 to index
      %swap3A_378 = arith.constant 16 : index
      %swap3A_379 = tpu.vector_load %arg16[%swap3A_377, %swap3A_378] {strides = array<i32>} : memref<125x64xf32, #tpu.memory_space<vmem>>, vector<1x16xf32>,
      %swap3A_380 = vector.shape_cast %swap3A_379 : vector<1x16xf32> to vector<16xf32>
      %swap3A_381 = vector.shape_cast %max3A_376 : vector<16xf32> to vector<1x16xf32>
      tpu.vector_store %arg16[%swap3A_377, %swap3A_378], %swap3A_381 {strides = array<i32>} : memref<125x64xf32, #tpu.memory_space<vmem>>, vector<1x16xf32>,
      %get3A_382 = arith.index_cast %scan3A_348 : i32 to index
      %get3A_383 = arith.constant 32 : index
      %get3A_384 = tpu.vector_load %arg16[%get3A_382, %get3A_383] {strides = array<i32>} : memref<125x64xf32, #tpu.memory_space<vmem>>, vector<1x16xf32>,
      %get3A_385 = vector.shape_cast %get3A_384 : vector<1x16xf32> to vector<16xf32>
      %get3A_386 = arith.constant 32 : index
      %get3A_387 = tpu.vector_load %arg17[%get3A_386] {strides = array<i32>} : memref<64xf32, #tpu.memory_space<vmem>>, vector<16xf32>,
      %get3A_388 = vector.shape_cast %get3A_387 : vector<16xf32> to vector<16xf32>
      %add3A_389 = arith.addf %get3A_385, %get3A_388 : vector<16xf32>
      %get3A_390 = arith.constant 32 : index
      %get3A_391 = tpu.vector_load %arg18[%get3A_390] {strides = array<i32>} : memref<64xf32, #tpu.memory_space<vmem>>, vector<16xf32>,
      %get3A_392 = vector.shape_cast %get3A_391 : vector<16xf32> to vector<16xf32>
      %mul3A_393 = arith.mulf %get3A_392, %add3A_389 : vector<16xf32>
      %max3A_394 = arith.maximumf %add3A_389, %mul3A_393 : vector<16xf32>
      %swap3A_395 = arith.index_cast %scan3A_348 : i32 to index
      %swap3A_396 = arith.constant 32 : index
      %swap3A_397 = tpu.vector_load %arg16[%swap3A_395, %swap3A_396] {strides = array<i32>} : memref<125x64xf32, #tpu.memory_space<vmem>>, vector<1x16xf32>,
      %swap3A_398 = vector.shape_cast %swap3A_397 : vector<1x16xf32> to vector<16xf32>
      %swap3A_399 = vector.shape_cast %max3A_394 : vector<16xf32> to vector<1x16xf32>
      tpu.vector_store %arg16[%swap3A_395, %swap3A_396], %swap3A_399 {strides = array<i32>} : memref<125x64xf32, #tpu.memory_space<vmem>>, vector<1x16xf32>,
      %get3A_400 = arith.index_cast %scan3A_348 : i32 to index
      %get3A_401 = arith.constant 48 : index
      %get3A_402 = tpu.vector_load %arg16[%get3A_400, %get3A_401] {strides = array<i32>} : memref<125x64xf32, #tpu.memory_space<vmem>>, vector<1x16xf32>,
      %get3A_403 = vector.shape_cast %get3A_402 : vector<1x16xf32> to vector<16xf32>
      %get3A_404 = arith.constant 48 : index
      %get3A_405 = tpu.vector_load %arg17[%get3A_404] {strides = array<i32>} : memref<64xf32, #tpu.memory_space<vmem>>, vector<16xf32>,
      %get3A_406 = vector.shape_cast %get3A_405 : vector<16xf32> to vector<16xf32>
      %add3A_407 = arith.addf %get3A_403, %get3A_406 : vector<16xf32>
      %get3A_408 = arith.constant 48 : index
      %get3A_409 = tpu.vector_load %arg18[%get3A_408] {strides = array<i32>} : memref<64xf32, #tpu.memory_space<vmem>>, vector<16xf32>,
      %get3A_410 = vector.shape_cast %get3A_409 : vector<16xf32> to vector<16xf32>
      %mul3A_411 = arith.mulf %get3A_410, %add3A_407 : vector<16xf32>
      %max3A_412 = arith.maximumf %add3A_407, %mul3A_411 : vector<16xf32>
      %swap3A_413 = arith.index_cast %scan3A_348 : i32 to index
      %swap3A_414 = arith.constant 48 : index
      %swap3A_415 = tpu.vector_load %arg16[%swap3A_413, %swap3A_414] {strides = array<i32>} : memref<125x64xf32, #tpu.memory_space<vmem>>, vector<1x16xf32>,
      %swap3A_416 = vector.shape_cast %swap3A_415 : vector<1x16xf32> to vector<16xf32>
      %swap3A_417 = vector.shape_cast %max3A_412 : vector<16xf32> to vector<1x16xf32>
      tpu.vector_store %arg16[%swap3A_413, %swap3A_414], %swap3A_417 {strides = array<i32>} : memref<125x64xf32, #tpu.memory_space<vmem>>, vector<1x16xf32>,
    }
    %scan3A_225 = arith.constant 125 : i32
    %mul3A_226 = arith.constant 625 : i32
    %mul3A_227 = arith.muli %arg1, %mul3A_226 : i32
    %add3A_228 = arith.constant 125 : i32
    %add3A_229 = arith.addi %mul3A_227, %add3A_228 : i32
    %mul3A_230 = arith.constant 64 : i32
    %mul3A_231 = arith.muli %arg0, %mul3A_230 : i32
    %dma_start3A_232 = tpu.memref_slice %arg7[%add3A_229, %mul3A_231] : memref<10000x128xf32, #tpu.memory_space<hbm>> -> memref<125x64xf32, #tpu.memory_space<hbm>>
    %dma_start3A_233 = tpu.memref_slice %arg7[%add3A_229, %mul3A_231] : memref<10000x128xf32, #tpu.memory_space<hbm>> -> memref<125x64xf32, #tpu.memory_space<hbm>>
    tpu.enqueue_dma source(%arg16 : memref<125x64xf32, #tpu.memory_space<vmem>>) target(%dma_start3A_233 : memref<125x64xf32, #tpu.memory_space<hbm>>) target_semaphore(%arg33 : memref<!tpu.dma_semaphore, #tpu.memory_space<semaphore_mem>>)
    %mul3A_234 = arith.constant 625 : i32
    %mul3A_235 = arith.muli %arg1, %mul3A_234 : i32
    %add3A_236 = arith.constant 250 : i32
    %add3A_237 = arith.addi %mul3A_235, %add3A_236 : i32
    %dma_wait3A_238 = arith.constant 0 : i32
    %dma_wait3A_239 = tpu.memref_slice %arg19[%add3A_237, %dma_wait3A_238] : memref<10000x64xf32, #tpu.memory_space<vmem_shared>> -> memref<125x64xf32, #tpu.memory_space<vmem_shared>>
    %dma_wait3A_240 = arith.constant 0 : i32
    %dma_wait3A_241 = tpu.memref_slice %arg19[%add3A_237, %dma_wait3A_240] : memref<10000x64xf32, #tpu.memory_space<vmem_shared>> -> memref<125x64xf32, #tpu.memory_space<vmem_shared>>
    tpu.wait_dma2 semaphore(%arg30 : memref<!tpu.dma_semaphore, #tpu.memory_space<semaphore_mem>>) src(%dma_wait3A_241 : memref<125x64xf32, #tpu.memory_space<vmem_shared>>) dst(%arg15 : memref<125x64xf32, #tpu.memory_space<vmem>>)
    %mul3A_242 = arith.constant 625 : i32
    %mul3A_243 = arith.muli %arg1, %mul3A_242 : i32
    %add3A_244 = arith.constant 125 : i32
    %add3A_245 = arith.addi %mul3A_243, %add3A_244 : i32
    %mul3A_246 = arith.constant 64 : i32
    %mul3A_247 = arith.muli %arg0, %mul3A_246 : i32
    %dma_wait3A_248 = tpu.memref_slice %arg7[%add3A_245, %mul3A_247] : memref<10000x128xf32, #tpu.memory_space<hbm>> -> memref<125x64xf32, #tpu.memory_space<hbm>>
    %dma_wait3A_249 = tpu.memref_slice %arg7[%add3A_245, %mul3A_247] : memref<10000x128xf32, #tpu.memory_space<hbm>> -> memref<125x64xf32, #tpu.memory_space<hbm>>
    tpu.wait_dma2 semaphore(%arg33 : memref<!tpu.dma_semaphore, #tpu.memory_space<semaphore_mem>>) src(%arg16 : memref<125x64xf32, #tpu.memory_space<vmem>>) dst(%dma_wait3A_249 : memref<125x64xf32, #tpu.memory_space<hbm>>)
    %mul3A_250 = arith.constant 625 : i32
    %mul3A_251 = arith.muli %arg1, %mul3A_250 : i32
    %add3A_252 = arith.constant 375 : i32
    %add3A_253 = arith.addi %mul3A_251, %add3A_252 : i32
    %dma_start3A_254 = arith.constant 0 : i32
    %dma_start3A_255 = tpu.memref_slice %arg19[%add3A_253, %dma_start3A_254] : memref<10000x64xf32, #tpu.memory_space<vmem_shared>> -> memref<125x64xf32, #tpu.memory_space<vmem_shared>>
    %dma_start3A_256 = arith.constant 0 : i32
    %dma_start3A_257 = tpu.memref_slice %arg19[%add3A_253, %dma_start3A_256] : memref<10000x64xf32, #tpu.memory_space<vmem_shared>> -> memref<125x64xf32, #tpu.memory_space<vmem_shared>>
    tpu.enqueue_dma source(%dma_start3A_257 : memref<125x64xf32, #tpu.memory_space<vmem_shared>>) target(%arg16 : memref<125x64xf32, #tpu.memory_space<vmem>>) target_semaphore(%arg31 : memref<!tpu.dma_semaphore, #tpu.memory_space<semaphore_mem>>)
    %scan3A_258 = arith.constant 0 : i32
    %scan3A_259 = arith.constant 0 : i32
    %scan3A_260 = arith.constant 125 : i32
    %scan3A_261 = arith.addi %scan3A_259, %scan3A_260 : i32
    %scan3A_262 = arith.constant 1 : i32
    scf.for %scan3A_348 = %scan3A_259 to %scan3A_261 step %scan3A_262  : i32 {
      %get3A = arith.index_cast %scan3A_348 : i32 to index
      %get3A_349 = arith.constant 0 : index
      %get3A_350 = tpu.vector_load %arg15[%get3A, %get3A_349] {strides = array<i32>} : memref<125x64xf32, #tpu.memory_space<vmem>>, vector<1x16xf32>,
      %get3A_351 = vector.shape_cast %get3A_350 : vector<1x16xf32> to vector<16xf32>
      %get3A_352 = arith.constant 0 : index
      %get3A_353 = tpu.vector_load %arg17[%get3A_352] {strides = array<i32>} : memref<64xf32, #tpu.memory_space<vmem>>, vector<16xf32>,
      %get3A_354 = vector.shape_cast %get3A_353 : vector<16xf32> to vector<16xf32>
      %add3A_355 = arith.addf %get3A_351, %get3A_354 : vector<16xf32>
      %get3A_356 = arith.constant 0 : index
      %get3A_357 = tpu.vector_load %arg18[%get3A_356] {strides = array<i32>} : memref<64xf32, #tpu.memory_space<vmem>>, vector<16xf32>,
      %get3A_358 = vector.shape_cast %get3A_357 : vector<16xf32> to vector<16xf32>
      %mul3A_359 = arith.mulf %get3A_358, %add3A_355 : vector<16xf32>
      %max3A = arith.maximumf %add3A_355, %mul3A_359 : vector<16xf32>
      %swap3A = arith.index_cast %scan3A_348 : i32 to index
      %swap3A_360 = arith.constant 0 : index
      %swap3A_361 = tpu.vector_load %arg15[%swap3A, %swap3A_360] {strides = array<i32>} : memref<125x64xf32, #tpu.memory_space<vmem>>, vector<1x16xf32>,
      %swap3A_362 = vector.shape_cast %swap3A_361 : vector<1x16xf32> to vector<16xf32>
      %swap3A_363 = vector.shape_cast %max3A : vector<16xf32> to vector<1x16xf32>
      tpu.vector_store %arg15[%swap3A, %swap3A_360], %swap3A_363 {strides = array<i32>} : memref<125x64xf32, #tpu.memory_space<vmem>>, vector<1x16xf32>,
      %get3A_364 = arith.index_cast %scan3A_348 : i32 to index
      %get3A_365 = arith.constant 16 : index
      %get3A_366 = tpu.vector_load %arg15[%get3A_364, %get3A_365] {strides = array<i32>} : memref<125x64xf32, #tpu.memory_space<vmem>>, vector<1x16xf32>,
      %get3A_367 = vector.shape_cast %get3A_366 : vector<1x16xf32> to vector<16xf32>
      %get3A_368 = arith.constant 16 : index
      %get3A_369 = tpu.vector_load %arg17[%get3A_368] {strides = array<i32>} : memref<64xf32, #tpu.memory_space<vmem>>, vector<16xf32>,
      %get3A_370 = vector.shape_cast %get3A_369 : vector<16xf32> to vector<16xf32>
      %add3A_371 = arith.addf %get3A_367, %get3A_370 : vector<16xf32>
      %get3A_372 = arith.constant 16 : index
      %get3A_373 = tpu.vector_load %arg18[%get3A_372] {strides = array<i32>} : memref<64xf32, #tpu.memory_space<vmem>>, vector<16xf32>,
      %get3A_374 = vector.shape_cast %get3A_373 : vector<16xf32> to vector<16xf32>
      %mul3A_375 = arith.mulf %get3A_374, %add3A_371 : vector<16xf32>
      %max3A_376 = arith.maximumf %add3A_371, %mul3A_375 : vector<16xf32>
      %swap3A_377 = arith.index_cast %scan3A_348 : i32 to index
      %swap3A_378 = arith.constant 16 : index
      %swap3A_379 = tpu.vector_load %arg15[%swap3A_377, %swap3A_378] {strides = array<i32>} : memref<125x64xf32, #tpu.memory_space<vmem>>, vector<1x16xf32>,
      %swap3A_380 = vector.shape_cast %swap3A_379 : vector<1x16xf32> to vector<16xf32>
      %swap3A_381 = vector.shape_cast %max3A_376 : vector<16xf32> to vector<1x16xf32>
      tpu.vector_store %arg15[%swap3A_377, %swap3A_378], %swap3A_381 {strides = array<i32>} : memref<125x64xf32, #tpu.memory_space<vmem>>, vector<1x16xf32>,
      %get3A_382 = arith.index_cast %scan3A_348 : i32 to index
      %get3A_383 = arith.constant 32 : index
      %get3A_384 = tpu.vector_load %arg15[%get3A_382, %get3A_383] {strides = array<i32>} : memref<125x64xf32, #tpu.memory_space<vmem>>, vector<1x16xf32>,
      %get3A_385 = vector.shape_cast %get3A_384 : vector<1x16xf32> to vector<16xf32>
      %get3A_386 = arith.constant 32 : index
      %get3A_387 = tpu.vector_load %arg17[%get3A_386] {strides = array<i32>} : memref<64xf32, #tpu.memory_space<vmem>>, vector<16xf32>,
      %get3A_388 = vector.shape_cast %get3A_387 : vector<16xf32> to vector<16xf32>
      %add3A_389 = arith.addf %get3A_385, %get3A_388 : vector<16xf32>
      %get3A_390 = arith.constant 32 : index
      %get3A_391 = tpu.vector_load %arg18[%get3A_390] {strides = array<i32>} : memref<64xf32, #tpu.memory_space<vmem>>, vector<16xf32>,
      %get3A_392 = vector.shape_cast %get3A_391 : vector<16xf32> to vector<16xf32>
      %mul3A_393 = arith.mulf %get3A_392, %add3A_389 : vector<16xf32>
      %max3A_394 = arith.maximumf %add3A_389, %mul3A_393 : vector<16xf32>
      %swap3A_395 = arith.index_cast %scan3A_348 : i32 to index
      %swap3A_396 = arith.constant 32 : index
      %swap3A_397 = tpu.vector_load %arg15[%swap3A_395, %swap3A_396] {strides = array<i32>} : memref<125x64xf32, #tpu.memory_space<vmem>>, vector<1x16xf32>,
      %swap3A_398 = vector.shape_cast %swap3A_397 : vector<1x16xf32> to vector<16xf32>
      %swap3A_399 = vector.shape_cast %max3A_394 : vector<16xf32> to vector<1x16xf32>
      tpu.vector_store %arg15[%swap3A_395, %swap3A_396], %swap3A_399 {strides = array<i32>} : memref<125x64xf32, #tpu.memory_space<vmem>>, vector<1x16xf32>,
      %get3A_400 = arith.index_cast %scan3A_348 : i32 to index
      %get3A_401 = arith.constant 48 : index
      %get3A_402 = tpu.vector_load %arg15[%get3A_400, %get3A_401] {strides = array<i32>} : memref<125x64xf32, #tpu.memory_space<vmem>>, vector<1x16xf32>,
      %get3A_403 = vector.shape_cast %get3A_402 : vector<1x16xf32> to vector<16xf32>
      %get3A_404 = arith.constant 48 : index
      %get3A_405 = tpu.vector_load %arg17[%get3A_404] {strides = array<i32>} : memref<64xf32, #tpu.memory_space<vmem>>, vector<16xf32>,
      %get3A_406 = vector.shape_cast %get3A_405 : vector<16xf32> to vector<16xf32>
      %add3A_407 = arith.addf %get3A_403, %get3A_406 : vector<16xf32>
      %get3A_408 = arith.constant 48 : index
      %get3A_409 = tpu.vector_load %arg18[%get3A_408] {strides = array<i32>} : memref<64xf32, #tpu.memory_space<vmem>>, vector<16xf32>,
      %get3A_410 = vector.shape_cast %get3A_409 : vector<16xf32> to vector<16xf32>
      %mul3A_411 = arith.mulf %get3A_410, %add3A_407 : vector<16xf32>
      %max3A_412 = arith.maximumf %add3A_407, %mul3A_411 : vector<16xf32>
      %swap3A_413 = arith.index_cast %scan3A_348 : i32 to index
      %swap3A_414 = arith.constant 48 : index
      %swap3A_415 = tpu.vector_load %arg15[%swap3A_413, %swap3A_414] {strides = array<i32>} : memref<125x64xf32, #tpu.memory_space<vmem>>, vector<1x16xf32>,
      %swap3A_416 = vector.shape_cast %swap3A_415 : vector<1x16xf32> to vector<16xf32>
      %swap3A_417 = vector.shape_cast %max3A_412 : vector<16xf32> to vector<1x16xf32>
      tpu.vector_store %arg15[%swap3A_413, %swap3A_414], %swap3A_417 {strides = array<i32>} : memref<125x64xf32, #tpu.memory_space<vmem>>, vector<1x16xf32>,
    }
    %scan3A_263 = arith.constant 125 : i32
    %mul3A_264 = arith.constant 625 : i32
    %mul3A_265 = arith.muli %arg1, %mul3A_264 : i32
    %add3A_266 = arith.constant 250 : i32
    %add3A_267 = arith.addi %mul3A_265, %add3A_266 : i32
    %mul3A_268 = arith.constant 64 : i32
    %mul3A_269 = arith.muli %arg0, %mul3A_268 : i32
    %dma_start3A_270 = tpu.memref_slice %arg7[%add3A_267, %mul3A_269] : memref<10000x128xf32, #tpu.memory_space<hbm>> -> memref<125x64xf32, #tpu.memory_space<hbm>>
    %dma_start3A_271 = tpu.memref_slice %arg7[%add3A_267, %mul3A_269] : memref<10000x128xf32, #tpu.memory_space<hbm>> -> memref<125x64xf32, #tpu.memory_space<hbm>>
    tpu.enqueue_dma source(%arg15 : memref<125x64xf32, #tpu.memory_space<vmem>>) target(%dma_start3A_271 : memref<125x64xf32, #tpu.memory_space<hbm>>) target_semaphore(%arg32 : memref<!tpu.dma_semaphore, #tpu.memory_space<semaphore_mem>>)
    %mul3A_272 = arith.constant 625 : i32
    %mul3A_273 = arith.muli %arg1, %mul3A_272 : i32
    %add3A_274 = arith.constant 375 : i32
    %add3A_275 = arith.addi %mul3A_273, %add3A_274 : i32
    %dma_wait3A_276 = arith.constant 0 : i32
    %dma_wait3A_277 = tpu.memref_slice %arg19[%add3A_275, %dma_wait3A_276] : memref<10000x64xf32, #tpu.memory_space<vmem_shared>> -> memref<125x64xf32, #tpu.memory_space<vmem_shared>>
    %dma_wait3A_278 = arith.constant 0 : i32
    %dma_wait3A_279 = tpu.memref_slice %arg19[%add3A_275, %dma_wait3A_278] : memref<10000x64xf32, #tpu.memory_space<vmem_shared>> -> memref<125x64xf32, #tpu.memory_space<vmem_shared>>
    tpu.wait_dma2 semaphore(%arg31 : memref<!tpu.dma_semaphore, #tpu.memory_space<semaphore_mem>>) src(%dma_wait3A_279 : memref<125x64xf32, #tpu.memory_space<vmem_shared>>) dst(%arg16 : memref<125x64xf32, #tpu.memory_space<vmem>>)
    %mul3A_280 = arith.constant 625 : i32
    %mul3A_281 = arith.muli %arg1, %mul3A_280 : i32
    %add3A_282 = arith.constant 250 : i32
    %add3A_283 = arith.addi %mul3A_281, %add3A_282 : i32
    %mul3A_284 = arith.constant 64 : i32
    %mul3A_285 = arith.muli %arg0, %mul3A_284 : i32
    %dma_wait3A_286 = tpu.memref_slice %arg7[%add3A_283, %mul3A_285] : memref<10000x128xf32, #tpu.memory_space<hbm>> -> memref<125x64xf32, #tpu.memory_space<hbm>>
    %dma_wait3A_287 = tpu.memref_slice %arg7[%add3A_283, %mul3A_285] : memref<10000x128xf32, #tpu.memory_space<hbm>> -> memref<125x64xf32, #tpu.memory_space<hbm>>
    tpu.wait_dma2 semaphore(%arg32 : memref<!tpu.dma_semaphore, #tpu.memory_space<semaphore_mem>>) src(%arg15 : memref<125x64xf32, #tpu.memory_space<vmem>>) dst(%dma_wait3A_287 : memref<125x64xf32, #tpu.memory_space<hbm>>)
    %mul3A_288 = arith.constant 625 : i32
    %mul3A_289 = arith.muli %arg1, %mul3A_288 : i32
    %add3A_290 = arith.constant 500 : i32
    %add3A_291 = arith.addi %mul3A_289, %add3A_290 : i32
    %dma_start3A_292 = arith.constant 0 : i32
    %dma_start3A_293 = tpu.memref_slice %arg19[%add3A_291, %dma_start3A_292] : memref<10000x64xf32, #tpu.memory_space<vmem_shared>> -> memref<125x64xf32, #tpu.memory_space<vmem_shared>>
    %dma_start3A_294 = arith.constant 0 : i32
    %dma_start3A_295 = tpu.memref_slice %arg19[%add3A_291, %dma_start3A_294] : memref<10000x64xf32, #tpu.memory_space<vmem_shared>> -> memref<125x64xf32, #tpu.memory_space<vmem_shared>>
    tpu.enqueue_dma source(%dma_start3A_295 : memref<125x64xf32, #tpu.memory_space<vmem_shared>>) target(%arg15 : memref<125x64xf32, #tpu.memory_space<vmem>>) target_semaphore(%arg30 : memref<!tpu.dma_semaphore, #tpu.memory_space<semaphore_mem>>)
    %scan3A_296 = arith.constant 0 : i32
    %scan3A_297 = arith.constant 0 : i32
    %scan3A_298 = arith.constant 125 : i32
    %scan3A_299 = arith.addi %scan3A_297, %scan3A_298 : i32
    %scan3A_300 = arith.constant 1 : i32
    scf.for %scan3A_348 = %scan3A_297 to %scan3A_299 step %scan3A_300  : i32 {
      %get3A = arith.index_cast %scan3A_348 : i32 to index
      %get3A_349 = arith.constant 0 : index
      %get3A_350 = tpu.vector_load %arg16[%get3A, %get3A_349] {strides = array<i32>} : memref<125x64xf32, #tpu.memory_space<vmem>>, vector<1x16xf32>,
      %get3A_351 = vector.shape_cast %get3A_350 : vector<1x16xf32> to vector<16xf32>
      %get3A_352 = arith.constant 0 : index
      %get3A_353 = tpu.vector_load %arg17[%get3A_352] {strides = array<i32>} : memref<64xf32, #tpu.memory_space<vmem>>, vector<16xf32>,
      %get3A_354 = vector.shape_cast %get3A_353 : vector<16xf32> to vector<16xf32>
      %add3A_355 = arith.addf %get3A_351, %get3A_354 : vector<16xf32>
      %get3A_356 = arith.constant 0 : index
      %get3A_357 = tpu.vector_load %arg18[%get3A_356] {strides = array<i32>} : memref<64xf32, #tpu.memory_space<vmem>>, vector<16xf32>,
      %get3A_358 = vector.shape_cast %get3A_357 : vector<16xf32> to vector<16xf32>
      %mul3A_359 = arith.mulf %get3A_358, %add3A_355 : vector<16xf32>
      %max3A = arith.maximumf %add3A_355, %mul3A_359 : vector<16xf32>
      %swap3A = arith.index_cast %scan3A_348 : i32 to index
      %swap3A_360 = arith.constant 0 : index
      %swap3A_361 = tpu.vector_load %arg16[%swap3A, %swap3A_360] {strides = array<i32>} : memref<125x64xf32, #tpu.memory_space<vmem>>, vector<1x16xf32>,
      %swap3A_362 = vector.shape_cast %swap3A_361 : vector<1x16xf32> to vector<16xf32>
      %swap3A_363 = vector.shape_cast %max3A : vector<16xf32> to vector<1x16xf32>
      tpu.vector_store %arg16[%swap3A, %swap3A_360], %swap3A_363 {strides = array<i32>} : memref<125x64xf32, #tpu.memory_space<vmem>>, vector<1x16xf32>,
      %get3A_364 = arith.index_cast %scan3A_348 : i32 to index
      %get3A_365 = arith.constant 16 : index
      %get3A_366 = tpu.vector_load %arg16[%get3A_364, %get3A_365] {strides = array<i32>} : memref<125x64xf32, #tpu.memory_space<vmem>>, vector<1x16xf32>,
      %get3A_367 = vector.shape_cast %get3A_366 : vector<1x16xf32> to vector<16xf32>
      %get3A_368 = arith.constant 16 : index
      %get3A_369 = tpu.vector_load %arg17[%get3A_368] {strides = array<i32>} : memref<64xf32, #tpu.memory_space<vmem>>, vector<16xf32>,
      %get3A_370 = vector.shape_cast %get3A_369 : vector<16xf32> to vector<16xf32>
      %add3A_371 = arith.addf %get3A_367, %get3A_370 : vector<16xf32>
      %get3A_372 = arith.constant 16 : index
      %get3A_373 = tpu.vector_load %arg18[%get3A_372] {strides = array<i32>} : memref<64xf32, #tpu.memory_space<vmem>>, vector<16xf32>,
      %get3A_374 = vector.shape_cast %get3A_373 : vector<16xf32> to vector<16xf32>
      %mul3A_375 = arith.mulf %get3A_374, %add3A_371 : vector<16xf32>
      %max3A_376 = arith.maximumf %add3A_371, %mul3A_375 : vector<16xf32>
      %swap3A_377 = arith.index_cast %scan3A_348 : i32 to index
      %swap3A_378 = arith.constant 16 : index
      %swap3A_379 = tpu.vector_load %arg16[%swap3A_377, %swap3A_378] {strides = array<i32>} : memref<125x64xf32, #tpu.memory_space<vmem>>, vector<1x16xf32>,
      %swap3A_380 = vector.shape_cast %swap3A_379 : vector<1x16xf32> to vector<16xf32>
      %swap3A_381 = vector.shape_cast %max3A_376 : vector<16xf32> to vector<1x16xf32>
      tpu.vector_store %arg16[%swap3A_377, %swap3A_378], %swap3A_381 {strides = array<i32>} : memref<125x64xf32, #tpu.memory_space<vmem>>, vector<1x16xf32>,
      %get3A_382 = arith.index_cast %scan3A_348 : i32 to index
      %get3A_383 = arith.constant 32 : index
      %get3A_384 = tpu.vector_load %arg16[%get3A_382, %get3A_383] {strides = array<i32>} : memref<125x64xf32, #tpu.memory_space<vmem>>, vector<1x16xf32>,
      %get3A_385 = vector.shape_cast %get3A_384 : vector<1x16xf32> to vector<16xf32>
      %get3A_386 = arith.constant 32 : index
      %get3A_387 = tpu.vector_load %arg17[%get3A_386] {strides = array<i32>} : memref<64xf32, #tpu.memory_space<vmem>>, vector<16xf32>,
      %get3A_388 = vector.shape_cast %get3A_387 : vector<16xf32> to vector<16xf32>
      %add3A_389 = arith.addf %get3A_385, %get3A_388 : vector<16xf32>
      %get3A_390 = arith.constant 32 : index
      %get3A_391 = tpu.vector_load %arg18[%get3A_390] {strides = array<i32>} : memref<64xf32, #tpu.memory_space<vmem>>, vector<16xf32>,
      %get3A_392 = vector.shape_cast %get3A_391 : vector<16xf32> to vector<16xf32>
      %mul3A_393 = arith.mulf %get3A_392, %add3A_389 : vector<16xf32>
      %max3A_394 = arith.maximumf %add3A_389, %mul3A_393 : vector<16xf32>
      %swap3A_395 = arith.index_cast %scan3A_348 : i32 to index
      %swap3A_396 = arith.constant 32 : index
      %swap3A_397 = tpu.vector_load %arg16[%swap3A_395, %swap3A_396] {strides = array<i32>} : memref<125x64xf32, #tpu.memory_space<vmem>>, vector<1x16xf32>,
      %swap3A_398 = vector.shape_cast %swap3A_397 : vector<1x16xf32> to vector<16xf32>
      %swap3A_399 = vector.shape_cast %max3A_394 : vector<16xf32> to vector<1x16xf32>
      tpu.vector_store %arg16[%swap3A_395, %swap3A_396], %swap3A_399 {strides = array<i32>} : memref<125x64xf32, #tpu.memory_space<vmem>>, vector<1x16xf32>,
      %get3A_400 = arith.index_cast %scan3A_348 : i32 to index
      %get3A_401 = arith.constant 48 : index
      %get3A_402 = tpu.vector_load %arg16[%get3A_400, %get3A_401] {strides = array<i32>} : memref<125x64xf32, #tpu.memory_space<vmem>>, vector<1x16xf32>,
      %get3A_403 = vector.shape_cast %get3A_402 : vector<1x16xf32> to vector<16xf32>
      %get3A_404 = arith.constant 48 : index
      %get3A_405 = tpu.vector_load %arg17[%get3A_404] {strides = array<i32>} : memref<64xf32, #tpu.memory_space<vmem>>, vector<16xf32>,
      %get3A_406 = vector.shape_cast %get3A_405 : vector<16xf32> to vector<16xf32>
      %add3A_407 = arith.addf %get3A_403, %get3A_406 : vector<16xf32>
      %get3A_408 = arith.constant 48 : index
      %get3A_409 = tpu.vector_load %arg18[%get3A_408] {strides = array<i32>} : memref<64xf32, #tpu.memory_space<vmem>>, vector<16xf32>,
      %get3A_410 = vector.shape_cast %get3A_409 : vector<16xf32> to vector<16xf32>
      %mul3A_411 = arith.mulf %get3A_410, %add3A_407 : vector<16xf32>
      %max3A_412 = arith.maximumf %add3A_407, %mul3A_411 : vector<16xf32>
      %swap3A_413 = arith.index_cast %scan3A_348 : i32 to index
      %swap3A_414 = arith.constant 48 : index
      %swap3A_415 = tpu.vector_load %arg16[%swap3A_413, %swap3A_414] {strides = array<i32>} : memref<125x64xf32, #tpu.memory_space<vmem>>, vector<1x16xf32>,
      %swap3A_416 = vector.shape_cast %swap3A_415 : vector<1x16xf32> to vector<16xf32>
      %swap3A_417 = vector.shape_cast %max3A_412 : vector<16xf32> to vector<1x16xf32>
      tpu.vector_store %arg16[%swap3A_413, %swap3A_414], %swap3A_417 {strides = array<i32>} : memref<125x64xf32, #tpu.memory_space<vmem>>, vector<1x16xf32>,
    }
    %scan3A_301 = arith.constant 125 : i32
    %mul3A_302 = arith.constant 625 : i32
    %mul3A_303 = arith.muli %arg1, %mul3A_302 : i32
    %add3A_304 = arith.constant 375 : i32
    %add3A_305 = arith.addi %mul3A_303, %add3A_304 : i32
    %mul3A_306 = arith.constant 64 : i32
    %mul3A_307 = arith.muli %arg0, %mul3A_306 : i32
    %dma_start3A_308 = tpu.memref_slice %arg7[%add3A_305, %mul3A_307] : memref<10000x128xf32, #tpu.memory_space<hbm>> -> memref<125x64xf32, #tpu.memory_space<hbm>>
    %dma_start3A_309 = tpu.memref_slice %arg7[%add3A_305, %mul3A_307] : memref<10000x128xf32, #tpu.memory_space<hbm>> -> memref<125x64xf32, #tpu.memory_space<hbm>>
    tpu.enqueue_dma source(%arg16 : memref<125x64xf32, #tpu.memory_space<vmem>>) target(%dma_start3A_309 : memref<125x64xf32, #tpu.memory_space<hbm>>) target_semaphore(%arg33 : memref<!tpu.dma_semaphore, #tpu.memory_space<semaphore_mem>>)
    %mul3A_310 = arith.constant 625 : i32
    %mul3A_311 = arith.muli %arg1, %mul3A_310 : i32
    %add3A_312 = arith.constant 500 : i32
    %add3A_313 = arith.addi %mul3A_311, %add3A_312 : i32
    %dma_wait3A_314 = arith.constant 0 : i32
    %dma_wait3A_315 = tpu.memref_slice %arg19[%add3A_313, %dma_wait3A_314] : memref<10000x64xf32, #tpu.memory_space<vmem_shared>> -> memref<125x64xf32, #tpu.memory_space<vmem_shared>>
    %dma_wait3A_316 = arith.constant 0 : i32
    %dma_wait3A_317 = tpu.memref_slice %arg19[%add3A_313, %dma_wait3A_316] : memref<10000x64xf32, #tpu.memory_space<vmem_shared>> -> memref<125x64xf32, #tpu.memory_space<vmem_shared>>
    tpu.wait_dma2 semaphore(%arg30 : memref<!tpu.dma_semaphore, #tpu.memory_space<semaphore_mem>>) src(%dma_wait3A_317 : memref<125x64xf32, #tpu.memory_space<vmem_shared>>) dst(%arg15 : memref<125x64xf32, #tpu.memory_space<vmem>>)
    %scan3A_318 = arith.constant 0 : i32
    %scan3A_319 = arith.constant 0 : i32
    %scan3A_320 = arith.constant 125 : i32
    %scan3A_321 = arith.addi %scan3A_319, %scan3A_320 : i32
    %scan3A_322 = arith.constant 1 : i32
    scf.for %scan3A_348 = %scan3A_319 to %scan3A_321 step %scan3A_322  : i32 {
      %get3A = arith.index_cast %scan3A_348 : i32 to index
      %get3A_349 = arith.constant 0 : index
      %get3A_350 = tpu.vector_load %arg15[%get3A, %get3A_349] {strides = array<i32>} : memref<125x64xf32, #tpu.memory_space<vmem>>, vector<1x16xf32>,
      %get3A_351 = vector.shape_cast %get3A_350 : vector<1x16xf32> to vector<16xf32>
      %get3A_352 = arith.constant 0 : index
      %get3A_353 = tpu.vector_load %arg17[%get3A_352] {strides = array<i32>} : memref<64xf32, #tpu.memory_space<vmem>>, vector<16xf32>,
      %get3A_354 = vector.shape_cast %get3A_353 : vector<16xf32> to vector<16xf32>
      %add3A_355 = arith.addf %get3A_351, %get3A_354 : vector<16xf32>
      %get3A_356 = arith.constant 0 : index
      %get3A_357 = tpu.vector_load %arg18[%get3A_356] {strides = array<i32>} : memref<64xf32, #tpu.memory_space<vmem>>, vector<16xf32>,
      %get3A_358 = vector.shape_cast %get3A_357 : vector<16xf32> to vector<16xf32>
      %mul3A_359 = arith.mulf %get3A_358, %add3A_355 : vector<16xf32>
      %max3A = arith.maximumf %add3A_355, %mul3A_359 : vector<16xf32>
      %swap3A = arith.index_cast %scan3A_348 : i32 to index
      %swap3A_360 = arith.constant 0 : index
      %swap3A_361 = tpu.vector_load %arg15[%swap3A, %swap3A_360] {strides = array<i32>} : memref<125x64xf32, #tpu.memory_space<vmem>>, vector<1x16xf32>,
      %swap3A_362 = vector.shape_cast %swap3A_361 : vector<1x16xf32> to vector<16xf32>
      %swap3A_363 = vector.shape_cast %max3A : vector<16xf32> to vector<1x16xf32>
      tpu.vector_store %arg15[%swap3A, %swap3A_360], %swap3A_363 {strides = array<i32>} : memref<125x64xf32, #tpu.memory_space<vmem>>, vector<1x16xf32>,
      %get3A_364 = arith.index_cast %scan3A_348 : i32 to index
      %get3A_365 = arith.constant 16 : index
      %get3A_366 = tpu.vector_load %arg15[%get3A_364, %get3A_365] {strides = array<i32>} : memref<125x64xf32, #tpu.memory_space<vmem>>, vector<1x16xf32>,
      %get3A_367 = vector.shape_cast %get3A_366 : vector<1x16xf32> to vector<16xf32>
      %get3A_368 = arith.constant 16 : index
      %get3A_369 = tpu.vector_load %arg17[%get3A_368] {strides = array<i32>} : memref<64xf32, #tpu.memory_space<vmem>>, vector<16xf32>,
      %get3A_370 = vector.shape_cast %get3A_369 : vector<16xf32> to vector<16xf32>
      %add3A_371 = arith.addf %get3A_367, %get3A_370 : vector<16xf32>
      %get3A_372 = arith.constant 16 : index
      %get3A_373 = tpu.vector_load %arg18[%get3A_372] {strides = array<i32>} : memref<64xf32, #tpu.memory_space<vmem>>, vector<16xf32>,
      %get3A_374 = vector.shape_cast %get3A_373 : vector<16xf32> to vector<16xf32>
      %mul3A_375 = arith.mulf %get3A_374, %add3A_371 : vector<16xf32>
      %max3A_376 = arith.maximumf %add3A_371, %mul3A_375 : vector<16xf32>
      %swap3A_377 = arith.index_cast %scan3A_348 : i32 to index
      %swap3A_378 = arith.constant 16 : index
      %swap3A_379 = tpu.vector_load %arg15[%swap3A_377, %swap3A_378] {strides = array<i32>} : memref<125x64xf32, #tpu.memory_space<vmem>>, vector<1x16xf32>,
      %swap3A_380 = vector.shape_cast %swap3A_379 : vector<1x16xf32> to vector<16xf32>
      %swap3A_381 = vector.shape_cast %max3A_376 : vector<16xf32> to vector<1x16xf32>
      tpu.vector_store %arg15[%swap3A_377, %swap3A_378], %swap3A_381 {strides = array<i32>} : memref<125x64xf32, #tpu.memory_space<vmem>>, vector<1x16xf32>,
      %get3A_382 = arith.index_cast %scan3A_348 : i32 to index
      %get3A_383 = arith.constant 32 : index
      %get3A_384 = tpu.vector_load %arg15[%get3A_382, %get3A_383] {strides = array<i32>} : memref<125x64xf32, #tpu.memory_space<vmem>>, vector<1x16xf32>,
      %get3A_385 = vector.shape_cast %get3A_384 : vector<1x16xf32> to vector<16xf32>
      %get3A_386 = arith.constant 32 : index
      %get3A_387 = tpu.vector_load %arg17[%get3A_386] {strides = array<i32>} : memref<64xf32, #tpu.memory_space<vmem>>, vector<16xf32>,
      %get3A_388 = vector.shape_cast %get3A_387 : vector<16xf32> to vector<16xf32>
      %add3A_389 = arith.addf %get3A_385, %get3A_388 : vector<16xf32>
      %get3A_390 = arith.constant 32 : index
      %get3A_391 = tpu.vector_load %arg18[%get3A_390] {strides = array<i32>} : memref<64xf32, #tpu.memory_space<vmem>>, vector<16xf32>,
      %get3A_392 = vector.shape_cast %get3A_391 : vector<16xf32> to vector<16xf32>
      %mul3A_393 = arith.mulf %get3A_392, %add3A_389 : vector<16xf32>
      %max3A_394 = arith.maximumf %add3A_389, %mul3A_393 : vector<16xf32>
      %swap3A_395 = arith.index_cast %scan3A_348 : i32 to index
      %swap3A_396 = arith.constant 32 : index
      %swap3A_397 = tpu.vector_load %arg15[%swap3A_395, %swap3A_396] {strides = array<i32>} : memref<125x64xf32, #tpu.memory_space<vmem>>, vector<1x16xf32>,
      %swap3A_398 = vector.shape_cast %swap3A_397 : vector<1x16xf32> to vector<16xf32>
      %swap3A_399 = vector.shape_cast %max3A_394 : vector<16xf32> to vector<1x16xf32>
      tpu.vector_store %arg15[%swap3A_395, %swap3A_396], %swap3A_399 {strides = array<i32>} : memref<125x64xf32, #tpu.memory_space<vmem>>, vector<1x16xf32>,
      %get3A_400 = arith.index_cast %scan3A_348 : i32 to index
      %get3A_401 = arith.constant 48 : index
      %get3A_402 = tpu.vector_load %arg15[%get3A_400, %get3A_401] {strides = array<i32>} : memref<125x64xf32, #tpu.memory_space<vmem>>, vector<1x16xf32>,
      %get3A_403 = vector.shape_cast %get3A_402 : vector<1x16xf32> to vector<16xf32>
      %get3A_404 = arith.constant 48 : index
      %get3A_405 = tpu.vector_load %arg17[%get3A_404] {strides = array<i32>} : memref<64xf32, #tpu.memory_space<vmem>>, vector<16xf32>,
      %get3A_406 = vector.shape_cast %get3A_405 : vector<16xf32> to vector<16xf32>
      %add3A_407 = arith.addf %get3A_403, %get3A_406 : vector<16xf32>
      %get3A_408 = arith.constant 48 : index
      %get3A_409 = tpu.vector_load %arg18[%get3A_408] {strides = array<i32>} : memref<64xf32, #tpu.memory_space<vmem>>, vector<16xf32>,
      %get3A_410 = vector.shape_cast %get3A_409 : vector<16xf32> to vector<16xf32>
      %mul3A_411 = arith.mulf %get3A_410, %add3A_407 : vector<16xf32>
      %max3A_412 = arith.maximumf %add3A_407, %mul3A_411 : vector<16xf32>
      %swap3A_413 = arith.index_cast %scan3A_348 : i32 to index
      %swap3A_414 = arith.constant 48 : index
      %swap3A_415 = tpu.vector_load %arg15[%swap3A_413, %swap3A_414] {strides = array<i32>} : memref<125x64xf32, #tpu.memory_space<vmem>>, vector<1x16xf32>,
      %swap3A_416 = vector.shape_cast %swap3A_415 : vector<1x16xf32> to vector<16xf32>
      %swap3A_417 = vector.shape_cast %max3A_412 : vector<16xf32> to vector<1x16xf32>
      tpu.vector_store %arg15[%swap3A_413, %swap3A_414], %swap3A_417 {strides = array<i32>} : memref<125x64xf32, #tpu.memory_space<vmem>>, vector<1x16xf32>,
    }
    %scan3A_323 = arith.constant 125 : i32
    %mul3A_324 = arith.constant 625 : i32
    %mul3A_325 = arith.muli %arg1, %mul3A_324 : i32
    %add3A_326 = arith.constant 500 : i32
    %add3A_327 = arith.addi %mul3A_325, %add3A_326 : i32
    %mul3A_328 = arith.constant 64 : i32
    %mul3A_329 = arith.muli %arg0, %mul3A_328 : i32
    %dma_start3A_330 = tpu.memref_slice %arg7[%add3A_327, %mul3A_329] : memref<10000x128xf32, #tpu.memory_space<hbm>> -> memref<125x64xf32, #tpu.memory_space<hbm>>
    %dma_start3A_331 = tpu.memref_slice %arg7[%add3A_327, %mul3A_329] : memref<10000x128xf32, #tpu.memory_space<hbm>> -> memref<125x64xf32, #tpu.memory_space<hbm>>
    tpu.enqueue_dma source(%arg15 : memref<125x64xf32, #tpu.memory_space<vmem>>) target(%dma_start3A_331 : memref<125x64xf32, #tpu.memory_space<hbm>>) target_semaphore(%arg32 : memref<!tpu.dma_semaphore, #tpu.memory_space<semaphore_mem>>)
    %mul3A_332 = arith.constant 625 : i32
    %mul3A_333 = arith.muli %arg1, %mul3A_332 : i32
    %add3A_334 = arith.constant 375 : i32
    %add3A_335 = arith.addi %mul3A_333, %add3A_334 : i32
    %mul3A_336 = arith.constant 64 : i32
    %mul3A_337 = arith.muli %arg0, %mul3A_336 : i32
    %dma_wait3A_338 = tpu.memref_slice %arg7[%add3A_335, %mul3A_337] : memref<10000x128xf32, #tpu.memory_space<hbm>> -> memref<125x64xf32, #tpu.memory_space<hbm>>
    %dma_wait3A_339 = tpu.memref_slice %arg7[%add3A_335, %mul3A_337] : memref<10000x128xf32, #tpu.memory_space<hbm>> -> memref<125x64xf32, #tpu.memory_space<hbm>>
    tpu.wait_dma2 semaphore(%arg33 : memref<!tpu.dma_semaphore, #tpu.memory_space<semaphore_mem>>) src(%arg16 : memref<125x64xf32, #tpu.memory_space<vmem>>) dst(%dma_wait3A_339 : memref<125x64xf32, #tpu.memory_space<hbm>>)
    %mul3A_340 = arith.constant 625 : i32
    %mul3A_341 = arith.muli %arg1, %mul3A_340 : i32
    %add3A_342 = arith.constant 500 : i32
    %add3A_343 = arith.addi %mul3A_341, %add3A_342 : i32
    %mul3A_344 = arith.constant 64 : i32
    %mul3A_345 = arith.muli %arg0, %mul3A_344 : i32
    %dma_wait3A_346 = tpu.memref_slice %arg7[%add3A_343, %mul3A_345] : memref<10000x128xf32, #tpu.memory_space<hbm>> -> memref<125x64xf32, #tpu.memory_space<hbm>>
    %dma_wait3A_347 = tpu.memref_slice %arg7[%add3A_343, %mul3A_345] : memref<10000x128xf32, #tpu.memory_space<hbm>> -> memref<125x64xf32, #tpu.memory_space<hbm>>
    tpu.wait_dma2 semaphore(%arg32 : memref<!tpu.dma_semaphore, #tpu.memory_space<semaphore_mem>>) src(%arg15 : memref<125x64xf32, #tpu.memory_space<vmem>>) dst(%dma_wait3A_347 : memref<125x64xf32, #tpu.memory_space<hbm>>)
    return
  }
}

module attributes {stable_mosaic.version = 14 : i64} {
  func.func @_mm_body(%arg0: i32, %arg1: memref<2000x128xf32, #tpu.memory_space<vmem>>, %arg2: memref<128x128xf32, #tpu.memory_space<vmem>>, %arg3: memref<1x128xf32, #tpu.memory_space<vmem>>, %arg4: memref<2000x128xf32, #tpu.memory_space<vmem>>) attributes {dimension_semantics = [#tpu.dimension_semantics<arbitrary>], iteration_bounds = array<i64: 5>, scalar_prefetch = 0 : i64, scratch_operands = 0 : i64, tpu.core_type = #tpu.core_type<tc>, window_params = [{transform_indices = @transform_0, window_bounds = array<i64: 2000, 128>}, {pipeline_mode = #tpu.pipeline_mode<synchronous>, transform_indices = @transform_1, window_bounds = array<i64: 128, 128>}, {pipeline_mode = #tpu.pipeline_mode<synchronous>, transform_indices = @transform_2, window_bounds = array<i64: 1, 128>}, {transform_indices = @transform_3, window_bounds = array<i64: 2000, 128>}]} {
    %get3A = arith.constant 0 : index
    %get3A_0 = arith.constant 0 : index
    %get3A_1 = vector.load %arg1[%get3A, %get3A_0] : memref<2000x128xf32, #tpu.memory_space<vmem>>, vector<2000x128xf32>
    %get3A_2 = arith.constant 0 : index
    %get3A_3 = arith.constant 0 : index
    %get3A_4 = vector.load %arg2[%get3A_2, %get3A_3] : memref<128x128xf32, #tpu.memory_space<vmem>>, vector<128x128xf32>
    %dot_general3A = arith.constant dense<0.000000e+00> : vector<2000x128xf32>
    %dot_general3A_5 = tpu.matmul %get3A_1, %get3A_4, %dot_general3A {dimension_numbers = #tpu.dot_dimension_numbers<[1], [1], [0], [0], [0, 0, 1, 0], [], []>, transpose_lhs_hint = false} : vector<2000x128xf32>, vector<128x128xf32>, vector<2000x128xf32> -> vector<2000x128xf32>
    %get3A_6 = arith.constant 0 : index
    %get3A_7 = arith.constant 0 : index
    %get3A_8 = vector.load %arg3[%get3A_6, %get3A_7] : memref<1x128xf32, #tpu.memory_space<vmem>>, vector<1x128xf32>
    %add3A = vector.broadcast %get3A_8 : vector<1x128xf32> to vector<2000x128xf32>
    %add3A_9 = arith.addf %dot_general3A_5, %add3A : vector<2000x128xf32>
    %swap3A = arith.constant 0 : index
    %swap3A_10 = arith.constant 0 : index
    %swap3A_11 = vector.load %arg4[%swap3A, %swap3A_10] : memref<2000x128xf32, #tpu.memory_space<vmem>>, vector<2000x128xf32>
    tpu.vector_store %arg4[%swap3A, %swap3A_10], %add3A_9 {strides = array<i32>} : memref<2000x128xf32, #tpu.memory_space<vmem>>, vector<2000x128xf32>,
    return
  }
  func.func @transform_0(%arg0: i32) -> (i32, i32) {
    %c0_i32 = arith.constant 0 : i32
    %c0_i32_0 = arith.constant 0 : i32
    return %arg0, %c0_i32 : i32, i32
  }
  func.func @transform_1(%arg0: i32) -> (i32, i32) {
    %c0_i32 = arith.constant 0 : i32
    %c0_i32_0 = arith.constant 0 : i32
    %c0_i32_1 = arith.constant 0 : i32
    return %c0_i32, %c0_i32_0 : i32, i32
  }
  func.func @transform_2(%arg0: i32) -> (i32, i32) {
    %c0_i32 = arith.constant 0 : i32
    %c0_i32_0 = arith.constant 0 : i32
    %c0_i32_1 = arith.constant 0 : i32
    return %c0_i32, %c0_i32_0 : i32, i32
  }
  func.func @transform_3(%arg0: i32) -> (i32, i32) {
    %c0_i32 = arith.constant 0 : i32
    %c0_i32_0 = arith.constant 0 : i32
    return %arg0, %c0_i32 : i32, i32
  }
}

</mosaic_0001>

<sc_bundles>
// kernel: kernel.6.cloned.1.call-start
scs
__scs_entry_jumppad:
0x0: {  	(pc) =	sbr.rel $0x88, $3  }
0x1: {  	(tag) =	ssettag $0x0;
	lr =	simm.s32 $0x1  }
0x2: {  	[smem:$0x3F9B] =	sst lr;
	_ =	strace $0xD0000000  }
0x3: {  	_ = 	snop  }
0x4: {  	_ = 	snop  }
0x5: {  	_ = 	snop  }
0x6: {  	_ = 	snop  }
0x7: {  	_ = 	snop  }
__scs_overlays_trampoline_lowered:
0x8: {  	[smem:$0x3FAA] =	sst s0  }
0x9: {  	[smem:$0x3FAB] =	sst s1  }
0xa: {  	[smem:$0x3FAC] =	sst s2  }
0xb: {  	[smem:$0x3FAD] =	sst s3  }
0xc: {  	[smem:$0x3FAE] =	sst s4  }
0xd: {  	[smem:$0x3FAF] =	sst s5  }
0xe: {  	[smem:$0x3FB0] =	sst s6  }
0xf: {  	[smem:$0x3FB1] =	sst s7  }
0x10: {  	[smem:$0x3FB2] =	sst s8  }
0x11: {  	[smem:$0x3FB3] =	sst s9;
	s0 =	simm.s32 @!p0 $0x0  }
0x12: {  	s1 =	sld [smem:$0x3F99];
	s0 =	simm.s32 @p0 $0x1  }
0x13: {  	[smem:$0x3FB4] =	sst s0;
	s0 =	simm.s32 @!p1 $0x0  }
0x14: {  	s2 =	sld [smem:$0x3F98];
	s0 =	simm.s32 @p1 $0x1  }
0x15: {  	[smem:$0x3FB5] =	sst s0;
	s0 =	simm.s32 @!p2 $0x0  }
0x16: {  	s3 =	sld [smem:$0x3FDB];
	s0 =	simm.s32 @p2 $0x1  }
0x17: {  	s4 =	simm.s32 $0x1BF5;
	[smem:$0x3FB7] =	sst s0  }
0x18: {  	s0 =	sld [smem:$0x3F9A];
	_ =	swait.ge [sflag:s4], $0x0  }
0x19: {  	s7 =	sld [smem:$0x3F9B]  }
0x1a: {  	s8 =	sadd.s32 $0xFFFFE003, lr  }
0x1b: {  	s9 =	sadd.s32 $0xFFFFFEF7, lr;
	s5 =	simm.s32 $0xFFFFFFFF;
	p2 =	slt.u32 s8, $0xFFFFF086  }
0x1c: {  	p1 =	slt.u32 s9, $0xF7A;
	s5 =	simm.s32 @!p2 $0x0  }
0x1d: {  	s5 =	simm.s32 @p1 $0x1;
	p0 =	seq.s32 s7, s2  }
0x1e: {  	s7 =	smul.u32 @!p0 $0xF7A, s2;
	p2 =	seq.s32 @!p0 s5, $0x0  }
0x1f: {  	s9 =	smul.u32 $0xF7A, s1;
	s8 =	simm.s32 @!p0 $0x1BF5;
	p2 =	por !p2, p0  }
0x20: {  	[sflag:s8] =	ssyncset.s32 @!p0 $0xFFFFF086;
	s6 =	sadd.s32 @!p0 s3, s7;
	s7 =	simm.s32 @!p0 $0x108  }
0x21: {  	s3 =	sadd.s32 s3, s9;
	s6 =	sadd.s32 @!p0 $0x88, s6;
	s7 =	simm.s32 @p2 $0x1082  }
0x22: {  	[simem:s7], [sflag:s8] =	dma.local @!p0 [hbm:s6], $0xF7A  }
0x23: {  	s9 =	sor.u32 $0xD0000000, s2;
	s6 =	simm.s32 $0x108;
	_ =	swait.ge @!p0 [sflag:s8], $0x0  }
0x24: {  	s3 =	sadd.s32 $0x88, s3;
	s6 =	simm.s32 @!p1 $0x1082;
	[sflag:s4] =	ssyncset.s32 $0xFFFFF086  }
0x25: {  	[simem:s6], [sflag:s4] =	dma.local [hbm:s3], $0xF7A  }
0x26: {  	[smem:$0x3F9B] =	sst s1;
	(tag) =	ssettag s2;
	_ =	strace s9  }
0x27: {  	s1 =	sld [smem:$0x3FAB]  }
0x28: {  	s2 =	sld [smem:$0x3FAC]  }
0x29: {  	s4 =	sld [smem:$0x3FAE]  }
0x2a: {  	p0 =	seq.s32 s5, $0x0;
	s5 =	sld [smem:$0x3FAF]  }
0x2b: {  	s6 =	sld [smem:$0x3FB0]  }
0x2c: {  	s7 =	sld [smem:$0x3FB1]  }
0x2d: {  	s3 =	simm.s32 $0x108;
	s8 =	sld [smem:$0x3FB2]  }
0x2e: {  	s3 =	simm.s32 @!p0 $0x1082;
	s9 =	sld [smem:$0x3FB3]  }
0x2f: {  	lr =	sadd.s32 s0, s3;
	s0 =	sld [smem:$0x3FAA]  }
0x30: {  	s3 =	sld [smem:$0x3FAD]  }
0x31: {  	[smem:$0x3FB6] =	sst s10  }
0x32: {  	s10 =	sld [smem:$0x3FB4];
	_ =	sdelay $0x3  }
0x33: {  	p0 =	seq.s32 s10, $0x1;
	s10 =	sld [smem:$0x3FB6];
	_ =	sdelay $0x3  }
0x34: {  	[smem:$0x3FB6] =	sst s10  }
0x35: {  	s10 =	sld [smem:$0x3FB5];
	_ =	sdelay $0x3  }
0x36: {  	p1 =	seq.s32 s10, $0x1;
	s10 =	sld [smem:$0x3FB6];
	_ =	sdelay $0x3  }
0x37: {  	[smem:$0x3FB6] =	sst s10  }
0x38: {  	s10 =	sld [smem:$0x3FB7]  }
0x39: {  	_ = 	snop;
	(pc) =	sbr.ind lr, $3  }
0x3a: {  	_ = 	snop  }
0x3b: {  	_ = 	snop  }
0x3c: {  	p2 =	seq.s32 s10, $0x1;
	s10 =	sld [smem:$0x3FB6]  }
0x3d: {  	_ =	shalt  }
0x3e: {  	_ =	shalt  }
0x3f: {  	_ =	shalt  }
0x40: {  	_ =	shalt  }
0x41: {  	_ =	shalt  }
0x42: {  	_ =	shalt  }
0x43: {  	_ =	shalt  }
0x44: {  	_ =	shalt  }
0x45: {  	_ =	shalt  }
0x46: {  	_ =	shalt  }
0x47: {  	_ =	shalt  }
0x48: {  	_ =	shalt  }
0x49: {  	_ =	shalt  }
0x4a: {  	_ =	shalt  }
0x4b: {  	_ =	shalt  }
0x4c: {  	_ =	shalt  }
0x4d: {  	_ =	shalt  }
0x4e: {  	_ =	shalt  }
0x4f: {  	_ =	shalt  }
0x50: {  	_ =	shalt  }
0x51: {  	_ =	shalt  }
0x52: {  	_ =	shalt  }
0x53: {  	_ =	shalt  }
0x54: {  	_ =	shalt  }
0x55: {  	_ =	shalt  }
0x56: {  	_ =	shalt  }
0x57: {  	_ =	shalt  }
0x58: {  	_ =	shalt  }
0x59: {  	_ =	shalt  }
0x5a: {  	_ =	shalt  }
0x5b: {  	_ =	shalt  }
0x5c: {  	_ =	shalt  }
0x5d: {  	_ =	shalt  }
0x5e: {  	_ =	shalt  }
0x5f: {  	_ =	shalt  }
0x60: {  	_ =	shalt  }
0x61: {  	_ =	shalt  }
0x62: {  	_ =	shalt  }
0x63: {  	_ =	shalt  }
0x64: {  	_ =	shalt  }
0x65: {  	_ =	shalt  }
0x66: {  	_ =	shalt  }
0x67: {  	_ =	shalt  }
0x68: {  	_ =	shalt  }
0x69: {  	_ =	shalt  }
0x6a: {  	_ =	shalt  }
0x6b: {  	_ =	shalt  }
0x6c: {  	_ =	shalt  }
0x6d: {  	_ =	shalt  }
0x6e: {  	_ =	shalt  }
0x6f: {  	_ =	shalt  }
0x70: {  	_ =	shalt  }
0x71: {  	_ =	shalt  }
0x72: {  	_ =	shalt  }
0x73: {  	_ =	shalt  }
0x74: {  	_ =	shalt  }
0x75: {  	_ =	shalt  }
0x76: {  	_ =	shalt  }
0x77: {  	_ =	shalt  }
0x78: {  	_ =	shalt  }
0x79: {  	_ =	shalt  }
0x7a: {  	_ =	shalt  }
0x7b: {  	_ =	shalt  }
0x7c: {  	_ =	shalt  }
0x7d: {  	_ =	shalt  }
0x7e: {  	_ =	shalt  }
0x7f: {  	_ =	shalt  }
0x80: {  	_ =	shalt  }
0x81: {  	_ =	shalt  }
0x82: {  	_ =	shalt  }
0x83: {  	_ =	shalt  }
0x84: {  	_ =	shalt  }
0x85: {  	_ =	shalt  }
0x86: {  	_ =	shalt  }
0x87: {  	_ =	shalt  }
.Lfunc_end0:
.L_simem_size_0:
called_computation_lowered:
.L_overlay_start_0:
0x88: {  	s2 =	sld [smem:$0x3FD9]  }
0x89: {  	s3 =	sld [smem:$0x3FFE];
	_ =	sdelay $0x1  }
0x8a: {  	s1 =	srdreg.scid  }
0x8b: {  	s0 =	sand.u32 $0x1, s1  }
0x8c: {  	s17 =	sshll.u32 s0, $0xA;
	s2 =	sadd.s32 s3, s2  }
0x8d: {  	s2 =	sadd.s32 s2, s17  }
0x8e: {  	[smem:$0x3FC2] =	sst s2  }
0x8f: {  	_ = 	snop  }
0x90: {  	s2 =	sld [smem:$0x3FD0];
	(tm) =	ssettm $0x1  }
0x91: {  	s18 =	sld [smem:$0x3FFB];
	_ =	sdelay $0x3  }
0x92: {  	_ =	strace s18  }
0x93: {  	s3 =	sld [smem:$0x3FFC];
	_ =	sdelay $0x3  }
0x94: {  	_ =	strace s3  }
0x95: {  	s3 =	sld [smem:$0x3FFD];
	_ =	sdelay $0x3  }
0x96: {  	_ =	strace s3  }
0x97: {  	_ =	strace $0x8FFFFFFF  }
0x98: {  	s19 =	sld [smem:$0x3FDB];
	_ =	sdelay $0x1  }
0x99: {  	s4 =	simm.s32 $_scs_section_size  }
0x9a: {  	s5 =	simm.s32 $_size__tile_overlayer_lowered;
	s6 =	simm.s32 $_tile_overlayer_lowered  }
0x9b: {  	s22 =	simm.s32 $0x1BFF;
	s21 =	sshll.u32 s6, $0x1;
	s3 =	sadd.s32 s4, s19  }
0x9c: {  	s7 =	simm.s32 $0x0;
	s20 =	sshll.u32 s5, $0x1;
	s5 =	sadd.s32 s21, s3  }
0x9d: {  	[timem:s7], [sflag:s22] =	dma.local [hbm:s5], s20  }
0x9e: {  	_ =	swait.ge [sflag:s22], s20  }
0x9f: {  	s4 =	ssub.s32 $0x0, s20;
	[sflag:s22] =	ssyncset.done $0x0  }
0xa0: {  	[sflag:s22] =	ssyncadd.s32 s4;
	_ =	sdelay $0x1  }
0xa1: {  	s23 =	simm.s32 $0x1B8B  }
0xa2: {  	_ =	swait.ge [sflag:s23], $0x1  }
0xa3: {  	[sflag:s23] =	ssyncset.done $0x0  }
0xa4: {  	s25 =	simm.s32 $0x1B8E;
	s24 =	sld [smem:$0x3FFE];
	[sflag:s23] =	ssyncadd.s32 $0xFFFFFFFF  }
0xa5: {  	s26 =	simm.s32 $execute0_lowered;
	[smem:$0x3FD2] =	sst s25  }
0xa6: {  	s5 =	sshll.u32 s26, $0x1;
	_ =	strace $0x80000046;
	[dreg:$0x1] =	wrdreg $0xFFFFFFFF  }
0xa7: {  	s28 =	simm.s32 $_size_execute0_lowered;
	s3 =	sadd.s32 s3, s5;
	[dreg:$0x0] =	wrdreg $0x0  }
0xa8: {  	s5 =	sshll.u32 s28, $0x1;
	[dreg:$0x2] =	wrdreg s3  }
0xa9: {  	[dreg:$0x3] =	wrdreg s5  }
0xaa: {  	[dreg:$0x4] =	wrdreg $0xC0  }
0xab: {  	_ =	task [dreg:s7], $0x5FFFF  }
0xac: {  	[dreg:$0x1] =	wrdreg $0xFFFFFFFF  }
0xad: {  	[dreg:$0x0] =	wrdreg $0x60  }
0xae: {  	[dreg:$0x2] =	wrdreg s2  }
0xaf: {  	[dreg:$0x3] =	wrdreg s24  }
0xb0: {  	[dreg:$0x4] =	wrdreg $0x13F400  }
0xb1: {  	[dreg:$0x5] =	wrdreg $0x9  }
0xb2: {  	_ =	task.clear_ibuf [dreg:s7], $0x6FFFF;
	_ =	strace $0x90000046  }
0xb3: {  	s29 =	simm.s32 $0x9;
	_ =	strace $0x80000048  }
0xb4: {  	_ =	swait.ge [sflag:s29], $0x1  }
0xb5: {  	[sflag:s29] =	ssyncadd.s32 $0xFFFFFFFF  }
0xb6: {  	_ =	strace $0x90000048  }
0xb7: {  	_ =	sfence  }
0xb8: {  	s30 =	sld [smem:$0x0];
	_ =	sdelay $0x2  }
0xb9: {  	s31 =	sshll.u32 s1, $0xD;
	s1 =	sshrl.u32 s1, $0x2  }
0xba: {  	s3 =	sand.u32 $0x4000, s31;
	s1 =	sadd.s32 s1, s30  }
0xbb: {  	s0 =	sor.u32 s3, s0;
	s1 =	sshll.u32 s1, $0x11  }
0xbc: {  	s0 =	sor.u32 s1, s0  }
0xbd: {  	s0 =	sadd.s32 $0x8F2B, s0  }
0xbe: {  	[sflag:s0] =	ssyncadd.remote.s32 $0x1  }
0xbf: {  	_ =	sfence.sel $0xFFFF  }
0xc0: {  	[dreg:$0x0] =	wrdreg $0xFFFFFFFF;
	(pc) =	sbr.abs _section_cstart, $3  }
0xc1: {  	[dreg:$0x1] =	wrdreg $0xFFFFFFFF  }
0xc2: {  	_ =	task.clear_ibuf [dreg:s7], $0x2FFFF;
	_ =	strace $0x9FFFFFFF  }
0xc3: {  	(tm) =	ssettm $0x7FFFFFFF  }
tec
execute0_lowered:
.L_overlay_start_1:
0x0: {  	(tag) =	ssettag $0x1  }
0x1: {  	s0 =	srdreg.scid;
	s2 =	rddreg [dreg:$0x0]  }
0x2: {  	s11 =	stileid.u32;
	s4 =	rddreg [dreg:$0x1]  }
0x3: {  	s3 =	rddreg [dreg:$0x2];
	s1 =	smul.u32 $0x4E20, s11  }
0x4: {  	s6 =	simm.s32 $0x0;
	s28 =	simm.s32 $0x9C40;
	s9 =	smul.u32 $0x271, s11  }
0x5: {  	s29 =	simm.s32 $0xB040;
	s31 =	simm.s32 $0xC440;
	s26 =	smul.u32 $0x27100, s11  }
0x6: {  	s0 =	sand.u32 $0x1, s0;
	[smem:$0x7FF] =	sst s6;
	s11 =	smul.u32 $0x13880, s11  }
0x7: {  	s30 =	simm.s32 $0x2;
	s5 =	smul.u32 $0x4E200, s0;
	_ =	strace $0x80000047  }
0x8: {  	s25 =	sshll.u32 s0, $0x3;
	s7 =	ssub.s32 $0x2, s0;
	s0 =	sshll.u32 s0, $0x6  }
0x9: {  	s6 =	sadd.s32 s25, s4;
	s8 =	sshrl.u32 s7, $0x1;
	s12 =	sshrl.u32 s26, $0x2  }
0xa: {  	s13 =	sadd.s32 $0x7D, s9;
	s15 =	sadd.s32 $0xFA, s9;
	s17 =	sadd.s32 $0x177, s9  }
0xb: {  	s20 =	sadd.s32 $0x1F4, s9;
	s21 =	sor.u32 s0, s11;
	s5 =	sadd.s32 s1, s5  }
0xc: {  	s1 =	sshrl.u32 s1, $0x3;
	s7 =	ssub.s32 s7, s8;
	s10 =	sadd.s32 $0x1F000, s6  }
0xd: {  	s6 =	sadd.s32 $0x1F200, s6;
	s16 =	sadd.s32 s12, s3;
	s14 =	sshll.u32 s13, $0x6  }
0xe: {  	s18 =	sshll.u32 s15, $0x6;
	s22 =	sshll.u32 s20, $0x6;
	s9 =	sshrl.u32 s21, $0x3  }
0xf: {  	s23 =	sshll.u32 s17, $0x7;
	s24 =	sshll.u32 s20, $0x7;
	s20 =	simm.s32 $0xF  }
0x10: {  	s21 =	simm.s32 $0x4;
	s5 =	sshrl.u32 s5, $0x3;
	[dreg:$0x6] =	wrdreg s10  }
0x11: {  	s1 =	sadd.s32 s1, s4;
	[dreg:$0x7] =	wrdreg s6;
	s10 =	sshll.u32 s17, $0x6  }
0x12: {  	s8 =	sadd.s32 s18, s3;
	s26 =	smax.u32 s7, $0x1;
	s6 =	simm.s32 $0x6  }
0x13: {  	s7 =	simm.s32 $0x7;
	s18 =	simm.s32 $0x80;
	s5 =	sadd.s32 s5, s4  }
0x14: {  	s4 =	sadd.s32 $0x1F400, s4;
	s1 =	sadd.s32 $0x1400, s1;
	[dreg:$0x9] =	wrdreg s8  }
0x15: {  	s19 =	sadd.s32 s10, s3;
	s10 =	sadd.s32 s22, s3;
	[dreg:$0x11] =	wrdreg s26  }
0x16: {  	s26 =	simm.s32 $0x50;
	s22 =	simm.s32 $0xEC40;
	[dreg:$0x5] =	wrdreg s1  }
0x17: {  	s8 =	simm.s32 $0x8;
	s5 =	sadd.s32 $0xB200, s5;
	[dreg:$0xa] =	wrdreg s19  }
0x18: {  	s1 =	sadd.s32 s14, s3;
	[dreg:$0xb] =	wrdreg s10;
	s9 =	sadd.s32 s4, s9  }
0x19: {  	s14 =	simm.s32 $0x9;
	s19 =	simm.s32 $0xC;
	[dreg:$0x4] =	wrdreg s5  }
0x1a: {  	s10 =	simm.s32 $0x0;
	[dreg:$0x8] =	wrdreg s1;
	s5 =	sshll.u32 s13, $0x7  }
0x1b: {  	[dreg:$0xc] =	wrdreg s9;
	s1 =	sshll.u32 s15, $0x7;
	s5 =	sor.u32 s0, s5  }
0x1c: {  	s15 =	simm.s32 $0xA;
	s1 =	sor.u32 s0, s1;
	s5 =	sshrl.u32 s5, $0x3  }
0x1d: {  	s9 =	simm.s32 $0xE;
	s1 =	sshrl.u32 s1, $0x3;
	s5 =	sadd.s32 s4, s5  }
0x1e: {  	s1 =	sadd.s32 s4, s1;
	[dreg:$0xd] =	wrdreg s5;
	s5 =	sor.u32 s0, s23  }
0x1f: {  	s0 =	sor.u32 s0, s24;
	[dreg:$0xe] =	wrdreg s1;
	s24 =	simm.s32 $0x10040  }
0x20: {  	s23 =	simm.s32 $0x1;
	s5 =	sshrl.u32 s5, $0x3;
	s0 =	sshrl.u32 s0, $0x3  }
0x21: {  	s1 =	simm.s32 $0x3;
	s25 =	sadd.s32 s4, s5;
	s0 =	sadd.s32 s4, s0  }
0x22: {  	s5 =	simm.s32 $0x5;
	s4 =	simm.s32 $0xD;
	[dreg:$0xf] =	wrdreg s25  }
0x23: {  	v0 =	vimm.f32 $0.0e+00;
	[dreg:$0x10] =	wrdreg s0;
	s25 =	simm.s32 $0xB;
	s0 =	simm.s32 $0xD840  }
.LBB2_1:
0x24: {  	s11 =	simm.s32 $0x0;
	s12 =	rddreg [dreg:$0x4]  }
0x25: {  	[tilespmem:s11], [sflag:$0xF] =	stream.linear.gather [hbm4b:s12+s11], $0x4E20, $0x38;
	[tilespmem:$0x1DB80] =	vst v63  }
0x26: {  	_ =	swait.ge [sflag:s20], $0x4E20  }
0x27: {  	[sflag:s20] =	ssyncset.done $0x0  }
0x28: {  	s13 =	simm.s32 $0x4E20;
	s17 =	rddreg [dreg:$0x5];
	[sflag:s20] =	ssyncadd.s32 $0xFFFFB1E0  }
0x29: {  	[tilespmem:s13], [sflag:$0xF] =	stream.linear.gather [hbm4b:s17+s11], $0x4E20, $0x38;
	[tilespmem:$0x1DB80] =	vst v63  }
0x2a: {  	_ =	swait.ge [sflag:s20], $0x4E20  }
0x2b: {  	[sflag:s20] =	ssyncset.done $0x0  }
0x2c: {  	s17 =	simm.s32 $0x13EC0;
	s13 =	rddreg [dreg:$0x6];
	[sflag:s20] =	ssyncadd.s32 $0xFFFFB1E0  }
0x2d: {  	[tilespmem:s17], [sflag:$0xF] =	stream.linear.gather [hbm4b:s13+s11], $0x40, $0x38;
	[tilespmem:$0x1DB80] =	vst v63  }
0x2e: {  	_ =	swait.ge [sflag:s20], $0x40  }
0x2f: {  	[sflag:s20] =	ssyncset.done $0x0  }
0x30: {  	s17 =	simm.s32 $0x13F00;
	s13 =	rddreg [dreg:$0x7];
	[sflag:s20] =	ssyncadd.s32 $0xFFFFFFC0  }
0x31: {  	[tilespmem:s17], [sflag:$0xF] =	stream.linear.gather [hbm4b:s13+s11], $0x40, $0x38;
	[tilespmem:$0x1DB80] =	vst v63  }
0x32: {  	_ =	swait.ge [sflag:s20], $0x40  }
0x33: {  	[sflag:s20] =	ssyncset.done $0x0  }
0x34: {  	s12 =	simm.s32 $0x100;
	s11 =	simm.s32 $0x0;
	[sflag:s20] =	ssyncadd.s32 $0xFFFFFFC0  }
.LBB2_2:
0x35: {  	p0 =	sne.s32 s12, $0x7C00;
	[tilespmem:s11+$0x10070] =	vst v0;
	s13 =	smov.u32 s12;
	s12 =	sadd.s32 $0x100, s12  }
.Ltmp0:
0x36: {  	[tilespmem:s11+$0x10060] =	vst v0;
	(pc) =	sbr.rel @p0 .LBB2_2-.Ltmp0, $3  }
0x37: {  	[tilespmem:s11+$0x10040] =	vst v0  }
0x38: {  	[tilespmem:s11+$0x10050] =	vst v0;
	_ =	sdelay $0x1  }
0x39: {  	s11 =	sshra.s32 s13, $0x2  }
0x3a: {  	[tilespmem:s11+$0x10070] =	vst v0  }
0x3b: {  	[tilespmem:s11+$0x10060] =	vst v0  }
0x3c: {  	[tilespmem:s11+$0x10040] =	vst v0  }
0x3d: {  	[tilespmem:s11+$0x10050] =	vst v0  }
0x3e: {  	[spmem:s16] =	stream.linear.scatter [tilespmem:s24], [sflag:$0xB], $0x1F40, $0x38;
	[tilespmem:$0x1DB80] =	vst v63  }
0x3f: {  	s13 =	rddreg [dreg:$0x8]  }
0x40: {  	[spmem:s13] =	stream.linear.scatter [tilespmem:s24], [sflag:$0xB], $0x1F40, $0x38;
	[tilespmem:$0x1DB80] =	vst v63  }
0x41: {  	s17 =	smov.u32 s16;
	s16 =	rddreg [dreg:$0x9]  }
0x42: {  	[spmem:s16] =	stream.linear.scatter [tilespmem:s24], [sflag:$0xB], $0x1F40, $0x38;
	[tilespmem:$0x1DB80] =	vst v63  }
0x43: {  	s12 =	rddreg [dreg:$0xa]  }
0x44: {  	[spmem:s12] =	stream.linear.scatter [tilespmem:s24], [sflag:$0xB], $0x1F40, $0x38;
	[tilespmem:$0x1DB80] =	vst v63  }
0x45: {  	s13 =	rddreg [dreg:$0xb]  }
0x46: {  	[spmem:s13] =	stream.linear.scatter [tilespmem:s24], [sflag:$0xB], $0x1F40, $0x38;
	[tilespmem:$0x1DB80] =	vst v63  }
0x47: {  	_ =	swait.ge [sflag:s25], $0x1F40  }
0x48: {  	[sflag:s25] =	ssyncset.done $0x0  }
0x49: {  	[sflag:s25] =	ssyncadd.s32 $0xFFFFE0C0  }
0x4a: {  	_ =	swait.ge [sflag:s25], $0x1F40  }
0x4b: {  	[sflag:s25] =	ssyncset.done $0x0  }
0x4c: {  	[sflag:s25] =	ssyncadd.s32 $0xFFFFE0C0  }
0x4d: {  	_ =	swait.ge [sflag:s25], $0x1F40  }
0x4e: {  	[sflag:s25] =	ssyncset.done $0x0  }
0x4f: {  	[sflag:s25] =	ssyncadd.s32 $0xFFFFE0C0  }
0x50: {  	_ =	swait.ge [sflag:s25], $0x1F40  }
0x51: {  	[sflag:s25] =	ssyncset.done $0x0  }
0x52: {  	[sflag:s25] =	ssyncadd.s32 $0xFFFFE0C0  }
0x53: {  	_ =	swait.ge [sflag:s25], $0x1F40  }
0x54: {  	[sflag:s25] =	ssyncset.done $0x0  }
0x55: {  	[sflag:s25] =	ssyncadd.s32 $0xFFFFE0C0  }
0x56: {  	s11 =	simm.s32 $0x0;
	[bflag:$0x0] =	sbarrier.arrive $0xFFFF  }
0x57: {  	[tilespmem:s28], [sflag:$0x1] =	stream.indirect.gather [hbm4b:s2+s26], $0x40, s11, s26, $0xb8;
	[tilespmem:$0x1DB80] =	vst v63  }
0x58: {  	_ = 	snop  }
0x59: {  	[tilespmem:s29], [sflag:$0x2] =	stream.indirect.gather [hbm4b:s2+s26], $0x40, s26, s26, $0xb8;
	[tilespmem:$0x1DB80] =	vst v63  }
0x5a: {  	s12 =	simm.s32 $0xA0  }
0x5b: {  	[tilespmem:s31], [sflag:$0x3] =	stream.indirect.gather [hbm4b:s2+s26], $0x40, s12, s26, $0xb8;
	[tilespmem:$0x1DB80] =	vst v63  }
0x5c: {  	s16 =	simm.s32 $0xF0  }
0x5d: {  	[tilespmem:s0], [sflag:$0x4] =	stream.indirect.gather [hbm4b:s2+s26], $0x40, s16, s26, $0xb8;
	[tilespmem:$0x1DB80] =	vst v63  }
0x5e: {  	s13 =	simm.s32 $0x140  }
0x5f: {  	[tilespmem:s22], [sflag:$0x5] =	stream.indirect.gather [hbm4b:s2+s26], $0x40, s13, s26, $0xb8;
	[tilespmem:$0x1DB80] =	vst v63  }
0x60: {  	_ =	swait.ge [sflag:s23], $0x1400  }
0x61: {  	[sflag:s23] =	ssyncset.done $0x0  }
0x62: {  	s16 =	simm.s32 $0x4E20;
	[sflag:s23] =	ssyncadd.s32 $0xFFFFEC00  }
0x63: {  	[spmem:s3] =	stream.indirect.scatter.add.f32 [tilespmem:s28], [sflag:$0x6], $0x40, s16, s26, $0xb8;
	[tilespmem:$0x1DB80] =	vst v63  }
0x64: {  	_ =	swait.ge [sflag:s30], $0x1400  }
0x65: {  	[sflag:s30] =	ssyncset.done $0x0  }
0x66: {  	s13 =	simm.s32 $0x4E70;
	[sflag:s30] =	ssyncadd.s32 $0xFFFFEC00  }
0x67: {  	[spmem:s3] =	stream.indirect.scatter.add.f32 [tilespmem:s29], [sflag:$0x7], $0x40, s13, s26, $0xb8;
	[tilespmem:$0x1DB80] =	vst v63  }
0x68: {  	_ =	swait.ge [sflag:s1], $0x1400  }
0x69: {  	[sflag:s1] =	ssyncset.done $0x0  }
0x6a: {  	s16 =	simm.s32 $0x4EC0;
	[sflag:s1] =	ssyncadd.s32 $0xFFFFEC00  }
0x6b: {  	[spmem:s3] =	stream.indirect.scatter.add.f32 [tilespmem:s31], [sflag:$0x8], $0x40, s16, s26, $0xb8;
	[tilespmem:$0x1DB80] =	vst v63  }
0x6c: {  	_ =	swait.ge [sflag:s21], $0x1400  }
0x6d: {  	[sflag:s21] =	ssyncset.done $0x0  }
0x6e: {  	s13 =	simm.s32 $0x4F10;
	[sflag:s21] =	ssyncadd.s32 $0xFFFFEC00  }
0x6f: {  	[spmem:s3] =	stream.indirect.scatter.add.f32 [tilespmem:s0], [sflag:$0x9], $0x40, s13, s26, $0xb8;
	[tilespmem:$0x1DB80] =	vst v63  }
0x70: {  	_ =	swait.ge [sflag:s5], $0x1400  }
0x71: {  	s16 =	smin.u32 s11, $0xF0;
	[sflag:s5] =	ssyncset.done $0x0  }
0x72: {  	s12 =	smul.u32 $0x140, s16;
	s13 =	simm.s32 $0x4F60;
	[sflag:s5] =	ssyncadd.s32 $0xFFFFEC00  }
0x73: {  	[spmem:s3] =	stream.indirect.scatter.add.f32 [tilespmem:s22], [sflag:$0xA], $0x40, s13, s26, $0xb8;
	[tilespmem:$0x1DB80] =	vst v63  }
0x74: {  	_ =	swait.ge [sflag:s6], $0x1400  }
0x75: {  	s13 =	sshrl.u32 s12, $0x2;
	[sflag:s6] =	ssyncset.done $0x0  }
0x76: {  	s12 =	sadd.s32 $0x190, s13;
	[sflag:s6] =	ssyncadd.s32 $0xFFFFEC00  }
0x77: {  	[tilespmem:s28], [sflag:$0x1] =	stream.indirect.gather [hbm4b:s2+s26], $0x40, s12, s26, $0xb8;
	[tilespmem:$0x1DB80] =	vst v63  }
0x78: {  	_ =	swait.ge [sflag:s7], $0x1400  }
0x79: {  	[sflag:s7] =	ssyncset.done $0x0  }
0x7a: {  	s16 =	sadd.s32 $0x1E0, s13;
	[sflag:s7] =	ssyncadd.s32 $0xFFFFEC00  }
0x7b: {  	[tilespmem:s29], [sflag:$0x2] =	stream.indirect.gather [hbm4b:s2+s26], $0x40, s16, s26, $0xb8;
	[tilespmem:$0x1DB80] =	vst v63  }
0x7c: {  	_ =	swait.ge [sflag:s8], $0x1400  }
0x7d: {  	[sflag:s8] =	ssyncset.done $0x0  }
0x7e: {  	s16 =	sadd.s32 $0x230, s13;
	[sflag:s8] =	ssyncadd.s32 $0xFFFFEC00  }
0x7f: {  	[tilespmem:s31], [sflag:$0x3] =	stream.indirect.gather [hbm4b:s2+s26], $0x40, s16, s26, $0xb8;
	[tilespmem:$0x1DB80] =	vst v63  }
0x80: {  	_ =	swait.ge [sflag:s14], $0x1400  }
0x81: {  	[sflag:s14] =	ssyncset.done $0x0  }
0x82: {  	s16 =	sadd.s32 $0x280, s13;
	[sflag:s14] =	ssyncadd.s32 $0xFFFFEC00  }
0x83: {  	[tilespmem:s0], [sflag:$0x4] =	stream.indirect.gather [hbm4b:s2+s26], $0x40, s16, s26, $0xb8;
	[tilespmem:$0x1DB80] =	vst v63  }
0x84: {  	_ =	swait.ge [sflag:s15], $0x1400  }
0x85: {  	s12 =	simm.s32 $0x640;
	s13 =	sadd.s32 $0x2D0, s13;
	[sflag:s15] =	ssyncset.done $0x0  }
.LBB2_4:
0x86: {  	p0 =	sne.s32 s12, $0x13240;
	[sflag:s15] =	ssyncadd.s32 $0xFFFFEC00;
	s11 =	sadd.s32 $0x5, s11  }
0x87: {  	[tilespmem:s22], [sflag:$0x5] =	stream.indirect.gather [hbm4b:s2+s26], $0x40, s13, s26, $0xb8;
	[tilespmem:$0x1DB80] =	vst v63  }
0x88: {  	s13 =	sshra.s32 s12, $0x2;
	s12 =	sadd.s32 $0x640, s12;
	_ =	swait.ge [sflag:s23], $0x1400  }
0x89: {  	s16 =	sadd.s32 $0x4E20, s13;
	[sflag:s23] =	ssyncset.done $0x0  }
0x8a: {  	[sflag:s23] =	ssyncadd.s32 $0xFFFFEC00  }
0x8b: {  	[spmem:s3] =	stream.indirect.scatter.add.f32 [tilespmem:s28], [sflag:$0x6], $0x40, s16, s26, $0xb8;
	[tilespmem:$0x1DB80] =	vst v63  }
0x8c: {  	_ =	swait.ge [sflag:s30], $0x1400  }
0x8d: {  	s16 =	sadd.s32 $0x4E70, s13;
	[sflag:s30] =	ssyncset.done $0x0  }
0x8e: {  	[sflag:s30] =	ssyncadd.s32 $0xFFFFEC00  }
0x8f: {  	[spmem:s3] =	stream.indirect.scatter.add.f32 [tilespmem:s29], [sflag:$0x7], $0x40, s16, s26, $0xb8;
	[tilespmem:$0x1DB80] =	vst v63  }
0x90: {  	_ =	swait.ge [sflag:s1], $0x1400  }
0x91: {  	s16 =	sadd.s32 $0x4EC0, s13;
	[sflag:s1] =	ssyncset.done $0x0  }
0x92: {  	[sflag:s1] =	ssyncadd.s32 $0xFFFFEC00  }
0x93: {  	[spmem:s3] =	stream.indirect.scatter.add.f32 [tilespmem:s31], [sflag:$0x8], $0x40, s16, s26, $0xb8;
	[tilespmem:$0x1DB80] =	vst v63  }
0x94: {  	_ =	swait.ge [sflag:s21], $0x1400  }
0x95: {  	s16 =	sadd.s32 $0x4F10, s13;
	[sflag:s21] =	ssyncset.done $0x0  }
0x96: {  	[sflag:s21] =	ssyncadd.s32 $0xFFFFEC00  }
0x97: {  	[spmem:s3] =	stream.indirect.scatter.add.f32 [tilespmem:s0], [sflag:$0x9], $0x40, s16, s26, $0xb8;
	[tilespmem:$0x1DB80] =	vst v63  }
0x98: {  	_ =	swait.ge [sflag:s5], $0x1400  }
0x99: {  	s13 =	sadd.s32 $0x4F60, s13;
	s16 =	smin.u32 s11, $0xF0;
	[sflag:s5] =	ssyncset.done $0x0  }
0x9a: {  	s16 =	smul.u32 $0x140, s16;
	[sflag:s5] =	ssyncadd.s32 $0xFFFFEC00  }
0x9b: {  	[spmem:s3] =	stream.indirect.scatter.add.f32 [tilespmem:s22], [sflag:$0xA], $0x40, s13, s26, $0xb8;
	[tilespmem:$0x1DB80] =	vst v63  }
0x9c: {  	s13 =	sshrl.u32 s16, $0x2;
	_ =	swait.ge [sflag:s6], $0x1400  }
0x9d: {  	s16 =	sadd.s32 $0x190, s13;
	[sflag:s6] =	ssyncset.done $0x0  }
0x9e: {  	[sflag:s6] =	ssyncadd.s32 $0xFFFFEC00  }
0x9f: {  	[tilespmem:s28], [sflag:$0x1] =	stream.indirect.gather [hbm4b:s2+s26], $0x40, s16, s26, $0xb8;
	[tilespmem:$0x1DB80] =	vst v63  }
0xa0: {  	_ =	swait.ge [sflag:s7], $0x1400  }
0xa1: {  	s16 =	sadd.s32 $0x1E0, s13;
	[sflag:s7] =	ssyncset.done $0x0  }
0xa2: {  	[sflag:s7] =	ssyncadd.s32 $0xFFFFEC00  }
0xa3: {  	[tilespmem:s29], [sflag:$0x2] =	stream.indirect.gather [hbm4b:s2+s26], $0x40, s16, s26, $0xb8;
	[tilespmem:$0x1DB80] =	vst v63  }
0xa4: {  	_ =	swait.ge [sflag:s8], $0x1400  }
0xa5: {  	s16 =	sadd.s32 $0x230, s13;
	[sflag:s8] =	ssyncset.done $0x0  }
0xa6: {  	[sflag:s8] =	ssyncadd.s32 $0xFFFFEC00  }
0xa7: {  	[tilespmem:s31], [sflag:$0x3] =	stream.indirect.gather [hbm4b:s2+s26], $0x40, s16, s26, $0xb8;
	[tilespmem:$0x1DB80] =	vst v63  }
0xa8: {  	_ =	swait.ge [sflag:s14], $0x1400  }
.Ltmp1:
0xa9: {  	s16 =	sadd.s32 $0x280, s13;
	[sflag:s14] =	ssyncset.done $0x0;
	(pc) =	sbr.rel @p0 .LBB2_4-.Ltmp1, $4  }
0xaa: {  	[sflag:s14] =	ssyncadd.s32 $0xFFFFEC00  }
0xab: {  	[tilespmem:s0], [sflag:$0x4] =	stream.indirect.gather [hbm4b:s2+s26], $0x40, s16, s26, $0xb8;
	[tilespmem:$0x1DB80] =	vst v63  }
0xac: {  	_ =	swait.ge [sflag:s15], $0x1400  }
0xad: {  	s13 =	sadd.s32 $0x2D0, s13;
	[sflag:s15] =	ssyncset.done $0x0  }
0xae: {  	[sflag:s15] =	ssyncadd.s32 $0xFFFFEC00  }
0xaf: {  	[tilespmem:s22], [sflag:$0x5] =	stream.indirect.gather [hbm4b:s2+s26], $0x40, s13, s26, $0xb8;
	[tilespmem:$0x1DB80] =	vst v63  }
0xb0: {  	_ =	swait.ge [sflag:s23], $0x1400  }
0xb1: {  	[sflag:s23] =	ssyncset.done $0x0  }
0xb2: {  	[sflag:s23] =	ssyncadd.s32 $0xFFFFEC00  }
0xb3: {  	_ =	swait.ge [sflag:s30], $0x1400  }
0xb4: {  	[sflag:s30] =	ssyncset.done $0x0  }
0xb5: {  	[sflag:s30] =	ssyncadd.s32 $0xFFFFEC00  }
0xb6: {  	_ =	swait.ge [sflag:s1], $0x1400  }
0xb7: {  	[sflag:s1] =	ssyncset.done $0x0  }
0xb8: {  	[sflag:s1] =	ssyncadd.s32 $0xFFFFEC00  }
0xb9: {  	_ =	swait.ge [sflag:s21], $0x1400  }
0xba: {  	[sflag:s21] =	ssyncset.done $0x0  }
0xbb: {  	[sflag:s21] =	ssyncadd.s32 $0xFFFFEC00  }
0xbc: {  	_ =	swait.ge [sflag:s5], $0x1400  }
0xbd: {  	[sflag:s5] =	ssyncset.done $0x0  }
0xbe: {  	[sflag:s5] =	ssyncadd.s32 $0xFFFFEC00  }
0xbf: {  	[bflag:$0x0] =	sbarrier.arrive $0xFFFF  }
0xc0: {  	[tilespmem:s24], [sflag:$0xB] =	stream.linear.gather [spmem:s17], $0x1F40, $0x38;
	[tilespmem:$0x1DB80] =	vst v63  }
0xc1: {  	_ =	swait.ge [sflag:s25], $0x1F40  }
0xc2: {  	s16 =	smov.u32 s17;
	[sflag:s25] =	ssyncset.done $0x0  }
0xc3: {  	s17 =	simm.s32 $0x11F80;
	s11 =	rddreg [dreg:$0x8];
	[sflag:s25] =	ssyncadd.s32 $0xFFFFE0C0  }
0xc4: {  	[tilespmem:s17], [sflag:$0xC] =	stream.linear.gather [spmem:s11], $0x1F40, $0x38;
	[tilespmem:$0x1DB80] =	vst v63  }
0xc5: {  	s11 =	simm.s32 $0x0  }
0xc6: {  	s12 =	simm.s32 $0x100;
	v1 =	vld [tilespmem:s11+$0x10040]  }
.LBB2_6:
0xc7: {  	p0 =	sne.s32 s12, $0x7C00;
	v2 =	vld [tilespmem:$0x13EC0]  }
0xc8: {  	v3 =	vld [tilespmem:$0x13F00];
	_ =	sdelay $0x3  }
0xc9: {  	v1 =	vadd.f32 v2, v1;
	_ =	sdelay $0x1  }
0xca: {  	v2 =	vmul.f32 v1, v3;
	_ =	sdelay $0x1  }
0xcb: {  	v1 =	vmax.f32 v1, v2  }
0xcc: {  	[tilespmem:s11+$0x10040] =	vst v1;
	v1 =	vld [tilespmem:s11+$0x10050]  }
0xcd: {  	v2 =	vld [tilespmem:$0x13ED0];
	_ =	sdelay $0x1  }
0xce: {  	v3 =	vld [tilespmem:$0x13F10];
	_ =	sdelay $0x2  }
0xcf: {  	v1 =	vadd.f32 v2, v1;
	_ =	sdelay $0x1  }
0xd0: {  	v2 =	vmul.f32 v1, v3;
	_ =	sdelay $0x1  }
0xd1: {  	v1 =	vmax.f32 v1, v2  }
0xd2: {  	[tilespmem:s11+$0x10050] =	vst v1;
	v1 =	vld [tilespmem:s11+$0x10060]  }
0xd3: {  	v2 =	vld [tilespmem:$0x13EE0];
	_ =	sdelay $0x1  }
0xd4: {  	v3 =	vld [tilespmem:$0x13F20];
	_ =	sdelay $0x2  }
0xd5: {  	v1 =	vadd.f32 v2, v1;
	_ =	sdelay $0x1  }
0xd6: {  	v2 =	vmul.f32 v1, v3;
	_ =	sdelay $0x1  }
0xd7: {  	v1 =	vmax.f32 v1, v2  }
0xd8: {  	[tilespmem:s11+$0x10060] =	vst v1;
	v1 =	vld [tilespmem:s11+$0x10070]  }
0xd9: {  	v2 =	vld [tilespmem:$0x13EF0]  }
0xda: {  	v3 =	vld [tilespmem:$0x13F30];
	_ =	sdelay $0x3  }
0xdb: {  	v1 =	vadd.f32 v2, v1  }
.Ltmp2:
0xdc: {  	(pc) =	sbr.rel @p0 .LBB2_6-.Ltmp2, $3  }
0xdd: {  	v2 =	vmul.f32 v1, v3;
	_ =	sdelay $0x1  }
0xde: {  	s13 =	sshra.s32 s12, $0x2;
	v2 =	vmax.f32 v1, v2  }
0xdf: {  	s12 =	sadd.s32 $0x100, s12;
	v1 =	vld [tilespmem:s13+$0x10040];
	[tilespmem:s11+$0x10070] =	vst v2;
	s11 =	smov.u32 s13  }
0xe0: {  	v2 =	vld [tilespmem:$0x13EC0];
	_ =	sdelay $0x1  }
0xe1: {  	v3 =	vld [tilespmem:$0x13F00];
	_ =	sdelay $0x2  }
0xe2: {  	v1 =	vadd.f32 v2, v1;
	_ =	sdelay $0x1  }
0xe3: {  	v2 =	vmul.f32 v1, v3;
	_ =	sdelay $0x1  }
0xe4: {  	v1 =	vmax.f32 v1, v2  }
0xe5: {  	[tilespmem:s11+$0x10040] =	vst v1;
	v1 =	vld [tilespmem:s11+$0x10050]  }
0xe6: {  	v2 =	vld [tilespmem:$0x13ED0];
	_ =	sdelay $0x1  }
0xe7: {  	v3 =	vld [tilespmem:$0x13F10];
	_ =	sdelay $0x2  }
0xe8: {  	v1 =	vadd.f32 v2, v1;
	_ =	sdelay $0x1  }
0xe9: {  	v2 =	vmul.f32 v1, v3;
	_ =	sdelay $0x1  }
0xea: {  	v1 =	vmax.f32 v1, v2  }
0xeb: {  	[tilespmem:s11+$0x10050] =	vst v1;
	v1 =	vld [tilespmem:s11+$0x10060]  }
0xec: {  	v2 =	vld [tilespmem:$0x13EE0];
	_ =	sdelay $0x1  }
0xed: {  	v3 =	vld [tilespmem:$0x13F20];
	_ =	sdelay $0x2  }
0xee: {  	v1 =	vadd.f32 v2, v1;
	_ =	sdelay $0x1  }
0xef: {  	v2 =	vmul.f32 v1, v3;
	_ =	sdelay $0x1  }
0xf0: {  	v1 =	vmax.f32 v1, v2  }
0xf1: {  	[tilespmem:s11+$0x10060] =	vst v1;
	v1 =	vld [tilespmem:s11+$0x10070]  }
0xf2: {  	v2 =	vld [tilespmem:$0x13EF0];
	_ =	sdelay $0x1  }
0xf3: {  	v3 =	vld [tilespmem:$0x13F30];
	_ =	sdelay $0x2  }
0xf4: {  	v1 =	vadd.f32 v2, v1;
	_ =	sdelay $0x1  }
0xf5: {  	v2 =	vmul.f32 v1, v3;
	_ =	sdelay $0x1  }
0xf6: {  	v1 =	vmax.f32 v1, v2  }
0xf7: {  	s13 =	rddreg [dreg:$0xc];
	s12 =	simm.s32 $0x40;
	[tilespmem:s11+$0x10070] =	vst v1  }
0xf8: {  	[hbm4b:s13+s12] =	stream.strided.scatter [tilespmem:s24], [sflag:$0xD], $0x1F40, s18, s12, $0x38;
	[tilespmem:$0x1DB80] =	vst v63  }
0xf9: {  	_ =	swait.ge [sflag:s19], $0x1F40  }
0xfa: {  	[sflag:s19] =	ssyncset.done $0x0  }
0xfb: {  	[sflag:s19] =	ssyncadd.s32 $0xFFFFE0C0  }
0xfc: {  	_ =	swait.ge [sflag:s4], $0x1F40  }
0xfd: {  	[sflag:s4] =	ssyncset.done $0x0  }
0xfe: {  	s11 =	simm.s32 $0x0;
	s13 =	rddreg [dreg:$0x9];
	[sflag:s4] =	ssyncadd.s32 $0xFFFFE0C0  }
0xff: {  	[tilespmem:s24], [sflag:$0xB] =	stream.linear.gather [spmem:s13], $0x1F40, $0x38;
	[tilespmem:$0x1DB80] =	vst v63  }
0x100: {  	s12 =	simm.s32 $0x100;
	v1 =	vld [tilespmem:s11+$0x11F80]  }
.LBB2_8:
0x101: {  	p0 =	sne.s32 s12, $0x7C00;
	v2 =	vld [tilespmem:$0x13EC0]  }
0x102: {  	v3 =	vld [tilespmem:$0x13F00];
	_ =	sdelay $0x3  }
0x103: {  	v1 =	vadd.f32 v2, v1;
	_ =	sdelay $0x1  }
0x104: {  	v2 =	vmul.f32 v1, v3;
	_ =	sdelay $0x1  }
0x105: {  	v1 =	vmax.f32 v1, v2  }
0x106: {  	[tilespmem:s11+$0x11F80] =	vst v1;
	v1 =	vld [tilespmem:s11+$0x11F90]  }
0x107: {  	v2 =	vld [tilespmem:$0x13ED0];
	_ =	sdelay $0x1  }
0x108: {  	v3 =	vld [tilespmem:$0x13F10];
	_ =	sdelay $0x2  }
0x109: {  	v1 =	vadd.f32 v2, v1;
	_ =	sdelay $0x1  }
0x10a: {  	v2 =	vmul.f32 v1, v3;
	_ =	sdelay $0x1  }
0x10b: {  	v1 =	vmax.f32 v1, v2  }
0x10c: {  	[tilespmem:s11+$0x11F90] =	vst v1;
	v1 =	vld [tilespmem:s11+$0x11FA0]  }
0x10d: {  	v2 =	vld [tilespmem:$0x13EE0];
	_ =	sdelay $0x1  }
0x10e: {  	v3 =	vld [tilespmem:$0x13F20];
	_ =	sdelay $0x2  }
0x10f: {  	v1 =	vadd.f32 v2, v1;
	_ =	sdelay $0x1  }
0x110: {  	v2 =	vmul.f32 v1, v3;
	_ =	sdelay $0x1  }
0x111: {  	v1 =	vmax.f32 v1, v2  }
0x112: {  	[tilespmem:s11+$0x11FA0] =	vst v1;
	v1 =	vld [tilespmem:s11+$0x11FB0]  }
0x113: {  	v2 =	vld [tilespmem:$0x13EF0]  }
0x114: {  	v3 =	vld [tilespmem:$0x13F30];
	_ =	sdelay $0x3  }
0x115: {  	v1 =	vadd.f32 v2, v1  }
.Ltmp3:
0x116: {  	(pc) =	sbr.rel @p0 .LBB2_8-.Ltmp3, $3  }
0x117: {  	v2 =	vmul.f32 v1, v3;
	_ =	sdelay $0x1  }
0x118: {  	s13 =	sshra.s32 s12, $0x2;
	v2 =	vmax.f32 v1, v2  }
0x119: {  	s12 =	sadd.s32 $0x100, s12;
	v1 =	vld [tilespmem:s13+$0x11F80];
	[tilespmem:s11+$0x11FB0] =	vst v2;
	s11 =	smov.u32 s13  }
0x11a: {  	v2 =	vld [tilespmem:$0x13EC0];
	_ =	sdelay $0x1  }
0x11b: {  	v3 =	vld [tilespmem:$0x13F00];
	_ =	sdelay $0x2  }
0x11c: {  	v1 =	vadd.f32 v2, v1;
	_ =	sdelay $0x1  }
0x11d: {  	v2 =	vmul.f32 v1, v3;
	_ =	sdelay $0x1  }
0x11e: {  	v1 =	vmax.f32 v1, v2  }
0x11f: {  	[tilespmem:s11+$0x11F80] =	vst v1;
	v1 =	vld [tilespmem:s11+$0x11F90]  }
0x120: {  	v2 =	vld [tilespmem:$0x13ED0];
	_ =	sdelay $0x1  }
0x121: {  	v3 =	vld [tilespmem:$0x13F10];
	_ =	sdelay $0x2  }
0x122: {  	v1 =	vadd.f32 v2, v1;
	_ =	sdelay $0x1  }
0x123: {  	v2 =	vmul.f32 v1, v3;
	_ =	sdelay $0x1  }
0x124: {  	v1 =	vmax.f32 v1, v2  }
0x125: {  	[tilespmem:s11+$0x11F90] =	vst v1;
	v1 =	vld [tilespmem:s11+$0x11FA0]  }
0x126: {  	v2 =	vld [tilespmem:$0x13EE0];
	_ =	sdelay $0x1  }
0x127: {  	v3 =	vld [tilespmem:$0x13F20];
	_ =	sdelay $0x2  }
0x128: {  	v1 =	vadd.f32 v2, v1;
	_ =	sdelay $0x1  }
0x129: {  	v2 =	vmul.f32 v1, v3;
	_ =	sdelay $0x1  }
0x12a: {  	v1 =	vmax.f32 v1, v2  }
0x12b: {  	[tilespmem:s11+$0x11FA0] =	vst v1;
	v1 =	vld [tilespmem:s11+$0x11FB0]  }
0x12c: {  	v2 =	vld [tilespmem:$0x13EF0];
	_ =	sdelay $0x1  }
0x12d: {  	v3 =	vld [tilespmem:$0x13F30];
	_ =	sdelay $0x2  }
0x12e: {  	v1 =	vadd.f32 v2, v1;
	_ =	sdelay $0x1  }
0x12f: {  	v2 =	vmul.f32 v1, v3;
	_ =	sdelay $0x1  }
0x130: {  	v1 =	vmax.f32 v1, v2  }
0x131: {  	s13 =	rddreg [dreg:$0xd];
	s12 =	simm.s32 $0x40;
	[tilespmem:s11+$0x11FB0] =	vst v1  }
0x132: {  	[hbm4b:s13+s12] =	stream.strided.scatter [tilespmem:s17], [sflag:$0xE], $0x1F40, s18, s12, $0x38;
	[tilespmem:$0x1DB80] =	vst v63  }
0x133: {  	_ =	swait.ge [sflag:s25], $0x1F40  }
0x134: {  	[sflag:s25] =	ssyncset.done $0x0  }
0x135: {  	[sflag:s25] =	ssyncadd.s32 $0xFFFFE0C0  }
0x136: {  	_ =	swait.ge [sflag:s9], $0x1F40  }
0x137: {  	[sflag:s9] =	ssyncset.done $0x0  }
0x138: {  	s11 =	simm.s32 $0x0;
	s13 =	rddreg [dreg:$0xa];
	[sflag:s9] =	ssyncadd.s32 $0xFFFFE0C0  }
0x139: {  	[tilespmem:s17], [sflag:$0xC] =	stream.linear.gather [spmem:s13], $0x1F40, $0x38;
	[tilespmem:$0x1DB80] =	vst v63  }
0x13a: {  	s12 =	simm.s32 $0x100;
	v1 =	vld [tilespmem:s11+$0x10040]  }
.LBB2_10:
0x13b: {  	p0 =	sne.s32 s12, $0x7C00;
	v2 =	vld [tilespmem:$0x13EC0]  }
0x13c: {  	v3 =	vld [tilespmem:$0x13F00];
	_ =	sdelay $0x3  }
0x13d: {  	v1 =	vadd.f32 v2, v1;
	_ =	sdelay $0x1  }
0x13e: {  	v2 =	vmul.f32 v1, v3;
	_ =	sdelay $0x1  }
0x13f: {  	v1 =	vmax.f32 v1, v2  }
0x140: {  	[tilespmem:s11+$0x10040] =	vst v1;
	v1 =	vld [tilespmem:s11+$0x10050]  }
0x141: {  	v2 =	vld [tilespmem:$0x13ED0];
	_ =	sdelay $0x1  }
0x142: {  	v3 =	vld [tilespmem:$0x13F10];
	_ =	sdelay $0x2  }
0x143: {  	v1 =	vadd.f32 v2, v1;
	_ =	sdelay $0x1  }
0x144: {  	v2 =	vmul.f32 v1, v3;
	_ =	sdelay $0x1  }
0x145: {  	v1 =	vmax.f32 v1, v2  }
0x146: {  	[tilespmem:s11+$0x10050] =	vst v1;
	v1 =	vld [tilespmem:s11+$0x10060]  }
0x147: {  	v2 =	vld [tilespmem:$0x13EE0];
	_ =	sdelay $0x1  }
0x148: {  	v3 =	vld [tilespmem:$0x13F20];
	_ =	sdelay $0x2  }
0x149: {  	v1 =	vadd.f32 v2, v1;
	_ =	sdelay $0x1  }
0x14a: {  	v2 =	vmul.f32 v1, v3;
	_ =	sdelay $0x1  }
0x14b: {  	v1 =	vmax.f32 v1, v2  }
0x14c: {  	[tilespmem:s11+$0x10060] =	vst v1;
	v1 =	vld [tilespmem:s11+$0x10070]  }
0x14d: {  	v2 =	vld [tilespmem:$0x13EF0]  }
0x14e: {  	v3 =	vld [tilespmem:$0x13F30];
	_ =	sdelay $0x3  }
0x14f: {  	v1 =	vadd.f32 v2, v1  }
.Ltmp4:
0x150: {  	(pc) =	sbr.rel @p0 .LBB2_10-.Ltmp4, $3  }
0x151: {  	v2 =	vmul.f32 v1, v3;
	_ =	sdelay $0x1  }
0x152: {  	s13 =	sshra.s32 s12, $0x2;
	v2 =	vmax.f32 v1, v2  }
0x153: {  	s12 =	sadd.s32 $0x100, s12;
	v1 =	vld [tilespmem:s13+$0x10040];
	[tilespmem:s11+$0x10070] =	vst v2;
	s11 =	smov.u32 s13  }
0x154: {  	v2 =	vld [tilespmem:$0x13EC0];
	_ =	sdelay $0x1  }
0x155: {  	v3 =	vld [tilespmem:$0x13F00];
	_ =	sdelay $0x2  }
0x156: {  	v1 =	vadd.f32 v2, v1;
	_ =	sdelay $0x1  }
0x157: {  	v2 =	vmul.f32 v1, v3;
	_ =	sdelay $0x1  }
0x158: {  	v1 =	vmax.f32 v1, v2  }
0x159: {  	[tilespmem:s11+$0x10040] =	vst v1;
	v1 =	vld [tilespmem:s11+$0x10050]  }
0x15a: {  	v2 =	vld [tilespmem:$0x13ED0];
	_ =	sdelay $0x1  }
0x15b: {  	v3 =	vld [tilespmem:$0x13F10];
	_ =	sdelay $0x2  }
0x15c: {  	v1 =	vadd.f32 v2, v1;
	_ =	sdelay $0x1  }
0x15d: {  	v2 =	vmul.f32 v1, v3;
	_ =	sdelay $0x1  }
0x15e: {  	v1 =	vmax.f32 v1, v2  }
0x15f: {  	[tilespmem:s11+$0x10050] =	vst v1;
	v1 =	vld [tilespmem:s11+$0x10060]  }
0x160: {  	v2 =	vld [tilespmem:$0x13EE0];
	_ =	sdelay $0x1  }
0x161: {  	v3 =	vld [tilespmem:$0x13F20];
	_ =	sdelay $0x2  }
0x162: {  	v1 =	vadd.f32 v2, v1;
	_ =	sdelay $0x1  }
0x163: {  	v2 =	vmul.f32 v1, v3;
	_ =	sdelay $0x1  }
0x164: {  	v1 =	vmax.f32 v1, v2  }
0x165: {  	[tilespmem:s11+$0x10060] =	vst v1;
	v1 =	vld [tilespmem:s11+$0x10070]  }
0x166: {  	v2 =	vld [tilespmem:$0x13EF0];
	_ =	sdelay $0x1  }
0x167: {  	v3 =	vld [tilespmem:$0x13F30];
	_ =	sdelay $0x2  }
0x168: {  	v1 =	vadd.f32 v2, v1;
	_ =	sdelay $0x1  }
0x169: {  	v2 =	vmul.f32 v1, v3;
	_ =	sdelay $0x1  }
0x16a: {  	v1 =	vmax.f32 v1, v2  }
0x16b: {  	s13 =	rddreg [dreg:$0xe];
	s12 =	simm.s32 $0x40;
	[tilespmem:s11+$0x10070] =	vst v1  }
0x16c: {  	[hbm4b:s13+s12] =	stream.strided.scatter [tilespmem:s24], [sflag:$0xD], $0x1F40, s18, s12, $0x38;
	[tilespmem:$0x1DB80] =	vst v63  }
0x16d: {  	_ =	swait.ge [sflag:s19], $0x1F40  }
0x16e: {  	[sflag:s19] =	ssyncset.done $0x0  }
0x16f: {  	[sflag:s19] =	ssyncadd.s32 $0xFFFFE0C0  }
0x170: {  	_ =	swait.ge [sflag:s4], $0x1F40  }
0x171: {  	[sflag:s4] =	ssyncset.done $0x0  }
0x172: {  	s11 =	simm.s32 $0x0;
	s13 =	rddreg [dreg:$0xb];
	[sflag:s4] =	ssyncadd.s32 $0xFFFFE0C0  }
0x173: {  	[tilespmem:s24], [sflag:$0xB] =	stream.linear.gather [spmem:s13], $0x1F40, $0x38;
	[tilespmem:$0x1DB80] =	vst v63  }
0x174: {  	s12 =	simm.s32 $0x100;
	v1 =	vld [tilespmem:s11+$0x11F80]  }
.LBB2_12:
0x175: {  	p0 =	sne.s32 s12, $0x7C00;
	v2 =	vld [tilespmem:$0x13EC0]  }
0x176: {  	v3 =	vld [tilespmem:$0x13F00];
	_ =	sdelay $0x3  }
0x177: {  	v1 =	vadd.f32 v2, v1;
	_ =	sdelay $0x1  }
0x178: {  	v2 =	vmul.f32 v1, v3;
	_ =	sdelay $0x1  }
0x179: {  	v1 =	vmax.f32 v1, v2  }
0x17a: {  	[tilespmem:s11+$0x11F80] =	vst v1;
	v1 =	vld [tilespmem:s11+$0x11F90]  }
0x17b: {  	v2 =	vld [tilespmem:$0x13ED0];
	_ =	sdelay $0x1  }
0x17c: {  	v3 =	vld [tilespmem:$0x13F10];
	_ =	sdelay $0x2  }
0x17d: {  	v1 =	vadd.f32 v2, v1;
	_ =	sdelay $0x1  }
0x17e: {  	v2 =	vmul.f32 v1, v3;
	_ =	sdelay $0x1  }
0x17f: {  	v1 =	vmax.f32 v1, v2  }
0x180: {  	[tilespmem:s11+$0x11F90] =	vst v1;
	v1 =	vld [tilespmem:s11+$0x11FA0]  }
0x181: {  	v2 =	vld [tilespmem:$0x13EE0];
	_ =	sdelay $0x1  }
0x182: {  	v3 =	vld [tilespmem:$0x13F20];
	_ =	sdelay $0x2  }
0x183: {  	v1 =	vadd.f32 v2, v1;
	_ =	sdelay $0x1  }
0x184: {  	v2 =	vmul.f32 v1, v3;
	_ =	sdelay $0x1  }
0x185: {  	v1 =	vmax.f32 v1, v2  }
0x186: {  	[tilespmem:s11+$0x11FA0] =	vst v1;
	v1 =	vld [tilespmem:s11+$0x11FB0]  }
0x187: {  	v2 =	vld [tilespmem:$0x13EF0]  }
0x188: {  	v3 =	vld [tilespmem:$0x13F30];
	_ =	sdelay $0x3  }
0x189: {  	v1 =	vadd.f32 v2, v1  }
.Ltmp5:
0x18a: {  	(pc) =	sbr.rel @p0 .LBB2_12-.Ltmp5, $3  }
0x18b: {  	v2 =	vmul.f32 v1, v3;
	_ =	sdelay $0x1  }
0x18c: {  	s13 =	sshra.s32 s12, $0x2;
	v2 =	vmax.f32 v1, v2  }
0x18d: {  	s12 =	sadd.s32 $0x100, s12;
	v1 =	vld [tilespmem:s13+$0x11F80];
	[tilespmem:s11+$0x11FB0] =	vst v2;
	s11 =	smov.u32 s13  }
0x18e: {  	v2 =	vld [tilespmem:$0x13EC0];
	_ =	sdelay $0x1  }
0x18f: {  	v3 =	vld [tilespmem:$0x13F00];
	_ =	sdelay $0x2  }
0x190: {  	v1 =	vadd.f32 v2, v1;
	_ =	sdelay $0x1  }
0x191: {  	v2 =	vmul.f32 v1, v3;
	_ =	sdelay $0x1  }
0x192: {  	v1 =	vmax.f32 v1, v2  }
0x193: {  	[tilespmem:s11+$0x11F80] =	vst v1;
	v1 =	vld [tilespmem:s11+$0x11F90]  }
0x194: {  	v2 =	vld [tilespmem:$0x13ED0];
	_ =	sdelay $0x1  }
0x195: {  	v3 =	vld [tilespmem:$0x13F10];
	_ =	sdelay $0x2  }
0x196: {  	v1 =	vadd.f32 v2, v1;
	_ =	sdelay $0x1  }
0x197: {  	v2 =	vmul.f32 v1, v3;
	_ =	sdelay $0x1  }
0x198: {  	v1 =	vmax.f32 v1, v2  }
0x199: {  	[tilespmem:s11+$0x11F90] =	vst v1;
	v1 =	vld [tilespmem:s11+$0x11FA0]  }
0x19a: {  	v2 =	vld [tilespmem:$0x13EE0];
	_ =	sdelay $0x1  }
0x19b: {  	v3 =	vld [tilespmem:$0x13F20];
	_ =	sdelay $0x2  }
0x19c: {  	v1 =	vadd.f32 v2, v1;
	_ =	sdelay $0x1  }
0x19d: {  	v2 =	vmul.f32 v1, v3;
	_ =	sdelay $0x1  }
0x19e: {  	v1 =	vmax.f32 v1, v2  }
0x19f: {  	[tilespmem:s11+$0x11FA0] =	vst v1;
	v1 =	vld [tilespmem:s11+$0x11FB0]  }
0x1a0: {  	v2 =	vld [tilespmem:$0x13EF0];
	_ =	sdelay $0x1  }
0x1a1: {  	v3 =	vld [tilespmem:$0x13F30];
	_ =	sdelay $0x2  }
0x1a2: {  	v1 =	vadd.f32 v2, v1;
	_ =	sdelay $0x1  }
0x1a3: {  	v2 =	vmul.f32 v1, v3;
	_ =	sdelay $0x1  }
0x1a4: {  	v1 =	vmax.f32 v1, v2  }
0x1a5: {  	s13 =	rddreg [dreg:$0xf];
	s12 =	simm.s32 $0x40;
	[tilespmem:s11+$0x11FB0] =	vst v1  }
0x1a6: {  	[hbm4b:s13+s12] =	stream.strided.scatter [tilespmem:s17], [sflag:$0xE], $0x1F40, s18, s12, $0x38;
	[tilespmem:$0x1DB80] =	vst v63  }
0x1a7: {  	_ =	swait.ge [sflag:s25], $0x1F40  }
0x1a8: {  	[sflag:s25] =	ssyncset.done $0x0  }
0x1a9: {  	s11 =	simm.s32 $0x0;
	[sflag:s25] =	ssyncadd.s32 $0xFFFFE0C0  }
0x1aa: {  	s12 =	simm.s32 $0x100;
	v1 =	vld [tilespmem:s11+$0x10040]  }
.LBB2_14:
0x1ab: {  	p0 =	sne.s32 s12, $0x7C00;
	v2 =	vld [tilespmem:$0x13EC0]  }
0x1ac: {  	v3 =	vld [tilespmem:$0x13F00];
	_ =	sdelay $0x3  }
0x1ad: {  	v1 =	vadd.f32 v2, v1;
	_ =	sdelay $0x1  }
0x1ae: {  	v2 =	vmul.f32 v1, v3;
	_ =	sdelay $0x1  }
0x1af: {  	v1 =	vmax.f32 v1, v2  }
0x1b0: {  	[tilespmem:s11+$0x10040] =	vst v1;
	v1 =	vld [tilespmem:s11+$0x10050]  }
0x1b1: {  	v2 =	vld [tilespmem:$0x13ED0];
	_ =	sdelay $0x1  }
0x1b2: {  	v3 =	vld [tilespmem:$0x13F10];
	_ =	sdelay $0x2  }
0x1b3: {  	v1 =	vadd.f32 v2, v1;
	_ =	sdelay $0x1  }
0x1b4: {  	v2 =	vmul.f32 v1, v3;
	_ =	sdelay $0x1  }
0x1b5: {  	v1 =	vmax.f32 v1, v2  }
0x1b6: {  	[tilespmem:s11+$0x10050] =	vst v1;
	v1 =	vld [tilespmem:s11+$0x10060]  }
0x1b7: {  	v2 =	vld [tilespmem:$0x13EE0];
	_ =	sdelay $0x1  }
0x1b8: {  	v3 =	vld [tilespmem:$0x13F20];
	_ =	sdelay $0x2  }
0x1b9: {  	v1 =	vadd.f32 v2, v1;
	_ =	sdelay $0x1  }
0x1ba: {  	v2 =	vmul.f32 v1, v3;
	_ =	sdelay $0x1  }
0x1bb: {  	v1 =	vmax.f32 v1, v2  }
0x1bc: {  	[tilespmem:s11+$0x10060] =	vst v1;
	v1 =	vld [tilespmem:s11+$0x10070]  }
0x1bd: {  	v2 =	vld [tilespmem:$0x13EF0]  }
0x1be: {  	v3 =	vld [tilespmem:$0x13F30];
	_ =	sdelay $0x3  }
0x1bf: {  	v1 =	vadd.f32 v2, v1  }
.Ltmp6:
0x1c0: {  	(pc) =	sbr.rel @p0 .LBB2_14-.Ltmp6, $3  }
0x1c1: {  	v2 =	vmul.f32 v1, v3;
	_ =	sdelay $0x1  }
0x1c2: {  	s13 =	sshra.s32 s12, $0x2;
	v2 =	vmax.f32 v1, v2  }
0x1c3: {  	s12 =	sadd.s32 $0x100, s12;
	v1 =	vld [tilespmem:s13+$0x10040];
	[tilespmem:s11+$0x10070] =	vst v2;
	s11 =	smov.u32 s13  }
0x1c4: {  	v2 =	vld [tilespmem:$0x13EC0];
	_ =	sdelay $0x1  }
0x1c5: {  	v3 =	vld [tilespmem:$0x13F00];
	_ =	sdelay $0x2  }
0x1c6: {  	v1 =	vadd.f32 v2, v1;
	_ =	sdelay $0x1  }
0x1c7: {  	v2 =	vmul.f32 v1, v3;
	_ =	sdelay $0x1  }
0x1c8: {  	v1 =	vmax.f32 v1, v2  }
0x1c9: {  	[tilespmem:s11+$0x10040] =	vst v1;
	v1 =	vld [tilespmem:s11+$0x10050]  }
0x1ca: {  	v2 =	vld [tilespmem:$0x13ED0];
	_ =	sdelay $0x1  }
0x1cb: {  	v3 =	vld [tilespmem:$0x13F10];
	_ =	sdelay $0x2  }
0x1cc: {  	v1 =	vadd.f32 v2, v1;
	_ =	sdelay $0x1  }
0x1cd: {  	v2 =	vmul.f32 v1, v3;
	_ =	sdelay $0x1  }
0x1ce: {  	v1 =	vmax.f32 v1, v2  }
0x1cf: {  	[tilespmem:s11+$0x10050] =	vst v1;
	v1 =	vld [tilespmem:s11+$0x10060]  }
0x1d0: {  	v2 =	vld [tilespmem:$0x13EE0];
	_ =	sdelay $0x1  }
0x1d1: {  	v3 =	vld [tilespmem:$0x13F20];
	_ =	sdelay $0x2  }
0x1d2: {  	v1 =	vadd.f32 v2, v1;
	_ =	sdelay $0x1  }
0x1d3: {  	v2 =	vmul.f32 v1, v3;
	_ =	sdelay $0x1  }
0x1d4: {  	v1 =	vmax.f32 v1, v2  }
0x1d5: {  	[tilespmem:s11+$0x10060] =	vst v1;
	v1 =	vld [tilespmem:s11+$0x10070]  }
0x1d6: {  	v2 =	vld [tilespmem:$0x13EF0];
	_ =	sdelay $0x1  }
0x1d7: {  	v3 =	vld [tilespmem:$0x13F30];
	_ =	sdelay $0x2  }
0x1d8: {  	v1 =	vadd.f32 v2, v1;
	_ =	sdelay $0x1  }
0x1d9: {  	v2 =	vmul.f32 v1, v3;
	_ =	sdelay $0x1  }
0x1da: {  	v1 =	vmax.f32 v1, v2  }
0x1db: {  	s13 =	rddreg [dreg:$0x10];
	s12 =	simm.s32 $0x40;
	[tilespmem:s11+$0x10070] =	vst v1  }
0x1dc: {  	[hbm4b:s13+s12] =	stream.strided.scatter [tilespmem:s24], [sflag:$0xD], $0x1F40, s18, s12, $0x38;
	[tilespmem:$0x1DB80] =	vst v63  }
0x1dd: {  	_ =	swait.ge [sflag:s9], $0x1F40  }
0x1de: {  	[sflag:s9] =	ssyncset.done $0x0  }
0x1df: {  	[sflag:s9] =	ssyncadd.s32 $0xFFFFE0C0  }
0x1e0: {  	_ =	swait.ge [sflag:s4], $0x1F40  }
0x1e1: {  	s10 =	sadd.s32 $0x1, s10;
	s17 =	rddreg [dreg:$0x11]  }
0x1e2: {  	p0 =	sne.s32 s10, s17  }
.Ltmp7:
0x1e3: {  	_ = 	snop;
	(pc) =	sbr.rel @p0 .LBB2_1-.Ltmp7, $3  }
0x1e4: {  	_ =	sdelay $0x1  }
0x1e5: {  	[sflag:s4] =	ssyncset.done $0x0  }
0x1e6: {  	[sflag:s4] =	ssyncadd.s32 $0xFFFFE0C0  }
0x1e7: {  	_ =	sfence.sel $0x180000  }
0x1e8: {  	[bflag:$0x0] =	sbarrier.arrive $0xFFFF  }
0x1e9: {  	_ =	strace $0x90000047  }
0x1ea: {  	s0 =	stileid.u32;
	[bflag:$0x2] =	sbarrier.arrive $0xFFFF  }
0x1eb: {  	p0 =	sne.s32 s0, $0x0;
	s0 =	rddreg [dreg:$0x3]  }
0x1ec: {  	s0 =	sadd.s32 @!p0 $0x100000, s0  }
0x1ed: {  	[sflag:s0] =	ssyncadd.tile.s32 @!p0 $0x1;
	_ =	shalt  }
.Lfunc_end2:
_tile_overlayer_lowered:
.L_overlay_start_2:
0x1ee: {  	(tag) =	ssettag $0x2  }
0x1ef: {  	s0 =	rddreg [dreg:$0x0];
	s2 =	stileid.u32  }
0x1f0: {  	s1 =	rddreg [dreg:$0x1];
	p0 =	sne.s32 s2, $0x0  }
0x1f1: {  	s3 =	rddreg [dreg:$0x2];
	[bflag:$0x3] =	sbarrier.arrive $0xFFFF;
	s2 =	simm.s32 @!p0 $0x1C0F  }
0x1f2: {  	[timem:s3], [sflag:s2] =	dma.local @!p0 [hbm:s0], s1  }
0x1f3: {  	s0 =	simm.s32 @!p0 $0xF  }
0x1f4: {  	_ =	swait.ge @!p0 [sflag:s0], s1  }
0x1f5: {  	s1 =	ssub.s32 @!p0 $0x0, s1;
	[sflag:s0] =	ssyncset.done @!p0 $0x0  }
0x1f6: {  	[sflag:s0] =	ssyncadd.s32 @!p0 s1  }
0x1f7: {  	[bflag:$0x3] =	sbarrier.arrive $0xFFFF  }
0x1f8: {  	_ =	shalt  }

// kernel: kernel.9.cloned.1.call-start
scs
__scs_entry_jumppad:
0x0: {  	(pc) =	sbr.rel $0x88, $3  }
0x1: {  	(tag) =	ssettag $0x0;
	lr =	simm.s32 $0x1  }
0x2: {  	[smem:$0x3F9B] =	sst lr;
	_ =	strace $0xD0000000  }
0x3: {  	_ = 	snop  }
0x4: {  	_ = 	snop  }
0x5: {  	_ = 	snop  }
0x6: {  	_ = 	snop  }
0x7: {  	_ = 	snop  }
__scs_overlays_trampoline_lowered:
0x8: {  	[smem:$0x3FAA] =	sst s0  }
0x9: {  	[smem:$0x3FAB] =	sst s1  }
0xa: {  	[smem:$0x3FAC] =	sst s2  }
0xb: {  	[smem:$0x3FAD] =	sst s3  }
0xc: {  	[smem:$0x3FAE] =	sst s4  }
0xd: {  	[smem:$0x3FAF] =	sst s5  }
0xe: {  	[smem:$0x3FB0] =	sst s6  }
0xf: {  	[smem:$0x3FB1] =	sst s7  }
0x10: {  	[smem:$0x3FB2] =	sst s8  }
0x11: {  	[smem:$0x3FB3] =	sst s9;
	s0 =	simm.s32 @!p0 $0x0  }
0x12: {  	s1 =	sld [smem:$0x3F99];
	s0 =	simm.s32 @p0 $0x1  }
0x13: {  	[smem:$0x3FB4] =	sst s0;
	s0 =	simm.s32 @!p1 $0x0  }
0x14: {  	s2 =	sld [smem:$0x3F98];
	s0 =	simm.s32 @p1 $0x1  }
0x15: {  	[smem:$0x3FB5] =	sst s0;
	s0 =	simm.s32 @!p2 $0x0  }
0x16: {  	s3 =	sld [smem:$0x3FDB];
	s0 =	simm.s32 @p2 $0x1  }
0x17: {  	s4 =	simm.s32 $0x1BF5;
	[smem:$0x3FB7] =	sst s0  }
0x18: {  	s0 =	sld [smem:$0x3F9A];
	_ =	swait.ge [sflag:s4], $0x0  }
0x19: {  	s7 =	sld [smem:$0x3F9B]  }
0x1a: {  	s8 =	sadd.s32 $0xFFFFE003, lr  }
0x1b: {  	s9 =	sadd.s32 $0xFFFFFEF7, lr;
	s5 =	simm.s32 $0xFFFFFFFF;
	p2 =	slt.u32 s8, $0xFFFFF086  }
0x1c: {  	p1 =	slt.u32 s9, $0xF7A;
	s5 =	simm.s32 @!p2 $0x0  }
0x1d: {  	s5 =	simm.s32 @p1 $0x1;
	p0 =	seq.s32 s7, s2  }
0x1e: {  	s7 =	smul.u32 @!p0 $0xF7A, s2;
	p2 =	seq.s32 @!p0 s5, $0x0  }
0x1f: {  	s9 =	smul.u32 $0xF7A, s1;
	s8 =	simm.s32 @!p0 $0x1BF5;
	p2 =	por !p2, p0  }
0x20: {  	[sflag:s8] =	ssyncset.s32 @!p0 $0xFFFFF086;
	s6 =	sadd.s32 @!p0 s3, s7;
	s7 =	simm.s32 @!p0 $0x108  }
0x21: {  	s3 =	sadd.s32 s3, s9;
	s6 =	sadd.s32 @!p0 $0x88, s6;
	s7 =	simm.s32 @p2 $0x1082  }
0x22: {  	[simem:s7], [sflag:s8] =	dma.local @!p0 [hbm:s6], $0xF7A  }
0x23: {  	s9 =	sor.u32 $0xD0000000, s2;
	s6 =	simm.s32 $0x108;
	_ =	swait.ge @!p0 [sflag:s8], $0x0  }
0x24: {  	s3 =	sadd.s32 $0x88, s3;
	s6 =	simm.s32 @!p1 $0x1082;
	[sflag:s4] =	ssyncset.s32 $0xFFFFF086  }
0x25: {  	[simem:s6], [sflag:s4] =	dma.local [hbm:s3], $0xF7A  }
0x26: {  	[smem:$0x3F9B] =	sst s1;
	(tag) =	ssettag s2;
	_ =	strace s9  }
0x27: {  	s1 =	sld [smem:$0x3FAB]  }
0x28: {  	s2 =	sld [smem:$0x3FAC]  }
0x29: {  	s4 =	sld [smem:$0x3FAE]  }
0x2a: {  	p0 =	seq.s32 s5, $0x0;
	s5 =	sld [smem:$0x3FAF]  }
0x2b: {  	s6 =	sld [smem:$0x3FB0]  }
0x2c: {  	s7 =	sld [smem:$0x3FB1]  }
0x2d: {  	s3 =	simm.s32 $0x108;
	s8 =	sld [smem:$0x3FB2]  }
0x2e: {  	s3 =	simm.s32 @!p0 $0x1082;
	s9 =	sld [smem:$0x3FB3]  }
0x2f: {  	lr =	sadd.s32 s0, s3;
	s0 =	sld [smem:$0x3FAA]  }
0x30: {  	s3 =	sld [smem:$0x3FAD]  }
0x31: {  	[smem:$0x3FB6] =	sst s10  }
0x32: {  	s10 =	sld [smem:$0x3FB4];
	_ =	sdelay $0x3  }
0x33: {  	p0 =	seq.s32 s10, $0x1;
	s10 =	sld [smem:$0x3FB6];
	_ =	sdelay $0x3  }
0x34: {  	[smem:$0x3FB6] =	sst s10  }
0x35: {  	s10 =	sld [smem:$0x3FB5];
	_ =	sdelay $0x3  }
0x36: {  	p1 =	seq.s32 s10, $0x1;
	s10 =	sld [smem:$0x3FB6];
	_ =	sdelay $0x3  }
0x37: {  	[smem:$0x3FB6] =	sst s10  }
0x38: {  	s10 =	sld [smem:$0x3FB7]  }
0x39: {  	_ = 	snop;
	(pc) =	sbr.ind lr, $3  }
0x3a: {  	_ = 	snop  }
0x3b: {  	_ = 	snop  }
0x3c: {  	p2 =	seq.s32 s10, $0x1;
	s10 =	sld [smem:$0x3FB6]  }
0x3d: {  	_ =	shalt  }
0x3e: {  	_ =	shalt  }
0x3f: {  	_ =	shalt  }
0x40: {  	_ =	shalt  }
0x41: {  	_ =	shalt  }
0x42: {  	_ =	shalt  }
0x43: {  	_ =	shalt  }
0x44: {  	_ =	shalt  }
0x45: {  	_ =	shalt  }
0x46: {  	_ =	shalt  }
0x47: {  	_ =	shalt  }
0x48: {  	_ =	shalt  }
0x49: {  	_ =	shalt  }
0x4a: {  	_ =	shalt  }
0x4b: {  	_ =	shalt  }
0x4c: {  	_ =	shalt  }
0x4d: {  	_ =	shalt  }
0x4e: {  	_ =	shalt  }
0x4f: {  	_ =	shalt  }
0x50: {  	_ =	shalt  }
0x51: {  	_ =	shalt  }
0x52: {  	_ =	shalt  }
0x53: {  	_ =	shalt  }
0x54: {  	_ =	shalt  }
0x55: {  	_ =	shalt  }
0x56: {  	_ =	shalt  }
0x57: {  	_ =	shalt  }
0x58: {  	_ =	shalt  }
0x59: {  	_ =	shalt  }
0x5a: {  	_ =	shalt  }
0x5b: {  	_ =	shalt  }
0x5c: {  	_ =	shalt  }
0x5d: {  	_ =	shalt  }
0x5e: {  	_ =	shalt  }
0x5f: {  	_ =	shalt  }
0x60: {  	_ =	shalt  }
0x61: {  	_ =	shalt  }
0x62: {  	_ =	shalt  }
0x63: {  	_ =	shalt  }
0x64: {  	_ =	shalt  }
0x65: {  	_ =	shalt  }
0x66: {  	_ =	shalt  }
0x67: {  	_ =	shalt  }
0x68: {  	_ =	shalt  }
0x69: {  	_ =	shalt  }
0x6a: {  	_ =	shalt  }
0x6b: {  	_ =	shalt  }
0x6c: {  	_ =	shalt  }
0x6d: {  	_ =	shalt  }
0x6e: {  	_ =	shalt  }
0x6f: {  	_ =	shalt  }
0x70: {  	_ =	shalt  }
0x71: {  	_ =	shalt  }
0x72: {  	_ =	shalt  }
0x73: {  	_ =	shalt  }
0x74: {  	_ =	shalt  }
0x75: {  	_ =	shalt  }
0x76: {  	_ =	shalt  }
0x77: {  	_ =	shalt  }
0x78: {  	_ =	shalt  }
0x79: {  	_ =	shalt  }
0x7a: {  	_ =	shalt  }
0x7b: {  	_ =	shalt  }
0x7c: {  	_ =	shalt  }
0x7d: {  	_ =	shalt  }
0x7e: {  	_ =	shalt  }
0x7f: {  	_ =	shalt  }
0x80: {  	_ =	shalt  }
0x81: {  	_ =	shalt  }
0x82: {  	_ =	shalt  }
0x83: {  	_ =	shalt  }
0x84: {  	_ =	shalt  }
0x85: {  	_ =	shalt  }
0x86: {  	_ =	shalt  }
0x87: {  	_ =	shalt  }
.Lfunc_end0:
.L_simem_size_0:
called_computation.1_lowered:
.L_overlay_start_0:
0x88: {  	s2 =	sld [smem:$0x3FD9]  }
0x89: {  	s3 =	sld [smem:$0x3FFE];
	_ =	sdelay $0x1  }
0x8a: {  	s1 =	srdreg.scid  }
0x8b: {  	s0 =	sand.u32 $0x1, s1  }
0x8c: {  	s17 =	sshll.u32 s0, $0xA;
	s2 =	sadd.s32 s3, s2  }
0x8d: {  	s2 =	sadd.s32 s2, s17  }
0x8e: {  	[smem:$0x3FC2] =	sst s2  }
0x8f: {  	_ = 	snop  }
0x90: {  	s2 =	sld [smem:$0x3FD0];
	(tm) =	ssettm $0x1  }
0x91: {  	s18 =	sld [smem:$0x3FFB];
	_ =	sdelay $0x3  }
0x92: {  	_ =	strace s18  }
0x93: {  	s3 =	sld [smem:$0x3FFC];
	_ =	sdelay $0x3  }
0x94: {  	_ =	strace s3  }
0x95: {  	s3 =	sld [smem:$0x3FFD];
	_ =	sdelay $0x3  }
0x96: {  	_ =	strace s3  }
0x97: {  	_ =	strace $0x8FFFFFFF  }
0x98: {  	s19 =	sld [smem:$0x3FDB];
	_ =	sdelay $0x1  }
0x99: {  	s4 =	simm.s32 $_scs_section_size  }
0x9a: {  	s5 =	simm.s32 $_size__tile_overlayer_lowered;
	s6 =	simm.s32 $_tile_overlayer_lowered  }
0x9b: {  	s22 =	simm.s32 $0x1BFF;
	s21 =	sshll.u32 s6, $0x1;
	s3 =	sadd.s32 s4, s19  }
0x9c: {  	s7 =	simm.s32 $0x0;
	s20 =	sshll.u32 s5, $0x1;
	s5 =	sadd.s32 s21, s3  }
0x9d: {  	[timem:s7], [sflag:s22] =	dma.local [hbm:s5], s20  }
0x9e: {  	_ =	swait.ge [sflag:s22], s20  }
0x9f: {  	s4 =	ssub.s32 $0x0, s20;
	[sflag:s22] =	ssyncset.done $0x0  }
0xa0: {  	[sflag:s22] =	ssyncadd.s32 s4;
	_ =	sdelay $0x1  }
0xa1: {  	s23 =	simm.s32 $0x1B8B  }
0xa2: {  	_ =	swait.ge [sflag:s23], $0x1  }
0xa3: {  	[sflag:s23] =	ssyncset.done $0x0  }
0xa4: {  	s25 =	simm.s32 $0x1B8E;
	s24 =	sld [smem:$0x3FFE];
	[sflag:s23] =	ssyncadd.s32 $0xFFFFFFFF  }
0xa5: {  	s26 =	simm.s32 $execute0_lowered;
	[smem:$0x3FD2] =	sst s25  }
0xa6: {  	s5 =	sshll.u32 s26, $0x1;
	_ =	strace $0x80000049;
	[dreg:$0x1] =	wrdreg $0xFFFFFFFF  }
0xa7: {  	s28 =	simm.s32 $_size_execute0_lowered;
	s3 =	sadd.s32 s3, s5;
	[dreg:$0x0] =	wrdreg $0x0  }
0xa8: {  	s5 =	sshll.u32 s28, $0x1;
	[dreg:$0x2] =	wrdreg s3  }
0xa9: {  	[dreg:$0x3] =	wrdreg s5  }
0xaa: {  	[dreg:$0x4] =	wrdreg $0xC0  }
0xab: {  	_ =	task [dreg:s7], $0x5FFFF  }
0xac: {  	[dreg:$0x1] =	wrdreg $0xFFFFFFFF  }
0xad: {  	[dreg:$0x0] =	wrdreg $0x60  }
0xae: {  	[dreg:$0x2] =	wrdreg s24  }
0xaf: {  	[dreg:$0x3] =	wrdreg s2  }
0xb0: {  	[dreg:$0x4] =	wrdreg $0x13F400  }
0xb1: {  	[dreg:$0x5] =	wrdreg $0x9  }
0xb2: {  	_ =	task.clear_ibuf [dreg:s7], $0x6FFFF;
	_ =	strace $0x90000049  }
0xb3: {  	s29 =	simm.s32 $0x9;
	_ =	strace $0x8000004B  }
0xb4: {  	_ =	swait.ge [sflag:s29], $0x1  }
0xb5: {  	[sflag:s29] =	ssyncadd.s32 $0xFFFFFFFF  }
0xb6: {  	_ =	strace $0x9000004B  }
0xb7: {  	_ =	sfence  }
0xb8: {  	s30 =	sld [smem:$0x0];
	_ =	sdelay $0x2  }
0xb9: {  	s31 =	sshll.u32 s1, $0xD;
	s1 =	sshrl.u32 s1, $0x2  }
0xba: {  	s3 =	sand.u32 $0x4000, s31;
	s1 =	sadd.s32 s1, s30  }
0xbb: {  	s0 =	sor.u32 s3, s0;
	s1 =	sshll.u32 s1, $0x11  }
0xbc: {  	s0 =	sor.u32 s1, s0  }
0xbd: {  	s0 =	sadd.s32 $0x8F2B, s0  }
0xbe: {  	[sflag:s0] =	ssyncadd.remote.s32 $0x1  }
0xbf: {  	_ =	sfence.sel $0xFFFF  }
0xc0: {  	[dreg:$0x0] =	wrdreg $0xFFFFFFFF;
	(pc) =	sbr.abs _section_cstart, $3  }
0xc1: {  	[dreg:$0x1] =	wrdreg $0xFFFFFFFF  }
0xc2: {  	_ =	task.clear_ibuf [dreg:s7], $0x2FFFF;
	_ =	strace $0x9FFFFFFF  }
0xc3: {  	(tm) =	ssettm $0x7FFFFFFF  }
tec
execute0_lowered:
.L_overlay_start_1:
0x0: {  	(tag) =	ssettag $0x1  }
0x1: {  	s0 =	rddreg [dreg:$0x0]  }
0x2: {  	s1 =	rddreg [dreg:$0x1]  }
0x3: {  	s3 =	srdreg.scid;
	s11 =	stileid.u32  }
0x4: {  	s2 =	rddreg [dreg:$0x2];
	s5 =	smul.u32 $0x4E20, s11  }
0x5: {  	s6 =	simm.s32 $0x0;
	s28 =	simm.s32 $0x9C40;
	s10 =	smul.u32 $0x271, s11  }
0x6: {  	s29 =	simm.s32 $0xB040;
	s31 =	simm.s32 $0xC440;
	s26 =	smul.u32 $0x27100, s11  }
0x7: {  	s3 =	sand.u32 $0x1, s3;
	[smem:$0x7FF] =	sst s6;
	s11 =	smul.u32 $0x13880, s11  }
0x8: {  	s30 =	simm.s32 $0x2;
	s4 =	smul.u32 $0x4E200, s3;
	_ =	strace $0x8000004A  }
0x9: {  	s7 =	ssub.s32 $0x2, s3;
	s8 =	sshll.u32 s3, $0x3;
	s3 =	sshll.u32 s3, $0x6  }
0xa: {  	s9 =	sshrl.u32 s7, $0x1;
	s12 =	sshrl.u32 s26, $0x2;
	s13 =	sadd.s32 $0x7D, s10  }
0xb: {  	s15 =	sadd.s32 $0xFA, s10;
	s17 =	sadd.s32 $0x177, s10;
	s21 =	sadd.s32 $0x1F4, s10  }
0xc: {  	s22 =	sor.u32 s3, s11;
	s25 =	sadd.s32 s5, s4;
	s4 =	sadd.s32 $0x1F000, s0  }
0xd: {  	s5 =	sshrl.u32 s5, $0x3;
	s7 =	ssub.s32 s7, s9;
	s16 =	sadd.s32 s12, s2  }
0xe: {  	s14 =	sshll.u32 s13, $0x6;
	s18 =	sshll.u32 s15, $0x6;
	s19 =	sshll.u32 s17, $0x6  }
0xf: {  	s10 =	sshll.u32 s21, $0x6;
	s23 =	sshll.u32 s21, $0x7;
	s21 =	simm.s32 $0x4  }
0x10: {  	s6 =	sshrl.u32 s25, $0x3;
	s5 =	sadd.s32 s5, s0;
	s20 =	sadd.s32 s19, s2  }
0x11: {  	s10 =	sadd.s32 s10, s2;
	s26 =	smax.u32 s7, $0x1;
	s7 =	simm.s32 $0x7  }
0x12: {  	s19 =	simm.s32 $0xC;
	s6 =	sadd.s32 s6, s0;
	[dreg:$0xa] =	wrdreg s20  }
0x13: {  	s0 =	sadd.s32 s8, s0;
	s5 =	sadd.s32 $0x1400, s5;
	[dreg:$0xb] =	wrdreg s10  }
0x14: {  	s8 =	sadd.s32 s18, s2;
	[dreg:$0x11] =	wrdreg s26;
	s20 =	simm.s32 $0xF  }
0x15: {  	s26 =	simm.s32 $0x50;
	s18 =	simm.s32 $0x80;
	[dreg:$0x5] =	wrdreg s5  }
0x16: {  	s10 =	simm.s32 $0x0;
	s6 =	sadd.s32 $0xB200, s6;
	[dreg:$0x9] =	wrdreg s8  }
0x17: {  	s9 =	sadd.s32 $0x1EC00, s0;
	s0 =	sadd.s32 $0x46200, s0;
	[dreg:$0x4] =	wrdreg s6  }
0x18: {  	s5 =	sshll.u32 s17, $0x7;
	s8 =	simm.s32 $0x8;
	[dreg:$0x6] =	wrdreg s9  }
0x19: {  	[dreg:$0x7] =	wrdreg s0;
	s0 =	sadd.s32 s14, s2;
	s6 =	sshll.u32 s13, $0x7  }
0x1a: {  	s9 =	sshrl.u32 s22, $0x3;
	s5 =	sor.u32 s3, s5;
	s22 =	simm.s32 $0xEC40  }
0x1b: {  	s14 =	simm.s32 $0x9;
	[dreg:$0x8] =	wrdreg s0;
	s6 =	sor.u32 s3, s6  }
0x1c: {  	s9 =	sadd.s32 s1, s9;
	s0 =	sshll.u32 s15, $0x7;
	s5 =	sshrl.u32 s5, $0x3  }
0x1d: {  	s15 =	simm.s32 $0xA;
	s6 =	sshrl.u32 s6, $0x3;
	[dreg:$0xc] =	wrdreg s9  }
0x1e: {  	s0 =	sor.u32 s3, s0;
	s3 =	sor.u32 s3, s23;
	s24 =	sadd.s32 s1, s5  }
0x1f: {  	s23 =	simm.s32 $0x1;
	s5 =	simm.s32 $0x5;
	s9 =	simm.s32 $0xE  }
0x20: {  	s6 =	sadd.s32 s1, s6;
	s0 =	sshrl.u32 s0, $0x3;
	[dreg:$0xf] =	wrdreg s24  }
0x21: {  	s3 =	sshrl.u32 s3, $0x3;
	s24 =	simm.s32 $0x10040;
	[dreg:$0xd] =	wrdreg s6  }
0x22: {  	s0 =	sadd.s32 s1, s0;
	s25 =	sadd.s32 s1, s3;
	s1 =	simm.s32 $0x3  }
0x23: {  	s6 =	simm.s32 $0x6;
	s3 =	simm.s32 $0xD;
	[dreg:$0xe] =	wrdreg s0  }
0x24: {  	v0 =	vimm.f32 $0.0e+00;
	[dreg:$0x10] =	wrdreg s25;
	s25 =	simm.s32 $0xB;
	s0 =	simm.s32 $0xD840  }
.LBB2_1:
0x25: {  	s11 =	simm.s32 $0x0;
	s12 =	rddreg [dreg:$0x4]  }
0x26: {  	[tilespmem:s11], [sflag:$0xF] =	stream.linear.gather [hbm4b:s12+s11], $0x4E20, $0x38;
	[tilespmem:$0x1DB80] =	vst v63  }
0x27: {  	_ =	swait.ge [sflag:s20], $0x4E20  }
0x28: {  	[sflag:s20] =	ssyncset.done $0x0  }
0x29: {  	s13 =	simm.s32 $0x4E20;
	s17 =	rddreg [dreg:$0x5];
	[sflag:s20] =	ssyncadd.s32 $0xFFFFB1E0  }
0x2a: {  	[tilespmem:s13], [sflag:$0xF] =	stream.linear.gather [hbm4b:s17+s11], $0x4E20, $0x38;
	[tilespmem:$0x1DB80] =	vst v63  }
0x2b: {  	_ =	swait.ge [sflag:s20], $0x4E20  }
0x2c: {  	[sflag:s20] =	ssyncset.done $0x0  }
0x2d: {  	s17 =	simm.s32 $0x13EC0;
	s13 =	rddreg [dreg:$0x6];
	[sflag:s20] =	ssyncadd.s32 $0xFFFFB1E0  }
0x2e: {  	[tilespmem:s17], [sflag:$0xF] =	stream.linear.gather [hbm4b:s13+s11], $0x40, $0x38;
	[tilespmem:$0x1DB80] =	vst v63  }
0x2f: {  	_ =	swait.ge [sflag:s20], $0x40  }
0x30: {  	[sflag:s20] =	ssyncset.done $0x0  }
0x31: {  	s17 =	simm.s32 $0x13F00;
	s13 =	rddreg [dreg:$0x7];
	[sflag:s20] =	ssyncadd.s32 $0xFFFFFFC0  }
0x32: {  	[tilespmem:s17], [sflag:$0xF] =	stream.linear.gather [hbm4b:s13+s11], $0x40, $0x38;
	[tilespmem:$0x1DB80] =	vst v63  }
0x33: {  	_ =	swait.ge [sflag:s20], $0x40  }
0x34: {  	[sflag:s20] =	ssyncset.done $0x0  }
0x35: {  	s12 =	simm.s32 $0x100;
	s11 =	simm.s32 $0x0;
	[sflag:s20] =	ssyncadd.s32 $0xFFFFFFC0  }
.LBB2_2:
0x36: {  	p0 =	sne.s32 s12, $0x7C00;
	[tilespmem:s11+$0x10070] =	vst v0;
	s13 =	smov.u32 s12;
	s12 =	sadd.s32 $0x100, s12  }
.Ltmp0:
0x37: {  	[tilespmem:s11+$0x10060] =	vst v0;
	(pc) =	sbr.rel @p0 .LBB2_2-.Ltmp0, $3  }
0x38: {  	[tilespmem:s11+$0x10040] =	vst v0  }
0x39: {  	[tilespmem:s11+$0x10050] =	vst v0;
	_ =	sdelay $0x1  }
0x3a: {  	s11 =	sshra.s32 s13, $0x2  }
0x3b: {  	[tilespmem:s11+$0x10070] =	vst v0  }
0x3c: {  	[tilespmem:s11+$0x10060] =	vst v0  }
0x3d: {  	[tilespmem:s11+$0x10040] =	vst v0  }
0x3e: {  	[tilespmem:s11+$0x10050] =	vst v0  }
0x3f: {  	[spmem:s16] =	stream.linear.scatter [tilespmem:s24], [sflag:$0xB], $0x1F40, $0x38;
	[tilespmem:$0x1DB80] =	vst v63  }
0x40: {  	s13 =	rddreg [dreg:$0x8]  }
0x41: {  	[spmem:s13] =	stream.linear.scatter [tilespmem:s24], [sflag:$0xB], $0x1F40, $0x38;
	[tilespmem:$0x1DB80] =	vst v63  }
0x42: {  	s17 =	smov.u32 s16;
	s16 =	rddreg [dreg:$0x9]  }
0x43: {  	[spmem:s16] =	stream.linear.scatter [tilespmem:s24], [sflag:$0xB], $0x1F40, $0x38;
	[tilespmem:$0x1DB80] =	vst v63  }
0x44: {  	s12 =	rddreg [dreg:$0xa]  }
0x45: {  	[spmem:s12] =	stream.linear.scatter [tilespmem:s24], [sflag:$0xB], $0x1F40, $0x38;
	[tilespmem:$0x1DB80] =	vst v63  }
0x46: {  	s13 =	rddreg [dreg:$0xb]  }
0x47: {  	[spmem:s13] =	stream.linear.scatter [tilespmem:s24], [sflag:$0xB], $0x1F40, $0x38;
	[tilespmem:$0x1DB80] =	vst v63  }
0x48: {  	_ =	swait.ge [sflag:s25], $0x1F40  }
0x49: {  	[sflag:s25] =	ssyncset.done $0x0  }
0x4a: {  	[sflag:s25] =	ssyncadd.s32 $0xFFFFE0C0  }
0x4b: {  	_ =	swait.ge [sflag:s25], $0x1F40  }
0x4c: {  	[sflag:s25] =	ssyncset.done $0x0  }
0x4d: {  	[sflag:s25] =	ssyncadd.s32 $0xFFFFE0C0  }
0x4e: {  	_ =	swait.ge [sflag:s25], $0x1F40  }
0x4f: {  	[sflag:s25] =	ssyncset.done $0x0  }
0x50: {  	[sflag:s25] =	ssyncadd.s32 $0xFFFFE0C0  }
0x51: {  	_ =	swait.ge [sflag:s25], $0x1F40  }
0x52: {  	[sflag:s25] =	ssyncset.done $0x0  }
0x53: {  	[sflag:s25] =	ssyncadd.s32 $0xFFFFE0C0  }
0x54: {  	_ =	swait.ge [sflag:s25], $0x1F40  }
0x55: {  	[sflag:s25] =	ssyncset.done $0x0  }
0x56: {  	[sflag:s25] =	ssyncadd.s32 $0xFFFFE0C0  }
0x57: {  	s11 =	simm.s32 $0x0;
	[bflag:$0x0] =	sbarrier.arrive $0xFFFF  }
0x58: {  	[tilespmem:s28], [sflag:$0x1] =	stream.indirect.gather [hbm4b:s4+s26], $0x40, s11, s26, $0xb8;
	[tilespmem:$0x1DB80] =	vst v63  }
0x59: {  	_ = 	snop  }
0x5a: {  	[tilespmem:s29], [sflag:$0x2] =	stream.indirect.gather [hbm4b:s4+s26], $0x40, s26, s26, $0xb8;
	[tilespmem:$0x1DB80] =	vst v63  }
0x5b: {  	s12 =	simm.s32 $0xA0  }
0x5c: {  	[tilespmem:s31], [sflag:$0x3] =	stream.indirect.gather [hbm4b:s4+s26], $0x40, s12, s26, $0xb8;
	[tilespmem:$0x1DB80] =	vst v63  }
0x5d: {  	s16 =	simm.s32 $0xF0  }
0x5e: {  	[tilespmem:s0], [sflag:$0x4] =	stream.indirect.gather [hbm4b:s4+s26], $0x40, s16, s26, $0xb8;
	[tilespmem:$0x1DB80] =	vst v63  }
0x5f: {  	s13 =	simm.s32 $0x140  }
0x60: {  	[tilespmem:s22], [sflag:$0x5] =	stream.indirect.gather [hbm4b:s4+s26], $0x40, s13, s26, $0xb8;
	[tilespmem:$0x1DB80] =	vst v63  }
0x61: {  	_ =	swait.ge [sflag:s23], $0x1400  }
0x62: {  	[sflag:s23] =	ssyncset.done $0x0  }
0x63: {  	s16 =	simm.s32 $0x4E20;
	[sflag:s23] =	ssyncadd.s32 $0xFFFFEC00  }
0x64: {  	[spmem:s2] =	stream.indirect.scatter.add.f32 [tilespmem:s28], [sflag:$0x6], $0x40, s16, s26, $0xb8;
	[tilespmem:$0x1DB80] =	vst v63  }
0x65: {  	_ =	swait.ge [sflag:s30], $0x1400  }
0x66: {  	[sflag:s30] =	ssyncset.done $0x0  }
0x67: {  	s13 =	simm.s32 $0x4E70;
	[sflag:s30] =	ssyncadd.s32 $0xFFFFEC00  }
0x68: {  	[spmem:s2] =	stream.indirect.scatter.add.f32 [tilespmem:s29], [sflag:$0x7], $0x40, s13, s26, $0xb8;
	[tilespmem:$0x1DB80] =	vst v63  }
0x69: {  	_ =	swait.ge [sflag:s1], $0x1400  }
0x6a: {  	[sflag:s1] =	ssyncset.done $0x0  }
0x6b: {  	s16 =	simm.s32 $0x4EC0;
	[sflag:s1] =	ssyncadd.s32 $0xFFFFEC00  }
0x6c: {  	[spmem:s2] =	stream.indirect.scatter.add.f32 [tilespmem:s31], [sflag:$0x8], $0x40, s16, s26, $0xb8;
	[tilespmem:$0x1DB80] =	vst v63  }
0x6d: {  	_ =	swait.ge [sflag:s21], $0x1400  }
0x6e: {  	[sflag:s21] =	ssyncset.done $0x0  }
0x6f: {  	s13 =	simm.s32 $0x4F10;
	[sflag:s21] =	ssyncadd.s32 $0xFFFFEC00  }
0x70: {  	[spmem:s2] =	stream.indirect.scatter.add.f32 [tilespmem:s0], [sflag:$0x9], $0x40, s13, s26, $0xb8;
	[tilespmem:$0x1DB80] =	vst v63  }
0x71: {  	_ =	swait.ge [sflag:s5], $0x1400  }
0x72: {  	s16 =	smin.u32 s11, $0xF0;
	[sflag:s5] =	ssyncset.done $0x0  }
0x73: {  	s12 =	smul.u32 $0x140, s16;
	s13 =	simm.s32 $0x4F60;
	[sflag:s5] =	ssyncadd.s32 $0xFFFFEC00  }
0x74: {  	[spmem:s2] =	stream.indirect.scatter.add.f32 [tilespmem:s22], [sflag:$0xA], $0x40, s13, s26, $0xb8;
	[tilespmem:$0x1DB80] =	vst v63  }
0x75: {  	_ =	swait.ge [sflag:s6], $0x1400  }
0x76: {  	s13 =	sshrl.u32 s12, $0x2;
	[sflag:s6] =	ssyncset.done $0x0  }
0x77: {  	s12 =	sadd.s32 $0x190, s13;
	[sflag:s6] =	ssyncadd.s32 $0xFFFFEC00  }
0x78: {  	[tilespmem:s28], [sflag:$0x1] =	stream.indirect.gather [hbm4b:s4+s26], $0x40, s12, s26, $0xb8;
	[tilespmem:$0x1DB80] =	vst v63  }
0x79: {  	_ =	swait.ge [sflag:s7], $0x1400  }
0x7a: {  	[sflag:s7] =	ssyncset.done $0x0  }
0x7b: {  	s16 =	sadd.s32 $0x1E0, s13;
	[sflag:s7] =	ssyncadd.s32 $0xFFFFEC00  }
0x7c: {  	[tilespmem:s29], [sflag:$0x2] =	stream.indirect.gather [hbm4b:s4+s26], $0x40, s16, s26, $0xb8;
	[tilespmem:$0x1DB80] =	vst v63  }
0x7d: {  	_ =	swait.ge [sflag:s8], $0x1400  }
0x7e: {  	[sflag:s8] =	ssyncset.done $0x0  }
0x7f: {  	s16 =	sadd.s32 $0x230, s13;
	[sflag:s8] =	ssyncadd.s32 $0xFFFFEC00  }
0x80: {  	[tilespmem:s31], [sflag:$0x3] =	stream.indirect.gather [hbm4b:s4+s26], $0x40, s16, s26, $0xb8;
	[tilespmem:$0x1DB80] =	vst v63  }
0x81: {  	_ =	swait.ge [sflag:s14], $0x1400  }
0x82: {  	[sflag:s14] =	ssyncset.done $0x0  }
0x83: {  	s16 =	sadd.s32 $0x280, s13;
	[sflag:s14] =	ssyncadd.s32 $0xFFFFEC00  }
0x84: {  	[tilespmem:s0], [sflag:$0x4] =	stream.indirect.gather [hbm4b:s4+s26], $0x40, s16, s26, $0xb8;
	[tilespmem:$0x1DB80] =	vst v63  }
0x85: {  	_ =	swait.ge [sflag:s15], $0x1400  }
0x86: {  	s12 =	simm.s32 $0x640;
	s13 =	sadd.s32 $0x2D0, s13;
	[sflag:s15] =	ssyncset.done $0x0  }
.LBB2_4:
0x87: {  	p0 =	sne.s32 s12, $0x13240;
	[sflag:s15] =	ssyncadd.s32 $0xFFFFEC00;
	s11 =	sadd.s32 $0x5, s11  }
0x88: {  	[tilespmem:s22], [sflag:$0x5] =	stream.indirect.gather [hbm4b:s4+s26], $0x40, s13, s26, $0xb8;
	[tilespmem:$0x1DB80] =	vst v63  }
0x89: {  	s13 =	sshra.s32 s12, $0x2;
	s12 =	sadd.s32 $0x640, s12;
	_ =	swait.ge [sflag:s23], $0x1400  }
0x8a: {  	s16 =	sadd.s32 $0x4E20, s13;
	[sflag:s23] =	ssyncset.done $0x0  }
0x8b: {  	[sflag:s23] =	ssyncadd.s32 $0xFFFFEC00  }
0x8c: {  	[spmem:s2] =	stream.indirect.scatter.add.f32 [tilespmem:s28], [sflag:$0x6], $0x40, s16, s26, $0xb8;
	[tilespmem:$0x1DB80] =	vst v63  }
0x8d: {  	_ =	swait.ge [sflag:s30], $0x1400  }
0x8e: {  	s16 =	sadd.s32 $0x4E70, s13;
	[sflag:s30] =	ssyncset.done $0x0  }
0x8f: {  	[sflag:s30] =	ssyncadd.s32 $0xFFFFEC00  }
0x90: {  	[spmem:s2] =	stream.indirect.scatter.add.f32 [tilespmem:s29], [sflag:$0x7], $0x40, s16, s26, $0xb8;
	[tilespmem:$0x1DB80] =	vst v63  }
0x91: {  	_ =	swait.ge [sflag:s1], $0x1400  }
0x92: {  	s16 =	sadd.s32 $0x4EC0, s13;
	[sflag:s1] =	ssyncset.done $0x0  }
0x93: {  	[sflag:s1] =	ssyncadd.s32 $0xFFFFEC00  }
0x94: {  	[spmem:s2] =	stream.indirect.scatter.add.f32 [tilespmem:s31], [sflag:$0x8], $0x40, s16, s26, $0xb8;
	[tilespmem:$0x1DB80] =	vst v63  }
0x95: {  	_ =	swait.ge [sflag:s21], $0x1400  }
0x96: {  	s16 =	sadd.s32 $0x4F10, s13;
	[sflag:s21] =	ssyncset.done $0x0  }
0x97: {  	[sflag:s21] =	ssyncadd.s32 $0xFFFFEC00  }
0x98: {  	[spmem:s2] =	stream.indirect.scatter.add.f32 [tilespmem:s0], [sflag:$0x9], $0x40, s16, s26, $0xb8;
	[tilespmem:$0x1DB80] =	vst v63  }
0x99: {  	_ =	swait.ge [sflag:s5], $0x1400  }
0x9a: {  	s13 =	sadd.s32 $0x4F60, s13;
	s16 =	smin.u32 s11, $0xF0;
	[sflag:s5] =	ssyncset.done $0x0  }
0x9b: {  	s16 =	smul.u32 $0x140, s16;
	[sflag:s5] =	ssyncadd.s32 $0xFFFFEC00  }
0x9c: {  	[spmem:s2] =	stream.indirect.scatter.add.f32 [tilespmem:s22], [sflag:$0xA], $0x40, s13, s26, $0xb8;
	[tilespmem:$0x1DB80] =	vst v63  }
0x9d: {  	s13 =	sshrl.u32 s16, $0x2;
	_ =	swait.ge [sflag:s6], $0x1400  }
0x9e: {  	s16 =	sadd.s32 $0x190, s13;
	[sflag:s6] =	ssyncset.done $0x0  }
0x9f: {  	[sflag:s6] =	ssyncadd.s32 $0xFFFFEC00  }
0xa0: {  	[tilespmem:s28], [sflag:$0x1] =	stream.indirect.gather [hbm4b:s4+s26], $0x40, s16, s26, $0xb8;
	[tilespmem:$0x1DB80] =	vst v63  }
0xa1: {  	_ =	swait.ge [sflag:s7], $0x1400  }
0xa2: {  	s16 =	sadd.s32 $0x1E0, s13;
	[sflag:s7] =	ssyncset.done $0x0  }
0xa3: {  	[sflag:s7] =	ssyncadd.s32 $0xFFFFEC00  }
0xa4: {  	[tilespmem:s29], [sflag:$0x2] =	stream.indirect.gather [hbm4b:s4+s26], $0x40, s16, s26, $0xb8;
	[tilespmem:$0x1DB80] =	vst v63  }
0xa5: {  	_ =	swait.ge [sflag:s8], $0x1400  }
0xa6: {  	s16 =	sadd.s32 $0x230, s13;
	[sflag:s8] =	ssyncset.done $0x0  }
0xa7: {  	[sflag:s8] =	ssyncadd.s32 $0xFFFFEC00  }
0xa8: {  	[tilespmem:s31], [sflag:$0x3] =	stream.indirect.gather [hbm4b:s4+s26], $0x40, s16, s26, $0xb8;
	[tilespmem:$0x1DB80] =	vst v63  }
0xa9: {  	_ =	swait.ge [sflag:s14], $0x1400  }
.Ltmp1:
0xaa: {  	s16 =	sadd.s32 $0x280, s13;
	[sflag:s14] =	ssyncset.done $0x0;
	(pc) =	sbr.rel @p0 .LBB2_4-.Ltmp1, $4  }
0xab: {  	[sflag:s14] =	ssyncadd.s32 $0xFFFFEC00  }
0xac: {  	[tilespmem:s0], [sflag:$0x4] =	stream.indirect.gather [hbm4b:s4+s26], $0x40, s16, s26, $0xb8;
	[tilespmem:$0x1DB80] =	vst v63  }
0xad: {  	_ =	swait.ge [sflag:s15], $0x1400  }
0xae: {  	s13 =	sadd.s32 $0x2D0, s13;
	[sflag:s15] =	ssyncset.done $0x0  }
0xaf: {  	[sflag:s15] =	ssyncadd.s32 $0xFFFFEC00  }
0xb0: {  	[tilespmem:s22], [sflag:$0x5] =	stream.indirect.gather [hbm4b:s4+s26], $0x40, s13, s26, $0xb8;
	[tilespmem:$0x1DB80] =	vst v63  }
0xb1: {  	_ =	swait.ge [sflag:s23], $0x1400  }
0xb2: {  	[sflag:s23] =	ssyncset.done $0x0  }
0xb3: {  	[sflag:s23] =	ssyncadd.s32 $0xFFFFEC00  }
0xb4: {  	_ =	swait.ge [sflag:s30], $0x1400  }
0xb5: {  	[sflag:s30] =	ssyncset.done $0x0  }
0xb6: {  	[sflag:s30] =	ssyncadd.s32 $0xFFFFEC00  }
0xb7: {  	_ =	swait.ge [sflag:s1], $0x1400  }
0xb8: {  	[sflag:s1] =	ssyncset.done $0x0  }
0xb9: {  	[sflag:s1] =	ssyncadd.s32 $0xFFFFEC00  }
0xba: {  	_ =	swait.ge [sflag:s21], $0x1400  }
0xbb: {  	[sflag:s21] =	ssyncset.done $0x0  }
0xbc: {  	[sflag:s21] =	ssyncadd.s32 $0xFFFFEC00  }
0xbd: {  	_ =	swait.ge [sflag:s5], $0x1400  }
0xbe: {  	[sflag:s5] =	ssyncset.done $0x0  }
0xbf: {  	[sflag:s5] =	ssyncadd.s32 $0xFFFFEC00  }
0xc0: {  	[bflag:$0x0] =	sbarrier.arrive $0xFFFF  }
0xc1: {  	[tilespmem:s24], [sflag:$0xB] =	stream.linear.gather [spmem:s17], $0x1F40, $0x38;
	[tilespmem:$0x1DB80] =	vst v63  }
0xc2: {  	_ =	swait.ge [sflag:s25], $0x1F40  }
0xc3: {  	s16 =	smov.u32 s17;
	[sflag:s25] =	ssyncset.done $0x0  }
0xc4: {  	s17 =	simm.s32 $0x11F80;
	s11 =	rddreg [dreg:$0x8];
	[sflag:s25] =	ssyncadd.s32 $0xFFFFE0C0  }
0xc5: {  	[tilespmem:s17], [sflag:$0xC] =	stream.linear.gather [spmem:s11], $0x1F40, $0x38;
	[tilespmem:$0x1DB80] =	vst v63  }
0xc6: {  	s11 =	simm.s32 $0x0  }
0xc7: {  	s12 =	simm.s32 $0x100;
	v1 =	vld [tilespmem:s11+$0x10040]  }
.LBB2_6:
0xc8: {  	p0 =	sne.s32 s12, $0x7C00;
	v2 =	vld [tilespmem:$0x13EC0]  }
0xc9: {  	v3 =	vld [tilespmem:$0x13F00];
	_ =	sdelay $0x3  }
0xca: {  	v1 =	vadd.f32 v2, v1;
	_ =	sdelay $0x1  }
0xcb: {  	v2 =	vmul.f32 v1, v3;
	_ =	sdelay $0x1  }
0xcc: {  	v1 =	vmax.f32 v1, v2  }
0xcd: {  	[tilespmem:s11+$0x10040] =	vst v1;
	v1 =	vld [tilespmem:s11+$0x10050]  }
0xce: {  	v2 =	vld [tilespmem:$0x13ED0];
	_ =	sdelay $0x1  }
0xcf: {  	v3 =	vld [tilespmem:$0x13F10];
	_ =	sdelay $0x2  }
0xd0: {  	v1 =	vadd.f32 v2, v1;
	_ =	sdelay $0x1  }
0xd1: {  	v2 =	vmul.f32 v1, v3;
	_ =	sdelay $0x1  }
0xd2: {  	v1 =	vmax.f32 v1, v2  }
0xd3: {  	[tilespmem:s11+$0x10050] =	vst v1;
	v1 =	vld [tilespmem:s11+$0x10060]  }
0xd4: {  	v2 =	vld [tilespmem:$0x13EE0];
	_ =	sdelay $0x1  }
0xd5: {  	v3 =	vld [tilespmem:$0x13F20];
	_ =	sdelay $0x2  }
0xd6: {  	v1 =	vadd.f32 v2, v1;
	_ =	sdelay $0x1  }
0xd7: {  	v2 =	vmul.f32 v1, v3;
	_ =	sdelay $0x1  }
0xd8: {  	v1 =	vmax.f32 v1, v2  }
0xd9: {  	[tilespmem:s11+$0x10060] =	vst v1;
	v1 =	vld [tilespmem:s11+$0x10070]  }
0xda: {  	v2 =	vld [tilespmem:$0x13EF0]  }
0xdb: {  	v3 =	vld [tilespmem:$0x13F30];
	_ =	sdelay $0x3  }
0xdc: {  	v1 =	vadd.f32 v2, v1  }
.Ltmp2:
0xdd: {  	(pc) =	sbr.rel @p0 .LBB2_6-.Ltmp2, $3  }
0xde: {  	v2 =	vmul.f32 v1, v3;
	_ =	sdelay $0x1  }
0xdf: {  	s13 =	sshra.s32 s12, $0x2;
	v2 =	vmax.f32 v1, v2  }
0xe0: {  	s12 =	sadd.s32 $0x100, s12;
	v1 =	vld [tilespmem:s13+$0x10040];
	[tilespmem:s11+$0x10070] =	vst v2;
	s11 =	smov.u32 s13  }
0xe1: {  	v2 =	vld [tilespmem:$0x13EC0];
	_ =	sdelay $0x1  }
0xe2: {  	v3 =	vld [tilespmem:$0x13F00];
	_ =	sdelay $0x2  }
0xe3: {  	v1 =	vadd.f32 v2, v1;
	_ =	sdelay $0x1  }
0xe4: {  	v2 =	vmul.f32 v1, v3;
	_ =	sdelay $0x1  }
0xe5: {  	v1 =	vmax.f32 v1, v2  }
0xe6: {  	[tilespmem:s11+$0x10040] =	vst v1;
	v1 =	vld [tilespmem:s11+$0x10050]  }
0xe7: {  	v2 =	vld [tilespmem:$0x13ED0];
	_ =	sdelay $0x1  }
0xe8: {  	v3 =	vld [tilespmem:$0x13F10];
	_ =	sdelay $0x2  }
0xe9: {  	v1 =	vadd.f32 v2, v1;
	_ =	sdelay $0x1  }
0xea: {  	v2 =	vmul.f32 v1, v3;
	_ =	sdelay $0x1  }
0xeb: {  	v1 =	vmax.f32 v1, v2  }
0xec: {  	[tilespmem:s11+$0x10050] =	vst v1;
	v1 =	vld [tilespmem:s11+$0x10060]  }
0xed: {  	v2 =	vld [tilespmem:$0x13EE0];
	_ =	sdelay $0x1  }
0xee: {  	v3 =	vld [tilespmem:$0x13F20];
	_ =	sdelay $0x2  }
0xef: {  	v1 =	vadd.f32 v2, v1;
	_ =	sdelay $0x1  }
0xf0: {  	v2 =	vmul.f32 v1, v3;
	_ =	sdelay $0x1  }
0xf1: {  	v1 =	vmax.f32 v1, v2  }
0xf2: {  	[tilespmem:s11+$0x10060] =	vst v1;
	v1 =	vld [tilespmem:s11+$0x10070]  }
0xf3: {  	v2 =	vld [tilespmem:$0x13EF0];
	_ =	sdelay $0x1  }
0xf4: {  	v3 =	vld [tilespmem:$0x13F30];
	_ =	sdelay $0x2  }
0xf5: {  	v1 =	vadd.f32 v2, v1;
	_ =	sdelay $0x1  }
0xf6: {  	v2 =	vmul.f32 v1, v3;
	_ =	sdelay $0x1  }
0xf7: {  	v1 =	vmax.f32 v1, v2  }
0xf8: {  	s13 =	rddreg [dreg:$0xc];
	s12 =	simm.s32 $0x40;
	[tilespmem:s11+$0x10070] =	vst v1  }
0xf9: {  	[hbm4b:s13+s12] =	stream.strided.scatter [tilespmem:s24], [sflag:$0xD], $0x1F40, s18, s12, $0x38;
	[tilespmem:$0x1DB80] =	vst v63  }
0xfa: {  	_ =	swait.ge [sflag:s19], $0x1F40  }
0xfb: {  	[sflag:s19] =	ssyncset.done $0x0  }
0xfc: {  	[sflag:s19] =	ssyncadd.s32 $0xFFFFE0C0  }
0xfd: {  	_ =	swait.ge [sflag:s3], $0x1F40  }
0xfe: {  	[sflag:s3] =	ssyncset.done $0x0  }
0xff: {  	s11 =	simm.s32 $0x0;
	s13 =	rddreg [dreg:$0x9];
	[sflag:s3] =	ssyncadd.s32 $0xFFFFE0C0  }
0x100: {  	[tilespmem:s24], [sflag:$0xB] =	stream.linear.gather [spmem:s13], $0x1F40, $0x38;
	[tilespmem:$0x1DB80] =	vst v63  }
0x101: {  	s12 =	simm.s32 $0x100;
	v1 =	vld [tilespmem:s11+$0x11F80]  }
.LBB2_8:
0x102: {  	p0 =	sne.s32 s12, $0x7C00;
	v2 =	vld [tilespmem:$0x13EC0]  }
0x103: {  	v3 =	vld [tilespmem:$0x13F00];
	_ =	sdelay $0x3  }
0x104: {  	v1 =	vadd.f32 v2, v1;
	_ =	sdelay $0x1  }
0x105: {  	v2 =	vmul.f32 v1, v3;
	_ =	sdelay $0x1  }
0x106: {  	v1 =	vmax.f32 v1, v2  }
0x107: {  	[tilespmem:s11+$0x11F80] =	vst v1;
	v1 =	vld [tilespmem:s11+$0x11F90]  }
0x108: {  	v2 =	vld [tilespmem:$0x13ED0];
	_ =	sdelay $0x1  }
0x109: {  	v3 =	vld [tilespmem:$0x13F10];
	_ =	sdelay $0x2  }
0x10a: {  	v1 =	vadd.f32 v2, v1;
	_ =	sdelay $0x1  }
0x10b: {  	v2 =	vmul.f32 v1, v3;
	_ =	sdelay $0x1  }
0x10c: {  	v1 =	vmax.f32 v1, v2  }
0x10d: {  	[tilespmem:s11+$0x11F90] =	vst v1;
	v1 =	vld [tilespmem:s11+$0x11FA0]  }
0x10e: {  	v2 =	vld [tilespmem:$0x13EE0];
	_ =	sdelay $0x1  }
0x10f: {  	v3 =	vld [tilespmem:$0x13F20];
	_ =	sdelay $0x2  }
0x110: {  	v1 =	vadd.f32 v2, v1;
	_ =	sdelay $0x1  }
0x111: {  	v2 =	vmul.f32 v1, v3;
	_ =	sdelay $0x1  }
0x112: {  	v1 =	vmax.f32 v1, v2  }
0x113: {  	[tilespmem:s11+$0x11FA0] =	vst v1;
	v1 =	vld [tilespmem:s11+$0x11FB0]  }
0x114: {  	v2 =	vld [tilespmem:$0x13EF0]  }
0x115: {  	v3 =	vld [tilespmem:$0x13F30];
	_ =	sdelay $0x3  }
0x116: {  	v1 =	vadd.f32 v2, v1  }
.Ltmp3:
0x117: {  	(pc) =	sbr.rel @p0 .LBB2_8-.Ltmp3, $3  }
0x118: {  	v2 =	vmul.f32 v1, v3;
	_ =	sdelay $0x1  }
0x119: {  	s13 =	sshra.s32 s12, $0x2;
	v2 =	vmax.f32 v1, v2  }
0x11a: {  	s12 =	sadd.s32 $0x100, s12;
	v1 =	vld [tilespmem:s13+$0x11F80];
	[tilespmem:s11+$0x11FB0] =	vst v2;
	s11 =	smov.u32 s13  }
0x11b: {  	v2 =	vld [tilespmem:$0x13EC0];
	_ =	sdelay $0x1  }
0x11c: {  	v3 =	vld [tilespmem:$0x13F00];
	_ =	sdelay $0x2  }
0x11d: {  	v1 =	vadd.f32 v2, v1;
	_ =	sdelay $0x1  }
0x11e: {  	v2 =	vmul.f32 v1, v3;
	_ =	sdelay $0x1  }
0x11f: {  	v1 =	vmax.f32 v1, v2  }
0x120: {  	[tilespmem:s11+$0x11F80] =	vst v1;
	v1 =	vld [tilespmem:s11+$0x11F90]  }
0x121: {  	v2 =	vld [tilespmem:$0x13ED0];
	_ =	sdelay $0x1  }
0x122: {  	v3 =	vld [tilespmem:$0x13F10];
	_ =	sdelay $0x2  }
0x123: {  	v1 =	vadd.f32 v2, v1;
	_ =	sdelay $0x1  }
0x124: {  	v2 =	vmul.f32 v1, v3;
	_ =	sdelay $0x1  }
0x125: {  	v1 =	vmax.f32 v1, v2  }
0x126: {  	[tilespmem:s11+$0x11F90] =	vst v1;
	v1 =	vld [tilespmem:s11+$0x11FA0]  }
0x127: {  	v2 =	vld [tilespmem:$0x13EE0];
	_ =	sdelay $0x1  }
0x128: {  	v3 =	vld [tilespmem:$0x13F20];
	_ =	sdelay $0x2  }
0x129: {  	v1 =	vadd.f32 v2, v1;
	_ =	sdelay $0x1  }
0x12a: {  	v2 =	vmul.f32 v1, v3;
	_ =	sdelay $0x1  }
0x12b: {  	v1 =	vmax.f32 v1, v2  }
0x12c: {  	[tilespmem:s11+$0x11FA0] =	vst v1;
	v1 =	vld [tilespmem:s11+$0x11FB0]  }
0x12d: {  	v2 =	vld [tilespmem:$0x13EF0];
	_ =	sdelay $0x1  }
0x12e: {  	v3 =	vld [tilespmem:$0x13F30];
	_ =	sdelay $0x2  }
0x12f: {  	v1 =	vadd.f32 v2, v1;
	_ =	sdelay $0x1  }
0x130: {  	v2 =	vmul.f32 v1, v3;
	_ =	sdelay $0x1  }
0x131: {  	v1 =	vmax.f32 v1, v2  }
0x132: {  	s13 =	rddreg [dreg:$0xd];
	s12 =	simm.s32 $0x40;
	[tilespmem:s11+$0x11FB0] =	vst v1  }
0x133: {  	[hbm4b:s13+s12] =	stream.strided.scatter [tilespmem:s17], [sflag:$0xE], $0x1F40, s18, s12, $0x38;
	[tilespmem:$0x1DB80] =	vst v63  }
0x134: {  	_ =	swait.ge [sflag:s25], $0x1F40  }
0x135: {  	[sflag:s25] =	ssyncset.done $0x0  }
0x136: {  	[sflag:s25] =	ssyncadd.s32 $0xFFFFE0C0  }
0x137: {  	_ =	swait.ge [sflag:s9], $0x1F40  }
0x138: {  	[sflag:s9] =	ssyncset.done $0x0  }
0x139: {  	s11 =	simm.s32 $0x0;
	s13 =	rddreg [dreg:$0xa];
	[sflag:s9] =	ssyncadd.s32 $0xFFFFE0C0  }
0x13a: {  	[tilespmem:s17], [sflag:$0xC] =	stream.linear.gather [spmem:s13], $0x1F40, $0x38;
	[tilespmem:$0x1DB80] =	vst v63  }
0x13b: {  	s12 =	simm.s32 $0x100;
	v1 =	vld [tilespmem:s11+$0x10040]  }
.LBB2_10:
0x13c: {  	p0 =	sne.s32 s12, $0x7C00;
	v2 =	vld [tilespmem:$0x13EC0]  }
0x13d: {  	v3 =	vld [tilespmem:$0x13F00];
	_ =	sdelay $0x3  }
0x13e: {  	v1 =	vadd.f32 v2, v1;
	_ =	sdelay $0x1  }
0x13f: {  	v2 =	vmul.f32 v1, v3;
	_ =	sdelay $0x1  }
0x140: {  	v1 =	vmax.f32 v1, v2  }
0x141: {  	[tilespmem:s11+$0x10040] =	vst v1;
	v1 =	vld [tilespmem:s11+$0x10050]  }
0x142: {  	v2 =	vld [tilespmem:$0x13ED0];
	_ =	sdelay $0x1  }
0x143: {  	v3 =	vld [tilespmem:$0x13F10];
	_ =	sdelay $0x2  }
0x144: {  	v1 =	vadd.f32 v2, v1;
	_ =	sdelay $0x1  }
0x145: {  	v2 =	vmul.f32 v1, v3;
	_ =	sdelay $0x1  }
0x146: {  	v1 =	vmax.f32 v1, v2  }
0x147: {  	[tilespmem:s11+$0x10050] =	vst v1;
	v1 =	vld [tilespmem:s11+$0x10060]  }
0x148: {  	v2 =	vld [tilespmem:$0x13EE0];
	_ =	sdelay $0x1  }
0x149: {  	v3 =	vld [tilespmem:$0x13F20];
	_ =	sdelay $0x2  }
0x14a: {  	v1 =	vadd.f32 v2, v1;
	_ =	sdelay $0x1  }
0x14b: {  	v2 =	vmul.f32 v1, v3;
	_ =	sdelay $0x1  }
0x14c: {  	v1 =	vmax.f32 v1, v2  }
0x14d: {  	[tilespmem:s11+$0x10060] =	vst v1;
	v1 =	vld [tilespmem:s11+$0x10070]  }
0x14e: {  	v2 =	vld [tilespmem:$0x13EF0]  }
0x14f: {  	v3 =	vld [tilespmem:$0x13F30];
	_ =	sdelay $0x3  }
0x150: {  	v1 =	vadd.f32 v2, v1  }
.Ltmp4:
0x151: {  	(pc) =	sbr.rel @p0 .LBB2_10-.Ltmp4, $3  }
0x152: {  	v2 =	vmul.f32 v1, v3;
	_ =	sdelay $0x1  }
0x153: {  	s13 =	sshra.s32 s12, $0x2;
	v2 =	vmax.f32 v1, v2  }
0x154: {  	s12 =	sadd.s32 $0x100, s12;
	v1 =	vld [tilespmem:s13+$0x10040];
	[tilespmem:s11+$0x10070] =	vst v2;
	s11 =	smov.u32 s13  }
0x155: {  	v2 =	vld [tilespmem:$0x13EC0];
	_ =	sdelay $0x1  }
0x156: {  	v3 =	vld [tilespmem:$0x13F00];
	_ =	sdelay $0x2  }
0x157: {  	v1 =	vadd.f32 v2, v1;
	_ =	sdelay $0x1  }
0x158: {  	v2 =	vmul.f32 v1, v3;
	_ =	sdelay $0x1  }
0x159: {  	v1 =	vmax.f32 v1, v2  }
0x15a: {  	[tilespmem:s11+$0x10040] =	vst v1;
	v1 =	vld [tilespmem:s11+$0x10050]  }
0x15b: {  	v2 =	vld [tilespmem:$0x13ED0];
	_ =	sdelay $0x1  }
0x15c: {  	v3 =	vld [tilespmem:$0x13F10];
	_ =	sdelay $0x2  }
0x15d: {  	v1 =	vadd.f32 v2, v1;
	_ =	sdelay $0x1  }
0x15e: {  	v2 =	vmul.f32 v1, v3;
	_ =	sdelay $0x1  }
0x15f: {  	v1 =	vmax.f32 v1, v2  }
0x160: {  	[tilespmem:s11+$0x10050] =	vst v1;
	v1 =	vld [tilespmem:s11+$0x10060]  }
0x161: {  	v2 =	vld [tilespmem:$0x13EE0];
	_ =	sdelay $0x1  }
0x162: {  	v3 =	vld [tilespmem:$0x13F20];
	_ =	sdelay $0x2  }
0x163: {  	v1 =	vadd.f32 v2, v1;
	_ =	sdelay $0x1  }
0x164: {  	v2 =	vmul.f32 v1, v3;
	_ =	sdelay $0x1  }
0x165: {  	v1 =	vmax.f32 v1, v2  }
0x166: {  	[tilespmem:s11+$0x10060] =	vst v1;
	v1 =	vld [tilespmem:s11+$0x10070]  }
0x167: {  	v2 =	vld [tilespmem:$0x13EF0];
	_ =	sdelay $0x1  }
0x168: {  	v3 =	vld [tilespmem:$0x13F30];
	_ =	sdelay $0x2  }
0x169: {  	v1 =	vadd.f32 v2, v1;
	_ =	sdelay $0x1  }
0x16a: {  	v2 =	vmul.f32 v1, v3;
	_ =	sdelay $0x1  }
0x16b: {  	v1 =	vmax.f32 v1, v2  }
0x16c: {  	s13 =	rddreg [dreg:$0xe];
	s12 =	simm.s32 $0x40;
	[tilespmem:s11+$0x10070] =	vst v1  }
0x16d: {  	[hbm4b:s13+s12] =	stream.strided.scatter [tilespmem:s24], [sflag:$0xD], $0x1F40, s18, s12, $0x38;
	[tilespmem:$0x1DB80] =	vst v63  }
0x16e: {  	_ =	swait.ge [sflag:s19], $0x1F40  }
0x16f: {  	[sflag:s19] =	ssyncset.done $0x0  }
0x170: {  	[sflag:s19] =	ssyncadd.s32 $0xFFFFE0C0  }
0x171: {  	_ =	swait.ge [sflag:s3], $0x1F40  }
0x172: {  	[sflag:s3] =	ssyncset.done $0x0  }
0x173: {  	s11 =	simm.s32 $0x0;
	s13 =	rddreg [dreg:$0xb];
	[sflag:s3] =	ssyncadd.s32 $0xFFFFE0C0  }
0x174: {  	[tilespmem:s24], [sflag:$0xB] =	stream.linear.gather [spmem:s13], $0x1F40, $0x38;
	[tilespmem:$0x1DB80] =	vst v63  }
0x175: {  	s12 =	simm.s32 $0x100;
	v1 =	vld [tilespmem:s11+$0x11F80]  }
.LBB2_12:
0x176: {  	p0 =	sne.s32 s12, $0x7C00;
	v2 =	vld [tilespmem:$0x13EC0]  }
0x177: {  	v3 =	vld [tilespmem:$0x13F00];
	_ =	sdelay $0x3  }
0x178: {  	v1 =	vadd.f32 v2, v1;
	_ =	sdelay $0x1  }
0x179: {  	v2 =	vmul.f32 v1, v3;
	_ =	sdelay $0x1  }
0x17a: {  	v1 =	vmax.f32 v1, v2  }
0x17b: {  	[tilespmem:s11+$0x11F80] =	vst v1;
	v1 =	vld [tilespmem:s11+$0x11F90]  }
0x17c: {  	v2 =	vld [tilespmem:$0x13ED0];
	_ =	sdelay $0x1  }
0x17d: {  	v3 =	vld [tilespmem:$0x13F10];
	_ =	sdelay $0x2  }
0x17e: {  	v1 =	vadd.f32 v2, v1;
	_ =	sdelay $0x1  }
0x17f: {  	v2 =	vmul.f32 v1, v3;
	_ =	sdelay $0x1  }
0x180: {  	v1 =	vmax.f32 v1, v2  }
0x181: {  	[tilespmem:s11+$0x11F90] =	vst v1;
	v1 =	vld [tilespmem:s11+$0x11FA0]  }
0x182: {  	v2 =	vld [tilespmem:$0x13EE0];
	_ =	sdelay $0x1  }
0x183: {  	v3 =	vld [tilespmem:$0x13F20];
	_ =	sdelay $0x2  }
0x184: {  	v1 =	vadd.f32 v2, v1;
	_ =	sdelay $0x1  }
0x185: {  	v2 =	vmul.f32 v1, v3;
	_ =	sdelay $0x1  }
0x186: {  	v1 =	vmax.f32 v1, v2  }
0x187: {  	[tilespmem:s11+$0x11FA0] =	vst v1;
	v1 =	vld [tilespmem:s11+$0x11FB0]  }
0x188: {  	v2 =	vld [tilespmem:$0x13EF0]  }
0x189: {  	v3 =	vld [tilespmem:$0x13F30];
	_ =	sdelay $0x3  }
0x18a: {  	v1 =	vadd.f32 v2, v1  }
.Ltmp5:
0x18b: {  	(pc) =	sbr.rel @p0 .LBB2_12-.Ltmp5, $3  }
0x18c: {  	v2 =	vmul.f32 v1, v3;
	_ =	sdelay $0x1  }
0x18d: {  	s13 =	sshra.s32 s12, $0x2;
	v2 =	vmax.f32 v1, v2  }
0x18e: {  	s12 =	sadd.s32 $0x100, s12;
	v1 =	vld [tilespmem:s13+$0x11F80];
	[tilespmem:s11+$0x11FB0] =	vst v2;
	s11 =	smov.u32 s13  }
0x18f: {  	v2 =	vld [tilespmem:$0x13EC0];
	_ =	sdelay $0x1  }
0x190: {  	v3 =	vld [tilespmem:$0x13F00];
	_ =	sdelay $0x2  }
0x191: {  	v1 =	vadd.f32 v2, v1;
	_ =	sdelay $0x1  }
0x192: {  	v2 =	vmul.f32 v1, v3;
	_ =	sdelay $0x1  }
0x193: {  	v1 =	vmax.f32 v1, v2  }
0x194: {  	[tilespmem:s11+$0x11F80] =	vst v1;
	v1 =	vld [tilespmem:s11+$0x11F90]  }
0x195: {  	v2 =	vld [tilespmem:$0x13ED0];
	_ =	sdelay $0x1  }
0x196: {  	v3 =	vld [tilespmem:$0x13F10];
	_ =	sdelay $0x2  }
0x197: {  	v1 =	vadd.f32 v2, v1;
	_ =	sdelay $0x1  }
0x198: {  	v2 =	vmul.f32 v1, v3;
	_ =	sdelay $0x1  }
0x199: {  	v1 =	vmax.f32 v1, v2  }
0x19a: {  	[tilespmem:s11+$0x11F90] =	vst v1;
	v1 =	vld [tilespmem:s11+$0x11FA0]  }
0x19b: {  	v2 =	vld [tilespmem:$0x13EE0];
	_ =	sdelay $0x1  }
0x19c: {  	v3 =	vld [tilespmem:$0x13F20];
	_ =	sdelay $0x2  }
0x19d: {  	v1 =	vadd.f32 v2, v1;
	_ =	sdelay $0x1  }
0x19e: {  	v2 =	vmul.f32 v1, v3;
	_ =	sdelay $0x1  }
0x19f: {  	v1 =	vmax.f32 v1, v2  }
0x1a0: {  	[tilespmem:s11+$0x11FA0] =	vst v1;
	v1 =	vld [tilespmem:s11+$0x11FB0]  }
0x1a1: {  	v2 =	vld [tilespmem:$0x13EF0];
	_ =	sdelay $0x1  }
0x1a2: {  	v3 =	vld [tilespmem:$0x13F30];
	_ =	sdelay $0x2  }
0x1a3: {  	v1 =	vadd.f32 v2, v1;
	_ =	sdelay $0x1  }
0x1a4: {  	v2 =	vmul.f32 v1, v3;
	_ =	sdelay $0x1  }
0x1a5: {  	v1 =	vmax.f32 v1, v2  }
0x1a6: {  	s13 =	rddreg [dreg:$0xf];
	s12 =	simm.s32 $0x40;
	[tilespmem:s11+$0x11FB0] =	vst v1  }
0x1a7: {  	[hbm4b:s13+s12] =	stream.strided.scatter [tilespmem:s17], [sflag:$0xE], $0x1F40, s18, s12, $0x38;
	[tilespmem:$0x1DB80] =	vst v63  }
0x1a8: {  	_ =	swait.ge [sflag:s25], $0x1F40  }
0x1a9: {  	[sflag:s25] =	ssyncset.done $0x0  }
0x1aa: {  	s11 =	simm.s32 $0x0;
	[sflag:s25] =	ssyncadd.s32 $0xFFFFE0C0  }
0x1ab: {  	s12 =	simm.s32 $0x100;
	v1 =	vld [tilespmem:s11+$0x10040]  }
.LBB2_14:
0x1ac: {  	p0 =	sne.s32 s12, $0x7C00;
	v2 =	vld [tilespmem:$0x13EC0]  }
0x1ad: {  	v3 =	vld [tilespmem:$0x13F00];
	_ =	sdelay $0x3  }
0x1ae: {  	v1 =	vadd.f32 v2, v1;
	_ =	sdelay $0x1  }
0x1af: {  	v2 =	vmul.f32 v1, v3;
	_ =	sdelay $0x1  }
0x1b0: {  	v1 =	vmax.f32 v1, v2  }
0x1b1: {  	[tilespmem:s11+$0x10040] =	vst v1;
	v1 =	vld [tilespmem:s11+$0x10050]  }
0x1b2: {  	v2 =	vld [tilespmem:$0x13ED0];
	_ =	sdelay $0x1  }
0x1b3: {  	v3 =	vld [tilespmem:$0x13F10];
	_ =	sdelay $0x2  }
0x1b4: {  	v1 =	vadd.f32 v2, v1;
	_ =	sdelay $0x1  }
0x1b5: {  	v2 =	vmul.f32 v1, v3;
	_ =	sdelay $0x1  }
0x1b6: {  	v1 =	vmax.f32 v1, v2  }
0x1b7: {  	[tilespmem:s11+$0x10050] =	vst v1;
	v1 =	vld [tilespmem:s11+$0x10060]  }
0x1b8: {  	v2 =	vld [tilespmem:$0x13EE0];
	_ =	sdelay $0x1  }
0x1b9: {  	v3 =	vld [tilespmem:$0x13F20];
	_ =	sdelay $0x2  }
0x1ba: {  	v1 =	vadd.f32 v2, v1;
	_ =	sdelay $0x1  }
0x1bb: {  	v2 =	vmul.f32 v1, v3;
	_ =	sdelay $0x1  }
0x1bc: {  	v1 =	vmax.f32 v1, v2  }
0x1bd: {  	[tilespmem:s11+$0x10060] =	vst v1;
	v1 =	vld [tilespmem:s11+$0x10070]  }
0x1be: {  	v2 =	vld [tilespmem:$0x13EF0]  }
0x1bf: {  	v3 =	vld [tilespmem:$0x13F30];
	_ =	sdelay $0x3  }
0x1c0: {  	v1 =	vadd.f32 v2, v1  }
.Ltmp6:
0x1c1: {  	(pc) =	sbr.rel @p0 .LBB2_14-.Ltmp6, $3  }
0x1c2: {  	v2 =	vmul.f32 v1, v3;
	_ =	sdelay $0x1  }
0x1c3: {  	s13 =	sshra.s32 s12, $0x2;
	v2 =	vmax.f32 v1, v2  }
0x1c4: {  	s12 =	sadd.s32 $0x100, s12;
	v1 =	vld [tilespmem:s13+$0x10040];
	[tilespmem:s11+$0x10070] =	vst v2;
	s11 =	smov.u32 s13  }
0x1c5: {  	v2 =	vld [tilespmem:$0x13EC0];
	_ =	sdelay $0x1  }
0x1c6: {  	v3 =	vld [tilespmem:$0x13F00];
	_ =	sdelay $0x2  }
0x1c7: {  	v1 =	vadd.f32 v2, v1;
	_ =	sdelay $0x1  }
0x1c8: {  	v2 =	vmul.f32 v1, v3;
	_ =	sdelay $0x1  }
0x1c9: {  	v1 =	vmax.f32 v1, v2  }
0x1ca: {  	[tilespmem:s11+$0x10040] =	vst v1;
	v1 =	vld [tilespmem:s11+$0x10050]  }
0x1cb: {  	v2 =	vld [tilespmem:$0x13ED0];
	_ =	sdelay $0x1  }
0x1cc: {  	v3 =	vld [tilespmem:$0x13F10];
	_ =	sdelay $0x2  }
0x1cd: {  	v1 =	vadd.f32 v2, v1;
	_ =	sdelay $0x1  }
0x1ce: {  	v2 =	vmul.f32 v1, v3;
	_ =	sdelay $0x1  }
0x1cf: {  	v1 =	vmax.f32 v1, v2  }
0x1d0: {  	[tilespmem:s11+$0x10050] =	vst v1;
	v1 =	vld [tilespmem:s11+$0x10060]  }
0x1d1: {  	v2 =	vld [tilespmem:$0x13EE0];
	_ =	sdelay $0x1  }
0x1d2: {  	v3 =	vld [tilespmem:$0x13F20];
	_ =	sdelay $0x2  }
0x1d3: {  	v1 =	vadd.f32 v2, v1;
	_ =	sdelay $0x1  }
0x1d4: {  	v2 =	vmul.f32 v1, v3;
	_ =	sdelay $0x1  }
0x1d5: {  	v1 =	vmax.f32 v1, v2  }
0x1d6: {  	[tilespmem:s11+$0x10060] =	vst v1;
	v1 =	vld [tilespmem:s11+$0x10070]  }
0x1d7: {  	v2 =	vld [tilespmem:$0x13EF0];
	_ =	sdelay $0x1  }
0x1d8: {  	v3 =	vld [tilespmem:$0x13F30];
	_ =	sdelay $0x2  }
0x1d9: {  	v1 =	vadd.f32 v2, v1;
	_ =	sdelay $0x1  }
0x1da: {  	v2 =	vmul.f32 v1, v3;
	_ =	sdelay $0x1  }
0x1db: {  	v1 =	vmax.f32 v1, v2  }
0x1dc: {  	s13 =	rddreg [dreg:$0x10];
	s12 =	simm.s32 $0x40;
	[tilespmem:s11+$0x10070] =	vst v1  }
0x1dd: {  	[hbm4b:s13+s12] =	stream.strided.scatter [tilespmem:s24], [sflag:$0xD], $0x1F40, s18, s12, $0x38;
	[tilespmem:$0x1DB80] =	vst v63  }
0x1de: {  	_ =	swait.ge [sflag:s9], $0x1F40  }
0x1df: {  	[sflag:s9] =	ssyncset.done $0x0  }
0x1e0: {  	[sflag:s9] =	ssyncadd.s32 $0xFFFFE0C0  }
0x1e1: {  	_ =	swait.ge [sflag:s3], $0x1F40  }
0x1e2: {  	s10 =	sadd.s32 $0x1, s10;
	s17 =	rddreg [dreg:$0x11]  }
0x1e3: {  	p0 =	sne.s32 s10, s17  }
.Ltmp7:
0x1e4: {  	_ = 	snop;
	(pc) =	sbr.rel @p0 .LBB2_1-.Ltmp7, $3  }
0x1e5: {  	_ =	sdelay $0x1  }
0x1e6: {  	[sflag:s3] =	ssyncset.done $0x0  }
0x1e7: {  	[sflag:s3] =	ssyncadd.s32 $0xFFFFE0C0  }
0x1e8: {  	_ =	sfence.sel $0x180000  }
0x1e9: {  	[bflag:$0x0] =	sbarrier.arrive $0xFFFF  }
0x1ea: {  	_ =	strace $0x9000004A  }
0x1eb: {  	s0 =	stileid.u32;
	[bflag:$0x2] =	sbarrier.arrive $0xFFFF  }
0x1ec: {  	p0 =	sne.s32 s0, $0x0;
	s0 =	rddreg [dreg:$0x3]  }
0x1ed: {  	s0 =	sadd.s32 @!p0 $0x100000, s0  }
0x1ee: {  	[sflag:s0] =	ssyncadd.tile.s32 @!p0 $0x1;
	_ =	shalt  }
.Lfunc_end2:
_tile_overlayer_lowered:
.L_overlay_start_2:
0x1ef: {  	(tag) =	ssettag $0x2  }
0x1f0: {  	s0 =	rddreg [dreg:$0x0];
	s2 =	stileid.u32  }
0x1f1: {  	s1 =	rddreg [dreg:$0x1];
	p0 =	sne.s32 s2, $0x0  }
0x1f2: {  	s3 =	rddreg [dreg:$0x2];
	[bflag:$0x3] =	sbarrier.arrive $0xFFFF;
	s2 =	simm.s32 @!p0 $0x1C0F  }
0x1f3: {  	[timem:s3], [sflag:s2] =	dma.local @!p0 [hbm:s0], s1  }
0x1f4: {  	s0 =	simm.s32 @!p0 $0xF  }
0x1f5: {  	_ =	swait.ge @!p0 [sflag:s0], s1  }
0x1f6: {  	s1 =	ssub.s32 @!p0 $0x0, s1;
	[sflag:s0] =	ssyncset.done @!p0 $0x0  }
0x1f7: {  	[sflag:s0] =	ssyncadd.s32 @!p0 s1  }
0x1f8: {  	[bflag:$0x3] =	sbarrier.arrive $0xFFFF  }
0x1f9: {  	_ =	shalt  }

</sc_bundles>
